<compile_context>
chip_gen: v7x
topology: tpu7x:2x2x1
jax: 0.10.2.dev20260603
libtpu: 0.0.44.dev20260713+nightly
codegen_flags: <defaults>
</compile_context>

<pallas_src>
import functools

import jax
import jax.numpy as jnp
from jax import lax
from jax.experimental import pallas as pl
from jax.experimental.pallas import tpu as pltpu
from jax.experimental.pallas import tpu_sc as plsc

N_NODES = 10000
N_EDGES = 160000
DIM = 256

NC = 2
NS = 16
NW = NC * NS
TILE_E = N_EDGES // NW
NVREG = TILE_E // 16
IDX_PAD = TILE_E + 16
CH = 96
NCHUNK = 52
TAIL = TILE_E - NCHUNK * CH
NBUF = 4
NROUND = NCHUNK // NBUF

_mesh = plsc.VectorSubcoreMesh(core_axis_name="c", subcore_axis_name="s")
_sc_params = pltpu.CompilerParams(needs_layout_passes=False)


def _node_scores_body(src_ref, dst_ref, w1_ref, w2_ref, ssrc_ref, sdst_ref):
    ssrc_ref[...] = jnp.sum(src_ref[...] * w1_ref[...], axis=1)
    sdst_ref[...] = jnp.sum(dst_ref[...] * w2_ref[...], axis=1)


_node_scores = pl.pallas_call(
    _node_scores_body,
    out_shape=[
        jax.ShapeDtypeStruct((N_NODES,), jnp.float32),
        jax.ShapeDtypeStruct((N_NODES,), jnp.float32),
    ],
)


@functools.partial(
    pl.kernel,
    mesh=_mesh,
    compiler_params=_sc_params,
    out_type=jax.ShapeDtypeStruct((N_EDGES,), jnp.float32),
    scratch_types=[
        pltpu.VMEM((N_NODES,), jnp.float32),
        pltpu.VMEM((N_NODES,), jnp.float32),
        pltpu.VMEM((IDX_PAD,), jnp.int32),
        pltpu.VMEM((IDX_PAD,), jnp.int32),
        pltpu.VMEM((IDX_PAD,), jnp.float32),
        *[pltpu.SemaphoreType.DMA for _ in range(4)],
    ],
)
def _edge_scores(ssrc_hbm, sdst_hbm, esrc_hbm, edst_hbm, out_hbm,
                 ssrc_v, sdst_v, esrc_v, edst_v, sc_v, *sems):
    wid = lax.axis_index("s") * NC + lax.axis_index("c")
    base = wid * TILE_E
    cps = [
        pltpu.async_copy(ssrc_hbm, ssrc_v, sems[0]),
        pltpu.async_copy(sdst_hbm, sdst_v, sems[1]),
        pltpu.async_copy(esrc_hbm.at[pl.ds(base, TILE_E)],
                         esrc_v.at[pl.ds(0, TILE_E)], sems[2]),
        pltpu.async_copy(edst_hbm.at[pl.ds(base, TILE_E)],
                         edst_v.at[pl.ds(0, TILE_E)], sems[3]),
    ]
    for cp in cps:
        cp.wait()

    def body(i, carry):
        sl = pl.ds(i * 16, 16)
        a = plsc.load_gather(ssrc_v, [esrc_v[sl]])
        d = plsc.load_gather(sdst_v, [edst_v[sl]])
        sc_v[sl] = a + d
        return carry

    lax.fori_loop(0, NVREG, body, 0)

    tl = pl.ds(NVREG * 16, 16)
    mask = lax.iota(jnp.int32, 16) < (TILE_E - NVREG * 16)
    i_s = jnp.where(mask, esrc_v[tl], 0)
    i_d = jnp.where(mask, edst_v[tl], 0)
    sc_v[tl] = plsc.load_gather(ssrc_v, [i_s]) + plsc.load_gather(sdst_v, [i_d])

    pltpu.sync_copy(sc_v.at[pl.ds(0, TILE_E)], out_hbm.at[pl.ds(base, TILE_E)])


def _softmax_body(sc_ref, out_ref):
    x = sc_ref[...]
    m = jnp.max(x)
    e = jnp.exp(x - m)
    out_ref[...] = e * (1.0 / jnp.sum(e))


_softmax = pl.pallas_call(
    _softmax_body,
    out_shape=jax.ShapeDtypeStruct((N_EDGES // 128, 128), jnp.float32),
)


@functools.partial(
    pl.kernel,
    mesh=_mesh,
    compiler_params=_sc_params,
    out_type=jax.ShapeDtypeStruct((N_EDGES, DIM), jnp.float32),
    scratch_types=[
        pltpu.VMEM((TILE_E,), jnp.int32),
        pltpu.VMEM((TILE_E,), jnp.float32),
        *[pltpu.VMEM((CH, DIM), jnp.float32) for _ in range(NBUF)],
        *[pltpu.SemaphoreType.DMA for _ in range(2 * NBUF)],
    ],
)
def _gather_scale(src_hbm, esrc_hbm, w_hbm, out_hbm, idx_v, wt_v, *bufs_sems):
    rows = bufs_sems[:NBUF]
    gsem = bufs_sems[NBUF:2 * NBUF]
    osem = bufs_sems[2 * NBUF:]
    wid = lax.axis_index("s") * NC + lax.axis_index("c")
    base = wid * TILE_E
    icp = pltpu.async_copy(esrc_hbm.at[pl.ds(base, TILE_E)], idx_v, gsem[-1])
    wcp = pltpu.async_copy(w_hbm.at[pl.ds(base, TILE_E)], wt_v, osem[-1])
    icp.wait()

    def gather(ci, b):
        return pltpu.make_async_copy(
            src_hbm.at[idx_v.at[pl.ds(ci * CH, CH)]], rows[b], gsem[b])

    def writeout(ci, b):
        return pltpu.make_async_copy(
            rows[b], out_hbm.at[pl.ds(base + ci * CH, CH)], osem[b])

    def scale(off, b):
        rb = rows[b]

        @plsc.parallel_loop(0, CH, unroll=2)
        def srow(e):
            w = plsc.load_gather(wt_v, [jnp.full((16,), off + e, jnp.int32)])
            for j in range(DIM // 16):
                sl = pl.ds(j * 16, 16)
                rb[e, sl] = rb[e, sl] * w

    def slot(ci, b, wait_prev, issue_next):
        gather(ci, b).wait()
        scale(ci * CH, b)
        writeout(ci, b).start()
        b2 = (b - 2) % NBUF
        if wait_prev:
            writeout(ci - 2, b2).wait()
        if issue_next:
            gather(ci + NBUF - 2, b2).start()

    for b in range(NBUF - 2):
        gather(b, b).start()
    wcp.wait()

    for b in range(NBUF):
        slot(b, b, wait_prev=(b >= 2), issue_next=True)

    def round_body(g, carry):
        for b in range(NBUF):
            slot(g * NBUF + b, b, wait_prev=True, issue_next=True)
        return carry

    lax.fori_loop(1, NROUND - 1, round_body, 0)

    last = (NROUND - 1) * NBUF
    for b in range(NBUF):
        ci = last + b
        slot(ci, b, wait_prev=True, issue_next=(ci + NBUF - 2 < NCHUNK))
    writeout(NCHUNK - 2, (NCHUNK - 2) % NBUF).wait()
    writeout(NCHUNK - 1, (NCHUNK - 1) % NBUF).wait()

    tb = rows[0]
    toff = NCHUNK * CH
    pltpu.async_copy(
        src_hbm.at[idx_v.at[pl.ds(toff, TAIL)]],
        tb.at[pl.ds(0, TAIL)], gsem[0]).wait()

    @plsc.parallel_loop(0, TAIL, unroll=2)
    def trow(e):
        w = plsc.load_gather(wt_v, [jnp.full((16,), toff + e, jnp.int32)])
        for j in range(DIM // 16):
            sl = pl.ds(j * 16, 16)
            tb[e, sl] = tb[e, sl] * w

    pltpu.async_copy(
        tb.at[pl.ds(0, TAIL)],
        out_hbm.at[pl.ds(base + toff, TAIL)], osem[0]).wait()


@jax.jit
def kernel(src, dst, edge_index, W, b):
    del b
    edge_index = edge_index.astype(jnp.int32)
    w1 = W[:DIM, 0].reshape(1, DIM)
    w2 = W[DIM:, 0].reshape(1, DIM)
    s_src, s_dst = _node_scores(src, dst, w1, w2)
    scores = _edge_scores(s_src, s_dst, edge_index[0], edge_index[1])
    weights = _softmax(scores.reshape(N_EDGES // 128, 128)).reshape(-1)
    return _gather_scale(src, edge_index[0], weights)

# --- scband reference (transcript-rebuilt; emitter-appended) ---
"""Pipeline reference for scband-attention-14104672600361 (READ-ONLY COPY).

The authoritative reference and input builder live on the scoring server;
editing this copy changes nothing except your own understanding.
"""

import jax, jax.numpy as jnp
import numpy as np

N_NODES = 10000
N_EDGES = 160000
DIM = 256

def setup_inputs(seed: int = 0) -> dict:
    key = jax.random.key(seed)
    k1, k2, k3, k4, k5 = jax.random.split(key, 5)
    src = jax.random.normal(k1, (N_NODES, DIM), dtype=jnp.float32)
    dst = jax.random.normal(k2, (N_NODES, DIM), dtype=jnp.float32)
    edge_index = jax.random.randint(k3, (2, N_EDGES), 0, N_NODES, dtype=jnp.int64)
    # nn.Linear(dim*2, 1): weight [1, 2*dim], bias [1]; store as W [2*dim, 1]
    bound = 1.0 / np.sqrt(2 * DIM)
    W = jax.random.uniform(k4, (2 * DIM, 1), dtype=jnp.float32, minval=-bound, maxval=bound)
    b = jax.random.uniform(k5, (1,), dtype=jnp.float32, minval=-bound, maxval=bound)
    return {"src": src, "dst": dst, "edge_index": edge_index, "W": W, "b": b}

def reference(src, dst, edge_index, W, b):
    edge_src = edge_index[0]
    edge_dst = edge_index[1]
    src_gathered = jnp.take(src, edge_src, axis=0)
    dst_gathered = jnp.take(dst, edge_dst, axis=0)
    attn_input = jnp.concatenate([src_gathered, dst_gathered], axis=1)
    attn_scores = (attn_input @ W + b).squeeze(-1)
    attn_weights = jax.nn.softmax(attn_scores, axis=0)
    weighted_msg = src_gathered * attn_weights[:, None]
    return weighted_msg

if __name__ == "__main__":
    import jax
    _d = setup_inputs()
    print(jax.jit(kernel)(*tuple(_d.values())))

</pallas_src>

<mosaic_0001>
#map = affine_map<(d0, d1) -> (0)>
module attributes {stable_mosaic.version = 14 : i64} {
  func.func @_edge_scores(%arg0: i32, %arg1: i32, %arg2: memref<10000xf32, #tpu.memory_space<hbm>>, %arg3: memref<10000xf32, #tpu.memory_space<hbm>>, %arg4: memref<160000xi32, #tpu.memory_space<hbm>>, %arg5: memref<160000xi32, #tpu.memory_space<hbm>>, %arg6: memref<160000xf32, #tpu.memory_space<hbm>>, %arg7: memref<10000xf32, #tpu.memory_space<vmem>>, %arg8: memref<10000xf32, #tpu.memory_space<vmem>>, %arg9: memref<5016xi32, #tpu.memory_space<vmem>>, %arg10: memref<5016xi32, #tpu.memory_space<vmem>>, %arg11: memref<5016xf32, #tpu.memory_space<vmem>>, %arg12: memref<!tpu.dma_semaphore, #tpu.memory_space<semaphore_mem>>, %arg13: memref<!tpu.dma_semaphore, #tpu.memory_space<semaphore_mem>>, %arg14: memref<!tpu.dma_semaphore, #tpu.memory_space<semaphore_mem>>, %arg15: memref<!tpu.dma_semaphore, #tpu.memory_space<semaphore_mem>>) attributes {dimension_semantics = [#tpu.dimension_semantics<core_parallel>, #tpu.dimension_semantics<subcore_parallel>], iteration_bounds = array<i64: 2, 16>, scalar_prefetch = 0 : i64, scratch_operands = 9 : i64, tpu.core_type = #tpu.core_type<sc_vector_subcore>, window_params = [{transform_indices = #map}, {transform_indices = #map}, {transform_indices = #map}, {transform_indices = #map}, {transform_indices = #map}]} {
    %mul3A = arith.constant 2 : i32
    %mul3A_0 = arith.muli %arg1, %mul3A : i32
    %add3A = arith.addi %mul3A_0, %arg0 : i32
    %mul3A_1 = arith.constant 5000 : i32
    %mul3A_2 = arith.muli %add3A, %mul3A_1 : i32
    tpu.enqueue_dma source(%arg2 : memref<10000xf32, #tpu.memory_space<hbm>>) target(%arg7 : memref<10000xf32, #tpu.memory_space<vmem>>) target_semaphore(%arg12 : memref<!tpu.dma_semaphore, #tpu.memory_space<semaphore_mem>>)
    tpu.enqueue_dma source(%arg3 : memref<10000xf32, #tpu.memory_space<hbm>>) target(%arg8 : memref<10000xf32, #tpu.memory_space<vmem>>) target_semaphore(%arg13 : memref<!tpu.dma_semaphore, #tpu.memory_space<semaphore_mem>>)
    %dma_start3A = arith.constant 0 : i32
    %dma_start3A_3 = tpu.memref_slice %arg9[%dma_start3A] : memref<5016xi32, #tpu.memory_space<vmem>> -> memref<5000xi32, #tpu.memory_space<vmem>>
    %dma_start3A_4 = tpu.memref_slice %arg4[%mul3A_2] : memref<160000xi32, #tpu.memory_space<hbm>> -> memref<5000xi32, #tpu.memory_space<hbm>>
    %dma_start3A_5 = arith.constant 0 : i32
    %dma_start3A_6 = tpu.memref_slice %arg9[%dma_start3A_5] : memref<5016xi32, #tpu.memory_space<vmem>> -> memref<5000xi32, #tpu.memory_space<vmem>>
    %dma_start3A_7 = tpu.memref_slice %arg4[%mul3A_2] : memref<160000xi32, #tpu.memory_space<hbm>> -> memref<5000xi32, #tpu.memory_space<hbm>>
    tpu.enqueue_dma source(%dma_start3A_7 : memref<5000xi32, #tpu.memory_space<hbm>>) target(%dma_start3A_6 : memref<5000xi32, #tpu.memory_space<vmem>>) target_semaphore(%arg14 : memref<!tpu.dma_semaphore, #tpu.memory_space<semaphore_mem>>)
    %dma_start3A_8 = arith.constant 0 : i32
    %dma_start3A_9 = tpu.memref_slice %arg10[%dma_start3A_8] : memref<5016xi32, #tpu.memory_space<vmem>> -> memref<5000xi32, #tpu.memory_space<vmem>>
    %dma_start3A_10 = tpu.memref_slice %arg5[%mul3A_2] : memref<160000xi32, #tpu.memory_space<hbm>> -> memref<5000xi32, #tpu.memory_space<hbm>>
    %dma_start3A_11 = arith.constant 0 : i32
    %dma_start3A_12 = tpu.memref_slice %arg10[%dma_start3A_11] : memref<5016xi32, #tpu.memory_space<vmem>> -> memref<5000xi32, #tpu.memory_space<vmem>>
    %dma_start3A_13 = tpu.memref_slice %arg5[%mul3A_2] : memref<160000xi32, #tpu.memory_space<hbm>> -> memref<5000xi32, #tpu.memory_space<hbm>>
    tpu.enqueue_dma source(%dma_start3A_13 : memref<5000xi32, #tpu.memory_space<hbm>>) target(%dma_start3A_12 : memref<5000xi32, #tpu.memory_space<vmem>>) target_semaphore(%arg15 : memref<!tpu.dma_semaphore, #tpu.memory_space<semaphore_mem>>)
    tpu.wait_dma2 semaphore(%arg12 : memref<!tpu.dma_semaphore, #tpu.memory_space<semaphore_mem>>) src(%arg2 : memref<10000xf32, #tpu.memory_space<hbm>>) dst(%arg7 : memref<10000xf32, #tpu.memory_space<vmem>>)
    tpu.wait_dma2 semaphore(%arg13 : memref<!tpu.dma_semaphore, #tpu.memory_space<semaphore_mem>>) src(%arg3 : memref<10000xf32, #tpu.memory_space<hbm>>) dst(%arg8 : memref<10000xf32, #tpu.memory_space<vmem>>)
    %dma_wait3A = arith.constant 0 : i32
    %dma_wait3A_14 = tpu.memref_slice %arg9[%dma_wait3A] : memref<5016xi32, #tpu.memory_space<vmem>> -> memref<5000xi32, #tpu.memory_space<vmem>>
    %dma_wait3A_15 = tpu.memref_slice %arg4[%mul3A_2] : memref<160000xi32, #tpu.memory_space<hbm>> -> memref<5000xi32, #tpu.memory_space<hbm>>
    %dma_wait3A_16 = arith.constant 0 : i32
    %dma_wait3A_17 = tpu.memref_slice %arg9[%dma_wait3A_16] : memref<5016xi32, #tpu.memory_space<vmem>> -> memref<5000xi32, #tpu.memory_space<vmem>>
    %dma_wait3A_18 = tpu.memref_slice %arg4[%mul3A_2] : memref<160000xi32, #tpu.memory_space<hbm>> -> memref<5000xi32, #tpu.memory_space<hbm>>
    tpu.wait_dma2 semaphore(%arg14 : memref<!tpu.dma_semaphore, #tpu.memory_space<semaphore_mem>>) src(%dma_wait3A_18 : memref<5000xi32, #tpu.memory_space<hbm>>) dst(%dma_wait3A_17 : memref<5000xi32, #tpu.memory_space<vmem>>)
    %dma_wait3A_19 = arith.constant 0 : i32
    %dma_wait3A_20 = tpu.memref_slice %arg10[%dma_wait3A_19] : memref<5016xi32, #tpu.memory_space<vmem>> -> memref<5000xi32, #tpu.memory_space<vmem>>
    %dma_wait3A_21 = tpu.memref_slice %arg5[%mul3A_2] : memref<160000xi32, #tpu.memory_space<hbm>> -> memref<5000xi32, #tpu.memory_space<hbm>>
    %dma_wait3A_22 = arith.constant 0 : i32
    %dma_wait3A_23 = tpu.memref_slice %arg10[%dma_wait3A_22] : memref<5016xi32, #tpu.memory_space<vmem>> -> memref<5000xi32, #tpu.memory_space<vmem>>
    %dma_wait3A_24 = tpu.memref_slice %arg5[%mul3A_2] : memref<160000xi32, #tpu.memory_space<hbm>> -> memref<5000xi32, #tpu.memory_space<hbm>>
    tpu.wait_dma2 semaphore(%arg15 : memref<!tpu.dma_semaphore, #tpu.memory_space<semaphore_mem>>) src(%dma_wait3A_24 : memref<5000xi32, #tpu.memory_space<hbm>>) dst(%dma_wait3A_23 : memref<5000xi32, #tpu.memory_space<vmem>>)
    %scan3A = arith.constant 0 : i32
    %scan3A_25 = arith.constant 0 : i32
    %scan3A_26 = arith.constant 312 : i32
    %scan3A_27 = arith.addi %scan3A_25, %scan3A_26 : i32
    %scan3A_28 = arith.constant 1 : i32
    scf.for %scan3A_41 = %scan3A_25 to %scan3A_27 step %scan3A_28  : i32 {
      %mul3A_42 = arith.constant 16 : i32
      %mul3A_43 = arith.muli %scan3A_41, %mul3A_42 : i32
      %get3A_44 = arith.index_cast %mul3A_43 : i32 to index
      %get3A_45 = tpu.vector_load %arg9[%get3A_44] {strides = array<i32>} : memref<5016xi32, #tpu.memory_space<vmem>>, vector<16xi32>,
      %gather3A_46 = tpu.vector_load_idx %arg7[%get3A_45] : memref<10000xf32, #tpu.memory_space<vmem>>[vector<16xi32>], vector<16xf32>,
      %get3A_47 = arith.index_cast %mul3A_43 : i32 to index
      %get3A_48 = tpu.vector_load %arg10[%get3A_47] {strides = array<i32>} : memref<5016xi32, #tpu.memory_space<vmem>>, vector<16xi32>,
      %gather3A_49 = tpu.vector_load_idx %arg8[%get3A_48] : memref<10000xf32, #tpu.memory_space<vmem>>[vector<16xi32>], vector<16xf32>,
      %add3A_50 = arith.addf %gather3A_46, %gather3A_49 : vector<16xf32>
      %swap3A_51 = arith.index_cast %mul3A_43 : i32 to index
      %swap3A_52 = tpu.vector_load %arg11[%swap3A_51] {strides = array<i32>} : memref<5016xf32, #tpu.memory_space<vmem>>, vector<16xf32>,
      tpu.vector_store %arg11[%swap3A_51], %add3A_50 {strides = array<i32>} : memref<5016xf32, #tpu.memory_space<vmem>>, vector<16xf32>,
    }
    %scan3A_29 = arith.constant 312 : i32
    %iota3A = tpu.iota {dimensions = array<i32: 0>} : vector<16xi32>
    %lt3A = arith.constant 8 : i32
    %lt3A_30 = vector.broadcast %lt3A : i32 to vector<16xi32>
    %lt3A_31 = arith.cmpi slt, %iota3A, %lt3A_30 : vector<16xi32>
    %get3A = arith.constant 4992 : index
    %get3A_32 = tpu.vector_load %arg9[%get3A] {strides = array<i32>} : memref<5016xi32, #tpu.memory_space<vmem>>, vector<16xi32>,
    %jit3A = arith.constant 0 : i32
    %broadcast_in_dim3A = vector.broadcast %jit3A : i32 to vector<16xi32>
    %select_n3A = arith.select %lt3A_31, %get3A_32, %broadcast_in_dim3A : vector<16xi1>, vector<16xi32>
    %get3A_33 = arith.constant 4992 : index
    %get3A_34 = tpu.vector_load %arg10[%get3A_33] {strides = array<i32>} : memref<5016xi32, #tpu.memory_space<vmem>>, vector<16xi32>,
    %jit3A_35 = arith.constant 0 : i32
    %broadcast_in_dim3A_36 = vector.broadcast %jit3A_35 : i32 to vector<16xi32>
    %select_n3A_37 = arith.select %lt3A_31, %get3A_34, %broadcast_in_dim3A_36 : vector<16xi1>, vector<16xi32>
    %gather3A = tpu.vector_load_idx %arg7[%select_n3A] : memref<10000xf32, #tpu.memory_space<vmem>>[vector<16xi32>], vector<16xf32>,
    %gather3A_38 = tpu.vector_load_idx %arg8[%select_n3A_37] : memref<10000xf32, #tpu.memory_space<vmem>>[vector<16xi32>], vector<16xf32>,
    %add3A_39 = arith.addf %gather3A, %gather3A_38 : vector<16xf32>
    %swap3A = arith.constant 4992 : index
    %swap3A_40 = tpu.vector_load %arg11[%swap3A] {strides = array<i32>} : memref<5016xf32, #tpu.memory_space<vmem>>, vector<16xf32>,
    tpu.vector_store %arg11[%swap3A], %add3A_39 {strides = array<i32>} : memref<5016xf32, #tpu.memory_space<vmem>>, vector<16xf32>,
    "tpu.region"() ({
      %run_scoped3A = tpu.sem_alloc : memref<!tpu.dma_semaphore, #tpu.memory_space<semaphore_mem>>
      %dma_start3A_41 = arith.constant 0 : i32
      %dma_start3A_42 = tpu.memref_slice %arg11[%dma_start3A_41] : memref<5016xf32, #tpu.memory_space<vmem>> -> memref<5000xf32, #tpu.memory_space<vmem>>
      %dma_start3A_43 = tpu.memref_slice %arg6[%mul3A_2] : memref<160000xf32, #tpu.memory_space<hbm>> -> memref<5000xf32, #tpu.memory_space<hbm>>
      %dma_start3A_44 = tpu.memref_slice %arg6[%mul3A_2] : memref<160000xf32, #tpu.memory_space<hbm>> -> memref<5000xf32, #tpu.memory_space<hbm>>
      %dma_start3A_45 = arith.constant 0 : i32
      %dma_start3A_46 = tpu.memref_slice %arg11[%dma_start3A_45] : memref<5016xf32, #tpu.memory_space<vmem>> -> memref<5000xf32, #tpu.memory_space<vmem>>
      tpu.enqueue_dma source(%dma_start3A_46 : memref<5000xf32, #tpu.memory_space<vmem>>) target(%dma_start3A_44 : memref<5000xf32, #tpu.memory_space<hbm>>) target_semaphore(%run_scoped3A : memref<!tpu.dma_semaphore, #tpu.memory_space<semaphore_mem>>)
      %dma_wait3A_47 = arith.constant 0 : i32
      %dma_wait3A_48 = tpu.memref_slice %arg11[%dma_wait3A_47] : memref<5016xf32, #tpu.memory_space<vmem>> -> memref<5000xf32, #tpu.memory_space<vmem>>
      %dma_wait3A_49 = tpu.memref_slice %arg6[%mul3A_2] : memref<160000xf32, #tpu.memory_space<hbm>> -> memref<5000xf32, #tpu.memory_space<hbm>>
      %dma_wait3A_50 = tpu.memref_slice %arg6[%mul3A_2] : memref<160000xf32, #tpu.memory_space<hbm>> -> memref<5000xf32, #tpu.memory_space<hbm>>
      %dma_wait3A_51 = arith.constant 0 : i32
      %dma_wait3A_52 = tpu.memref_slice %arg11[%dma_wait3A_51] : memref<5016xf32, #tpu.memory_space<vmem>> -> memref<5000xf32, #tpu.memory_space<vmem>>
      tpu.wait_dma2 semaphore(%run_scoped3A : memref<!tpu.dma_semaphore, #tpu.memory_space<semaphore_mem>>) src(%dma_wait3A_52 : memref<5000xf32, #tpu.memory_space<vmem>>) dst(%dma_wait3A_50 : memref<5000xf32, #tpu.memory_space<hbm>>)
      tpu.yield
    }) : () -> ()
    return
  }
}

#map = affine_map<(d0, d1) -> (0, 0)>
#map1 = affine_map<(d0, d1) -> (0)>
module attributes {stable_mosaic.version = 14 : i64} {
  func.func @_gather_scale(%arg0: i32, %arg1: i32, %arg2: memref<10000x256xf32, #tpu.memory_space<hbm>>, %arg3: memref<160000xi32, #tpu.memory_space<hbm>>, %arg4: memref<160000xf32, #tpu.memory_space<hbm>>, %arg5: memref<160000x256xf32, #tpu.memory_space<hbm>>, %arg6: memref<5000xi32, #tpu.memory_space<vmem>>, %arg7: memref<5000xf32, #tpu.memory_space<vmem>>, %arg8: memref<96x256xf32, #tpu.memory_space<vmem>>, %arg9: memref<96x256xf32, #tpu.memory_space<vmem>>, %arg10: memref<96x256xf32, #tpu.memory_space<vmem>>, %arg11: memref<96x256xf32, #tpu.memory_space<vmem>>, %arg12: memref<!tpu.dma_semaphore, #tpu.memory_space<semaphore_mem>>, %arg13: memref<!tpu.dma_semaphore, #tpu.memory_space<semaphore_mem>>, %arg14: memref<!tpu.dma_semaphore, #tpu.memory_space<semaphore_mem>>, %arg15: memref<!tpu.dma_semaphore, #tpu.memory_space<semaphore_mem>>, %arg16: memref<!tpu.dma_semaphore, #tpu.memory_space<semaphore_mem>>, %arg17: memref<!tpu.dma_semaphore, #tpu.memory_space<semaphore_mem>>, %arg18: memref<!tpu.dma_semaphore, #tpu.memory_space<semaphore_mem>>, %arg19: memref<!tpu.dma_semaphore, #tpu.memory_space<semaphore_mem>>) attributes {dimension_semantics = [#tpu.dimension_semantics<core_parallel>, #tpu.dimension_semantics<subcore_parallel>], iteration_bounds = array<i64: 2, 16>, scalar_prefetch = 0 : i64, scratch_operands = 14 : i64, tpu.core_type = #tpu.core_type<sc_vector_subcore>, window_params = [{transform_indices = #map}, {transform_indices = #map1}, {transform_indices = #map1}, {transform_indices = #map}]} {
    %mul3A = arith.constant 2 : i32
    %mul3A_0 = arith.muli %arg1, %mul3A : i32
    %add3A = arith.addi %mul3A_0, %arg0 : i32
    %mul3A_1 = arith.constant 5000 : i32
    %mul3A_2 = arith.muli %add3A, %mul3A_1 : i32
    %dma_start3A = tpu.memref_slice %arg3[%mul3A_2] : memref<160000xi32, #tpu.memory_space<hbm>> -> memref<5000xi32, #tpu.memory_space<hbm>>
    %dma_start3A_3 = tpu.memref_slice %arg3[%mul3A_2] : memref<160000xi32, #tpu.memory_space<hbm>> -> memref<5000xi32, #tpu.memory_space<hbm>>
    tpu.enqueue_dma source(%dma_start3A_3 : memref<5000xi32, #tpu.memory_space<hbm>>) target(%arg6 : memref<5000xi32, #tpu.memory_space<vmem>>) target_semaphore(%arg15 : memref<!tpu.dma_semaphore, #tpu.memory_space<semaphore_mem>>)
    %dma_start3A_4 = tpu.memref_slice %arg4[%mul3A_2] : memref<160000xf32, #tpu.memory_space<hbm>> -> memref<5000xf32, #tpu.memory_space<hbm>>
    %dma_start3A_5 = tpu.memref_slice %arg4[%mul3A_2] : memref<160000xf32, #tpu.memory_space<hbm>> -> memref<5000xf32, #tpu.memory_space<hbm>>
    tpu.enqueue_dma source(%dma_start3A_5 : memref<5000xf32, #tpu.memory_space<hbm>>) target(%arg7 : memref<5000xf32, #tpu.memory_space<vmem>>) target_semaphore(%arg19 : memref<!tpu.dma_semaphore, #tpu.memory_space<semaphore_mem>>)
    %dma_wait3A = tpu.memref_slice %arg3[%mul3A_2] : memref<160000xi32, #tpu.memory_space<hbm>> -> memref<5000xi32, #tpu.memory_space<hbm>>
    %dma_wait3A_6 = tpu.memref_slice %arg3[%mul3A_2] : memref<160000xi32, #tpu.memory_space<hbm>> -> memref<5000xi32, #tpu.memory_space<hbm>>
    tpu.wait_dma2 semaphore(%arg15 : memref<!tpu.dma_semaphore, #tpu.memory_space<semaphore_mem>>) src(%dma_wait3A_6 : memref<5000xi32, #tpu.memory_space<hbm>>) dst(%arg6 : memref<5000xi32, #tpu.memory_space<vmem>>)
    %dma_start3A_7 = arith.constant 0 : i32
    %dma_start3A_8 = tpu.memref_slice %arg6[%dma_start3A_7] : memref<5000xi32, #tpu.memory_space<vmem>> -> memref<96xi32, #tpu.memory_space<vmem>>
    %dma_start3A_9 = arith.constant 0 : i32
    %dma_start3A_10 = arith.constant 0 : i32
    %dma_start3A_11 = tpu.memref_slice %arg2[%dma_start3A_9, %dma_start3A_10] : memref<10000x256xf32, #tpu.memory_space<hbm>> -> memref<10000x256xf32, #tpu.memory_space<hbm>>
    tpu.enqueue_indirect_dma source(%dma_start3A_11 : memref<10000x256xf32, #tpu.memory_space<hbm>>) target(%arg8 : memref<96x256xf32, #tpu.memory_space<vmem>>) offsets(%dma_start3A_8 : memref<96xi32, #tpu.memory_space<vmem>>) semaphore(%arg12 : memref<!tpu.dma_semaphore, #tpu.memory_space<semaphore_mem>>)
    %dma_start3A_12 = arith.constant 96 : i32
    %dma_start3A_13 = tpu.memref_slice %arg6[%dma_start3A_12] : memref<5000xi32, #tpu.memory_space<vmem>> -> memref<96xi32, #tpu.memory_space<vmem>>
    %dma_start3A_14 = arith.constant 0 : i32
    %dma_start3A_15 = arith.constant 0 : i32
    %dma_start3A_16 = tpu.memref_slice %arg2[%dma_start3A_14, %dma_start3A_15] : memref<10000x256xf32, #tpu.memory_space<hbm>> -> memref<10000x256xf32, #tpu.memory_space<hbm>>
    tpu.enqueue_indirect_dma source(%dma_start3A_16 : memref<10000x256xf32, #tpu.memory_space<hbm>>) target(%arg9 : memref<96x256xf32, #tpu.memory_space<vmem>>) offsets(%dma_start3A_13 : memref<96xi32, #tpu.memory_space<vmem>>) semaphore(%arg13 : memref<!tpu.dma_semaphore, #tpu.memory_space<semaphore_mem>>)
    %dma_wait3A_17 = tpu.memref_slice %arg4[%mul3A_2] : memref<160000xf32, #tpu.memory_space<hbm>> -> memref<5000xf32, #tpu.memory_space<hbm>>
    %dma_wait3A_18 = tpu.memref_slice %arg4[%mul3A_2] : memref<160000xf32, #tpu.memory_space<hbm>> -> memref<5000xf32, #tpu.memory_space<hbm>>
    tpu.wait_dma2 semaphore(%arg19 : memref<!tpu.dma_semaphore, #tpu.memory_space<semaphore_mem>>) src(%dma_wait3A_18 : memref<5000xf32, #tpu.memory_space<hbm>>) dst(%arg7 : memref<5000xf32, #tpu.memory_space<vmem>>)
    %dma_wait3A_19 = arith.constant 0 : i32
    %dma_wait3A_20 = tpu.memref_slice %arg6[%dma_wait3A_19] : memref<5000xi32, #tpu.memory_space<vmem>> -> memref<96xi32, #tpu.memory_space<vmem>>
    %dma_wait3A_21 = arith.constant 0 : i32
    %dma_wait3A_22 = arith.constant 0 : i32
    %dma_wait3A_23 = tpu.memref_slice %arg2[%dma_wait3A_21, %dma_wait3A_22] : memref<10000x256xf32, #tpu.memory_space<hbm>> -> memref<10000x256xf32, #tpu.memory_space<hbm>>
    tpu.wait_indirect_dma semaphore(%arg12 : memref<!tpu.dma_semaphore, #tpu.memory_space<semaphore_mem>>) src(%dma_wait3A_23 : memref<10000x256xf32, #tpu.memory_space<hbm>>) dst(%arg8 : memref<96x256xf32, #tpu.memory_space<vmem>>)
    %parallel_loop3A = arith.constant 0 : i32
    %parallel_loop3A_24 = arith.constant 96 : i32
    %parallel_loop3A_25 = arith.constant 1 : i32
    scf.for %parallel_loop3A_254 = %parallel_loop3A to %parallel_loop3A_24 step %parallel_loop3A_25  : i32 {
      %parallel_loop3A_255 = arith.constant 0 : i32
      %parallel_loop3A_256 = arith.addi %parallel_loop3A_255, %parallel_loop3A_254 : i32
      %parallel_loop3A_257 = vector.broadcast %parallel_loop3A_256 : i32 to vector<16xi32>
      %parallel_loop3A_258 = tpu.vector_load_idx %arg7[%parallel_loop3A_257] : memref<5000xf32, #tpu.memory_space<vmem>>[vector<16xi32>], vector<16xf32>,
      %parallel_loop3A_259 = arith.index_cast %parallel_loop3A_254 : i32 to index
      %parallel_loop3A_260 = arith.constant 0 : index
      %parallel_loop3A_261 = tpu.vector_load %arg8[%parallel_loop3A_259, %parallel_loop3A_260] {strides = array<i32>} : memref<96x256xf32, #tpu.memory_space<vmem>>, vector<16xf32>,
      %parallel_loop3A_262 = arith.mulf %parallel_loop3A_261, %parallel_loop3A_258 : vector<16xf32>
      %parallel_loop3A_263 = arith.index_cast %parallel_loop3A_254 : i32 to index
      %parallel_loop3A_264 = arith.constant 0 : index
      %parallel_loop3A_265 = tpu.vector_load %arg8[%parallel_loop3A_263, %parallel_loop3A_264] {strides = array<i32>} : memref<96x256xf32, #tpu.memory_space<vmem>>, vector<16xf32>,
      tpu.vector_store %arg8[%parallel_loop3A_263, %parallel_loop3A_264], %parallel_loop3A_262 {strides = array<i32>} : memref<96x256xf32, #tpu.memory_space<vmem>>, vector<16xf32>,
      %parallel_loop3A_266 = arith.index_cast %parallel_loop3A_254 : i32 to index
      %parallel_loop3A_267 = arith.constant 16 : index
      %parallel_loop3A_268 = tpu.vector_load %arg8[%parallel_loop3A_266, %parallel_loop3A_267] {strides = array<i32>} : memref<96x256xf32, #tpu.memory_space<vmem>>, vector<16xf32>,
      %parallel_loop3A_269 = arith.mulf %parallel_loop3A_268, %parallel_loop3A_258 : vector<16xf32>
      %parallel_loop3A_270 = arith.index_cast %parallel_loop3A_254 : i32 to index
      %parallel_loop3A_271 = arith.constant 16 : index
      %parallel_loop3A_272 = tpu.vector_load %arg8[%parallel_loop3A_270, %parallel_loop3A_271] {strides = array<i32>} : memref<96x256xf32, #tpu.memory_space<vmem>>, vector<16xf32>,
      tpu.vector_store %arg8[%parallel_loop3A_270, %parallel_loop3A_271], %parallel_loop3A_269 {strides = array<i32>} : memref<96x256xf32, #tpu.memory_space<vmem>>, vector<16xf32>,
      %parallel_loop3A_273 = arith.index_cast %parallel_loop3A_254 : i32 to index
      %parallel_loop3A_274 = arith.constant 32 : index
      %parallel_loop3A_275 = tpu.vector_load %arg8[%parallel_loop3A_273, %parallel_loop3A_274] {strides = array<i32>} : memref<96x256xf32, #tpu.memory_space<vmem>>, vector<16xf32>,
      %parallel_loop3A_276 = arith.mulf %parallel_loop3A_275, %parallel_loop3A_258 : vector<16xf32>
      %parallel_loop3A_277 = arith.index_cast %parallel_loop3A_254 : i32 to index
      %parallel_loop3A_278 = arith.constant 32 : index
      %parallel_loop3A_279 = tpu.vector_load %arg8[%parallel_loop3A_277, %parallel_loop3A_278] {strides = array<i32>} : memref<96x256xf32, #tpu.memory_space<vmem>>, vector<16xf32>,
      tpu.vector_store %arg8[%parallel_loop3A_277, %parallel_loop3A_278], %parallel_loop3A_276 {strides = array<i32>} : memref<96x256xf32, #tpu.memory_space<vmem>>, vector<16xf32>,
      %parallel_loop3A_280 = arith.index_cast %parallel_loop3A_254 : i32 to index
      %parallel_loop3A_281 = arith.constant 48 : index
      %parallel_loop3A_282 = tpu.vector_load %arg8[%parallel_loop3A_280, %parallel_loop3A_281] {strides = array<i32>} : memref<96x256xf32, #tpu.memory_space<vmem>>, vector<16xf32>,
      %parallel_loop3A_283 = arith.mulf %parallel_loop3A_282, %parallel_loop3A_258 : vector<16xf32>
      %parallel_loop3A_284 = arith.index_cast %parallel_loop3A_254 : i32 to index
      %parallel_loop3A_285 = arith.constant 48 : index
      %parallel_loop3A_286 = tpu.vector_load %arg8[%parallel_loop3A_284, %parallel_loop3A_285] {strides = array<i32>} : memref<96x256xf32, #tpu.memory_space<vmem>>, vector<16xf32>,
      tpu.vector_store %arg8[%parallel_loop3A_284, %parallel_loop3A_285], %parallel_loop3A_283 {strides = array<i32>} : memref<96x256xf32, #tpu.memory_space<vmem>>, vector<16xf32>,
      %parallel_loop3A_287 = arith.index_cast %parallel_loop3A_254 : i32 to index
      %parallel_loop3A_288 = arith.constant 64 : index
      %parallel_loop3A_289 = tpu.vector_load %arg8[%parallel_loop3A_287, %parallel_loop3A_288] {strides = array<i32>} : memref<96x256xf32, #tpu.memory_space<vmem>>, vector<16xf32>,
      %parallel_loop3A_290 = arith.mulf %parallel_loop3A_289, %parallel_loop3A_258 : vector<16xf32>
      %parallel_loop3A_291 = arith.index_cast %parallel_loop3A_254 : i32 to index
      %parallel_loop3A_292 = arith.constant 64 : index
      %parallel_loop3A_293 = tpu.vector_load %arg8[%parallel_loop3A_291, %parallel_loop3A_292] {strides = array<i32>} : memref<96x256xf32, #tpu.memory_space<vmem>>, vector<16xf32>,
      tpu.vector_store %arg8[%parallel_loop3A_291, %parallel_loop3A_292], %parallel_loop3A_290 {strides = array<i32>} : memref<96x256xf32, #tpu.memory_space<vmem>>, vector<16xf32>,
      %parallel_loop3A_294 = arith.index_cast %parallel_loop3A_254 : i32 to index
      %parallel_loop3A_295 = arith.constant 80 : index
      %parallel_loop3A_296 = tpu.vector_load %arg8[%parallel_loop3A_294, %parallel_loop3A_295] {strides = array<i32>} : memref<96x256xf32, #tpu.memory_space<vmem>>, vector<16xf32>,
      %parallel_loop3A_297 = arith.mulf %parallel_loop3A_296, %parallel_loop3A_258 : vector<16xf32>
      %parallel_loop3A_298 = arith.index_cast %parallel_loop3A_254 : i32 to index
      %parallel_loop3A_299 = arith.constant 80 : index
      %parallel_loop3A_300 = tpu.vector_load %arg8[%parallel_loop3A_298, %parallel_loop3A_299] {strides = array<i32>} : memref<96x256xf32, #tpu.memory_space<vmem>>, vector<16xf32>,
      tpu.vector_store %arg8[%parallel_loop3A_298, %parallel_loop3A_299], %parallel_loop3A_297 {strides = array<i32>} : memref<96x256xf32, #tpu.memory_space<vmem>>, vector<16xf32>,
      %parallel_loop3A_301 = arith.index_cast %parallel_loop3A_254 : i32 to index
      %parallel_loop3A_302 = arith.constant 96 : index
      %parallel_loop3A_303 = tpu.vector_load %arg8[%parallel_loop3A_301, %parallel_loop3A_302] {strides = array<i32>} : memref<96x256xf32, #tpu.memory_space<vmem>>, vector<16xf32>,
      %parallel_loop3A_304 = arith.mulf %parallel_loop3A_303, %parallel_loop3A_258 : vector<16xf32>
      %parallel_loop3A_305 = arith.index_cast %parallel_loop3A_254 : i32 to index
      %parallel_loop3A_306 = arith.constant 96 : index
      %parallel_loop3A_307 = tpu.vector_load %arg8[%parallel_loop3A_305, %parallel_loop3A_306] {strides = array<i32>} : memref<96x256xf32, #tpu.memory_space<vmem>>, vector<16xf32>,
      tpu.vector_store %arg8[%parallel_loop3A_305, %parallel_loop3A_306], %parallel_loop3A_304 {strides = array<i32>} : memref<96x256xf32, #tpu.memory_space<vmem>>, vector<16xf32>,
      %parallel_loop3A_308 = arith.index_cast %parallel_loop3A_254 : i32 to index
      %parallel_loop3A_309 = arith.constant 112 : index
      %parallel_loop3A_310 = tpu.vector_load %arg8[%parallel_loop3A_308, %parallel_loop3A_309] {strides = array<i32>} : memref<96x256xf32, #tpu.memory_space<vmem>>, vector<16xf32>,
      %parallel_loop3A_311 = arith.mulf %parallel_loop3A_310, %parallel_loop3A_258 : vector<16xf32>
      %parallel_loop3A_312 = arith.index_cast %parallel_loop3A_254 : i32 to index
      %parallel_loop3A_313 = arith.constant 112 : index
      %parallel_loop3A_314 = tpu.vector_load %arg8[%parallel_loop3A_312, %parallel_loop3A_313] {strides = array<i32>} : memref<96x256xf32, #tpu.memory_space<vmem>>, vector<16xf32>,
      tpu.vector_store %arg8[%parallel_loop3A_312, %parallel_loop3A_313], %parallel_loop3A_311 {strides = array<i32>} : memref<96x256xf32, #tpu.memory_space<vmem>>, vector<16xf32>,
      %parallel_loop3A_315 = arith.index_cast %parallel_loop3A_254 : i32 to index
      %parallel_loop3A_316 = arith.constant 128 : index
      %parallel_loop3A_317 = tpu.vector_load %arg8[%parallel_loop3A_315, %parallel_loop3A_316] {strides = array<i32>} : memref<96x256xf32, #tpu.memory_space<vmem>>, vector<16xf32>,
      %parallel_loop3A_318 = arith.mulf %parallel_loop3A_317, %parallel_loop3A_258 : vector<16xf32>
      %parallel_loop3A_319 = arith.index_cast %parallel_loop3A_254 : i32 to index
      %parallel_loop3A_320 = arith.constant 128 : index
      %parallel_loop3A_321 = tpu.vector_load %arg8[%parallel_loop3A_319, %parallel_loop3A_320] {strides = array<i32>} : memref<96x256xf32, #tpu.memory_space<vmem>>, vector<16xf32>,
      tpu.vector_store %arg8[%parallel_loop3A_319, %parallel_loop3A_320], %parallel_loop3A_318 {strides = array<i32>} : memref<96x256xf32, #tpu.memory_space<vmem>>, vector<16xf32>,
      %parallel_loop3A_322 = arith.index_cast %parallel_loop3A_254 : i32 to index
      %parallel_loop3A_323 = arith.constant 144 : index
      %parallel_loop3A_324 = tpu.vector_load %arg8[%parallel_loop3A_322, %parallel_loop3A_323] {strides = array<i32>} : memref<96x256xf32, #tpu.memory_space<vmem>>, vector<16xf32>,
      %parallel_loop3A_325 = arith.mulf %parallel_loop3A_324, %parallel_loop3A_258 : vector<16xf32>
      %parallel_loop3A_326 = arith.index_cast %parallel_loop3A_254 : i32 to index
      %parallel_loop3A_327 = arith.constant 144 : index
      %parallel_loop3A_328 = tpu.vector_load %arg8[%parallel_loop3A_326, %parallel_loop3A_327] {strides = array<i32>} : memref<96x256xf32, #tpu.memory_space<vmem>>, vector<16xf32>,
      tpu.vector_store %arg8[%parallel_loop3A_326, %parallel_loop3A_327], %parallel_loop3A_325 {strides = array<i32>} : memref<96x256xf32, #tpu.memory_space<vmem>>, vector<16xf32>,
      %parallel_loop3A_329 = arith.index_cast %parallel_loop3A_254 : i32 to index
      %parallel_loop3A_330 = arith.constant 160 : index
      %parallel_loop3A_331 = tpu.vector_load %arg8[%parallel_loop3A_329, %parallel_loop3A_330] {strides = array<i32>} : memref<96x256xf32, #tpu.memory_space<vmem>>, vector<16xf32>,
      %parallel_loop3A_332 = arith.mulf %parallel_loop3A_331, %parallel_loop3A_258 : vector<16xf32>
      %parallel_loop3A_333 = arith.index_cast %parallel_loop3A_254 : i32 to index
      %parallel_loop3A_334 = arith.constant 160 : index
      %parallel_loop3A_335 = tpu.vector_load %arg8[%parallel_loop3A_333, %parallel_loop3A_334] {strides = array<i32>} : memref<96x256xf32, #tpu.memory_space<vmem>>, vector<16xf32>,
      tpu.vector_store %arg8[%parallel_loop3A_333, %parallel_loop3A_334], %parallel_loop3A_332 {strides = array<i32>} : memref<96x256xf32, #tpu.memory_space<vmem>>, vector<16xf32>,
      %parallel_loop3A_336 = arith.index_cast %parallel_loop3A_254 : i32 to index
      %parallel_loop3A_337 = arith.constant 176 : index
      %parallel_loop3A_338 = tpu.vector_load %arg8[%parallel_loop3A_336, %parallel_loop3A_337] {strides = array<i32>} : memref<96x256xf32, #tpu.memory_space<vmem>>, vector<16xf32>,
      %parallel_loop3A_339 = arith.mulf %parallel_loop3A_338, %parallel_loop3A_258 : vector<16xf32>
      %parallel_loop3A_340 = arith.index_cast %parallel_loop3A_254 : i32 to index
      %parallel_loop3A_341 = arith.constant 176 : index
      %parallel_loop3A_342 = tpu.vector_load %arg8[%parallel_loop3A_340, %parallel_loop3A_341] {strides = array<i32>} : memref<96x256xf32, #tpu.memory_space<vmem>>, vector<16xf32>,
      tpu.vector_store %arg8[%parallel_loop3A_340, %parallel_loop3A_341], %parallel_loop3A_339 {strides = array<i32>} : memref<96x256xf32, #tpu.memory_space<vmem>>, vector<16xf32>,
      %parallel_loop3A_343 = arith.index_cast %parallel_loop3A_254 : i32 to index
      %parallel_loop3A_344 = arith.constant 192 : index
      %parallel_loop3A_345 = tpu.vector_load %arg8[%parallel_loop3A_343, %parallel_loop3A_344] {strides = array<i32>} : memref<96x256xf32, #tpu.memory_space<vmem>>, vector<16xf32>,
      %parallel_loop3A_346 = arith.mulf %parallel_loop3A_345, %parallel_loop3A_258 : vector<16xf32>
      %parallel_loop3A_347 = arith.index_cast %parallel_loop3A_254 : i32 to index
      %parallel_loop3A_348 = arith.constant 192 : index
      %parallel_loop3A_349 = tpu.vector_load %arg8[%parallel_loop3A_347, %parallel_loop3A_348] {strides = array<i32>} : memref<96x256xf32, #tpu.memory_space<vmem>>, vector<16xf32>,
      tpu.vector_store %arg8[%parallel_loop3A_347, %parallel_loop3A_348], %parallel_loop3A_346 {strides = array<i32>} : memref<96x256xf32, #tpu.memory_space<vmem>>, vector<16xf32>,
      %parallel_loop3A_350 = arith.index_cast %parallel_loop3A_254 : i32 to index
      %parallel_loop3A_351 = arith.constant 208 : index
      %parallel_loop3A_352 = tpu.vector_load %arg8[%parallel_loop3A_350, %parallel_loop3A_351] {strides = array<i32>} : memref<96x256xf32, #tpu.memory_space<vmem>>, vector<16xf32>,
      %parallel_loop3A_353 = arith.mulf %parallel_loop3A_352, %parallel_loop3A_258 : vector<16xf32>
      %parallel_loop3A_354 = arith.index_cast %parallel_loop3A_254 : i32 to index
      %parallel_loop3A_355 = arith.constant 208 : index
      %parallel_loop3A_356 = tpu.vector_load %arg8[%parallel_loop3A_354, %parallel_loop3A_355] {strides = array<i32>} : memref<96x256xf32, #tpu.memory_space<vmem>>, vector<16xf32>,
      tpu.vector_store %arg8[%parallel_loop3A_354, %parallel_loop3A_355], %parallel_loop3A_353 {strides = array<i32>} : memref<96x256xf32, #tpu.memory_space<vmem>>, vector<16xf32>,
      %parallel_loop3A_357 = arith.index_cast %parallel_loop3A_254 : i32 to index
      %parallel_loop3A_358 = arith.constant 224 : index
      %parallel_loop3A_359 = tpu.vector_load %arg8[%parallel_loop3A_357, %parallel_loop3A_358] {strides = array<i32>} : memref<96x256xf32, #tpu.memory_space<vmem>>, vector<16xf32>,
      %parallel_loop3A_360 = arith.mulf %parallel_loop3A_359, %parallel_loop3A_258 : vector<16xf32>
      %parallel_loop3A_361 = arith.index_cast %parallel_loop3A_254 : i32 to index
      %parallel_loop3A_362 = arith.constant 224 : index
      %parallel_loop3A_363 = tpu.vector_load %arg8[%parallel_loop3A_361, %parallel_loop3A_362] {strides = array<i32>} : memref<96x256xf32, #tpu.memory_space<vmem>>, vector<16xf32>,
      tpu.vector_store %arg8[%parallel_loop3A_361, %parallel_loop3A_362], %parallel_loop3A_360 {strides = array<i32>} : memref<96x256xf32, #tpu.memory_space<vmem>>, vector<16xf32>,
      %parallel_loop3A_364 = arith.index_cast %parallel_loop3A_254 : i32 to index
      %parallel_loop3A_365 = arith.constant 240 : index
      %parallel_loop3A_366 = tpu.vector_load %arg8[%parallel_loop3A_364, %parallel_loop3A_365] {strides = array<i32>} : memref<96x256xf32, #tpu.memory_space<vmem>>, vector<16xf32>,
      %parallel_loop3A_367 = arith.mulf %parallel_loop3A_366, %parallel_loop3A_258 : vector<16xf32>
      %parallel_loop3A_368 = arith.index_cast %parallel_loop3A_254 : i32 to index
      %parallel_loop3A_369 = arith.constant 240 : index
      %parallel_loop3A_370 = tpu.vector_load %arg8[%parallel_loop3A_368, %parallel_loop3A_369] {strides = array<i32>} : memref<96x256xf32, #tpu.memory_space<vmem>>, vector<16xf32>,
      tpu.vector_store %arg8[%parallel_loop3A_368, %parallel_loop3A_369], %parallel_loop3A_367 {strides = array<i32>} : memref<96x256xf32, #tpu.memory_space<vmem>>, vector<16xf32>,
    } {sc.loop_unroll_factor = 2 : i64, sc.parallel_access}
    %add3A_26 = arith.constant 0 : i32
    %add3A_27 = arith.addi %mul3A_2, %add3A_26 : i32
    %dma_start3A_28 = arith.constant 0 : i32
    %dma_start3A_29 = tpu.memref_slice %arg5[%add3A_27, %dma_start3A_28] : memref<160000x256xf32, #tpu.memory_space<hbm>> -> memref<96x256xf32, #tpu.memory_space<hbm>>
    %dma_start3A_30 = arith.constant 0 : i32
    %dma_start3A_31 = tpu.memref_slice %arg5[%add3A_27, %dma_start3A_30] : memref<160000x256xf32, #tpu.memory_space<hbm>> -> memref<96x256xf32, #tpu.memory_space<hbm>>
    tpu.enqueue_dma source(%arg8 : memref<96x256xf32, #tpu.memory_space<vmem>>) target(%dma_start3A_31 : memref<96x256xf32, #tpu.memory_space<hbm>>) target_semaphore(%arg16 : memref<!tpu.dma_semaphore, #tpu.memory_space<semaphore_mem>>)
    %dma_start3A_32 = arith.constant 192 : i32
    %dma_start3A_33 = tpu.memref_slice %arg6[%dma_start3A_32] : memref<5000xi32, #tpu.memory_space<vmem>> -> memref<96xi32, #tpu.memory_space<vmem>>
    %dma_start3A_34 = arith.constant 0 : i32
    %dma_start3A_35 = arith.constant 0 : i32
    %dma_start3A_36 = tpu.memref_slice %arg2[%dma_start3A_34, %dma_start3A_35] : memref<10000x256xf32, #tpu.memory_space<hbm>> -> memref<10000x256xf32, #tpu.memory_space<hbm>>
    tpu.enqueue_indirect_dma source(%dma_start3A_36 : memref<10000x256xf32, #tpu.memory_space<hbm>>) target(%arg10 : memref<96x256xf32, #tpu.memory_space<vmem>>) offsets(%dma_start3A_33 : memref<96xi32, #tpu.memory_space<vmem>>) semaphore(%arg14 : memref<!tpu.dma_semaphore, #tpu.memory_space<semaphore_mem>>)
    %dma_wait3A_37 = arith.constant 96 : i32
    %dma_wait3A_38 = tpu.memref_slice %arg6[%dma_wait3A_37] : memref<5000xi32, #tpu.memory_space<vmem>> -> memref<96xi32, #tpu.memory_space<vmem>>
    %dma_wait3A_39 = arith.constant 0 : i32
    %dma_wait3A_40 = arith.constant 0 : i32
    %dma_wait3A_41 = tpu.memref_slice %arg2[%dma_wait3A_39, %dma_wait3A_40] : memref<10000x256xf32, #tpu.memory_space<hbm>> -> memref<10000x256xf32, #tpu.memory_space<hbm>>
    tpu.wait_indirect_dma semaphore(%arg13 : memref<!tpu.dma_semaphore, #tpu.memory_space<semaphore_mem>>) src(%dma_wait3A_41 : memref<10000x256xf32, #tpu.memory_space<hbm>>) dst(%arg9 : memref<96x256xf32, #tpu.memory_space<vmem>>)
    %parallel_loop3A_42 = arith.constant 0 : i32
    %parallel_loop3A_43 = arith.constant 96 : i32
    %parallel_loop3A_44 = arith.constant 1 : i32
    scf.for %parallel_loop3A_254 = %parallel_loop3A_42 to %parallel_loop3A_43 step %parallel_loop3A_44  : i32 {
      %parallel_loop3A_255 = arith.constant 96 : i32
      %parallel_loop3A_256 = arith.addi %parallel_loop3A_255, %parallel_loop3A_254 : i32
      %parallel_loop3A_257 = vector.broadcast %parallel_loop3A_256 : i32 to vector<16xi32>
      %parallel_loop3A_258 = tpu.vector_load_idx %arg7[%parallel_loop3A_257] : memref<5000xf32, #tpu.memory_space<vmem>>[vector<16xi32>], vector<16xf32>,
      %parallel_loop3A_259 = arith.index_cast %parallel_loop3A_254 : i32 to index
      %parallel_loop3A_260 = arith.constant 0 : index
      %parallel_loop3A_261 = tpu.vector_load %arg9[%parallel_loop3A_259, %parallel_loop3A_260] {strides = array<i32>} : memref<96x256xf32, #tpu.memory_space<vmem>>, vector<16xf32>,
      %parallel_loop3A_262 = arith.mulf %parallel_loop3A_261, %parallel_loop3A_258 : vector<16xf32>
      %parallel_loop3A_263 = arith.index_cast %parallel_loop3A_254 : i32 to index
      %parallel_loop3A_264 = arith.constant 0 : index
      %parallel_loop3A_265 = tpu.vector_load %arg9[%parallel_loop3A_263, %parallel_loop3A_264] {strides = array<i32>} : memref<96x256xf32, #tpu.memory_space<vmem>>, vector<16xf32>,
      tpu.vector_store %arg9[%parallel_loop3A_263, %parallel_loop3A_264], %parallel_loop3A_262 {strides = array<i32>} : memref<96x256xf32, #tpu.memory_space<vmem>>, vector<16xf32>,
      %parallel_loop3A_266 = arith.index_cast %parallel_loop3A_254 : i32 to index
      %parallel_loop3A_267 = arith.constant 16 : index
      %parallel_loop3A_268 = tpu.vector_load %arg9[%parallel_loop3A_266, %parallel_loop3A_267] {strides = array<i32>} : memref<96x256xf32, #tpu.memory_space<vmem>>, vector<16xf32>,
      %parallel_loop3A_269 = arith.mulf %parallel_loop3A_268, %parallel_loop3A_258 : vector<16xf32>
      %parallel_loop3A_270 = arith.index_cast %parallel_loop3A_254 : i32 to index
      %parallel_loop3A_271 = arith.constant 16 : index
      %parallel_loop3A_272 = tpu.vector_load %arg9[%parallel_loop3A_270, %parallel_loop3A_271] {strides = array<i32>} : memref<96x256xf32, #tpu.memory_space<vmem>>, vector<16xf32>,
      tpu.vector_store %arg9[%parallel_loop3A_270, %parallel_loop3A_271], %parallel_loop3A_269 {strides = array<i32>} : memref<96x256xf32, #tpu.memory_space<vmem>>, vector<16xf32>,
      %parallel_loop3A_273 = arith.index_cast %parallel_loop3A_254 : i32 to index
      %parallel_loop3A_274 = arith.constant 32 : index
      %parallel_loop3A_275 = tpu.vector_load %arg9[%parallel_loop3A_273, %parallel_loop3A_274] {strides = array<i32>} : memref<96x256xf32, #tpu.memory_space<vmem>>, vector<16xf32>,
      %parallel_loop3A_276 = arith.mulf %parallel_loop3A_275, %parallel_loop3A_258 : vector<16xf32>
      %parallel_loop3A_277 = arith.index_cast %parallel_loop3A_254 : i32 to index
      %parallel_loop3A_278 = arith.constant 32 : index
      %parallel_loop3A_279 = tpu.vector_load %arg9[%parallel_loop3A_277, %parallel_loop3A_278] {strides = array<i32>} : memref<96x256xf32, #tpu.memory_space<vmem>>, vector<16xf32>,
      tpu.vector_store %arg9[%parallel_loop3A_277, %parallel_loop3A_278], %parallel_loop3A_276 {strides = array<i32>} : memref<96x256xf32, #tpu.memory_space<vmem>>, vector<16xf32>,
      %parallel_loop3A_280 = arith.index_cast %parallel_loop3A_254 : i32 to index
      %parallel_loop3A_281 = arith.constant 48 : index
      %parallel_loop3A_282 = tpu.vector_load %arg9[%parallel_loop3A_280, %parallel_loop3A_281] {strides = array<i32>} : memref<96x256xf32, #tpu.memory_space<vmem>>, vector<16xf32>,
      %parallel_loop3A_283 = arith.mulf %parallel_loop3A_282, %parallel_loop3A_258 : vector<16xf32>
      %parallel_loop3A_284 = arith.index_cast %parallel_loop3A_254 : i32 to index
      %parallel_loop3A_285 = arith.constant 48 : index
      %parallel_loop3A_286 = tpu.vector_load %arg9[%parallel_loop3A_284, %parallel_loop3A_285] {strides = array<i32>} : memref<96x256xf32, #tpu.memory_space<vmem>>, vector<16xf32>,
      tpu.vector_store %arg9[%parallel_loop3A_284, %parallel_loop3A_285], %parallel_loop3A_283 {strides = array<i32>} : memref<96x256xf32, #tpu.memory_space<vmem>>, vector<16xf32>,
      %parallel_loop3A_287 = arith.index_cast %parallel_loop3A_254 : i32 to index
      %parallel_loop3A_288 = arith.constant 64 : index
      %parallel_loop3A_289 = tpu.vector_load %arg9[%parallel_loop3A_287, %parallel_loop3A_288] {strides = array<i32>} : memref<96x256xf32, #tpu.memory_space<vmem>>, vector<16xf32>,
      %parallel_loop3A_290 = arith.mulf %parallel_loop3A_289, %parallel_loop3A_258 : vector<16xf32>
      %parallel_loop3A_291 = arith.index_cast %parallel_loop3A_254 : i32 to index
      %parallel_loop3A_292 = arith.constant 64 : index
      %parallel_loop3A_293 = tpu.vector_load %arg9[%parallel_loop3A_291, %parallel_loop3A_292] {strides = array<i32>} : memref<96x256xf32, #tpu.memory_space<vmem>>, vector<16xf32>,
      tpu.vector_store %arg9[%parallel_loop3A_291, %parallel_loop3A_292], %parallel_loop3A_290 {strides = array<i32>} : memref<96x256xf32, #tpu.memory_space<vmem>>, vector<16xf32>,
      %parallel_loop3A_294 = arith.index_cast %parallel_loop3A_254 : i32 to index
      %parallel_loop3A_295 = arith.constant 80 : index
      %parallel_loop3A_296 = tpu.vector_load %arg9[%parallel_loop3A_294, %parallel_loop3A_295] {strides = array<i32>} : memref<96x256xf32, #tpu.memory_space<vmem>>, vector<16xf32>,
      %parallel_loop3A_297 = arith.mulf %parallel_loop3A_296, %parallel_loop3A_258 : vector<16xf32>
      %parallel_loop3A_298 = arith.index_cast %parallel_loop3A_254 : i32 to index
      %parallel_loop3A_299 = arith.constant 80 : index
      %parallel_loop3A_300 = tpu.vector_load %arg9[%parallel_loop3A_298, %parallel_loop3A_299] {strides = array<i32>} : memref<96x256xf32, #tpu.memory_space<vmem>>, vector<16xf32>,
      tpu.vector_store %arg9[%parallel_loop3A_298, %parallel_loop3A_299], %parallel_loop3A_297 {strides = array<i32>} : memref<96x256xf32, #tpu.memory_space<vmem>>, vector<16xf32>,
      %parallel_loop3A_301 = arith.index_cast %parallel_loop3A_254 : i32 to index
      %parallel_loop3A_302 = arith.constant 96 : index
      %parallel_loop3A_303 = tpu.vector_load %arg9[%parallel_loop3A_301, %parallel_loop3A_302] {strides = array<i32>} : memref<96x256xf32, #tpu.memory_space<vmem>>, vector<16xf32>,
      %parallel_loop3A_304 = arith.mulf %parallel_loop3A_303, %parallel_loop3A_258 : vector<16xf32>
      %parallel_loop3A_305 = arith.index_cast %parallel_loop3A_254 : i32 to index
      %parallel_loop3A_306 = arith.constant 96 : index
      %parallel_loop3A_307 = tpu.vector_load %arg9[%parallel_loop3A_305, %parallel_loop3A_306] {strides = array<i32>} : memref<96x256xf32, #tpu.memory_space<vmem>>, vector<16xf32>,
      tpu.vector_store %arg9[%parallel_loop3A_305, %parallel_loop3A_306], %parallel_loop3A_304 {strides = array<i32>} : memref<96x256xf32, #tpu.memory_space<vmem>>, vector<16xf32>,
      %parallel_loop3A_308 = arith.index_cast %parallel_loop3A_254 : i32 to index
      %parallel_loop3A_309 = arith.constant 112 : index
      %parallel_loop3A_310 = tpu.vector_load %arg9[%parallel_loop3A_308, %parallel_loop3A_309] {strides = array<i32>} : memref<96x256xf32, #tpu.memory_space<vmem>>, vector<16xf32>,
      %parallel_loop3A_311 = arith.mulf %parallel_loop3A_310, %parallel_loop3A_258 : vector<16xf32>
      %parallel_loop3A_312 = arith.index_cast %parallel_loop3A_254 : i32 to index
      %parallel_loop3A_313 = arith.constant 112 : index
      %parallel_loop3A_314 = tpu.vector_load %arg9[%parallel_loop3A_312, %parallel_loop3A_313] {strides = array<i32>} : memref<96x256xf32, #tpu.memory_space<vmem>>, vector<16xf32>,
      tpu.vector_store %arg9[%parallel_loop3A_312, %parallel_loop3A_313], %parallel_loop3A_311 {strides = array<i32>} : memref<96x256xf32, #tpu.memory_space<vmem>>, vector<16xf32>,
      %parallel_loop3A_315 = arith.index_cast %parallel_loop3A_254 : i32 to index
      %parallel_loop3A_316 = arith.constant 128 : index
      %parallel_loop3A_317 = tpu.vector_load %arg9[%parallel_loop3A_315, %parallel_loop3A_316] {strides = array<i32>} : memref<96x256xf32, #tpu.memory_space<vmem>>, vector<16xf32>,
      %parallel_loop3A_318 = arith.mulf %parallel_loop3A_317, %parallel_loop3A_258 : vector<16xf32>
      %parallel_loop3A_319 = arith.index_cast %parallel_loop3A_254 : i32 to index
      %parallel_loop3A_320 = arith.constant 128 : index
      %parallel_loop3A_321 = tpu.vector_load %arg9[%parallel_loop3A_319, %parallel_loop3A_320] {strides = array<i32>} : memref<96x256xf32, #tpu.memory_space<vmem>>, vector<16xf32>,
      tpu.vector_store %arg9[%parallel_loop3A_319, %parallel_loop3A_320], %parallel_loop3A_318 {strides = array<i32>} : memref<96x256xf32, #tpu.memory_space<vmem>>, vector<16xf32>,
      %parallel_loop3A_322 = arith.index_cast %parallel_loop3A_254 : i32 to index
      %parallel_loop3A_323 = arith.constant 144 : index
      %parallel_loop3A_324 = tpu.vector_load %arg9[%parallel_loop3A_322, %parallel_loop3A_323] {strides = array<i32>} : memref<96x256xf32, #tpu.memory_space<vmem>>, vector<16xf32>,
      %parallel_loop3A_325 = arith.mulf %parallel_loop3A_324, %parallel_loop3A_258 : vector<16xf32>
      %parallel_loop3A_326 = arith.index_cast %parallel_loop3A_254 : i32 to index
      %parallel_loop3A_327 = arith.constant 144 : index
      %parallel_loop3A_328 = tpu.vector_load %arg9[%parallel_loop3A_326, %parallel_loop3A_327] {strides = array<i32>} : memref<96x256xf32, #tpu.memory_space<vmem>>, vector<16xf32>,
      tpu.vector_store %arg9[%parallel_loop3A_326, %parallel_loop3A_327], %parallel_loop3A_325 {strides = array<i32>} : memref<96x256xf32, #tpu.memory_space<vmem>>, vector<16xf32>,
      %parallel_loop3A_329 = arith.index_cast %parallel_loop3A_254 : i32 to index
      %parallel_loop3A_330 = arith.constant 160 : index
      %parallel_loop3A_331 = tpu.vector_load %arg9[%parallel_loop3A_329, %parallel_loop3A_330] {strides = array<i32>} : memref<96x256xf32, #tpu.memory_space<vmem>>, vector<16xf32>,
      %parallel_loop3A_332 = arith.mulf %parallel_loop3A_331, %parallel_loop3A_258 : vector<16xf32>
      %parallel_loop3A_333 = arith.index_cast %parallel_loop3A_254 : i32 to index
      %parallel_loop3A_334 = arith.constant 160 : index
      %parallel_loop3A_335 = tpu.vector_load %arg9[%parallel_loop3A_333, %parallel_loop3A_334] {strides = array<i32>} : memref<96x256xf32, #tpu.memory_space<vmem>>, vector<16xf32>,
      tpu.vector_store %arg9[%parallel_loop3A_333, %parallel_loop3A_334], %parallel_loop3A_332 {strides = array<i32>} : memref<96x256xf32, #tpu.memory_space<vmem>>, vector<16xf32>,
      %parallel_loop3A_336 = arith.index_cast %parallel_loop3A_254 : i32 to index
      %parallel_loop3A_337 = arith.constant 176 : index
      %parallel_loop3A_338 = tpu.vector_load %arg9[%parallel_loop3A_336, %parallel_loop3A_337] {strides = array<i32>} : memref<96x256xf32, #tpu.memory_space<vmem>>, vector<16xf32>,
      %parallel_loop3A_339 = arith.mulf %parallel_loop3A_338, %parallel_loop3A_258 : vector<16xf32>
      %parallel_loop3A_340 = arith.index_cast %parallel_loop3A_254 : i32 to index
      %parallel_loop3A_341 = arith.constant 176 : index
      %parallel_loop3A_342 = tpu.vector_load %arg9[%parallel_loop3A_340, %parallel_loop3A_341] {strides = array<i32>} : memref<96x256xf32, #tpu.memory_space<vmem>>, vector<16xf32>,
      tpu.vector_store %arg9[%parallel_loop3A_340, %parallel_loop3A_341], %parallel_loop3A_339 {strides = array<i32>} : memref<96x256xf32, #tpu.memory_space<vmem>>, vector<16xf32>,
      %parallel_loop3A_343 = arith.index_cast %parallel_loop3A_254 : i32 to index
      %parallel_loop3A_344 = arith.constant 192 : index
      %parallel_loop3A_345 = tpu.vector_load %arg9[%parallel_loop3A_343, %parallel_loop3A_344] {strides = array<i32>} : memref<96x256xf32, #tpu.memory_space<vmem>>, vector<16xf32>,
      %parallel_loop3A_346 = arith.mulf %parallel_loop3A_345, %parallel_loop3A_258 : vector<16xf32>
      %parallel_loop3A_347 = arith.index_cast %parallel_loop3A_254 : i32 to index
      %parallel_loop3A_348 = arith.constant 192 : index
      %parallel_loop3A_349 = tpu.vector_load %arg9[%parallel_loop3A_347, %parallel_loop3A_348] {strides = array<i32>} : memref<96x256xf32, #tpu.memory_space<vmem>>, vector<16xf32>,
      tpu.vector_store %arg9[%parallel_loop3A_347, %parallel_loop3A_348], %parallel_loop3A_346 {strides = array<i32>} : memref<96x256xf32, #tpu.memory_space<vmem>>, vector<16xf32>,
      %parallel_loop3A_350 = arith.index_cast %parallel_loop3A_254 : i32 to index
      %parallel_loop3A_351 = arith.constant 208 : index
      %parallel_loop3A_352 = tpu.vector_load %arg9[%parallel_loop3A_350, %parallel_loop3A_351] {strides = array<i32>} : memref<96x256xf32, #tpu.memory_space<vmem>>, vector<16xf32>,
      %parallel_loop3A_353 = arith.mulf %parallel_loop3A_352, %parallel_loop3A_258 : vector<16xf32>
      %parallel_loop3A_354 = arith.index_cast %parallel_loop3A_254 : i32 to index
      %parallel_loop3A_355 = arith.constant 208 : index
      %parallel_loop3A_356 = tpu.vector_load %arg9[%parallel_loop3A_354, %parallel_loop3A_355] {strides = array<i32>} : memref<96x256xf32, #tpu.memory_space<vmem>>, vector<16xf32>,
      tpu.vector_store %arg9[%parallel_loop3A_354, %parallel_loop3A_355], %parallel_loop3A_353 {strides = array<i32>} : memref<96x256xf32, #tpu.memory_space<vmem>>, vector<16xf32>,
      %parallel_loop3A_357 = arith.index_cast %parallel_loop3A_254 : i32 to index
      %parallel_loop3A_358 = arith.constant 224 : index
      %parallel_loop3A_359 = tpu.vector_load %arg9[%parallel_loop3A_357, %parallel_loop3A_358] {strides = array<i32>} : memref<96x256xf32, #tpu.memory_space<vmem>>, vector<16xf32>,
      %parallel_loop3A_360 = arith.mulf %parallel_loop3A_359, %parallel_loop3A_258 : vector<16xf32>
      %parallel_loop3A_361 = arith.index_cast %parallel_loop3A_254 : i32 to index
      %parallel_loop3A_362 = arith.constant 224 : index
      %parallel_loop3A_363 = tpu.vector_load %arg9[%parallel_loop3A_361, %parallel_loop3A_362] {strides = array<i32>} : memref<96x256xf32, #tpu.memory_space<vmem>>, vector<16xf32>,
      tpu.vector_store %arg9[%parallel_loop3A_361, %parallel_loop3A_362], %parallel_loop3A_360 {strides = array<i32>} : memref<96x256xf32, #tpu.memory_space<vmem>>, vector<16xf32>,
      %parallel_loop3A_364 = arith.index_cast %parallel_loop3A_254 : i32 to index
      %parallel_loop3A_365 = arith.constant 240 : index
      %parallel_loop3A_366 = tpu.vector_load %arg9[%parallel_loop3A_364, %parallel_loop3A_365] {strides = array<i32>} : memref<96x256xf32, #tpu.memory_space<vmem>>, vector<16xf32>,
      %parallel_loop3A_367 = arith.mulf %parallel_loop3A_366, %parallel_loop3A_258 : vector<16xf32>
      %parallel_loop3A_368 = arith.index_cast %parallel_loop3A_254 : i32 to index
      %parallel_loop3A_369 = arith.constant 240 : index
      %parallel_loop3A_370 = tpu.vector_load %arg9[%parallel_loop3A_368, %parallel_loop3A_369] {strides = array<i32>} : memref<96x256xf32, #tpu.memory_space<vmem>>, vector<16xf32>,
      tpu.vector_store %arg9[%parallel_loop3A_368, %parallel_loop3A_369], %parallel_loop3A_367 {strides = array<i32>} : memref<96x256xf32, #tpu.memory_space<vmem>>, vector<16xf32>,
    } {sc.loop_unroll_factor = 2 : i64, sc.parallel_access}
    %add3A_45 = arith.constant 96 : i32
    %add3A_46 = arith.addi %mul3A_2, %add3A_45 : i32
    %dma_start3A_47 = arith.constant 0 : i32
    %dma_start3A_48 = tpu.memref_slice %arg5[%add3A_46, %dma_start3A_47] : memref<160000x256xf32, #tpu.memory_space<hbm>> -> memref<96x256xf32, #tpu.memory_space<hbm>>
    %dma_start3A_49 = arith.constant 0 : i32
    %dma_start3A_50 = tpu.memref_slice %arg5[%add3A_46, %dma_start3A_49] : memref<160000x256xf32, #tpu.memory_space<hbm>> -> memref<96x256xf32, #tpu.memory_space<hbm>>
    tpu.enqueue_dma source(%arg9 : memref<96x256xf32, #tpu.memory_space<vmem>>) target(%dma_start3A_50 : memref<96x256xf32, #tpu.memory_space<hbm>>) target_semaphore(%arg17 : memref<!tpu.dma_semaphore, #tpu.memory_space<semaphore_mem>>)
    %dma_start3A_51 = arith.constant 288 : i32
    %dma_start3A_52 = tpu.memref_slice %arg6[%dma_start3A_51] : memref<5000xi32, #tpu.memory_space<vmem>> -> memref<96xi32, #tpu.memory_space<vmem>>
    %dma_start3A_53 = arith.constant 0 : i32
    %dma_start3A_54 = arith.constant 0 : i32
    %dma_start3A_55 = tpu.memref_slice %arg2[%dma_start3A_53, %dma_start3A_54] : memref<10000x256xf32, #tpu.memory_space<hbm>> -> memref<10000x256xf32, #tpu.memory_space<hbm>>
    tpu.enqueue_indirect_dma source(%dma_start3A_55 : memref<10000x256xf32, #tpu.memory_space<hbm>>) target(%arg11 : memref<96x256xf32, #tpu.memory_space<vmem>>) offsets(%dma_start3A_52 : memref<96xi32, #tpu.memory_space<vmem>>) semaphore(%arg15 : memref<!tpu.dma_semaphore, #tpu.memory_space<semaphore_mem>>)
    %dma_wait3A_56 = arith.constant 192 : i32
    %dma_wait3A_57 = tpu.memref_slice %arg6[%dma_wait3A_56] : memref<5000xi32, #tpu.memory_space<vmem>> -> memref<96xi32, #tpu.memory_space<vmem>>
    %dma_wait3A_58 = arith.constant 0 : i32
    %dma_wait3A_59 = arith.constant 0 : i32
    %dma_wait3A_60 = tpu.memref_slice %arg2[%dma_wait3A_58, %dma_wait3A_59] : memref<10000x256xf32, #tpu.memory_space<hbm>> -> memref<10000x256xf32, #tpu.memory_space<hbm>>
    tpu.wait_indirect_dma semaphore(%arg14 : memref<!tpu.dma_semaphore, #tpu.memory_space<semaphore_mem>>) src(%dma_wait3A_60 : memref<10000x256xf32, #tpu.memory_space<hbm>>) dst(%arg10 : memref<96x256xf32, #tpu.memory_space<vmem>>)
    %parallel_loop3A_61 = arith.constant 0 : i32
    %parallel_loop3A_62 = arith.constant 96 : i32
    %parallel_loop3A_63 = arith.constant 1 : i32
    scf.for %parallel_loop3A_254 = %parallel_loop3A_61 to %parallel_loop3A_62 step %parallel_loop3A_63  : i32 {
      %parallel_loop3A_255 = arith.constant 192 : i32
      %parallel_loop3A_256 = arith.addi %parallel_loop3A_255, %parallel_loop3A_254 : i32
      %parallel_loop3A_257 = vector.broadcast %parallel_loop3A_256 : i32 to vector<16xi32>
      %parallel_loop3A_258 = tpu.vector_load_idx %arg7[%parallel_loop3A_257] : memref<5000xf32, #tpu.memory_space<vmem>>[vector<16xi32>], vector<16xf32>,
      %parallel_loop3A_259 = arith.index_cast %parallel_loop3A_254 : i32 to index
      %parallel_loop3A_260 = arith.constant 0 : index
      %parallel_loop3A_261 = tpu.vector_load %arg10[%parallel_loop3A_259, %parallel_loop3A_260] {strides = array<i32>} : memref<96x256xf32, #tpu.memory_space<vmem>>, vector<16xf32>,
      %parallel_loop3A_262 = arith.mulf %parallel_loop3A_261, %parallel_loop3A_258 : vector<16xf32>
      %parallel_loop3A_263 = arith.index_cast %parallel_loop3A_254 : i32 to index
      %parallel_loop3A_264 = arith.constant 0 : index
      %parallel_loop3A_265 = tpu.vector_load %arg10[%parallel_loop3A_263, %parallel_loop3A_264] {strides = array<i32>} : memref<96x256xf32, #tpu.memory_space<vmem>>, vector<16xf32>,
      tpu.vector_store %arg10[%parallel_loop3A_263, %parallel_loop3A_264], %parallel_loop3A_262 {strides = array<i32>} : memref<96x256xf32, #tpu.memory_space<vmem>>, vector<16xf32>,
      %parallel_loop3A_266 = arith.index_cast %parallel_loop3A_254 : i32 to index
      %parallel_loop3A_267 = arith.constant 16 : index
      %parallel_loop3A_268 = tpu.vector_load %arg10[%parallel_loop3A_266, %parallel_loop3A_267] {strides = array<i32>} : memref<96x256xf32, #tpu.memory_space<vmem>>, vector<16xf32>,
      %parallel_loop3A_269 = arith.mulf %parallel_loop3A_268, %parallel_loop3A_258 : vector<16xf32>
      %parallel_loop3A_270 = arith.index_cast %parallel_loop3A_254 : i32 to index
      %parallel_loop3A_271 = arith.constant 16 : index
      %parallel_loop3A_272 = tpu.vector_load %arg10[%parallel_loop3A_270, %parallel_loop3A_271] {strides = array<i32>} : memref<96x256xf32, #tpu.memory_space<vmem>>, vector<16xf32>,
      tpu.vector_store %arg10[%parallel_loop3A_270, %parallel_loop3A_271], %parallel_loop3A_269 {strides = array<i32>} : memref<96x256xf32, #tpu.memory_space<vmem>>, vector<16xf32>,
      %parallel_loop3A_273 = arith.index_cast %parallel_loop3A_254 : i32 to index
      %parallel_loop3A_274 = arith.constant 32 : index
      %parallel_loop3A_275 = tpu.vector_load %arg10[%parallel_loop3A_273, %parallel_loop3A_274] {strides = array<i32>} : memref<96x256xf32, #tpu.memory_space<vmem>>, vector<16xf32>,
      %parallel_loop3A_276 = arith.mulf %parallel_loop3A_275, %parallel_loop3A_258 : vector<16xf32>
      %parallel_loop3A_277 = arith.index_cast %parallel_loop3A_254 : i32 to index
      %parallel_loop3A_278 = arith.constant 32 : index
      %parallel_loop3A_279 = tpu.vector_load %arg10[%parallel_loop3A_277, %parallel_loop3A_278] {strides = array<i32>} : memref<96x256xf32, #tpu.memory_space<vmem>>, vector<16xf32>,
      tpu.vector_store %arg10[%parallel_loop3A_277, %parallel_loop3A_278], %parallel_loop3A_276 {strides = array<i32>} : memref<96x256xf32, #tpu.memory_space<vmem>>, vector<16xf32>,
      %parallel_loop3A_280 = arith.index_cast %parallel_loop3A_254 : i32 to index
      %parallel_loop3A_281 = arith.constant 48 : index
      %parallel_loop3A_282 = tpu.vector_load %arg10[%parallel_loop3A_280, %parallel_loop3A_281] {strides = array<i32>} : memref<96x256xf32, #tpu.memory_space<vmem>>, vector<16xf32>,
      %parallel_loop3A_283 = arith.mulf %parallel_loop3A_282, %parallel_loop3A_258 : vector<16xf32>
      %parallel_loop3A_284 = arith.index_cast %parallel_loop3A_254 : i32 to index
      %parallel_loop3A_285 = arith.constant 48 : index
      %parallel_loop3A_286 = tpu.vector_load %arg10[%parallel_loop3A_284, %parallel_loop3A_285] {strides = array<i32>} : memref<96x256xf32, #tpu.memory_space<vmem>>, vector<16xf32>,
      tpu.vector_store %arg10[%parallel_loop3A_284, %parallel_loop3A_285], %parallel_loop3A_283 {strides = array<i32>} : memref<96x256xf32, #tpu.memory_space<vmem>>, vector<16xf32>,
      %parallel_loop3A_287 = arith.index_cast %parallel_loop3A_254 : i32 to index
      %parallel_loop3A_288 = arith.constant 64 : index
      %parallel_loop3A_289 = tpu.vector_load %arg10[%parallel_loop3A_287, %parallel_loop3A_288] {strides = array<i32>} : memref<96x256xf32, #tpu.memory_space<vmem>>, vector<16xf32>,
      %parallel_loop3A_290 = arith.mulf %parallel_loop3A_289, %parallel_loop3A_258 : vector<16xf32>
      %parallel_loop3A_291 = arith.index_cast %parallel_loop3A_254 : i32 to index
      %parallel_loop3A_292 = arith.constant 64 : index
      %parallel_loop3A_293 = tpu.vector_load %arg10[%parallel_loop3A_291, %parallel_loop3A_292] {strides = array<i32>} : memref<96x256xf32, #tpu.memory_space<vmem>>, vector<16xf32>,
      tpu.vector_store %arg10[%parallel_loop3A_291, %parallel_loop3A_292], %parallel_loop3A_290 {strides = array<i32>} : memref<96x256xf32, #tpu.memory_space<vmem>>, vector<16xf32>,
      %parallel_loop3A_294 = arith.index_cast %parallel_loop3A_254 : i32 to index
      %parallel_loop3A_295 = arith.constant 80 : index
      %parallel_loop3A_296 = tpu.vector_load %arg10[%parallel_loop3A_294, %parallel_loop3A_295] {strides = array<i32>} : memref<96x256xf32, #tpu.memory_space<vmem>>, vector<16xf32>,
      %parallel_loop3A_297 = arith.mulf %parallel_loop3A_296, %parallel_loop3A_258 : vector<16xf32>
      %parallel_loop3A_298 = arith.index_cast %parallel_loop3A_254 : i32 to index
      %parallel_loop3A_299 = arith.constant 80 : index
      %parallel_loop3A_300 = tpu.vector_load %arg10[%parallel_loop3A_298, %parallel_loop3A_299] {strides = array<i32>} : memref<96x256xf32, #tpu.memory_space<vmem>>, vector<16xf32>,
      tpu.vector_store %arg10[%parallel_loop3A_298, %parallel_loop3A_299], %parallel_loop3A_297 {strides = array<i32>} : memref<96x256xf32, #tpu.memory_space<vmem>>, vector<16xf32>,
      %parallel_loop3A_301 = arith.index_cast %parallel_loop3A_254 : i32 to index
      %parallel_loop3A_302 = arith.constant 96 : index
      %parallel_loop3A_303 = tpu.vector_load %arg10[%parallel_loop3A_301, %parallel_loop3A_302] {strides = array<i32>} : memref<96x256xf32, #tpu.memory_space<vmem>>, vector<16xf32>,
      %parallel_loop3A_304 = arith.mulf %parallel_loop3A_303, %parallel_loop3A_258 : vector<16xf32>
      %parallel_loop3A_305 = arith.index_cast %parallel_loop3A_254 : i32 to index
      %parallel_loop3A_306 = arith.constant 96 : index
      %parallel_loop3A_307 = tpu.vector_load %arg10[%parallel_loop3A_305, %parallel_loop3A_306] {strides = array<i32>} : memref<96x256xf32, #tpu.memory_space<vmem>>, vector<16xf32>,
      tpu.vector_store %arg10[%parallel_loop3A_305, %parallel_loop3A_306], %parallel_loop3A_304 {strides = array<i32>} : memref<96x256xf32, #tpu.memory_space<vmem>>, vector<16xf32>,
      %parallel_loop3A_308 = arith.index_cast %parallel_loop3A_254 : i32 to index
      %parallel_loop3A_309 = arith.constant 112 : index
      %parallel_loop3A_310 = tpu.vector_load %arg10[%parallel_loop3A_308, %parallel_loop3A_309] {strides = array<i32>} : memref<96x256xf32, #tpu.memory_space<vmem>>, vector<16xf32>,
      %parallel_loop3A_311 = arith.mulf %parallel_loop3A_310, %parallel_loop3A_258 : vector<16xf32>
      %parallel_loop3A_312 = arith.index_cast %parallel_loop3A_254 : i32 to index
      %parallel_loop3A_313 = arith.constant 112 : index
      %parallel_loop3A_314 = tpu.vector_load %arg10[%parallel_loop3A_312, %parallel_loop3A_313] {strides = array<i32>} : memref<96x256xf32, #tpu.memory_space<vmem>>, vector<16xf32>,
      tpu.vector_store %arg10[%parallel_loop3A_312, %parallel_loop3A_313], %parallel_loop3A_311 {strides = array<i32>} : memref<96x256xf32, #tpu.memory_space<vmem>>, vector<16xf32>,
      %parallel_loop3A_315 = arith.index_cast %parallel_loop3A_254 : i32 to index
      %parallel_loop3A_316 = arith.constant 128 : index
      %parallel_loop3A_317 = tpu.vector_load %arg10[%parallel_loop3A_315, %parallel_loop3A_316] {strides = array<i32>} : memref<96x256xf32, #tpu.memory_space<vmem>>, vector<16xf32>,
      %parallel_loop3A_318 = arith.mulf %parallel_loop3A_317, %parallel_loop3A_258 : vector<16xf32>
      %parallel_loop3A_319 = arith.index_cast %parallel_loop3A_254 : i32 to index
      %parallel_loop3A_320 = arith.constant 128 : index
      %parallel_loop3A_321 = tpu.vector_load %arg10[%parallel_loop3A_319, %parallel_loop3A_320] {strides = array<i32>} : memref<96x256xf32, #tpu.memory_space<vmem>>, vector<16xf32>,
      tpu.vector_store %arg10[%parallel_loop3A_319, %parallel_loop3A_320], %parallel_loop3A_318 {strides = array<i32>} : memref<96x256xf32, #tpu.memory_space<vmem>>, vector<16xf32>,
      %parallel_loop3A_322 = arith.index_cast %parallel_loop3A_254 : i32 to index
      %parallel_loop3A_323 = arith.constant 144 : index
      %parallel_loop3A_324 = tpu.vector_load %arg10[%parallel_loop3A_322, %parallel_loop3A_323] {strides = array<i32>} : memref<96x256xf32, #tpu.memory_space<vmem>>, vector<16xf32>,
      %parallel_loop3A_325 = arith.mulf %parallel_loop3A_324, %parallel_loop3A_258 : vector<16xf32>
      %parallel_loop3A_326 = arith.index_cast %parallel_loop3A_254 : i32 to index
      %parallel_loop3A_327 = arith.constant 144 : index
      %parallel_loop3A_328 = tpu.vector_load %arg10[%parallel_loop3A_326, %parallel_loop3A_327] {strides = array<i32>} : memref<96x256xf32, #tpu.memory_space<vmem>>, vector<16xf32>,
      tpu.vector_store %arg10[%parallel_loop3A_326, %parallel_loop3A_327], %parallel_loop3A_325 {strides = array<i32>} : memref<96x256xf32, #tpu.memory_space<vmem>>, vector<16xf32>,
      %parallel_loop3A_329 = arith.index_cast %parallel_loop3A_254 : i32 to index
      %parallel_loop3A_330 = arith.constant 160 : index
      %parallel_loop3A_331 = tpu.vector_load %arg10[%parallel_loop3A_329, %parallel_loop3A_330] {strides = array<i32>} : memref<96x256xf32, #tpu.memory_space<vmem>>, vector<16xf32>,
      %parallel_loop3A_332 = arith.mulf %parallel_loop3A_331, %parallel_loop3A_258 : vector<16xf32>
      %parallel_loop3A_333 = arith.index_cast %parallel_loop3A_254 : i32 to index
      %parallel_loop3A_334 = arith.constant 160 : index
      %parallel_loop3A_335 = tpu.vector_load %arg10[%parallel_loop3A_333, %parallel_loop3A_334] {strides = array<i32>} : memref<96x256xf32, #tpu.memory_space<vmem>>, vector<16xf32>,
      tpu.vector_store %arg10[%parallel_loop3A_333, %parallel_loop3A_334], %parallel_loop3A_332 {strides = array<i32>} : memref<96x256xf32, #tpu.memory_space<vmem>>, vector<16xf32>,
      %parallel_loop3A_336 = arith.index_cast %parallel_loop3A_254 : i32 to index
      %parallel_loop3A_337 = arith.constant 176 : index
      %parallel_loop3A_338 = tpu.vector_load %arg10[%parallel_loop3A_336, %parallel_loop3A_337] {strides = array<i32>} : memref<96x256xf32, #tpu.memory_space<vmem>>, vector<16xf32>,
      %parallel_loop3A_339 = arith.mulf %parallel_loop3A_338, %parallel_loop3A_258 : vector<16xf32>
      %parallel_loop3A_340 = arith.index_cast %parallel_loop3A_254 : i32 to index
      %parallel_loop3A_341 = arith.constant 176 : index
      %parallel_loop3A_342 = tpu.vector_load %arg10[%parallel_loop3A_340, %parallel_loop3A_341] {strides = array<i32>} : memref<96x256xf32, #tpu.memory_space<vmem>>, vector<16xf32>,
      tpu.vector_store %arg10[%parallel_loop3A_340, %parallel_loop3A_341], %parallel_loop3A_339 {strides = array<i32>} : memref<96x256xf32, #tpu.memory_space<vmem>>, vector<16xf32>,
      %parallel_loop3A_343 = arith.index_cast %parallel_loop3A_254 : i32 to index
      %parallel_loop3A_344 = arith.constant 192 : index
      %parallel_loop3A_345 = tpu.vector_load %arg10[%parallel_loop3A_343, %parallel_loop3A_344] {strides = array<i32>} : memref<96x256xf32, #tpu.memory_space<vmem>>, vector<16xf32>,
      %parallel_loop3A_346 = arith.mulf %parallel_loop3A_345, %parallel_loop3A_258 : vector<16xf32>
      %parallel_loop3A_347 = arith.index_cast %parallel_loop3A_254 : i32 to index
      %parallel_loop3A_348 = arith.constant 192 : index
      %parallel_loop3A_349 = tpu.vector_load %arg10[%parallel_loop3A_347, %parallel_loop3A_348] {strides = array<i32>} : memref<96x256xf32, #tpu.memory_space<vmem>>, vector<16xf32>,
      tpu.vector_store %arg10[%parallel_loop3A_347, %parallel_loop3A_348], %parallel_loop3A_346 {strides = array<i32>} : memref<96x256xf32, #tpu.memory_space<vmem>>, vector<16xf32>,
      %parallel_loop3A_350 = arith.index_cast %parallel_loop3A_254 : i32 to index
      %parallel_loop3A_351 = arith.constant 208 : index
      %parallel_loop3A_352 = tpu.vector_load %arg10[%parallel_loop3A_350, %parallel_loop3A_351] {strides = array<i32>} : memref<96x256xf32, #tpu.memory_space<vmem>>, vector<16xf32>,
      %parallel_loop3A_353 = arith.mulf %parallel_loop3A_352, %parallel_loop3A_258 : vector<16xf32>
      %parallel_loop3A_354 = arith.index_cast %parallel_loop3A_254 : i32 to index
      %parallel_loop3A_355 = arith.constant 208 : index
      %parallel_loop3A_356 = tpu.vector_load %arg10[%parallel_loop3A_354, %parallel_loop3A_355] {strides = array<i32>} : memref<96x256xf32, #tpu.memory_space<vmem>>, vector<16xf32>,
      tpu.vector_store %arg10[%parallel_loop3A_354, %parallel_loop3A_355], %parallel_loop3A_353 {strides = array<i32>} : memref<96x256xf32, #tpu.memory_space<vmem>>, vector<16xf32>,
      %parallel_loop3A_357 = arith.index_cast %parallel_loop3A_254 : i32 to index
      %parallel_loop3A_358 = arith.constant 224 : index
      %parallel_loop3A_359 = tpu.vector_load %arg10[%parallel_loop3A_357, %parallel_loop3A_358] {strides = array<i32>} : memref<96x256xf32, #tpu.memory_space<vmem>>, vector<16xf32>,
      %parallel_loop3A_360 = arith.mulf %parallel_loop3A_359, %parallel_loop3A_258 : vector<16xf32>
      %parallel_loop3A_361 = arith.index_cast %parallel_loop3A_254 : i32 to index
      %parallel_loop3A_362 = arith.constant 224 : index
      %parallel_loop3A_363 = tpu.vector_load %arg10[%parallel_loop3A_361, %parallel_loop3A_362] {strides = array<i32>} : memref<96x256xf32, #tpu.memory_space<vmem>>, vector<16xf32>,
      tpu.vector_store %arg10[%parallel_loop3A_361, %parallel_loop3A_362], %parallel_loop3A_360 {strides = array<i32>} : memref<96x256xf32, #tpu.memory_space<vmem>>, vector<16xf32>,
      %parallel_loop3A_364 = arith.index_cast %parallel_loop3A_254 : i32 to index
      %parallel_loop3A_365 = arith.constant 240 : index
      %parallel_loop3A_366 = tpu.vector_load %arg10[%parallel_loop3A_364, %parallel_loop3A_365] {strides = array<i32>} : memref<96x256xf32, #tpu.memory_space<vmem>>, vector<16xf32>,
      %parallel_loop3A_367 = arith.mulf %parallel_loop3A_366, %parallel_loop3A_258 : vector<16xf32>
      %parallel_loop3A_368 = arith.index_cast %parallel_loop3A_254 : i32 to index
      %parallel_loop3A_369 = arith.constant 240 : index
      %parallel_loop3A_370 = tpu.vector_load %arg10[%parallel_loop3A_368, %parallel_loop3A_369] {strides = array<i32>} : memref<96x256xf32, #tpu.memory_space<vmem>>, vector<16xf32>,
      tpu.vector_store %arg10[%parallel_loop3A_368, %parallel_loop3A_369], %parallel_loop3A_367 {strides = array<i32>} : memref<96x256xf32, #tpu.memory_space<vmem>>, vector<16xf32>,
    } {sc.loop_unroll_factor = 2 : i64, sc.parallel_access}
    %add3A_64 = arith.constant 192 : i32
    %add3A_65 = arith.addi %mul3A_2, %add3A_64 : i32
    %dma_start3A_66 = arith.constant 0 : i32
    %dma_start3A_67 = tpu.memref_slice %arg5[%add3A_65, %dma_start3A_66] : memref<160000x256xf32, #tpu.memory_space<hbm>> -> memref<96x256xf32, #tpu.memory_space<hbm>>
    %dma_start3A_68 = arith.constant 0 : i32
    %dma_start3A_69 = tpu.memref_slice %arg5[%add3A_65, %dma_start3A_68] : memref<160000x256xf32, #tpu.memory_space<hbm>> -> memref<96x256xf32, #tpu.memory_space<hbm>>
    tpu.enqueue_dma source(%arg10 : memref<96x256xf32, #tpu.memory_space<vmem>>) target(%dma_start3A_69 : memref<96x256xf32, #tpu.memory_space<hbm>>) target_semaphore(%arg18 : memref<!tpu.dma_semaphore, #tpu.memory_space<semaphore_mem>>)
    %add3A_70 = arith.constant 0 : i32
    %add3A_71 = arith.addi %mul3A_2, %add3A_70 : i32
    %dma_wait3A_72 = arith.constant 0 : i32
    %dma_wait3A_73 = tpu.memref_slice %arg5[%add3A_71, %dma_wait3A_72] : memref<160000x256xf32, #tpu.memory_space<hbm>> -> memref<96x256xf32, #tpu.memory_space<hbm>>
    %dma_wait3A_74 = arith.constant 0 : i32
    %dma_wait3A_75 = tpu.memref_slice %arg5[%add3A_71, %dma_wait3A_74] : memref<160000x256xf32, #tpu.memory_space<hbm>> -> memref<96x256xf32, #tpu.memory_space<hbm>>
    tpu.wait_dma2 semaphore(%arg16 : memref<!tpu.dma_semaphore, #tpu.memory_space<semaphore_mem>>) src(%arg8 : memref<96x256xf32, #tpu.memory_space<vmem>>) dst(%dma_wait3A_75 : memref<96x256xf32, #tpu.memory_space<hbm>>)
    %dma_start3A_76 = arith.constant 384 : i32
    %dma_start3A_77 = tpu.memref_slice %arg6[%dma_start3A_76] : memref<5000xi32, #tpu.memory_space<vmem>> -> memref<96xi32, #tpu.memory_space<vmem>>
    %dma_start3A_78 = arith.constant 0 : i32
    %dma_start3A_79 = arith.constant 0 : i32
    %dma_start3A_80 = tpu.memref_slice %arg2[%dma_start3A_78, %dma_start3A_79] : memref<10000x256xf32, #tpu.memory_space<hbm>> -> memref<10000x256xf32, #tpu.memory_space<hbm>>
    tpu.enqueue_indirect_dma source(%dma_start3A_80 : memref<10000x256xf32, #tpu.memory_space<hbm>>) target(%arg8 : memref<96x256xf32, #tpu.memory_space<vmem>>) offsets(%dma_start3A_77 : memref<96xi32, #tpu.memory_space<vmem>>) semaphore(%arg12 : memref<!tpu.dma_semaphore, #tpu.memory_space<semaphore_mem>>)
    %dma_wait3A_81 = arith.constant 288 : i32
    %dma_wait3A_82 = tpu.memref_slice %arg6[%dma_wait3A_81] : memref<5000xi32, #tpu.memory_space<vmem>> -> memref<96xi32, #tpu.memory_space<vmem>>
    %dma_wait3A_83 = arith.constant 0 : i32
    %dma_wait3A_84 = arith.constant 0 : i32
    %dma_wait3A_85 = tpu.memref_slice %arg2[%dma_wait3A_83, %dma_wait3A_84] : memref<10000x256xf32, #tpu.memory_space<hbm>> -> memref<10000x256xf32, #tpu.memory_space<hbm>>
    tpu.wait_indirect_dma semaphore(%arg15 : memref<!tpu.dma_semaphore, #tpu.memory_space<semaphore_mem>>) src(%dma_wait3A_85 : memref<10000x256xf32, #tpu.memory_space<hbm>>) dst(%arg11 : memref<96x256xf32, #tpu.memory_space<vmem>>)
    %parallel_loop3A_86 = arith.constant 0 : i32
    %parallel_loop3A_87 = arith.constant 96 : i32
    %parallel_loop3A_88 = arith.constant 1 : i32
    scf.for %parallel_loop3A_254 = %parallel_loop3A_86 to %parallel_loop3A_87 step %parallel_loop3A_88  : i32 {
      %parallel_loop3A_255 = arith.constant 288 : i32
      %parallel_loop3A_256 = arith.addi %parallel_loop3A_255, %parallel_loop3A_254 : i32
      %parallel_loop3A_257 = vector.broadcast %parallel_loop3A_256 : i32 to vector<16xi32>
      %parallel_loop3A_258 = tpu.vector_load_idx %arg7[%parallel_loop3A_257] : memref<5000xf32, #tpu.memory_space<vmem>>[vector<16xi32>], vector<16xf32>,
      %parallel_loop3A_259 = arith.index_cast %parallel_loop3A_254 : i32 to index
      %parallel_loop3A_260 = arith.constant 0 : index
      %parallel_loop3A_261 = tpu.vector_load %arg11[%parallel_loop3A_259, %parallel_loop3A_260] {strides = array<i32>} : memref<96x256xf32, #tpu.memory_space<vmem>>, vector<16xf32>,
      %parallel_loop3A_262 = arith.mulf %parallel_loop3A_261, %parallel_loop3A_258 : vector<16xf32>
      %parallel_loop3A_263 = arith.index_cast %parallel_loop3A_254 : i32 to index
      %parallel_loop3A_264 = arith.constant 0 : index
      %parallel_loop3A_265 = tpu.vector_load %arg11[%parallel_loop3A_263, %parallel_loop3A_264] {strides = array<i32>} : memref<96x256xf32, #tpu.memory_space<vmem>>, vector<16xf32>,
      tpu.vector_store %arg11[%parallel_loop3A_263, %parallel_loop3A_264], %parallel_loop3A_262 {strides = array<i32>} : memref<96x256xf32, #tpu.memory_space<vmem>>, vector<16xf32>,
      %parallel_loop3A_266 = arith.index_cast %parallel_loop3A_254 : i32 to index
      %parallel_loop3A_267 = arith.constant 16 : index
      %parallel_loop3A_268 = tpu.vector_load %arg11[%parallel_loop3A_266, %parallel_loop3A_267] {strides = array<i32>} : memref<96x256xf32, #tpu.memory_space<vmem>>, vector<16xf32>,
      %parallel_loop3A_269 = arith.mulf %parallel_loop3A_268, %parallel_loop3A_258 : vector<16xf32>
      %parallel_loop3A_270 = arith.index_cast %parallel_loop3A_254 : i32 to index
      %parallel_loop3A_271 = arith.constant 16 : index
      %parallel_loop3A_272 = tpu.vector_load %arg11[%parallel_loop3A_270, %parallel_loop3A_271] {strides = array<i32>} : memref<96x256xf32, #tpu.memory_space<vmem>>, vector<16xf32>,
      tpu.vector_store %arg11[%parallel_loop3A_270, %parallel_loop3A_271], %parallel_loop3A_269 {strides = array<i32>} : memref<96x256xf32, #tpu.memory_space<vmem>>, vector<16xf32>,
      %parallel_loop3A_273 = arith.index_cast %parallel_loop3A_254 : i32 to index
      %parallel_loop3A_274 = arith.constant 32 : index
      %parallel_loop3A_275 = tpu.vector_load %arg11[%parallel_loop3A_273, %parallel_loop3A_274] {strides = array<i32>} : memref<96x256xf32, #tpu.memory_space<vmem>>, vector<16xf32>,
      %parallel_loop3A_276 = arith.mulf %parallel_loop3A_275, %parallel_loop3A_258 : vector<16xf32>
      %parallel_loop3A_277 = arith.index_cast %parallel_loop3A_254 : i32 to index
      %parallel_loop3A_278 = arith.constant 32 : index
      %parallel_loop3A_279 = tpu.vector_load %arg11[%parallel_loop3A_277, %parallel_loop3A_278] {strides = array<i32>} : memref<96x256xf32, #tpu.memory_space<vmem>>, vector<16xf32>,
      tpu.vector_store %arg11[%parallel_loop3A_277, %parallel_loop3A_278], %parallel_loop3A_276 {strides = array<i32>} : memref<96x256xf32, #tpu.memory_space<vmem>>, vector<16xf32>,
      %parallel_loop3A_280 = arith.index_cast %parallel_loop3A_254 : i32 to index
      %parallel_loop3A_281 = arith.constant 48 : index
      %parallel_loop3A_282 = tpu.vector_load %arg11[%parallel_loop3A_280, %parallel_loop3A_281] {strides = array<i32>} : memref<96x256xf32, #tpu.memory_space<vmem>>, vector<16xf32>,
      %parallel_loop3A_283 = arith.mulf %parallel_loop3A_282, %parallel_loop3A_258 : vector<16xf32>
      %parallel_loop3A_284 = arith.index_cast %parallel_loop3A_254 : i32 to index
      %parallel_loop3A_285 = arith.constant 48 : index
      %parallel_loop3A_286 = tpu.vector_load %arg11[%parallel_loop3A_284, %parallel_loop3A_285] {strides = array<i32>} : memref<96x256xf32, #tpu.memory_space<vmem>>, vector<16xf32>,
      tpu.vector_store %arg11[%parallel_loop3A_284, %parallel_loop3A_285], %parallel_loop3A_283 {strides = array<i32>} : memref<96x256xf32, #tpu.memory_space<vmem>>, vector<16xf32>,
      %parallel_loop3A_287 = arith.index_cast %parallel_loop3A_254 : i32 to index
      %parallel_loop3A_288 = arith.constant 64 : index
      %parallel_loop3A_289 = tpu.vector_load %arg11[%parallel_loop3A_287, %parallel_loop3A_288] {strides = array<i32>} : memref<96x256xf32, #tpu.memory_space<vmem>>, vector<16xf32>,
      %parallel_loop3A_290 = arith.mulf %parallel_loop3A_289, %parallel_loop3A_258 : vector<16xf32>
      %parallel_loop3A_291 = arith.index_cast %parallel_loop3A_254 : i32 to index
      %parallel_loop3A_292 = arith.constant 64 : index
      %parallel_loop3A_293 = tpu.vector_load %arg11[%parallel_loop3A_291, %parallel_loop3A_292] {strides = array<i32>} : memref<96x256xf32, #tpu.memory_space<vmem>>, vector<16xf32>,
      tpu.vector_store %arg11[%parallel_loop3A_291, %parallel_loop3A_292], %parallel_loop3A_290 {strides = array<i32>} : memref<96x256xf32, #tpu.memory_space<vmem>>, vector<16xf32>,
      %parallel_loop3A_294 = arith.index_cast %parallel_loop3A_254 : i32 to index
      %parallel_loop3A_295 = arith.constant 80 : index
      %parallel_loop3A_296 = tpu.vector_load %arg11[%parallel_loop3A_294, %parallel_loop3A_295] {strides = array<i32>} : memref<96x256xf32, #tpu.memory_space<vmem>>, vector<16xf32>,
      %parallel_loop3A_297 = arith.mulf %parallel_loop3A_296, %parallel_loop3A_258 : vector<16xf32>
      %parallel_loop3A_298 = arith.index_cast %parallel_loop3A_254 : i32 to index
      %parallel_loop3A_299 = arith.constant 80 : index
      %parallel_loop3A_300 = tpu.vector_load %arg11[%parallel_loop3A_298, %parallel_loop3A_299] {strides = array<i32>} : memref<96x256xf32, #tpu.memory_space<vmem>>, vector<16xf32>,
      tpu.vector_store %arg11[%parallel_loop3A_298, %parallel_loop3A_299], %parallel_loop3A_297 {strides = array<i32>} : memref<96x256xf32, #tpu.memory_space<vmem>>, vector<16xf32>,
      %parallel_loop3A_301 = arith.index_cast %parallel_loop3A_254 : i32 to index
      %parallel_loop3A_302 = arith.constant 96 : index
      %parallel_loop3A_303 = tpu.vector_load %arg11[%parallel_loop3A_301, %parallel_loop3A_302] {strides = array<i32>} : memref<96x256xf32, #tpu.memory_space<vmem>>, vector<16xf32>,
      %parallel_loop3A_304 = arith.mulf %parallel_loop3A_303, %parallel_loop3A_258 : vector<16xf32>
      %parallel_loop3A_305 = arith.index_cast %parallel_loop3A_254 : i32 to index
      %parallel_loop3A_306 = arith.constant 96 : index
      %parallel_loop3A_307 = tpu.vector_load %arg11[%parallel_loop3A_305, %parallel_loop3A_306] {strides = array<i32>} : memref<96x256xf32, #tpu.memory_space<vmem>>, vector<16xf32>,
      tpu.vector_store %arg11[%parallel_loop3A_305, %parallel_loop3A_306], %parallel_loop3A_304 {strides = array<i32>} : memref<96x256xf32, #tpu.memory_space<vmem>>, vector<16xf32>,
      %parallel_loop3A_308 = arith.index_cast %parallel_loop3A_254 : i32 to index
      %parallel_loop3A_309 = arith.constant 112 : index
      %parallel_loop3A_310 = tpu.vector_load %arg11[%parallel_loop3A_308, %parallel_loop3A_309] {strides = array<i32>} : memref<96x256xf32, #tpu.memory_space<vmem>>, vector<16xf32>,
      %parallel_loop3A_311 = arith.mulf %parallel_loop3A_310, %parallel_loop3A_258 : vector<16xf32>
      %parallel_loop3A_312 = arith.index_cast %parallel_loop3A_254 : i32 to index
      %parallel_loop3A_313 = arith.constant 112 : index
      %parallel_loop3A_314 = tpu.vector_load %arg11[%parallel_loop3A_312, %parallel_loop3A_313] {strides = array<i32>} : memref<96x256xf32, #tpu.memory_space<vmem>>, vector<16xf32>,
      tpu.vector_store %arg11[%parallel_loop3A_312, %parallel_loop3A_313], %parallel_loop3A_311 {strides = array<i32>} : memref<96x256xf32, #tpu.memory_space<vmem>>, vector<16xf32>,
      %parallel_loop3A_315 = arith.index_cast %parallel_loop3A_254 : i32 to index
      %parallel_loop3A_316 = arith.constant 128 : index
      %parallel_loop3A_317 = tpu.vector_load %arg11[%parallel_loop3A_315, %parallel_loop3A_316] {strides = array<i32>} : memref<96x256xf32, #tpu.memory_space<vmem>>, vector<16xf32>,
      %parallel_loop3A_318 = arith.mulf %parallel_loop3A_317, %parallel_loop3A_258 : vector<16xf32>
      %parallel_loop3A_319 = arith.index_cast %parallel_loop3A_254 : i32 to index
      %parallel_loop3A_320 = arith.constant 128 : index
      %parallel_loop3A_321 = tpu.vector_load %arg11[%parallel_loop3A_319, %parallel_loop3A_320] {strides = array<i32>} : memref<96x256xf32, #tpu.memory_space<vmem>>, vector<16xf32>,
      tpu.vector_store %arg11[%parallel_loop3A_319, %parallel_loop3A_320], %parallel_loop3A_318 {strides = array<i32>} : memref<96x256xf32, #tpu.memory_space<vmem>>, vector<16xf32>,
      %parallel_loop3A_322 = arith.index_cast %parallel_loop3A_254 : i32 to index
      %parallel_loop3A_323 = arith.constant 144 : index
      %parallel_loop3A_324 = tpu.vector_load %arg11[%parallel_loop3A_322, %parallel_loop3A_323] {strides = array<i32>} : memref<96x256xf32, #tpu.memory_space<vmem>>, vector<16xf32>,
      %parallel_loop3A_325 = arith.mulf %parallel_loop3A_324, %parallel_loop3A_258 : vector<16xf32>
      %parallel_loop3A_326 = arith.index_cast %parallel_loop3A_254 : i32 to index
      %parallel_loop3A_327 = arith.constant 144 : index
      %parallel_loop3A_328 = tpu.vector_load %arg11[%parallel_loop3A_326, %parallel_loop3A_327] {strides = array<i32>} : memref<96x256xf32, #tpu.memory_space<vmem>>, vector<16xf32>,
      tpu.vector_store %arg11[%parallel_loop3A_326, %parallel_loop3A_327], %parallel_loop3A_325 {strides = array<i32>} : memref<96x256xf32, #tpu.memory_space<vmem>>, vector<16xf32>,
      %parallel_loop3A_329 = arith.index_cast %parallel_loop3A_254 : i32 to index
      %parallel_loop3A_330 = arith.constant 160 : index
      %parallel_loop3A_331 = tpu.vector_load %arg11[%parallel_loop3A_329, %parallel_loop3A_330] {strides = array<i32>} : memref<96x256xf32, #tpu.memory_space<vmem>>, vector<16xf32>,
      %parallel_loop3A_332 = arith.mulf %parallel_loop3A_331, %parallel_loop3A_258 : vector<16xf32>
      %parallel_loop3A_333 = arith.index_cast %parallel_loop3A_254 : i32 to index
      %parallel_loop3A_334 = arith.constant 160 : index
      %parallel_loop3A_335 = tpu.vector_load %arg11[%parallel_loop3A_333, %parallel_loop3A_334] {strides = array<i32>} : memref<96x256xf32, #tpu.memory_space<vmem>>, vector<16xf32>,
      tpu.vector_store %arg11[%parallel_loop3A_333, %parallel_loop3A_334], %parallel_loop3A_332 {strides = array<i32>} : memref<96x256xf32, #tpu.memory_space<vmem>>, vector<16xf32>,
      %parallel_loop3A_336 = arith.index_cast %parallel_loop3A_254 : i32 to index
      %parallel_loop3A_337 = arith.constant 176 : index
      %parallel_loop3A_338 = tpu.vector_load %arg11[%parallel_loop3A_336, %parallel_loop3A_337] {strides = array<i32>} : memref<96x256xf32, #tpu.memory_space<vmem>>, vector<16xf32>,
      %parallel_loop3A_339 = arith.mulf %parallel_loop3A_338, %parallel_loop3A_258 : vector<16xf32>
      %parallel_loop3A_340 = arith.index_cast %parallel_loop3A_254 : i32 to index
      %parallel_loop3A_341 = arith.constant 176 : index
      %parallel_loop3A_342 = tpu.vector_load %arg11[%parallel_loop3A_340, %parallel_loop3A_341] {strides = array<i32>} : memref<96x256xf32, #tpu.memory_space<vmem>>, vector<16xf32>,
      tpu.vector_store %arg11[%parallel_loop3A_340, %parallel_loop3A_341], %parallel_loop3A_339 {strides = array<i32>} : memref<96x256xf32, #tpu.memory_space<vmem>>, vector<16xf32>,
      %parallel_loop3A_343 = arith.index_cast %parallel_loop3A_254 : i32 to index
      %parallel_loop3A_344 = arith.constant 192 : index
      %parallel_loop3A_345 = tpu.vector_load %arg11[%parallel_loop3A_343, %parallel_loop3A_344] {strides = array<i32>} : memref<96x256xf32, #tpu.memory_space<vmem>>, vector<16xf32>,
      %parallel_loop3A_346 = arith.mulf %parallel_loop3A_345, %parallel_loop3A_258 : vector<16xf32>
      %parallel_loop3A_347 = arith.index_cast %parallel_loop3A_254 : i32 to index
      %parallel_loop3A_348 = arith.constant 192 : index
      %parallel_loop3A_349 = tpu.vector_load %arg11[%parallel_loop3A_347, %parallel_loop3A_348] {strides = array<i32>} : memref<96x256xf32, #tpu.memory_space<vmem>>, vector<16xf32>,
      tpu.vector_store %arg11[%parallel_loop3A_347, %parallel_loop3A_348], %parallel_loop3A_346 {strides = array<i32>} : memref<96x256xf32, #tpu.memory_space<vmem>>, vector<16xf32>,
      %parallel_loop3A_350 = arith.index_cast %parallel_loop3A_254 : i32 to index
      %parallel_loop3A_351 = arith.constant 208 : index
      %parallel_loop3A_352 = tpu.vector_load %arg11[%parallel_loop3A_350, %parallel_loop3A_351] {strides = array<i32>} : memref<96x256xf32, #tpu.memory_space<vmem>>, vector<16xf32>,
      %parallel_loop3A_353 = arith.mulf %parallel_loop3A_352, %parallel_loop3A_258 : vector<16xf32>
      %parallel_loop3A_354 = arith.index_cast %parallel_loop3A_254 : i32 to index
      %parallel_loop3A_355 = arith.constant 208 : index
      %parallel_loop3A_356 = tpu.vector_load %arg11[%parallel_loop3A_354, %parallel_loop3A_355] {strides = array<i32>} : memref<96x256xf32, #tpu.memory_space<vmem>>, vector<16xf32>,
      tpu.vector_store %arg11[%parallel_loop3A_354, %parallel_loop3A_355], %parallel_loop3A_353 {strides = array<i32>} : memref<96x256xf32, #tpu.memory_space<vmem>>, vector<16xf32>,
      %parallel_loop3A_357 = arith.index_cast %parallel_loop3A_254 : i32 to index
      %parallel_loop3A_358 = arith.constant 224 : index
      %parallel_loop3A_359 = tpu.vector_load %arg11[%parallel_loop3A_357, %parallel_loop3A_358] {strides = array<i32>} : memref<96x256xf32, #tpu.memory_space<vmem>>, vector<16xf32>,
      %parallel_loop3A_360 = arith.mulf %parallel_loop3A_359, %parallel_loop3A_258 : vector<16xf32>
      %parallel_loop3A_361 = arith.index_cast %parallel_loop3A_254 : i32 to index
      %parallel_loop3A_362 = arith.constant 224 : index
      %parallel_loop3A_363 = tpu.vector_load %arg11[%parallel_loop3A_361, %parallel_loop3A_362] {strides = array<i32>} : memref<96x256xf32, #tpu.memory_space<vmem>>, vector<16xf32>,
      tpu.vector_store %arg11[%parallel_loop3A_361, %parallel_loop3A_362], %parallel_loop3A_360 {strides = array<i32>} : memref<96x256xf32, #tpu.memory_space<vmem>>, vector<16xf32>,
      %parallel_loop3A_364 = arith.index_cast %parallel_loop3A_254 : i32 to index
      %parallel_loop3A_365 = arith.constant 240 : index
      %parallel_loop3A_366 = tpu.vector_load %arg11[%parallel_loop3A_364, %parallel_loop3A_365] {strides = array<i32>} : memref<96x256xf32, #tpu.memory_space<vmem>>, vector<16xf32>,
      %parallel_loop3A_367 = arith.mulf %parallel_loop3A_366, %parallel_loop3A_258 : vector<16xf32>
      %parallel_loop3A_368 = arith.index_cast %parallel_loop3A_254 : i32 to index
      %parallel_loop3A_369 = arith.constant 240 : index
      %parallel_loop3A_370 = tpu.vector_load %arg11[%parallel_loop3A_368, %parallel_loop3A_369] {strides = array<i32>} : memref<96x256xf32, #tpu.memory_space<vmem>>, vector<16xf32>,
      tpu.vector_store %arg11[%parallel_loop3A_368, %parallel_loop3A_369], %parallel_loop3A_367 {strides = array<i32>} : memref<96x256xf32, #tpu.memory_space<vmem>>, vector<16xf32>,
    } {sc.loop_unroll_factor = 2 : i64, sc.parallel_access}
    %add3A_89 = arith.constant 288 : i32
    %add3A_90 = arith.addi %mul3A_2, %add3A_89 : i32
    %dma_start3A_91 = arith.constant 0 : i32
    %dma_start3A_92 = tpu.memref_slice %arg5[%add3A_90, %dma_start3A_91] : memref<160000x256xf32, #tpu.memory_space<hbm>> -> memref<96x256xf32, #tpu.memory_space<hbm>>
    %dma_start3A_93 = arith.constant 0 : i32
    %dma_start3A_94 = tpu.memref_slice %arg5[%add3A_90, %dma_start3A_93] : memref<160000x256xf32, #tpu.memory_space<hbm>> -> memref<96x256xf32, #tpu.memory_space<hbm>>
    tpu.enqueue_dma source(%arg11 : memref<96x256xf32, #tpu.memory_space<vmem>>) target(%dma_start3A_94 : memref<96x256xf32, #tpu.memory_space<hbm>>) target_semaphore(%arg19 : memref<!tpu.dma_semaphore, #tpu.memory_space<semaphore_mem>>)
    %add3A_95 = arith.constant 96 : i32
    %add3A_96 = arith.addi %mul3A_2, %add3A_95 : i32
    %dma_wait3A_97 = arith.constant 0 : i32
    %dma_wait3A_98 = tpu.memref_slice %arg5[%add3A_96, %dma_wait3A_97] : memref<160000x256xf32, #tpu.memory_space<hbm>> -> memref<96x256xf32, #tpu.memory_space<hbm>>
    %dma_wait3A_99 = arith.constant 0 : i32
    %dma_wait3A_100 = tpu.memref_slice %arg5[%add3A_96, %dma_wait3A_99] : memref<160000x256xf32, #tpu.memory_space<hbm>> -> memref<96x256xf32, #tpu.memory_space<hbm>>
    tpu.wait_dma2 semaphore(%arg17 : memref<!tpu.dma_semaphore, #tpu.memory_space<semaphore_mem>>) src(%arg9 : memref<96x256xf32, #tpu.memory_space<vmem>>) dst(%dma_wait3A_100 : memref<96x256xf32, #tpu.memory_space<hbm>>)
    %dma_start3A_101 = arith.constant 480 : i32
    %dma_start3A_102 = tpu.memref_slice %arg6[%dma_start3A_101] : memref<5000xi32, #tpu.memory_space<vmem>> -> memref<96xi32, #tpu.memory_space<vmem>>
    %dma_start3A_103 = arith.constant 0 : i32
    %dma_start3A_104 = arith.constant 0 : i32
    %dma_start3A_105 = tpu.memref_slice %arg2[%dma_start3A_103, %dma_start3A_104] : memref<10000x256xf32, #tpu.memory_space<hbm>> -> memref<10000x256xf32, #tpu.memory_space<hbm>>
    tpu.enqueue_indirect_dma source(%dma_start3A_105 : memref<10000x256xf32, #tpu.memory_space<hbm>>) target(%arg9 : memref<96x256xf32, #tpu.memory_space<vmem>>) offsets(%dma_start3A_102 : memref<96xi32, #tpu.memory_space<vmem>>) semaphore(%arg13 : memref<!tpu.dma_semaphore, #tpu.memory_space<semaphore_mem>>)
    %scan3A = arith.constant 0 : i32
    %scan3A_106 = arith.constant 1 : i32
    %scan3A_107 = arith.constant 11 : i32
    %scan3A_108 = arith.addi %scan3A_106, %scan3A_107 : i32
    %scan3A_109 = arith.constant 1 : i32
    scf.for %scan3A_254 = %scan3A_106 to %scan3A_108 step %scan3A_109  : i32 {
      %mul3A_255 = arith.constant 4 : i32
      %mul3A_256 = arith.muli %scan3A_254, %mul3A_255 : i32
      %add3A_257 = arith.constant 0 : i32
      %add3A_258 = arith.addi %mul3A_256, %add3A_257 : i32
      %mul3A_259 = arith.constant 96 : i32
      %mul3A_260 = arith.muli %add3A_258, %mul3A_259 : i32
      %dma_wait3A_261 = tpu.memref_slice %arg6[%mul3A_260] : memref<5000xi32, #tpu.memory_space<vmem>> -> memref<96xi32, #tpu.memory_space<vmem>>
      %dma_wait3A_262 = arith.constant 0 : i32
      %dma_wait3A_263 = arith.constant 0 : i32
      %dma_wait3A_264 = tpu.memref_slice %arg2[%dma_wait3A_262, %dma_wait3A_263] : memref<10000x256xf32, #tpu.memory_space<hbm>> -> memref<10000x256xf32, #tpu.memory_space<hbm>>
      tpu.wait_indirect_dma semaphore(%arg12 : memref<!tpu.dma_semaphore, #tpu.memory_space<semaphore_mem>>) src(%dma_wait3A_264 : memref<10000x256xf32, #tpu.memory_space<hbm>>) dst(%arg8 : memref<96x256xf32, #tpu.memory_space<vmem>>)
      %mul3A_265 = arith.constant 96 : i32
      %mul3A_266 = arith.muli %add3A_258, %mul3A_265 : i32
      %parallel_loop3A_267 = arith.constant 0 : i32
      %parallel_loop3A_268 = arith.constant 96 : i32
      %parallel_loop3A_269 = arith.constant 1 : i32
      scf.for %parallel_loop3A_418 = %parallel_loop3A_267 to %parallel_loop3A_268 step %parallel_loop3A_269  : i32 {
        %parallel_loop3A_419 = arith.addi %mul3A_266, %parallel_loop3A_418 : i32
        %parallel_loop3A_420 = vector.broadcast %parallel_loop3A_419 : i32 to vector<16xi32>
        %parallel_loop3A_421 = tpu.vector_load_idx %arg7[%parallel_loop3A_420] : memref<5000xf32, #tpu.memory_space<vmem>>[vector<16xi32>], vector<16xf32>,
        %parallel_loop3A_422 = arith.index_cast %parallel_loop3A_418 : i32 to index
        %parallel_loop3A_423 = arith.constant 0 : index
        %parallel_loop3A_424 = tpu.vector_load %arg8[%parallel_loop3A_422, %parallel_loop3A_423] {strides = array<i32>} : memref<96x256xf32, #tpu.memory_space<vmem>>, vector<16xf32>,
        %parallel_loop3A_425 = arith.mulf %parallel_loop3A_424, %parallel_loop3A_421 : vector<16xf32>
        %parallel_loop3A_426 = arith.index_cast %parallel_loop3A_418 : i32 to index
        %parallel_loop3A_427 = arith.constant 0 : index
        %parallel_loop3A_428 = tpu.vector_load %arg8[%parallel_loop3A_426, %parallel_loop3A_427] {strides = array<i32>} : memref<96x256xf32, #tpu.memory_space<vmem>>, vector<16xf32>,
        tpu.vector_store %arg8[%parallel_loop3A_426, %parallel_loop3A_427], %parallel_loop3A_425 {strides = array<i32>} : memref<96x256xf32, #tpu.memory_space<vmem>>, vector<16xf32>,
        %parallel_loop3A_429 = arith.index_cast %parallel_loop3A_418 : i32 to index
        %parallel_loop3A_430 = arith.constant 16 : index
        %parallel_loop3A_431 = tpu.vector_load %arg8[%parallel_loop3A_429, %parallel_loop3A_430] {strides = array<i32>} : memref<96x256xf32, #tpu.memory_space<vmem>>, vector<16xf32>,
        %parallel_loop3A_432 = arith.mulf %parallel_loop3A_431, %parallel_loop3A_421 : vector<16xf32>
        %parallel_loop3A_433 = arith.index_cast %parallel_loop3A_418 : i32 to index
        %parallel_loop3A_434 = arith.constant 16 : index
        %parallel_loop3A_435 = tpu.vector_load %arg8[%parallel_loop3A_433, %parallel_loop3A_434] {strides = array<i32>} : memref<96x256xf32, #tpu.memory_space<vmem>>, vector<16xf32>,
        tpu.vector_store %arg8[%parallel_loop3A_433, %parallel_loop3A_434], %parallel_loop3A_432 {strides = array<i32>} : memref<96x256xf32, #tpu.memory_space<vmem>>, vector<16xf32>,
        %parallel_loop3A_436 = arith.index_cast %parallel_loop3A_418 : i32 to index
        %parallel_loop3A_437 = arith.constant 32 : index
        %parallel_loop3A_438 = tpu.vector_load %arg8[%parallel_loop3A_436, %parallel_loop3A_437] {strides = array<i32>} : memref<96x256xf32, #tpu.memory_space<vmem>>, vector<16xf32>,
        %parallel_loop3A_439 = arith.mulf %parallel_loop3A_438, %parallel_loop3A_421 : vector<16xf32>
        %parallel_loop3A_440 = arith.index_cast %parallel_loop3A_418 : i32 to index
        %parallel_loop3A_441 = arith.constant 32 : index
        %parallel_loop3A_442 = tpu.vector_load %arg8[%parallel_loop3A_440, %parallel_loop3A_441] {strides = array<i32>} : memref<96x256xf32, #tpu.memory_space<vmem>>, vector<16xf32>,
        tpu.vector_store %arg8[%parallel_loop3A_440, %parallel_loop3A_441], %parallel_loop3A_439 {strides = array<i32>} : memref<96x256xf32, #tpu.memory_space<vmem>>, vector<16xf32>,
        %parallel_loop3A_443 = arith.index_cast %parallel_loop3A_418 : i32 to index
        %parallel_loop3A_444 = arith.constant 48 : index
        %parallel_loop3A_445 = tpu.vector_load %arg8[%parallel_loop3A_443, %parallel_loop3A_444] {strides = array<i32>} : memref<96x256xf32, #tpu.memory_space<vmem>>, vector<16xf32>,
        %parallel_loop3A_446 = arith.mulf %parallel_loop3A_445, %parallel_loop3A_421 : vector<16xf32>
        %parallel_loop3A_447 = arith.index_cast %parallel_loop3A_418 : i32 to index
        %parallel_loop3A_448 = arith.constant 48 : index
        %parallel_loop3A_449 = tpu.vector_load %arg8[%parallel_loop3A_447, %parallel_loop3A_448] {strides = array<i32>} : memref<96x256xf32, #tpu.memory_space<vmem>>, vector<16xf32>,
        tpu.vector_store %arg8[%parallel_loop3A_447, %parallel_loop3A_448], %parallel_loop3A_446 {strides = array<i32>} : memref<96x256xf32, #tpu.memory_space<vmem>>, vector<16xf32>,
        %parallel_loop3A_450 = arith.index_cast %parallel_loop3A_418 : i32 to index
        %parallel_loop3A_451 = arith.constant 64 : index
        %parallel_loop3A_452 = tpu.vector_load %arg8[%parallel_loop3A_450, %parallel_loop3A_451] {strides = array<i32>} : memref<96x256xf32, #tpu.memory_space<vmem>>, vector<16xf32>,
        %parallel_loop3A_453 = arith.mulf %parallel_loop3A_452, %parallel_loop3A_421 : vector<16xf32>
        %parallel_loop3A_454 = arith.index_cast %parallel_loop3A_418 : i32 to index
        %parallel_loop3A_455 = arith.constant 64 : index
        %parallel_loop3A_456 = tpu.vector_load %arg8[%parallel_loop3A_454, %parallel_loop3A_455] {strides = array<i32>} : memref<96x256xf32, #tpu.memory_space<vmem>>, vector<16xf32>,
        tpu.vector_store %arg8[%parallel_loop3A_454, %parallel_loop3A_455], %parallel_loop3A_453 {strides = array<i32>} : memref<96x256xf32, #tpu.memory_space<vmem>>, vector<16xf32>,
        %parallel_loop3A_457 = arith.index_cast %parallel_loop3A_418 : i32 to index
        %parallel_loop3A_458 = arith.constant 80 : index
        %parallel_loop3A_459 = tpu.vector_load %arg8[%parallel_loop3A_457, %parallel_loop3A_458] {strides = array<i32>} : memref<96x256xf32, #tpu.memory_space<vmem>>, vector<16xf32>,
        %parallel_loop3A_460 = arith.mulf %parallel_loop3A_459, %parallel_loop3A_421 : vector<16xf32>
        %parallel_loop3A_461 = arith.index_cast %parallel_loop3A_418 : i32 to index
        %parallel_loop3A_462 = arith.constant 80 : index
        %parallel_loop3A_463 = tpu.vector_load %arg8[%parallel_loop3A_461, %parallel_loop3A_462] {strides = array<i32>} : memref<96x256xf32, #tpu.memory_space<vmem>>, vector<16xf32>,
        tpu.vector_store %arg8[%parallel_loop3A_461, %parallel_loop3A_462], %parallel_loop3A_460 {strides = array<i32>} : memref<96x256xf32, #tpu.memory_space<vmem>>, vector<16xf32>,
        %parallel_loop3A_464 = arith.index_cast %parallel_loop3A_418 : i32 to index
        %parallel_loop3A_465 = arith.constant 96 : index
        %parallel_loop3A_466 = tpu.vector_load %arg8[%parallel_loop3A_464, %parallel_loop3A_465] {strides = array<i32>} : memref<96x256xf32, #tpu.memory_space<vmem>>, vector<16xf32>,
        %parallel_loop3A_467 = arith.mulf %parallel_loop3A_466, %parallel_loop3A_421 : vector<16xf32>
        %parallel_loop3A_468 = arith.index_cast %parallel_loop3A_418 : i32 to index
        %parallel_loop3A_469 = arith.constant 96 : index
        %parallel_loop3A_470 = tpu.vector_load %arg8[%parallel_loop3A_468, %parallel_loop3A_469] {strides = array<i32>} : memref<96x256xf32, #tpu.memory_space<vmem>>, vector<16xf32>,
        tpu.vector_store %arg8[%parallel_loop3A_468, %parallel_loop3A_469], %parallel_loop3A_467 {strides = array<i32>} : memref<96x256xf32, #tpu.memory_space<vmem>>, vector<16xf32>,
        %parallel_loop3A_471 = arith.index_cast %parallel_loop3A_418 : i32 to index
        %parallel_loop3A_472 = arith.constant 112 : index
        %parallel_loop3A_473 = tpu.vector_load %arg8[%parallel_loop3A_471, %parallel_loop3A_472] {strides = array<i32>} : memref<96x256xf32, #tpu.memory_space<vmem>>, vector<16xf32>,
        %parallel_loop3A_474 = arith.mulf %parallel_loop3A_473, %parallel_loop3A_421 : vector<16xf32>
        %parallel_loop3A_475 = arith.index_cast %parallel_loop3A_418 : i32 to index
        %parallel_loop3A_476 = arith.constant 112 : index
        %parallel_loop3A_477 = tpu.vector_load %arg8[%parallel_loop3A_475, %parallel_loop3A_476] {strides = array<i32>} : memref<96x256xf32, #tpu.memory_space<vmem>>, vector<16xf32>,
        tpu.vector_store %arg8[%parallel_loop3A_475, %parallel_loop3A_476], %parallel_loop3A_474 {strides = array<i32>} : memref<96x256xf32, #tpu.memory_space<vmem>>, vector<16xf32>,
        %parallel_loop3A_478 = arith.index_cast %parallel_loop3A_418 : i32 to index
        %parallel_loop3A_479 = arith.constant 128 : index
        %parallel_loop3A_480 = tpu.vector_load %arg8[%parallel_loop3A_478, %parallel_loop3A_479] {strides = array<i32>} : memref<96x256xf32, #tpu.memory_space<vmem>>, vector<16xf32>,
        %parallel_loop3A_481 = arith.mulf %parallel_loop3A_480, %parallel_loop3A_421 : vector<16xf32>
        %parallel_loop3A_482 = arith.index_cast %parallel_loop3A_418 : i32 to index
        %parallel_loop3A_483 = arith.constant 128 : index
        %parallel_loop3A_484 = tpu.vector_load %arg8[%parallel_loop3A_482, %parallel_loop3A_483] {strides = array<i32>} : memref<96x256xf32, #tpu.memory_space<vmem>>, vector<16xf32>,
        tpu.vector_store %arg8[%parallel_loop3A_482, %parallel_loop3A_483], %parallel_loop3A_481 {strides = array<i32>} : memref<96x256xf32, #tpu.memory_space<vmem>>, vector<16xf32>,
        %parallel_loop3A_485 = arith.index_cast %parallel_loop3A_418 : i32 to index
        %parallel_loop3A_486 = arith.constant 144 : index
        %parallel_loop3A_487 = tpu.vector_load %arg8[%parallel_loop3A_485, %parallel_loop3A_486] {strides = array<i32>} : memref<96x256xf32, #tpu.memory_space<vmem>>, vector<16xf32>,
        %parallel_loop3A_488 = arith.mulf %parallel_loop3A_487, %parallel_loop3A_421 : vector<16xf32>
        %parallel_loop3A_489 = arith.index_cast %parallel_loop3A_418 : i32 to index
        %parallel_loop3A_490 = arith.constant 144 : index
        %parallel_loop3A_491 = tpu.vector_load %arg8[%parallel_loop3A_489, %parallel_loop3A_490] {strides = array<i32>} : memref<96x256xf32, #tpu.memory_space<vmem>>, vector<16xf32>,
        tpu.vector_store %arg8[%parallel_loop3A_489, %parallel_loop3A_490], %parallel_loop3A_488 {strides = array<i32>} : memref<96x256xf32, #tpu.memory_space<vmem>>, vector<16xf32>,
        %parallel_loop3A_492 = arith.index_cast %parallel_loop3A_418 : i32 to index
        %parallel_loop3A_493 = arith.constant 160 : index
        %parallel_loop3A_494 = tpu.vector_load %arg8[%parallel_loop3A_492, %parallel_loop3A_493] {strides = array<i32>} : memref<96x256xf32, #tpu.memory_space<vmem>>, vector<16xf32>,
        %parallel_loop3A_495 = arith.mulf %parallel_loop3A_494, %parallel_loop3A_421 : vector<16xf32>
        %parallel_loop3A_496 = arith.index_cast %parallel_loop3A_418 : i32 to index
        %parallel_loop3A_497 = arith.constant 160 : index
        %parallel_loop3A_498 = tpu.vector_load %arg8[%parallel_loop3A_496, %parallel_loop3A_497] {strides = array<i32>} : memref<96x256xf32, #tpu.memory_space<vmem>>, vector<16xf32>,
        tpu.vector_store %arg8[%parallel_loop3A_496, %parallel_loop3A_497], %parallel_loop3A_495 {strides = array<i32>} : memref<96x256xf32, #tpu.memory_space<vmem>>, vector<16xf32>,
        %parallel_loop3A_499 = arith.index_cast %parallel_loop3A_418 : i32 to index
        %parallel_loop3A_500 = arith.constant 176 : index
        %parallel_loop3A_501 = tpu.vector_load %arg8[%parallel_loop3A_499, %parallel_loop3A_500] {strides = array<i32>} : memref<96x256xf32, #tpu.memory_space<vmem>>, vector<16xf32>,
        %parallel_loop3A_502 = arith.mulf %parallel_loop3A_501, %parallel_loop3A_421 : vector<16xf32>
        %parallel_loop3A_503 = arith.index_cast %parallel_loop3A_418 : i32 to index
        %parallel_loop3A_504 = arith.constant 176 : index
        %parallel_loop3A_505 = tpu.vector_load %arg8[%parallel_loop3A_503, %parallel_loop3A_504] {strides = array<i32>} : memref<96x256xf32, #tpu.memory_space<vmem>>, vector<16xf32>,
        tpu.vector_store %arg8[%parallel_loop3A_503, %parallel_loop3A_504], %parallel_loop3A_502 {strides = array<i32>} : memref<96x256xf32, #tpu.memory_space<vmem>>, vector<16xf32>,
        %parallel_loop3A_506 = arith.index_cast %parallel_loop3A_418 : i32 to index
        %parallel_loop3A_507 = arith.constant 192 : index
        %parallel_loop3A_508 = tpu.vector_load %arg8[%parallel_loop3A_506, %parallel_loop3A_507] {strides = array<i32>} : memref<96x256xf32, #tpu.memory_space<vmem>>, vector<16xf32>,
        %parallel_loop3A_509 = arith.mulf %parallel_loop3A_508, %parallel_loop3A_421 : vector<16xf32>
        %parallel_loop3A_510 = arith.index_cast %parallel_loop3A_418 : i32 to index
        %parallel_loop3A_511 = arith.constant 192 : index
        %parallel_loop3A_512 = tpu.vector_load %arg8[%parallel_loop3A_510, %parallel_loop3A_511] {strides = array<i32>} : memref<96x256xf32, #tpu.memory_space<vmem>>, vector<16xf32>,
        tpu.vector_store %arg8[%parallel_loop3A_510, %parallel_loop3A_511], %parallel_loop3A_509 {strides = array<i32>} : memref<96x256xf32, #tpu.memory_space<vmem>>, vector<16xf32>,
        %parallel_loop3A_513 = arith.index_cast %parallel_loop3A_418 : i32 to index
        %parallel_loop3A_514 = arith.constant 208 : index
        %parallel_loop3A_515 = tpu.vector_load %arg8[%parallel_loop3A_513, %parallel_loop3A_514] {strides = array<i32>} : memref<96x256xf32, #tpu.memory_space<vmem>>, vector<16xf32>,
        %parallel_loop3A_516 = arith.mulf %parallel_loop3A_515, %parallel_loop3A_421 : vector<16xf32>
        %parallel_loop3A_517 = arith.index_cast %parallel_loop3A_418 : i32 to index
        %parallel_loop3A_518 = arith.constant 208 : index
        %parallel_loop3A_519 = tpu.vector_load %arg8[%parallel_loop3A_517, %parallel_loop3A_518] {strides = array<i32>} : memref<96x256xf32, #tpu.memory_space<vmem>>, vector<16xf32>,
        tpu.vector_store %arg8[%parallel_loop3A_517, %parallel_loop3A_518], %parallel_loop3A_516 {strides = array<i32>} : memref<96x256xf32, #tpu.memory_space<vmem>>, vector<16xf32>,
        %parallel_loop3A_520 = arith.index_cast %parallel_loop3A_418 : i32 to index
        %parallel_loop3A_521 = arith.constant 224 : index
        %parallel_loop3A_522 = tpu.vector_load %arg8[%parallel_loop3A_520, %parallel_loop3A_521] {strides = array<i32>} : memref<96x256xf32, #tpu.memory_space<vmem>>, vector<16xf32>,
        %parallel_loop3A_523 = arith.mulf %parallel_loop3A_522, %parallel_loop3A_421 : vector<16xf32>
        %parallel_loop3A_524 = arith.index_cast %parallel_loop3A_418 : i32 to index
        %parallel_loop3A_525 = arith.constant 224 : index
        %parallel_loop3A_526 = tpu.vector_load %arg8[%parallel_loop3A_524, %parallel_loop3A_525] {strides = array<i32>} : memref<96x256xf32, #tpu.memory_space<vmem>>, vector<16xf32>,
        tpu.vector_store %arg8[%parallel_loop3A_524, %parallel_loop3A_525], %parallel_loop3A_523 {strides = array<i32>} : memref<96x256xf32, #tpu.memory_space<vmem>>, vector<16xf32>,
        %parallel_loop3A_527 = arith.index_cast %parallel_loop3A_418 : i32 to index
        %parallel_loop3A_528 = arith.constant 240 : index
        %parallel_loop3A_529 = tpu.vector_load %arg8[%parallel_loop3A_527, %parallel_loop3A_528] {strides = array<i32>} : memref<96x256xf32, #tpu.memory_space<vmem>>, vector<16xf32>,
        %parallel_loop3A_530 = arith.mulf %parallel_loop3A_529, %parallel_loop3A_421 : vector<16xf32>
        %parallel_loop3A_531 = arith.index_cast %parallel_loop3A_418 : i32 to index
        %parallel_loop3A_532 = arith.constant 240 : index
        %parallel_loop3A_533 = tpu.vector_load %arg8[%parallel_loop3A_531, %parallel_loop3A_532] {strides = array<i32>} : memref<96x256xf32, #tpu.memory_space<vmem>>, vector<16xf32>,
        tpu.vector_store %arg8[%parallel_loop3A_531, %parallel_loop3A_532], %parallel_loop3A_530 {strides = array<i32>} : memref<96x256xf32, #tpu.memory_space<vmem>>, vector<16xf32>,
      } {sc.loop_unroll_factor = 2 : i64, sc.parallel_access}
      %mul3A_270 = arith.constant 96 : i32
      %mul3A_271 = arith.muli %add3A_258, %mul3A_270 : i32
      %add3A_272 = arith.addi %mul3A_2, %mul3A_271 : i32
      %dma_start3A_273 = arith.constant 0 : i32
      %dma_start3A_274 = tpu.memref_slice %arg5[%add3A_272, %dma_start3A_273] : memref<160000x256xf32, #tpu.memory_space<hbm>> -> memref<96x256xf32, #tpu.memory_space<hbm>>
      %dma_start3A_275 = arith.constant 0 : i32
      %dma_start3A_276 = tpu.memref_slice %arg5[%add3A_272, %dma_start3A_275] : memref<160000x256xf32, #tpu.memory_space<hbm>> -> memref<96x256xf32, #tpu.memory_space<hbm>>
      tpu.enqueue_dma source(%arg8 : memref<96x256xf32, #tpu.memory_space<vmem>>) target(%dma_start3A_276 : memref<96x256xf32, #tpu.memory_space<hbm>>) target_semaphore(%arg16 : memref<!tpu.dma_semaphore, #tpu.memory_space<semaphore_mem>>)
      %sub3A = arith.constant 2 : i32
      %sub3A_277 = arith.subi %add3A_258, %sub3A : i32
      %mul3A_278 = arith.constant 96 : i32
      %mul3A_279 = arith.muli %sub3A_277, %mul3A_278 : i32
      %add3A_280 = arith.addi %mul3A_2, %mul3A_279 : i32
      %dma_wait3A_281 = arith.constant 0 : i32
      %dma_wait3A_282 = tpu.memref_slice %arg5[%add3A_280, %dma_wait3A_281] : memref<160000x256xf32, #tpu.memory_space<hbm>> -> memref<96x256xf32, #tpu.memory_space<hbm>>
      %dma_wait3A_283 = arith.constant 0 : i32
      %dma_wait3A_284 = tpu.memref_slice %arg5[%add3A_280, %dma_wait3A_283] : memref<160000x256xf32, #tpu.memory_space<hbm>> -> memref<96x256xf32, #tpu.memory_space<hbm>>
      tpu.wait_dma2 semaphore(%arg18 : memref<!tpu.dma_semaphore, #tpu.memory_space<semaphore_mem>>) src(%arg10 : memref<96x256xf32, #tpu.memory_space<vmem>>) dst(%dma_wait3A_284 : memref<96x256xf32, #tpu.memory_space<hbm>>)
      %add3A_285 = arith.constant 4 : i32
      %add3A_286 = arith.addi %add3A_258, %add3A_285 : i32
      %sub3A_287 = arith.constant 2 : i32
      %sub3A_288 = arith.subi %add3A_286, %sub3A_287 : i32
      %mul3A_289 = arith.constant 96 : i32
      %mul3A_290 = arith.muli %sub3A_288, %mul3A_289 : i32
      %dma_start3A_291 = tpu.memref_slice %arg6[%mul3A_290] : memref<5000xi32, #tpu.memory_space<vmem>> -> memref<96xi32, #tpu.memory_space<vmem>>
      %dma_start3A_292 = arith.constant 0 : i32
      %dma_start3A_293 = arith.constant 0 : i32
      %dma_start3A_294 = tpu.memref_slice %arg2[%dma_start3A_292, %dma_start3A_293] : memref<10000x256xf32, #tpu.memory_space<hbm>> -> memref<10000x256xf32, #tpu.memory_space<hbm>>
      tpu.enqueue_indirect_dma source(%dma_start3A_294 : memref<10000x256xf32, #tpu.memory_space<hbm>>) target(%arg10 : memref<96x256xf32, #tpu.memory_space<vmem>>) offsets(%dma_start3A_291 : memref<96xi32, #tpu.memory_space<vmem>>) semaphore(%arg14 : memref<!tpu.dma_semaphore, #tpu.memory_space<semaphore_mem>>)
      %mul3A_295 = arith.constant 4 : i32
      %mul3A_296 = arith.muli %scan3A_254, %mul3A_295 : i32
      %add3A_297 = arith.constant 1 : i32
      %add3A_298 = arith.addi %mul3A_296, %add3A_297 : i32
      %mul3A_299 = arith.constant 96 : i32
      %mul3A_300 = arith.muli %add3A_298, %mul3A_299 : i32
      %dma_wait3A_301 = tpu.memref_slice %arg6[%mul3A_300] : memref<5000xi32, #tpu.memory_space<vmem>> -> memref<96xi32, #tpu.memory_space<vmem>>
      %dma_wait3A_302 = arith.constant 0 : i32
      %dma_wait3A_303 = arith.constant 0 : i32
      %dma_wait3A_304 = tpu.memref_slice %arg2[%dma_wait3A_302, %dma_wait3A_303] : memref<10000x256xf32, #tpu.memory_space<hbm>> -> memref<10000x256xf32, #tpu.memory_space<hbm>>
      tpu.wait_indirect_dma semaphore(%arg13 : memref<!tpu.dma_semaphore, #tpu.memory_space<semaphore_mem>>) src(%dma_wait3A_304 : memref<10000x256xf32, #tpu.memory_space<hbm>>) dst(%arg9 : memref<96x256xf32, #tpu.memory_space<vmem>>)
      %mul3A_305 = arith.constant 96 : i32
      %mul3A_306 = arith.muli %add3A_298, %mul3A_305 : i32
      %parallel_loop3A_307 = arith.constant 0 : i32
      %parallel_loop3A_308 = arith.constant 96 : i32
      %parallel_loop3A_309 = arith.constant 1 : i32
      scf.for %parallel_loop3A_418 = %parallel_loop3A_307 to %parallel_loop3A_308 step %parallel_loop3A_309  : i32 {
        %parallel_loop3A_419 = arith.addi %mul3A_306, %parallel_loop3A_418 : i32
        %parallel_loop3A_420 = vector.broadcast %parallel_loop3A_419 : i32 to vector<16xi32>
        %parallel_loop3A_421 = tpu.vector_load_idx %arg7[%parallel_loop3A_420] : memref<5000xf32, #tpu.memory_space<vmem>>[vector<16xi32>], vector<16xf32>,
        %parallel_loop3A_422 = arith.index_cast %parallel_loop3A_418 : i32 to index
        %parallel_loop3A_423 = arith.constant 0 : index
        %parallel_loop3A_424 = tpu.vector_load %arg9[%parallel_loop3A_422, %parallel_loop3A_423] {strides = array<i32>} : memref<96x256xf32, #tpu.memory_space<vmem>>, vector<16xf32>,
        %parallel_loop3A_425 = arith.mulf %parallel_loop3A_424, %parallel_loop3A_421 : vector<16xf32>
        %parallel_loop3A_426 = arith.index_cast %parallel_loop3A_418 : i32 to index
        %parallel_loop3A_427 = arith.constant 0 : index
        %parallel_loop3A_428 = tpu.vector_load %arg9[%parallel_loop3A_426, %parallel_loop3A_427] {strides = array<i32>} : memref<96x256xf32, #tpu.memory_space<vmem>>, vector<16xf32>,
        tpu.vector_store %arg9[%parallel_loop3A_426, %parallel_loop3A_427], %parallel_loop3A_425 {strides = array<i32>} : memref<96x256xf32, #tpu.memory_space<vmem>>, vector<16xf32>,
        %parallel_loop3A_429 = arith.index_cast %parallel_loop3A_418 : i32 to index
        %parallel_loop3A_430 = arith.constant 16 : index
        %parallel_loop3A_431 = tpu.vector_load %arg9[%parallel_loop3A_429, %parallel_loop3A_430] {strides = array<i32>} : memref<96x256xf32, #tpu.memory_space<vmem>>, vector<16xf32>,
        %parallel_loop3A_432 = arith.mulf %parallel_loop3A_431, %parallel_loop3A_421 : vector<16xf32>
        %parallel_loop3A_433 = arith.index_cast %parallel_loop3A_418 : i32 to index
        %parallel_loop3A_434 = arith.constant 16 : index
        %parallel_loop3A_435 = tpu.vector_load %arg9[%parallel_loop3A_433, %parallel_loop3A_434] {strides = array<i32>} : memref<96x256xf32, #tpu.memory_space<vmem>>, vector<16xf32>,
        tpu.vector_store %arg9[%parallel_loop3A_433, %parallel_loop3A_434], %parallel_loop3A_432 {strides = array<i32>} : memref<96x256xf32, #tpu.memory_space<vmem>>, vector<16xf32>,
        %parallel_loop3A_436 = arith.index_cast %parallel_loop3A_418 : i32 to index
        %parallel_loop3A_437 = arith.constant 32 : index
        %parallel_loop3A_438 = tpu.vector_load %arg9[%parallel_loop3A_436, %parallel_loop3A_437] {strides = array<i32>} : memref<96x256xf32, #tpu.memory_space<vmem>>, vector<16xf32>,
        %parallel_loop3A_439 = arith.mulf %parallel_loop3A_438, %parallel_loop3A_421 : vector<16xf32>
        %parallel_loop3A_440 = arith.index_cast %parallel_loop3A_418 : i32 to index
        %parallel_loop3A_441 = arith.constant 32 : index
        %parallel_loop3A_442 = tpu.vector_load %arg9[%parallel_loop3A_440, %parallel_loop3A_441] {strides = array<i32>} : memref<96x256xf32, #tpu.memory_space<vmem>>, vector<16xf32>,
        tpu.vector_store %arg9[%parallel_loop3A_440, %parallel_loop3A_441], %parallel_loop3A_439 {strides = array<i32>} : memref<96x256xf32, #tpu.memory_space<vmem>>, vector<16xf32>,
        %parallel_loop3A_443 = arith.index_cast %parallel_loop3A_418 : i32 to index
        %parallel_loop3A_444 = arith.constant 48 : index
        %parallel_loop3A_445 = tpu.vector_load %arg9[%parallel_loop3A_443, %parallel_loop3A_444] {strides = array<i32>} : memref<96x256xf32, #tpu.memory_space<vmem>>, vector<16xf32>,
        %parallel_loop3A_446 = arith.mulf %parallel_loop3A_445, %parallel_loop3A_421 : vector<16xf32>
        %parallel_loop3A_447 = arith.index_cast %parallel_loop3A_418 : i32 to index
        %parallel_loop3A_448 = arith.constant 48 : index
        %parallel_loop3A_449 = tpu.vector_load %arg9[%parallel_loop3A_447, %parallel_loop3A_448] {strides = array<i32>} : memref<96x256xf32, #tpu.memory_space<vmem>>, vector<16xf32>,
        tpu.vector_store %arg9[%parallel_loop3A_447, %parallel_loop3A_448], %parallel_loop3A_446 {strides = array<i32>} : memref<96x256xf32, #tpu.memory_space<vmem>>, vector<16xf32>,
        %parallel_loop3A_450 = arith.index_cast %parallel_loop3A_418 : i32 to index
        %parallel_loop3A_451 = arith.constant 64 : index
        %parallel_loop3A_452 = tpu.vector_load %arg9[%parallel_loop3A_450, %parallel_loop3A_451] {strides = array<i32>} : memref<96x256xf32, #tpu.memory_space<vmem>>, vector<16xf32>,
        %parallel_loop3A_453 = arith.mulf %parallel_loop3A_452, %parallel_loop3A_421 : vector<16xf32>
        %parallel_loop3A_454 = arith.index_cast %parallel_loop3A_418 : i32 to index
        %parallel_loop3A_455 = arith.constant 64 : index
        %parallel_loop3A_456 = tpu.vector_load %arg9[%parallel_loop3A_454, %parallel_loop3A_455] {strides = array<i32>} : memref<96x256xf32, #tpu.memory_space<vmem>>, vector<16xf32>,
        tpu.vector_store %arg9[%parallel_loop3A_454, %parallel_loop3A_455], %parallel_loop3A_453 {strides = array<i32>} : memref<96x256xf32, #tpu.memory_space<vmem>>, vector<16xf32>,
        %parallel_loop3A_457 = arith.index_cast %parallel_loop3A_418 : i32 to index
        %parallel_loop3A_458 = arith.constant 80 : index
        %parallel_loop3A_459 = tpu.vector_load %arg9[%parallel_loop3A_457, %parallel_loop3A_458] {strides = array<i32>} : memref<96x256xf32, #tpu.memory_space<vmem>>, vector<16xf32>,
        %parallel_loop3A_460 = arith.mulf %parallel_loop3A_459, %parallel_loop3A_421 : vector<16xf32>
        %parallel_loop3A_461 = arith.index_cast %parallel_loop3A_418 : i32 to index
        %parallel_loop3A_462 = arith.constant 80 : index
        %parallel_loop3A_463 = tpu.vector_load %arg9[%parallel_loop3A_461, %parallel_loop3A_462] {strides = array<i32>} : memref<96x256xf32, #tpu.memory_space<vmem>>, vector<16xf32>,
        tpu.vector_store %arg9[%parallel_loop3A_461, %parallel_loop3A_462], %parallel_loop3A_460 {strides = array<i32>} : memref<96x256xf32, #tpu.memory_space<vmem>>, vector<16xf32>,
        %parallel_loop3A_464 = arith.index_cast %parallel_loop3A_418 : i32 to index
        %parallel_loop3A_465 = arith.constant 96 : index
        %parallel_loop3A_466 = tpu.vector_load %arg9[%parallel_loop3A_464, %parallel_loop3A_465] {strides = array<i32>} : memref<96x256xf32, #tpu.memory_space<vmem>>, vector<16xf32>,
        %parallel_loop3A_467 = arith.mulf %parallel_loop3A_466, %parallel_loop3A_421 : vector<16xf32>
        %parallel_loop3A_468 = arith.index_cast %parallel_loop3A_418 : i32 to index
        %parallel_loop3A_469 = arith.constant 96 : index
        %parallel_loop3A_470 = tpu.vector_load %arg9[%parallel_loop3A_468, %parallel_loop3A_469] {strides = array<i32>} : memref<96x256xf32, #tpu.memory_space<vmem>>, vector<16xf32>,
        tpu.vector_store %arg9[%parallel_loop3A_468, %parallel_loop3A_469], %parallel_loop3A_467 {strides = array<i32>} : memref<96x256xf32, #tpu.memory_space<vmem>>, vector<16xf32>,
        %parallel_loop3A_471 = arith.index_cast %parallel_loop3A_418 : i32 to index
        %parallel_loop3A_472 = arith.constant 112 : index
        %parallel_loop3A_473 = tpu.vector_load %arg9[%parallel_loop3A_471, %parallel_loop3A_472] {strides = array<i32>} : memref<96x256xf32, #tpu.memory_space<vmem>>, vector<16xf32>,
        %parallel_loop3A_474 = arith.mulf %parallel_loop3A_473, %parallel_loop3A_421 : vector<16xf32>
        %parallel_loop3A_475 = arith.index_cast %parallel_loop3A_418 : i32 to index
        %parallel_loop3A_476 = arith.constant 112 : index
        %parallel_loop3A_477 = tpu.vector_load %arg9[%parallel_loop3A_475, %parallel_loop3A_476] {strides = array<i32>} : memref<96x256xf32, #tpu.memory_space<vmem>>, vector<16xf32>,
        tpu.vector_store %arg9[%parallel_loop3A_475, %parallel_loop3A_476], %parallel_loop3A_474 {strides = array<i32>} : memref<96x256xf32, #tpu.memory_space<vmem>>, vector<16xf32>,
        %parallel_loop3A_478 = arith.index_cast %parallel_loop3A_418 : i32 to index
        %parallel_loop3A_479 = arith.constant 128 : index
        %parallel_loop3A_480 = tpu.vector_load %arg9[%parallel_loop3A_478, %parallel_loop3A_479] {strides = array<i32>} : memref<96x256xf32, #tpu.memory_space<vmem>>, vector<16xf32>,
        %parallel_loop3A_481 = arith.mulf %parallel_loop3A_480, %parallel_loop3A_421 : vector<16xf32>
        %parallel_loop3A_482 = arith.index_cast %parallel_loop3A_418 : i32 to index
        %parallel_loop3A_483 = arith.constant 128 : index
        %parallel_loop3A_484 = tpu.vector_load %arg9[%parallel_loop3A_482, %parallel_loop3A_483] {strides = array<i32>} : memref<96x256xf32, #tpu.memory_space<vmem>>, vector<16xf32>,
        tpu.vector_store %arg9[%parallel_loop3A_482, %parallel_loop3A_483], %parallel_loop3A_481 {strides = array<i32>} : memref<96x256xf32, #tpu.memory_space<vmem>>, vector<16xf32>,
        %parallel_loop3A_485 = arith.index_cast %parallel_loop3A_418 : i32 to index
        %parallel_loop3A_486 = arith.constant 144 : index
        %parallel_loop3A_487 = tpu.vector_load %arg9[%parallel_loop3A_485, %parallel_loop3A_486] {strides = array<i32>} : memref<96x256xf32, #tpu.memory_space<vmem>>, vector<16xf32>,
        %parallel_loop3A_488 = arith.mulf %parallel_loop3A_487, %parallel_loop3A_421 : vector<16xf32>
        %parallel_loop3A_489 = arith.index_cast %parallel_loop3A_418 : i32 to index
        %parallel_loop3A_490 = arith.constant 144 : index
        %parallel_loop3A_491 = tpu.vector_load %arg9[%parallel_loop3A_489, %parallel_loop3A_490] {strides = array<i32>} : memref<96x256xf32, #tpu.memory_space<vmem>>, vector<16xf32>,
        tpu.vector_store %arg9[%parallel_loop3A_489, %parallel_loop3A_490], %parallel_loop3A_488 {strides = array<i32>} : memref<96x256xf32, #tpu.memory_space<vmem>>, vector<16xf32>,
        %parallel_loop3A_492 = arith.index_cast %parallel_loop3A_418 : i32 to index
        %parallel_loop3A_493 = arith.constant 160 : index
        %parallel_loop3A_494 = tpu.vector_load %arg9[%parallel_loop3A_492, %parallel_loop3A_493] {strides = array<i32>} : memref<96x256xf32, #tpu.memory_space<vmem>>, vector<16xf32>,
        %parallel_loop3A_495 = arith.mulf %parallel_loop3A_494, %parallel_loop3A_421 : vector<16xf32>
        %parallel_loop3A_496 = arith.index_cast %parallel_loop3A_418 : i32 to index
        %parallel_loop3A_497 = arith.constant 160 : index
        %parallel_loop3A_498 = tpu.vector_load %arg9[%parallel_loop3A_496, %parallel_loop3A_497] {strides = array<i32>} : memref<96x256xf32, #tpu.memory_space<vmem>>, vector<16xf32>,
        tpu.vector_store %arg9[%parallel_loop3A_496, %parallel_loop3A_497], %parallel_loop3A_495 {strides = array<i32>} : memref<96x256xf32, #tpu.memory_space<vmem>>, vector<16xf32>,
        %parallel_loop3A_499 = arith.index_cast %parallel_loop3A_418 : i32 to index
        %parallel_loop3A_500 = arith.constant 176 : index
        %parallel_loop3A_501 = tpu.vector_load %arg9[%parallel_loop3A_499, %parallel_loop3A_500] {strides = array<i32>} : memref<96x256xf32, #tpu.memory_space<vmem>>, vector<16xf32>,
        %parallel_loop3A_502 = arith.mulf %parallel_loop3A_501, %parallel_loop3A_421 : vector<16xf32>
        %parallel_loop3A_503 = arith.index_cast %parallel_loop3A_418 : i32 to index
        %parallel_loop3A_504 = arith.constant 176 : index
        %parallel_loop3A_505 = tpu.vector_load %arg9[%parallel_loop3A_503, %parallel_loop3A_504] {strides = array<i32>} : memref<96x256xf32, #tpu.memory_space<vmem>>, vector<16xf32>,
        tpu.vector_store %arg9[%parallel_loop3A_503, %parallel_loop3A_504], %parallel_loop3A_502 {strides = array<i32>} : memref<96x256xf32, #tpu.memory_space<vmem>>, vector<16xf32>,
        %parallel_loop3A_506 = arith.index_cast %parallel_loop3A_418 : i32 to index
        %parallel_loop3A_507 = arith.constant 192 : index
        %parallel_loop3A_508 = tpu.vector_load %arg9[%parallel_loop3A_506, %parallel_loop3A_507] {strides = array<i32>} : memref<96x256xf32, #tpu.memory_space<vmem>>, vector<16xf32>,
        %parallel_loop3A_509 = arith.mulf %parallel_loop3A_508, %parallel_loop3A_421 : vector<16xf32>
        %parallel_loop3A_510 = arith.index_cast %parallel_loop3A_418 : i32 to index
        %parallel_loop3A_511 = arith.constant 192 : index
        %parallel_loop3A_512 = tpu.vector_load %arg9[%parallel_loop3A_510, %parallel_loop3A_511] {strides = array<i32>} : memref<96x256xf32, #tpu.memory_space<vmem>>, vector<16xf32>,
        tpu.vector_store %arg9[%parallel_loop3A_510, %parallel_loop3A_511], %parallel_loop3A_509 {strides = array<i32>} : memref<96x256xf32, #tpu.memory_space<vmem>>, vector<16xf32>,
        %parallel_loop3A_513 = arith.index_cast %parallel_loop3A_418 : i32 to index
        %parallel_loop3A_514 = arith.constant 208 : index
        %parallel_loop3A_515 = tpu.vector_load %arg9[%parallel_loop3A_513, %parallel_loop3A_514] {strides = array<i32>} : memref<96x256xf32, #tpu.memory_space<vmem>>, vector<16xf32>,
        %parallel_loop3A_516 = arith.mulf %parallel_loop3A_515, %parallel_loop3A_421 : vector<16xf32>
        %parallel_loop3A_517 = arith.index_cast %parallel_loop3A_418 : i32 to index
        %parallel_loop3A_518 = arith.constant 208 : index
        %parallel_loop3A_519 = tpu.vector_load %arg9[%parallel_loop3A_517, %parallel_loop3A_518] {strides = array<i32>} : memref<96x256xf32, #tpu.memory_space<vmem>>, vector<16xf32>,
        tpu.vector_store %arg9[%parallel_loop3A_517, %parallel_loop3A_518], %parallel_loop3A_516 {strides = array<i32>} : memref<96x256xf32, #tpu.memory_space<vmem>>, vector<16xf32>,
        %parallel_loop3A_520 = arith.index_cast %parallel_loop3A_418 : i32 to index
        %parallel_loop3A_521 = arith.constant 224 : index
        %parallel_loop3A_522 = tpu.vector_load %arg9[%parallel_loop3A_520, %parallel_loop3A_521] {strides = array<i32>} : memref<96x256xf32, #tpu.memory_space<vmem>>, vector<16xf32>,
        %parallel_loop3A_523 = arith.mulf %parallel_loop3A_522, %parallel_loop3A_421 : vector<16xf32>
        %parallel_loop3A_524 = arith.index_cast %parallel_loop3A_418 : i32 to index
        %parallel_loop3A_525 = arith.constant 224 : index
        %parallel_loop3A_526 = tpu.vector_load %arg9[%parallel_loop3A_524, %parallel_loop3A_525] {strides = array<i32>} : memref<96x256xf32, #tpu.memory_space<vmem>>, vector<16xf32>,
        tpu.vector_store %arg9[%parallel_loop3A_524, %parallel_loop3A_525], %parallel_loop3A_523 {strides = array<i32>} : memref<96x256xf32, #tpu.memory_space<vmem>>, vector<16xf32>,
        %parallel_loop3A_527 = arith.index_cast %parallel_loop3A_418 : i32 to index
        %parallel_loop3A_528 = arith.constant 240 : index
        %parallel_loop3A_529 = tpu.vector_load %arg9[%parallel_loop3A_527, %parallel_loop3A_528] {strides = array<i32>} : memref<96x256xf32, #tpu.memory_space<vmem>>, vector<16xf32>,
        %parallel_loop3A_530 = arith.mulf %parallel_loop3A_529, %parallel_loop3A_421 : vector<16xf32>
        %parallel_loop3A_531 = arith.index_cast %parallel_loop3A_418 : i32 to index
        %parallel_loop3A_532 = arith.constant 240 : index
        %parallel_loop3A_533 = tpu.vector_load %arg9[%parallel_loop3A_531, %parallel_loop3A_532] {strides = array<i32>} : memref<96x256xf32, #tpu.memory_space<vmem>>, vector<16xf32>,
        tpu.vector_store %arg9[%parallel_loop3A_531, %parallel_loop3A_532], %parallel_loop3A_530 {strides = array<i32>} : memref<96x256xf32, #tpu.memory_space<vmem>>, vector<16xf32>,
      } {sc.loop_unroll_factor = 2 : i64, sc.parallel_access}
      %mul3A_310 = arith.constant 96 : i32
      %mul3A_311 = arith.muli %add3A_298, %mul3A_310 : i32
      %add3A_312 = arith.addi %mul3A_2, %mul3A_311 : i32
      %dma_start3A_313 = arith.constant 0 : i32
      %dma_start3A_314 = tpu.memref_slice %arg5[%add3A_312, %dma_start3A_313] : memref<160000x256xf32, #tpu.memory_space<hbm>> -> memref<96x256xf32, #tpu.memory_space<hbm>>
      %dma_start3A_315 = arith.constant 0 : i32
      %dma_start3A_316 = tpu.memref_slice %arg5[%add3A_312, %dma_start3A_315] : memref<160000x256xf32, #tpu.memory_space<hbm>> -> memref<96x256xf32, #tpu.memory_space<hbm>>
      tpu.enqueue_dma source(%arg9 : memref<96x256xf32, #tpu.memory_space<vmem>>) target(%dma_start3A_316 : memref<96x256xf32, #tpu.memory_space<hbm>>) target_semaphore(%arg17 : memref<!tpu.dma_semaphore, #tpu.memory_space<semaphore_mem>>)
      %sub3A_317 = arith.constant 2 : i32
      %sub3A_318 = arith.subi %add3A_298, %sub3A_317 : i32
      %mul3A_319 = arith.constant 96 : i32
      %mul3A_320 = arith.muli %sub3A_318, %mul3A_319 : i32
      %add3A_321 = arith.addi %mul3A_2, %mul3A_320 : i32
      %dma_wait3A_322 = arith.constant 0 : i32
      %dma_wait3A_323 = tpu.memref_slice %arg5[%add3A_321, %dma_wait3A_322] : memref<160000x256xf32, #tpu.memory_space<hbm>> -> memref<96x256xf32, #tpu.memory_space<hbm>>
      %dma_wait3A_324 = arith.constant 0 : i32
      %dma_wait3A_325 = tpu.memref_slice %arg5[%add3A_321, %dma_wait3A_324] : memref<160000x256xf32, #tpu.memory_space<hbm>> -> memref<96x256xf32, #tpu.memory_space<hbm>>
      tpu.wait_dma2 semaphore(%arg19 : memref<!tpu.dma_semaphore, #tpu.memory_space<semaphore_mem>>) src(%arg11 : memref<96x256xf32, #tpu.memory_space<vmem>>) dst(%dma_wait3A_325 : memref<96x256xf32, #tpu.memory_space<hbm>>)
      %add3A_326 = arith.constant 4 : i32
      %add3A_327 = arith.addi %add3A_298, %add3A_326 : i32
      %sub3A_328 = arith.constant 2 : i32
      %sub3A_329 = arith.subi %add3A_327, %sub3A_328 : i32
      %mul3A_330 = arith.constant 96 : i32
      %mul3A_331 = arith.muli %sub3A_329, %mul3A_330 : i32
      %dma_start3A_332 = tpu.memref_slice %arg6[%mul3A_331] : memref<5000xi32, #tpu.memory_space<vmem>> -> memref<96xi32, #tpu.memory_space<vmem>>
      %dma_start3A_333 = arith.constant 0 : i32
      %dma_start3A_334 = arith.constant 0 : i32
      %dma_start3A_335 = tpu.memref_slice %arg2[%dma_start3A_333, %dma_start3A_334] : memref<10000x256xf32, #tpu.memory_space<hbm>> -> memref<10000x256xf32, #tpu.memory_space<hbm>>
      tpu.enqueue_indirect_dma source(%dma_start3A_335 : memref<10000x256xf32, #tpu.memory_space<hbm>>) target(%arg11 : memref<96x256xf32, #tpu.memory_space<vmem>>) offsets(%dma_start3A_332 : memref<96xi32, #tpu.memory_space<vmem>>) semaphore(%arg15 : memref<!tpu.dma_semaphore, #tpu.memory_space<semaphore_mem>>)
      %mul3A_336 = arith.constant 4 : i32
      %mul3A_337 = arith.muli %scan3A_254, %mul3A_336 : i32
      %add3A_338 = arith.constant 2 : i32
      %add3A_339 = arith.addi %mul3A_337, %add3A_338 : i32
      %mul3A_340 = arith.constant 96 : i32
      %mul3A_341 = arith.muli %add3A_339, %mul3A_340 : i32
      %dma_wait3A_342 = tpu.memref_slice %arg6[%mul3A_341] : memref<5000xi32, #tpu.memory_space<vmem>> -> memref<96xi32, #tpu.memory_space<vmem>>
      %dma_wait3A_343 = arith.constant 0 : i32
      %dma_wait3A_344 = arith.constant 0 : i32
      %dma_wait3A_345 = tpu.memref_slice %arg2[%dma_wait3A_343, %dma_wait3A_344] : memref<10000x256xf32, #tpu.memory_space<hbm>> -> memref<10000x256xf32, #tpu.memory_space<hbm>>
      tpu.wait_indirect_dma semaphore(%arg14 : memref<!tpu.dma_semaphore, #tpu.memory_space<semaphore_mem>>) src(%dma_wait3A_345 : memref<10000x256xf32, #tpu.memory_space<hbm>>) dst(%arg10 : memref<96x256xf32, #tpu.memory_space<vmem>>)
      %mul3A_346 = arith.constant 96 : i32
      %mul3A_347 = arith.muli %add3A_339, %mul3A_346 : i32
      %parallel_loop3A_348 = arith.constant 0 : i32
      %parallel_loop3A_349 = arith.constant 96 : i32
      %parallel_loop3A_350 = arith.constant 1 : i32
      scf.for %parallel_loop3A_418 = %parallel_loop3A_348 to %parallel_loop3A_349 step %parallel_loop3A_350  : i32 {
        %parallel_loop3A_419 = arith.addi %mul3A_347, %parallel_loop3A_418 : i32
        %parallel_loop3A_420 = vector.broadcast %parallel_loop3A_419 : i32 to vector<16xi32>
        %parallel_loop3A_421 = tpu.vector_load_idx %arg7[%parallel_loop3A_420] : memref<5000xf32, #tpu.memory_space<vmem>>[vector<16xi32>], vector<16xf32>,
        %parallel_loop3A_422 = arith.index_cast %parallel_loop3A_418 : i32 to index
        %parallel_loop3A_423 = arith.constant 0 : index
        %parallel_loop3A_424 = tpu.vector_load %arg10[%parallel_loop3A_422, %parallel_loop3A_423] {strides = array<i32>} : memref<96x256xf32, #tpu.memory_space<vmem>>, vector<16xf32>,
        %parallel_loop3A_425 = arith.mulf %parallel_loop3A_424, %parallel_loop3A_421 : vector<16xf32>
        %parallel_loop3A_426 = arith.index_cast %parallel_loop3A_418 : i32 to index
        %parallel_loop3A_427 = arith.constant 0 : index
        %parallel_loop3A_428 = tpu.vector_load %arg10[%parallel_loop3A_426, %parallel_loop3A_427] {strides = array<i32>} : memref<96x256xf32, #tpu.memory_space<vmem>>, vector<16xf32>,
        tpu.vector_store %arg10[%parallel_loop3A_426, %parallel_loop3A_427], %parallel_loop3A_425 {strides = array<i32>} : memref<96x256xf32, #tpu.memory_space<vmem>>, vector<16xf32>,
        %parallel_loop3A_429 = arith.index_cast %parallel_loop3A_418 : i32 to index
        %parallel_loop3A_430 = arith.constant 16 : index
        %parallel_loop3A_431 = tpu.vector_load %arg10[%parallel_loop3A_429, %parallel_loop3A_430] {strides = array<i32>} : memref<96x256xf32, #tpu.memory_space<vmem>>, vector<16xf32>,
        %parallel_loop3A_432 = arith.mulf %parallel_loop3A_431, %parallel_loop3A_421 : vector<16xf32>
        %parallel_loop3A_433 = arith.index_cast %parallel_loop3A_418 : i32 to index
        %parallel_loop3A_434 = arith.constant 16 : index
        %parallel_loop3A_435 = tpu.vector_load %arg10[%parallel_loop3A_433, %parallel_loop3A_434] {strides = array<i32>} : memref<96x256xf32, #tpu.memory_space<vmem>>, vector<16xf32>,
        tpu.vector_store %arg10[%parallel_loop3A_433, %parallel_loop3A_434], %parallel_loop3A_432 {strides = array<i32>} : memref<96x256xf32, #tpu.memory_space<vmem>>, vector<16xf32>,
        %parallel_loop3A_436 = arith.index_cast %parallel_loop3A_418 : i32 to index
        %parallel_loop3A_437 = arith.constant 32 : index
        %parallel_loop3A_438 = tpu.vector_load %arg10[%parallel_loop3A_436, %parallel_loop3A_437] {strides = array<i32>} : memref<96x256xf32, #tpu.memory_space<vmem>>, vector<16xf32>,
        %parallel_loop3A_439 = arith.mulf %parallel_loop3A_438, %parallel_loop3A_421 : vector<16xf32>
        %parallel_loop3A_440 = arith.index_cast %parallel_loop3A_418 : i32 to index
        %parallel_loop3A_441 = arith.constant 32 : index
        %parallel_loop3A_442 = tpu.vector_load %arg10[%parallel_loop3A_440, %parallel_loop3A_441] {strides = array<i32>} : memref<96x256xf32, #tpu.memory_space<vmem>>, vector<16xf32>,
        tpu.vector_store %arg10[%parallel_loop3A_440, %parallel_loop3A_441], %parallel_loop3A_439 {strides = array<i32>} : memref<96x256xf32, #tpu.memory_space<vmem>>, vector<16xf32>,
        %parallel_loop3A_443 = arith.index_cast %parallel_loop3A_418 : i32 to index
        %parallel_loop3A_444 = arith.constant 48 : index
        %parallel_loop3A_445 = tpu.vector_load %arg10[%parallel_loop3A_443, %parallel_loop3A_444] {strides = array<i32>} : memref<96x256xf32, #tpu.memory_space<vmem>>, vector<16xf32>,
        %parallel_loop3A_446 = arith.mulf %parallel_loop3A_445, %parallel_loop3A_421 : vector<16xf32>
        %parallel_loop3A_447 = arith.index_cast %parallel_loop3A_418 : i32 to index
        %parallel_loop3A_448 = arith.constant 48 : index
        %parallel_loop3A_449 = tpu.vector_load %arg10[%parallel_loop3A_447, %parallel_loop3A_448] {strides = array<i32>} : memref<96x256xf32, #tpu.memory_space<vmem>>, vector<16xf32>,
        tpu.vector_store %arg10[%parallel_loop3A_447, %parallel_loop3A_448], %parallel_loop3A_446 {strides = array<i32>} : memref<96x256xf32, #tpu.memory_space<vmem>>, vector<16xf32>,
        %parallel_loop3A_450 = arith.index_cast %parallel_loop3A_418 : i32 to index
        %parallel_loop3A_451 = arith.constant 64 : index
        %parallel_loop3A_452 = tpu.vector_load %arg10[%parallel_loop3A_450, %parallel_loop3A_451] {strides = array<i32>} : memref<96x256xf32, #tpu.memory_space<vmem>>, vector<16xf32>,
        %parallel_loop3A_453 = arith.mulf %parallel_loop3A_452, %parallel_loop3A_421 : vector<16xf32>
        %parallel_loop3A_454 = arith.index_cast %parallel_loop3A_418 : i32 to index
        %parallel_loop3A_455 = arith.constant 64 : index
        %parallel_loop3A_456 = tpu.vector_load %arg10[%parallel_loop3A_454, %parallel_loop3A_455] {strides = array<i32>} : memref<96x256xf32, #tpu.memory_space<vmem>>, vector<16xf32>,
        tpu.vector_store %arg10[%parallel_loop3A_454, %parallel_loop3A_455], %parallel_loop3A_453 {strides = array<i32>} : memref<96x256xf32, #tpu.memory_space<vmem>>, vector<16xf32>,
        %parallel_loop3A_457 = arith.index_cast %parallel_loop3A_418 : i32 to index
        %parallel_loop3A_458 = arith.constant 80 : index
        %parallel_loop3A_459 = tpu.vector_load %arg10[%parallel_loop3A_457, %parallel_loop3A_458] {strides = array<i32>} : memref<96x256xf32, #tpu.memory_space<vmem>>, vector<16xf32>,
        %parallel_loop3A_460 = arith.mulf %parallel_loop3A_459, %parallel_loop3A_421 : vector<16xf32>
        %parallel_loop3A_461 = arith.index_cast %parallel_loop3A_418 : i32 to index
        %parallel_loop3A_462 = arith.constant 80 : index
        %parallel_loop3A_463 = tpu.vector_load %arg10[%parallel_loop3A_461, %parallel_loop3A_462] {strides = array<i32>} : memref<96x256xf32, #tpu.memory_space<vmem>>, vector<16xf32>,
        tpu.vector_store %arg10[%parallel_loop3A_461, %parallel_loop3A_462], %parallel_loop3A_460 {strides = array<i32>} : memref<96x256xf32, #tpu.memory_space<vmem>>, vector<16xf32>,
        %parallel_loop3A_464 = arith.index_cast %parallel_loop3A_418 : i32 to index
        %parallel_loop3A_465 = arith.constant 96 : index
        %parallel_loop3A_466 = tpu.vector_load %arg10[%parallel_loop3A_464, %parallel_loop3A_465] {strides = array<i32>} : memref<96x256xf32, #tpu.memory_space<vmem>>, vector<16xf32>,
        %parallel_loop3A_467 = arith.mulf %parallel_loop3A_466, %parallel_loop3A_421 : vector<16xf32>
        %parallel_loop3A_468 = arith.index_cast %parallel_loop3A_418 : i32 to index
        %parallel_loop3A_469 = arith.constant 96 : index
        %parallel_loop3A_470 = tpu.vector_load %arg10[%parallel_loop3A_468, %parallel_loop3A_469] {strides = array<i32>} : memref<96x256xf32, #tpu.memory_space<vmem>>, vector<16xf32>,
        tpu.vector_store %arg10[%parallel_loop3A_468, %parallel_loop3A_469], %parallel_loop3A_467 {strides = array<i32>} : memref<96x256xf32, #tpu.memory_space<vmem>>, vector<16xf32>,
        %parallel_loop3A_471 = arith.index_cast %parallel_loop3A_418 : i32 to index
        %parallel_loop3A_472 = arith.constant 112 : index
        %parallel_loop3A_473 = tpu.vector_load %arg10[%parallel_loop3A_471, %parallel_loop3A_472] {strides = array<i32>} : memref<96x256xf32, #tpu.memory_space<vmem>>, vector<16xf32>,
        %parallel_loop3A_474 = arith.mulf %parallel_loop3A_473, %parallel_loop3A_421 : vector<16xf32>
        %parallel_loop3A_475 = arith.index_cast %parallel_loop3A_418 : i32 to index
        %parallel_loop3A_476 = arith.constant 112 : index
        %parallel_loop3A_477 = tpu.vector_load %arg10[%parallel_loop3A_475, %parallel_loop3A_476] {strides = array<i32>} : memref<96x256xf32, #tpu.memory_space<vmem>>, vector<16xf32>,
        tpu.vector_store %arg10[%parallel_loop3A_475, %parallel_loop3A_476], %parallel_loop3A_474 {strides = array<i32>} : memref<96x256xf32, #tpu.memory_space<vmem>>, vector<16xf32>,
        %parallel_loop3A_478 = arith.index_cast %parallel_loop3A_418 : i32 to index
        %parallel_loop3A_479 = arith.constant 128 : index
        %parallel_loop3A_480 = tpu.vector_load %arg10[%parallel_loop3A_478, %parallel_loop3A_479] {strides = array<i32>} : memref<96x256xf32, #tpu.memory_space<vmem>>, vector<16xf32>,
        %parallel_loop3A_481 = arith.mulf %parallel_loop3A_480, %parallel_loop3A_421 : vector<16xf32>
        %parallel_loop3A_482 = arith.index_cast %parallel_loop3A_418 : i32 to index
        %parallel_loop3A_483 = arith.constant 128 : index
        %parallel_loop3A_484 = tpu.vector_load %arg10[%parallel_loop3A_482, %parallel_loop3A_483] {strides = array<i32>} : memref<96x256xf32, #tpu.memory_space<vmem>>, vector<16xf32>,
        tpu.vector_store %arg10[%parallel_loop3A_482, %parallel_loop3A_483], %parallel_loop3A_481 {strides = array<i32>} : memref<96x256xf32, #tpu.memory_space<vmem>>, vector<16xf32>,
        %parallel_loop3A_485 = arith.index_cast %parallel_loop3A_418 : i32 to index
        %parallel_loop3A_486 = arith.constant 144 : index
        %parallel_loop3A_487 = tpu.vector_load %arg10[%parallel_loop3A_485, %parallel_loop3A_486] {strides = array<i32>} : memref<96x256xf32, #tpu.memory_space<vmem>>, vector<16xf32>,
        %parallel_loop3A_488 = arith.mulf %parallel_loop3A_487, %parallel_loop3A_421 : vector<16xf32>
        %parallel_loop3A_489 = arith.index_cast %parallel_loop3A_418 : i32 to index
        %parallel_loop3A_490 = arith.constant 144 : index
        %parallel_loop3A_491 = tpu.vector_load %arg10[%parallel_loop3A_489, %parallel_loop3A_490] {strides = array<i32>} : memref<96x256xf32, #tpu.memory_space<vmem>>, vector<16xf32>,
        tpu.vector_store %arg10[%parallel_loop3A_489, %parallel_loop3A_490], %parallel_loop3A_488 {strides = array<i32>} : memref<96x256xf32, #tpu.memory_space<vmem>>, vector<16xf32>,
        %parallel_loop3A_492 = arith.index_cast %parallel_loop3A_418 : i32 to index
        %parallel_loop3A_493 = arith.constant 160 : index
        %parallel_loop3A_494 = tpu.vector_load %arg10[%parallel_loop3A_492, %parallel_loop3A_493] {strides = array<i32>} : memref<96x256xf32, #tpu.memory_space<vmem>>, vector<16xf32>,
        %parallel_loop3A_495 = arith.mulf %parallel_loop3A_494, %parallel_loop3A_421 : vector<16xf32>
        %parallel_loop3A_496 = arith.index_cast %parallel_loop3A_418 : i32 to index
        %parallel_loop3A_497 = arith.constant 160 : index
        %parallel_loop3A_498 = tpu.vector_load %arg10[%parallel_loop3A_496, %parallel_loop3A_497] {strides = array<i32>} : memref<96x256xf32, #tpu.memory_space<vmem>>, vector<16xf32>,
        tpu.vector_store %arg10[%parallel_loop3A_496, %parallel_loop3A_497], %parallel_loop3A_495 {strides = array<i32>} : memref<96x256xf32, #tpu.memory_space<vmem>>, vector<16xf32>,
        %parallel_loop3A_499 = arith.index_cast %parallel_loop3A_418 : i32 to index
        %parallel_loop3A_500 = arith.constant 176 : index
        %parallel_loop3A_501 = tpu.vector_load %arg10[%parallel_loop3A_499, %parallel_loop3A_500] {strides = array<i32>} : memref<96x256xf32, #tpu.memory_space<vmem>>, vector<16xf32>,
        %parallel_loop3A_502 = arith.mulf %parallel_loop3A_501, %parallel_loop3A_421 : vector<16xf32>
        %parallel_loop3A_503 = arith.index_cast %parallel_loop3A_418 : i32 to index
        %parallel_loop3A_504 = arith.constant 176 : index
        %parallel_loop3A_505 = tpu.vector_load %arg10[%parallel_loop3A_503, %parallel_loop3A_504] {strides = array<i32>} : memref<96x256xf32, #tpu.memory_space<vmem>>, vector<16xf32>,
        tpu.vector_store %arg10[%parallel_loop3A_503, %parallel_loop3A_504], %parallel_loop3A_502 {strides = array<i32>} : memref<96x256xf32, #tpu.memory_space<vmem>>, vector<16xf32>,
        %parallel_loop3A_506 = arith.index_cast %parallel_loop3A_418 : i32 to index
        %parallel_loop3A_507 = arith.constant 192 : index
        %parallel_loop3A_508 = tpu.vector_load %arg10[%parallel_loop3A_506, %parallel_loop3A_507] {strides = array<i32>} : memref<96x256xf32, #tpu.memory_space<vmem>>, vector<16xf32>,
        %parallel_loop3A_509 = arith.mulf %parallel_loop3A_508, %parallel_loop3A_421 : vector<16xf32>
        %parallel_loop3A_510 = arith.index_cast %parallel_loop3A_418 : i32 to index
        %parallel_loop3A_511 = arith.constant 192 : index
        %parallel_loop3A_512 = tpu.vector_load %arg10[%parallel_loop3A_510, %parallel_loop3A_511] {strides = array<i32>} : memref<96x256xf32, #tpu.memory_space<vmem>>, vector<16xf32>,
        tpu.vector_store %arg10[%parallel_loop3A_510, %parallel_loop3A_511], %parallel_loop3A_509 {strides = array<i32>} : memref<96x256xf32, #tpu.memory_space<vmem>>, vector<16xf32>,
        %parallel_loop3A_513 = arith.index_cast %parallel_loop3A_418 : i32 to index
        %parallel_loop3A_514 = arith.constant 208 : index
        %parallel_loop3A_515 = tpu.vector_load %arg10[%parallel_loop3A_513, %parallel_loop3A_514] {strides = array<i32>} : memref<96x256xf32, #tpu.memory_space<vmem>>, vector<16xf32>,
        %parallel_loop3A_516 = arith.mulf %parallel_loop3A_515, %parallel_loop3A_421 : vector<16xf32>
        %parallel_loop3A_517 = arith.index_cast %parallel_loop3A_418 : i32 to index
        %parallel_loop3A_518 = arith.constant 208 : index
        %parallel_loop3A_519 = tpu.vector_load %arg10[%parallel_loop3A_517, %parallel_loop3A_518] {strides = array<i32>} : memref<96x256xf32, #tpu.memory_space<vmem>>, vector<16xf32>,
        tpu.vector_store %arg10[%parallel_loop3A_517, %parallel_loop3A_518], %parallel_loop3A_516 {strides = array<i32>} : memref<96x256xf32, #tpu.memory_space<vmem>>, vector<16xf32>,
        %parallel_loop3A_520 = arith.index_cast %parallel_loop3A_418 : i32 to index
        %parallel_loop3A_521 = arith.constant 224 : index
        %parallel_loop3A_522 = tpu.vector_load %arg10[%parallel_loop3A_520, %parallel_loop3A_521] {strides = array<i32>} : memref<96x256xf32, #tpu.memory_space<vmem>>, vector<16xf32>,
        %parallel_loop3A_523 = arith.mulf %parallel_loop3A_522, %parallel_loop3A_421 : vector<16xf32>
        %parallel_loop3A_524 = arith.index_cast %parallel_loop3A_418 : i32 to index
        %parallel_loop3A_525 = arith.constant 224 : index
        %parallel_loop3A_526 = tpu.vector_load %arg10[%parallel_loop3A_524, %parallel_loop3A_525] {strides = array<i32>} : memref<96x256xf32, #tpu.memory_space<vmem>>, vector<16xf32>,
        tpu.vector_store %arg10[%parallel_loop3A_524, %parallel_loop3A_525], %parallel_loop3A_523 {strides = array<i32>} : memref<96x256xf32, #tpu.memory_space<vmem>>, vector<16xf32>,
        %parallel_loop3A_527 = arith.index_cast %parallel_loop3A_418 : i32 to index
        %parallel_loop3A_528 = arith.constant 240 : index
        %parallel_loop3A_529 = tpu.vector_load %arg10[%parallel_loop3A_527, %parallel_loop3A_528] {strides = array<i32>} : memref<96x256xf32, #tpu.memory_space<vmem>>, vector<16xf32>,
        %parallel_loop3A_530 = arith.mulf %parallel_loop3A_529, %parallel_loop3A_421 : vector<16xf32>
        %parallel_loop3A_531 = arith.index_cast %parallel_loop3A_418 : i32 to index
        %parallel_loop3A_532 = arith.constant 240 : index
        %parallel_loop3A_533 = tpu.vector_load %arg10[%parallel_loop3A_531, %parallel_loop3A_532] {strides = array<i32>} : memref<96x256xf32, #tpu.memory_space<vmem>>, vector<16xf32>,
        tpu.vector_store %arg10[%parallel_loop3A_531, %parallel_loop3A_532], %parallel_loop3A_530 {strides = array<i32>} : memref<96x256xf32, #tpu.memory_space<vmem>>, vector<16xf32>,
      } {sc.loop_unroll_factor = 2 : i64, sc.parallel_access}
      %mul3A_351 = arith.constant 96 : i32
      %mul3A_352 = arith.muli %add3A_339, %mul3A_351 : i32
      %add3A_353 = arith.addi %mul3A_2, %mul3A_352 : i32
      %dma_start3A_354 = arith.constant 0 : i32
      %dma_start3A_355 = tpu.memref_slice %arg5[%add3A_353, %dma_start3A_354] : memref<160000x256xf32, #tpu.memory_space<hbm>> -> memref<96x256xf32, #tpu.memory_space<hbm>>
      %dma_start3A_356 = arith.constant 0 : i32
      %dma_start3A_357 = tpu.memref_slice %arg5[%add3A_353, %dma_start3A_356] : memref<160000x256xf32, #tpu.memory_space<hbm>> -> memref<96x256xf32, #tpu.memory_space<hbm>>
      tpu.enqueue_dma source(%arg10 : memref<96x256xf32, #tpu.memory_space<vmem>>) target(%dma_start3A_357 : memref<96x256xf32, #tpu.memory_space<hbm>>) target_semaphore(%arg18 : memref<!tpu.dma_semaphore, #tpu.memory_space<semaphore_mem>>)
      %sub3A_358 = arith.constant 2 : i32
      %sub3A_359 = arith.subi %add3A_339, %sub3A_358 : i32
      %mul3A_360 = arith.constant 96 : i32
      %mul3A_361 = arith.muli %sub3A_359, %mul3A_360 : i32
      %add3A_362 = arith.addi %mul3A_2, %mul3A_361 : i32
      %dma_wait3A_363 = arith.constant 0 : i32
      %dma_wait3A_364 = tpu.memref_slice %arg5[%add3A_362, %dma_wait3A_363] : memref<160000x256xf32, #tpu.memory_space<hbm>> -> memref<96x256xf32, #tpu.memory_space<hbm>>
      %dma_wait3A_365 = arith.constant 0 : i32
      %dma_wait3A_366 = tpu.memref_slice %arg5[%add3A_362, %dma_wait3A_365] : memref<160000x256xf32, #tpu.memory_space<hbm>> -> memref<96x256xf32, #tpu.memory_space<hbm>>
      tpu.wait_dma2 semaphore(%arg16 : memref<!tpu.dma_semaphore, #tpu.memory_space<semaphore_mem>>) src(%arg8 : memref<96x256xf32, #tpu.memory_space<vmem>>) dst(%dma_wait3A_366 : memref<96x256xf32, #tpu.memory_space<hbm>>)
      %add3A_367 = arith.constant 4 : i32
      %add3A_368 = arith.addi %add3A_339, %add3A_367 : i32
      %sub3A_369 = arith.constant 2 : i32
      %sub3A_370 = arith.subi %add3A_368, %sub3A_369 : i32
      %mul3A_371 = arith.constant 96 : i32
      %mul3A_372 = arith.muli %sub3A_370, %mul3A_371 : i32
      %dma_start3A_373 = tpu.memref_slice %arg6[%mul3A_372] : memref<5000xi32, #tpu.memory_space<vmem>> -> memref<96xi32, #tpu.memory_space<vmem>>
      %dma_start3A_374 = arith.constant 0 : i32
      %dma_start3A_375 = arith.constant 0 : i32
      %dma_start3A_376 = tpu.memref_slice %arg2[%dma_start3A_374, %dma_start3A_375] : memref<10000x256xf32, #tpu.memory_space<hbm>> -> memref<10000x256xf32, #tpu.memory_space<hbm>>
      tpu.enqueue_indirect_dma source(%dma_start3A_376 : memref<10000x256xf32, #tpu.memory_space<hbm>>) target(%arg8 : memref<96x256xf32, #tpu.memory_space<vmem>>) offsets(%dma_start3A_373 : memref<96xi32, #tpu.memory_space<vmem>>) semaphore(%arg12 : memref<!tpu.dma_semaphore, #tpu.memory_space<semaphore_mem>>)
      %mul3A_377 = arith.constant 4 : i32
      %mul3A_378 = arith.muli %scan3A_254, %mul3A_377 : i32
      %add3A_379 = arith.constant 3 : i32
      %add3A_380 = arith.addi %mul3A_378, %add3A_379 : i32
      %mul3A_381 = arith.constant 96 : i32
      %mul3A_382 = arith.muli %add3A_380, %mul3A_381 : i32
      %dma_wait3A_383 = tpu.memref_slice %arg6[%mul3A_382] : memref<5000xi32, #tpu.memory_space<vmem>> -> memref<96xi32, #tpu.memory_space<vmem>>
      %dma_wait3A_384 = arith.constant 0 : i32
      %dma_wait3A_385 = arith.constant 0 : i32
      %dma_wait3A_386 = tpu.memref_slice %arg2[%dma_wait3A_384, %dma_wait3A_385] : memref<10000x256xf32, #tpu.memory_space<hbm>> -> memref<10000x256xf32, #tpu.memory_space<hbm>>
      tpu.wait_indirect_dma semaphore(%arg15 : memref<!tpu.dma_semaphore, #tpu.memory_space<semaphore_mem>>) src(%dma_wait3A_386 : memref<10000x256xf32, #tpu.memory_space<hbm>>) dst(%arg11 : memref<96x256xf32, #tpu.memory_space<vmem>>)
      %mul3A_387 = arith.constant 96 : i32
      %mul3A_388 = arith.muli %add3A_380, %mul3A_387 : i32
      %parallel_loop3A_389 = arith.constant 0 : i32
      %parallel_loop3A_390 = arith.constant 96 : i32
      %parallel_loop3A_391 = arith.constant 1 : i32
      scf.for %parallel_loop3A_418 = %parallel_loop3A_389 to %parallel_loop3A_390 step %parallel_loop3A_391  : i32 {
        %parallel_loop3A_419 = arith.addi %mul3A_388, %parallel_loop3A_418 : i32
        %parallel_loop3A_420 = vector.broadcast %parallel_loop3A_419 : i32 to vector<16xi32>
        %parallel_loop3A_421 = tpu.vector_load_idx %arg7[%parallel_loop3A_420] : memref<5000xf32, #tpu.memory_space<vmem>>[vector<16xi32>], vector<16xf32>,
        %parallel_loop3A_422 = arith.index_cast %parallel_loop3A_418 : i32 to index
        %parallel_loop3A_423 = arith.constant 0 : index
        %parallel_loop3A_424 = tpu.vector_load %arg11[%parallel_loop3A_422, %parallel_loop3A_423] {strides = array<i32>} : memref<96x256xf32, #tpu.memory_space<vmem>>, vector<16xf32>,
        %parallel_loop3A_425 = arith.mulf %parallel_loop3A_424, %parallel_loop3A_421 : vector<16xf32>
        %parallel_loop3A_426 = arith.index_cast %parallel_loop3A_418 : i32 to index
        %parallel_loop3A_427 = arith.constant 0 : index
        %parallel_loop3A_428 = tpu.vector_load %arg11[%parallel_loop3A_426, %parallel_loop3A_427] {strides = array<i32>} : memref<96x256xf32, #tpu.memory_space<vmem>>, vector<16xf32>,
        tpu.vector_store %arg11[%parallel_loop3A_426, %parallel_loop3A_427], %parallel_loop3A_425 {strides = array<i32>} : memref<96x256xf32, #tpu.memory_space<vmem>>, vector<16xf32>,
        %parallel_loop3A_429 = arith.index_cast %parallel_loop3A_418 : i32 to index
        %parallel_loop3A_430 = arith.constant 16 : index
        %parallel_loop3A_431 = tpu.vector_load %arg11[%parallel_loop3A_429, %parallel_loop3A_430] {strides = array<i32>} : memref<96x256xf32, #tpu.memory_space<vmem>>, vector<16xf32>,
        %parallel_loop3A_432 = arith.mulf %parallel_loop3A_431, %parallel_loop3A_421 : vector<16xf32>
        %parallel_loop3A_433 = arith.index_cast %parallel_loop3A_418 : i32 to index
        %parallel_loop3A_434 = arith.constant 16 : index
        %parallel_loop3A_435 = tpu.vector_load %arg11[%parallel_loop3A_433, %parallel_loop3A_434] {strides = array<i32>} : memref<96x256xf32, #tpu.memory_space<vmem>>, vector<16xf32>,
        tpu.vector_store %arg11[%parallel_loop3A_433, %parallel_loop3A_434], %parallel_loop3A_432 {strides = array<i32>} : memref<96x256xf32, #tpu.memory_space<vmem>>, vector<16xf32>,
        %parallel_loop3A_436 = arith.index_cast %parallel_loop3A_418 : i32 to index
        %parallel_loop3A_437 = arith.constant 32 : index
        %parallel_loop3A_438 = tpu.vector_load %arg11[%parallel_loop3A_436, %parallel_loop3A_437] {strides = array<i32>} : memref<96x256xf32, #tpu.memory_space<vmem>>, vector<16xf32>,
        %parallel_loop3A_439 = arith.mulf %parallel_loop3A_438, %parallel_loop3A_421 : vector<16xf32>
        %parallel_loop3A_440 = arith.index_cast %parallel_loop3A_418 : i32 to index
        %parallel_loop3A_441 = arith.constant 32 : index
        %parallel_loop3A_442 = tpu.vector_load %arg11[%parallel_loop3A_440, %parallel_loop3A_441] {strides = array<i32>} : memref<96x256xf32, #tpu.memory_space<vmem>>, vector<16xf32>,
        tpu.vector_store %arg11[%parallel_loop3A_440, %parallel_loop3A_441], %parallel_loop3A_439 {strides = array<i32>} : memref<96x256xf32, #tpu.memory_space<vmem>>, vector<16xf32>,
        %parallel_loop3A_443 = arith.index_cast %parallel_loop3A_418 : i32 to index
        %parallel_loop3A_444 = arith.constant 48 : index
        %parallel_loop3A_445 = tpu.vector_load %arg11[%parallel_loop3A_443, %parallel_loop3A_444] {strides = array<i32>} : memref<96x256xf32, #tpu.memory_space<vmem>>, vector<16xf32>,
        %parallel_loop3A_446 = arith.mulf %parallel_loop3A_445, %parallel_loop3A_421 : vector<16xf32>
        %parallel_loop3A_447 = arith.index_cast %parallel_loop3A_418 : i32 to index
        %parallel_loop3A_448 = arith.constant 48 : index
        %parallel_loop3A_449 = tpu.vector_load %arg11[%parallel_loop3A_447, %parallel_loop3A_448] {strides = array<i32>} : memref<96x256xf32, #tpu.memory_space<vmem>>, vector<16xf32>,
        tpu.vector_store %arg11[%parallel_loop3A_447, %parallel_loop3A_448], %parallel_loop3A_446 {strides = array<i32>} : memref<96x256xf32, #tpu.memory_space<vmem>>, vector<16xf32>,
        %parallel_loop3A_450 = arith.index_cast %parallel_loop3A_418 : i32 to index
        %parallel_loop3A_451 = arith.constant 64 : index
        %parallel_loop3A_452 = tpu.vector_load %arg11[%parallel_loop3A_450, %parallel_loop3A_451] {strides = array<i32>} : memref<96x256xf32, #tpu.memory_space<vmem>>, vector<16xf32>,
        %parallel_loop3A_453 = arith.mulf %parallel_loop3A_452, %parallel_loop3A_421 : vector<16xf32>
        %parallel_loop3A_454 = arith.index_cast %parallel_loop3A_418 : i32 to index
        %parallel_loop3A_455 = arith.constant 64 : index
        %parallel_loop3A_456 = tpu.vector_load %arg11[%parallel_loop3A_454, %parallel_loop3A_455] {strides = array<i32>} : memref<96x256xf32, #tpu.memory_space<vmem>>, vector<16xf32>,
        tpu.vector_store %arg11[%parallel_loop3A_454, %parallel_loop3A_455], %parallel_loop3A_453 {strides = array<i32>} : memref<96x256xf32, #tpu.memory_space<vmem>>, vector<16xf32>,
        %parallel_loop3A_457 = arith.index_cast %parallel_loop3A_418 : i32 to index
        %parallel_loop3A_458 = arith.constant 80 : index
        %parallel_loop3A_459 = tpu.vector_load %arg11[%parallel_loop3A_457, %parallel_loop3A_458] {strides = array<i32>} : memref<96x256xf32, #tpu.memory_space<vmem>>, vector<16xf32>,
        %parallel_loop3A_460 = arith.mulf %parallel_loop3A_459, %parallel_loop3A_421 : vector<16xf32>
        %parallel_loop3A_461 = arith.index_cast %parallel_loop3A_418 : i32 to index
        %parallel_loop3A_462 = arith.constant 80 : index
        %parallel_loop3A_463 = tpu.vector_load %arg11[%parallel_loop3A_461, %parallel_loop3A_462] {strides = array<i32>} : memref<96x256xf32, #tpu.memory_space<vmem>>, vector<16xf32>,
        tpu.vector_store %arg11[%parallel_loop3A_461, %parallel_loop3A_462], %parallel_loop3A_460 {strides = array<i32>} : memref<96x256xf32, #tpu.memory_space<vmem>>, vector<16xf32>,
        %parallel_loop3A_464 = arith.index_cast %parallel_loop3A_418 : i32 to index
        %parallel_loop3A_465 = arith.constant 96 : index
        %parallel_loop3A_466 = tpu.vector_load %arg11[%parallel_loop3A_464, %parallel_loop3A_465] {strides = array<i32>} : memref<96x256xf32, #tpu.memory_space<vmem>>, vector<16xf32>,
        %parallel_loop3A_467 = arith.mulf %parallel_loop3A_466, %parallel_loop3A_421 : vector<16xf32>
        %parallel_loop3A_468 = arith.index_cast %parallel_loop3A_418 : i32 to index
        %parallel_loop3A_469 = arith.constant 96 : index
        %parallel_loop3A_470 = tpu.vector_load %arg11[%parallel_loop3A_468, %parallel_loop3A_469] {strides = array<i32>} : memref<96x256xf32, #tpu.memory_space<vmem>>, vector<16xf32>,
        tpu.vector_store %arg11[%parallel_loop3A_468, %parallel_loop3A_469], %parallel_loop3A_467 {strides = array<i32>} : memref<96x256xf32, #tpu.memory_space<vmem>>, vector<16xf32>,
        %parallel_loop3A_471 = arith.index_cast %parallel_loop3A_418 : i32 to index
        %parallel_loop3A_472 = arith.constant 112 : index
        %parallel_loop3A_473 = tpu.vector_load %arg11[%parallel_loop3A_471, %parallel_loop3A_472] {strides = array<i32>} : memref<96x256xf32, #tpu.memory_space<vmem>>, vector<16xf32>,
        %parallel_loop3A_474 = arith.mulf %parallel_loop3A_473, %parallel_loop3A_421 : vector<16xf32>
        %parallel_loop3A_475 = arith.index_cast %parallel_loop3A_418 : i32 to index
        %parallel_loop3A_476 = arith.constant 112 : index
        %parallel_loop3A_477 = tpu.vector_load %arg11[%parallel_loop3A_475, %parallel_loop3A_476] {strides = array<i32>} : memref<96x256xf32, #tpu.memory_space<vmem>>, vector<16xf32>,
        tpu.vector_store %arg11[%parallel_loop3A_475, %parallel_loop3A_476], %parallel_loop3A_474 {strides = array<i32>} : memref<96x256xf32, #tpu.memory_space<vmem>>, vector<16xf32>,
        %parallel_loop3A_478 = arith.index_cast %parallel_loop3A_418 : i32 to index
        %parallel_loop3A_479 = arith.constant 128 : index
        %parallel_loop3A_480 = tpu.vector_load %arg11[%parallel_loop3A_478, %parallel_loop3A_479] {strides = array<i32>} : memref<96x256xf32, #tpu.memory_space<vmem>>, vector<16xf32>,
        %parallel_loop3A_481 = arith.mulf %parallel_loop3A_480, %parallel_loop3A_421 : vector<16xf32>
        %parallel_loop3A_482 = arith.index_cast %parallel_loop3A_418 : i32 to index
        %parallel_loop3A_483 = arith.constant 128 : index
        %parallel_loop3A_484 = tpu.vector_load %arg11[%parallel_loop3A_482, %parallel_loop3A_483] {strides = array<i32>} : memref<96x256xf32, #tpu.memory_space<vmem>>, vector<16xf32>,
        tpu.vector_store %arg11[%parallel_loop3A_482, %parallel_loop3A_483], %parallel_loop3A_481 {strides = array<i32>} : memref<96x256xf32, #tpu.memory_space<vmem>>, vector<16xf32>,
        %parallel_loop3A_485 = arith.index_cast %parallel_loop3A_418 : i32 to index
        %parallel_loop3A_486 = arith.constant 144 : index
        %parallel_loop3A_487 = tpu.vector_load %arg11[%parallel_loop3A_485, %parallel_loop3A_486] {strides = array<i32>} : memref<96x256xf32, #tpu.memory_space<vmem>>, vector<16xf32>,
        %parallel_loop3A_488 = arith.mulf %parallel_loop3A_487, %parallel_loop3A_421 : vector<16xf32>
        %parallel_loop3A_489 = arith.index_cast %parallel_loop3A_418 : i32 to index
        %parallel_loop3A_490 = arith.constant 144 : index
        %parallel_loop3A_491 = tpu.vector_load %arg11[%parallel_loop3A_489, %parallel_loop3A_490] {strides = array<i32>} : memref<96x256xf32, #tpu.memory_space<vmem>>, vector<16xf32>,
        tpu.vector_store %arg11[%parallel_loop3A_489, %parallel_loop3A_490], %parallel_loop3A_488 {strides = array<i32>} : memref<96x256xf32, #tpu.memory_space<vmem>>, vector<16xf32>,
        %parallel_loop3A_492 = arith.index_cast %parallel_loop3A_418 : i32 to index
        %parallel_loop3A_493 = arith.constant 160 : index
        %parallel_loop3A_494 = tpu.vector_load %arg11[%parallel_loop3A_492, %parallel_loop3A_493] {strides = array<i32>} : memref<96x256xf32, #tpu.memory_space<vmem>>, vector<16xf32>,
        %parallel_loop3A_495 = arith.mulf %parallel_loop3A_494, %parallel_loop3A_421 : vector<16xf32>
        %parallel_loop3A_496 = arith.index_cast %parallel_loop3A_418 : i32 to index
        %parallel_loop3A_497 = arith.constant 160 : index
        %parallel_loop3A_498 = tpu.vector_load %arg11[%parallel_loop3A_496, %parallel_loop3A_497] {strides = array<i32>} : memref<96x256xf32, #tpu.memory_space<vmem>>, vector<16xf32>,
        tpu.vector_store %arg11[%parallel_loop3A_496, %parallel_loop3A_497], %parallel_loop3A_495 {strides = array<i32>} : memref<96x256xf32, #tpu.memory_space<vmem>>, vector<16xf32>,
        %parallel_loop3A_499 = arith.index_cast %parallel_loop3A_418 : i32 to index
        %parallel_loop3A_500 = arith.constant 176 : index
        %parallel_loop3A_501 = tpu.vector_load %arg11[%parallel_loop3A_499, %parallel_loop3A_500] {strides = array<i32>} : memref<96x256xf32, #tpu.memory_space<vmem>>, vector<16xf32>,
        %parallel_loop3A_502 = arith.mulf %parallel_loop3A_501, %parallel_loop3A_421 : vector<16xf32>
        %parallel_loop3A_503 = arith.index_cast %parallel_loop3A_418 : i32 to index
        %parallel_loop3A_504 = arith.constant 176 : index
        %parallel_loop3A_505 = tpu.vector_load %arg11[%parallel_loop3A_503, %parallel_loop3A_504] {strides = array<i32>} : memref<96x256xf32, #tpu.memory_space<vmem>>, vector<16xf32>,
        tpu.vector_store %arg11[%parallel_loop3A_503, %parallel_loop3A_504], %parallel_loop3A_502 {strides = array<i32>} : memref<96x256xf32, #tpu.memory_space<vmem>>, vector<16xf32>,
        %parallel_loop3A_506 = arith.index_cast %parallel_loop3A_418 : i32 to index
        %parallel_loop3A_507 = arith.constant 192 : index
        %parallel_loop3A_508 = tpu.vector_load %arg11[%parallel_loop3A_506, %parallel_loop3A_507] {strides = array<i32>} : memref<96x256xf32, #tpu.memory_space<vmem>>, vector<16xf32>,
        %parallel_loop3A_509 = arith.mulf %parallel_loop3A_508, %parallel_loop3A_421 : vector<16xf32>
        %parallel_loop3A_510 = arith.index_cast %parallel_loop3A_418 : i32 to index
        %parallel_loop3A_511 = arith.constant 192 : index
        %parallel_loop3A_512 = tpu.vector_load %arg11[%parallel_loop3A_510, %parallel_loop3A_511] {strides = array<i32>} : memref<96x256xf32, #tpu.memory_space<vmem>>, vector<16xf32>,
        tpu.vector_store %arg11[%parallel_loop3A_510, %parallel_loop3A_511], %parallel_loop3A_509 {strides = array<i32>} : memref<96x256xf32, #tpu.memory_space<vmem>>, vector<16xf32>,
        %parallel_loop3A_513 = arith.index_cast %parallel_loop3A_418 : i32 to index
        %parallel_loop3A_514 = arith.constant 208 : index
        %parallel_loop3A_515 = tpu.vector_load %arg11[%parallel_loop3A_513, %parallel_loop3A_514] {strides = array<i32>} : memref<96x256xf32, #tpu.memory_space<vmem>>, vector<16xf32>,
        %parallel_loop3A_516 = arith.mulf %parallel_loop3A_515, %parallel_loop3A_421 : vector<16xf32>
        %parallel_loop3A_517 = arith.index_cast %parallel_loop3A_418 : i32 to index
        %parallel_loop3A_518 = arith.constant 208 : index
        %parallel_loop3A_519 = tpu.vector_load %arg11[%parallel_loop3A_517, %parallel_loop3A_518] {strides = array<i32>} : memref<96x256xf32, #tpu.memory_space<vmem>>, vector<16xf32>,
        tpu.vector_store %arg11[%parallel_loop3A_517, %parallel_loop3A_518], %parallel_loop3A_516 {strides = array<i32>} : memref<96x256xf32, #tpu.memory_space<vmem>>, vector<16xf32>,
        %parallel_loop3A_520 = arith.index_cast %parallel_loop3A_418 : i32 to index
        %parallel_loop3A_521 = arith.constant 224 : index
        %parallel_loop3A_522 = tpu.vector_load %arg11[%parallel_loop3A_520, %parallel_loop3A_521] {strides = array<i32>} : memref<96x256xf32, #tpu.memory_space<vmem>>, vector<16xf32>,
        %parallel_loop3A_523 = arith.mulf %parallel_loop3A_522, %parallel_loop3A_421 : vector<16xf32>
        %parallel_loop3A_524 = arith.index_cast %parallel_loop3A_418 : i32 to index
        %parallel_loop3A_525 = arith.constant 224 : index
        %parallel_loop3A_526 = tpu.vector_load %arg11[%parallel_loop3A_524, %parallel_loop3A_525] {strides = array<i32>} : memref<96x256xf32, #tpu.memory_space<vmem>>, vector<16xf32>,
        tpu.vector_store %arg11[%parallel_loop3A_524, %parallel_loop3A_525], %parallel_loop3A_523 {strides = array<i32>} : memref<96x256xf32, #tpu.memory_space<vmem>>, vector<16xf32>,
        %parallel_loop3A_527 = arith.index_cast %parallel_loop3A_418 : i32 to index
        %parallel_loop3A_528 = arith.constant 240 : index
        %parallel_loop3A_529 = tpu.vector_load %arg11[%parallel_loop3A_527, %parallel_loop3A_528] {strides = array<i32>} : memref<96x256xf32, #tpu.memory_space<vmem>>, vector<16xf32>,
        %parallel_loop3A_530 = arith.mulf %parallel_loop3A_529, %parallel_loop3A_421 : vector<16xf32>
        %parallel_loop3A_531 = arith.index_cast %parallel_loop3A_418 : i32 to index
        %parallel_loop3A_532 = arith.constant 240 : index
        %parallel_loop3A_533 = tpu.vector_load %arg11[%parallel_loop3A_531, %parallel_loop3A_532] {strides = array<i32>} : memref<96x256xf32, #tpu.memory_space<vmem>>, vector<16xf32>,
        tpu.vector_store %arg11[%parallel_loop3A_531, %parallel_loop3A_532], %parallel_loop3A_530 {strides = array<i32>} : memref<96x256xf32, #tpu.memory_space<vmem>>, vector<16xf32>,
      } {sc.loop_unroll_factor = 2 : i64, sc.parallel_access}
      %mul3A_392 = arith.constant 96 : i32
      %mul3A_393 = arith.muli %add3A_380, %mul3A_392 : i32
      %add3A_394 = arith.addi %mul3A_2, %mul3A_393 : i32
      %dma_start3A_395 = arith.constant 0 : i32
      %dma_start3A_396 = tpu.memref_slice %arg5[%add3A_394, %dma_start3A_395] : memref<160000x256xf32, #tpu.memory_space<hbm>> -> memref<96x256xf32, #tpu.memory_space<hbm>>
      %dma_start3A_397 = arith.constant 0 : i32
      %dma_start3A_398 = tpu.memref_slice %arg5[%add3A_394, %dma_start3A_397] : memref<160000x256xf32, #tpu.memory_space<hbm>> -> memref<96x256xf32, #tpu.memory_space<hbm>>
      tpu.enqueue_dma source(%arg11 : memref<96x256xf32, #tpu.memory_space<vmem>>) target(%dma_start3A_398 : memref<96x256xf32, #tpu.memory_space<hbm>>) target_semaphore(%arg19 : memref<!tpu.dma_semaphore, #tpu.memory_space<semaphore_mem>>)
      %sub3A_399 = arith.constant 2 : i32
      %sub3A_400 = arith.subi %add3A_380, %sub3A_399 : i32
      %mul3A_401 = arith.constant 96 : i32
      %mul3A_402 = arith.muli %sub3A_400, %mul3A_401 : i32
      %add3A_403 = arith.addi %mul3A_2, %mul3A_402 : i32
      %dma_wait3A_404 = arith.constant 0 : i32
      %dma_wait3A_405 = tpu.memref_slice %arg5[%add3A_403, %dma_wait3A_404] : memref<160000x256xf32, #tpu.memory_space<hbm>> -> memref<96x256xf32, #tpu.memory_space<hbm>>
      %dma_wait3A_406 = arith.constant 0 : i32
      %dma_wait3A_407 = tpu.memref_slice %arg5[%add3A_403, %dma_wait3A_406] : memref<160000x256xf32, #tpu.memory_space<hbm>> -> memref<96x256xf32, #tpu.memory_space<hbm>>
      tpu.wait_dma2 semaphore(%arg17 : memref<!tpu.dma_semaphore, #tpu.memory_space<semaphore_mem>>) src(%arg9 : memref<96x256xf32, #tpu.memory_space<vmem>>) dst(%dma_wait3A_407 : memref<96x256xf32, #tpu.memory_space<hbm>>)
      %add3A_408 = arith.constant 4 : i32
      %add3A_409 = arith.addi %add3A_380, %add3A_408 : i32
      %sub3A_410 = arith.constant 2 : i32
      %sub3A_411 = arith.subi %add3A_409, %sub3A_410 : i32
      %mul3A_412 = arith.constant 96 : i32
      %mul3A_413 = arith.muli %sub3A_411, %mul3A_412 : i32
      %dma_start3A_414 = tpu.memref_slice %arg6[%mul3A_413] : memref<5000xi32, #tpu.memory_space<vmem>> -> memref<96xi32, #tpu.memory_space<vmem>>
      %dma_start3A_415 = arith.constant 0 : i32
      %dma_start3A_416 = arith.constant 0 : i32
      %dma_start3A_417 = tpu.memref_slice %arg2[%dma_start3A_415, %dma_start3A_416] : memref<10000x256xf32, #tpu.memory_space<hbm>> -> memref<10000x256xf32, #tpu.memory_space<hbm>>
      tpu.enqueue_indirect_dma source(%dma_start3A_417 : memref<10000x256xf32, #tpu.memory_space<hbm>>) target(%arg9 : memref<96x256xf32, #tpu.memory_space<vmem>>) offsets(%dma_start3A_414 : memref<96xi32, #tpu.memory_space<vmem>>) semaphore(%arg13 : memref<!tpu.dma_semaphore, #tpu.memory_space<semaphore_mem>>)
    }
    %scan3A_110 = arith.constant 11 : i32
    %dma_wait3A_111 = arith.constant 4608 : i32
    %dma_wait3A_112 = tpu.memref_slice %arg6[%dma_wait3A_111] : memref<5000xi32, #tpu.memory_space<vmem>> -> memref<96xi32, #tpu.memory_space<vmem>>
    %dma_wait3A_113 = arith.constant 0 : i32
    %dma_wait3A_114 = arith.constant 0 : i32
    %dma_wait3A_115 = tpu.memref_slice %arg2[%dma_wait3A_113, %dma_wait3A_114] : memref<10000x256xf32, #tpu.memory_space<hbm>> -> memref<10000x256xf32, #tpu.memory_space<hbm>>
    tpu.wait_indirect_dma semaphore(%arg12 : memref<!tpu.dma_semaphore, #tpu.memory_space<semaphore_mem>>) src(%dma_wait3A_115 : memref<10000x256xf32, #tpu.memory_space<hbm>>) dst(%arg8 : memref<96x256xf32, #tpu.memory_space<vmem>>)
    %parallel_loop3A_116 = arith.constant 0 : i32
    %parallel_loop3A_117 = arith.constant 96 : i32
    %parallel_loop3A_118 = arith.constant 1 : i32
    scf.for %parallel_loop3A_254 = %parallel_loop3A_116 to %parallel_loop3A_117 step %parallel_loop3A_118  : i32 {
      %parallel_loop3A_255 = arith.constant 4608 : i32
      %parallel_loop3A_256 = arith.addi %parallel_loop3A_255, %parallel_loop3A_254 : i32
      %parallel_loop3A_257 = vector.broadcast %parallel_loop3A_256 : i32 to vector<16xi32>
      %parallel_loop3A_258 = tpu.vector_load_idx %arg7[%parallel_loop3A_257] : memref<5000xf32, #tpu.memory_space<vmem>>[vector<16xi32>], vector<16xf32>,
      %parallel_loop3A_259 = arith.index_cast %parallel_loop3A_254 : i32 to index
      %parallel_loop3A_260 = arith.constant 0 : index
      %parallel_loop3A_261 = tpu.vector_load %arg8[%parallel_loop3A_259, %parallel_loop3A_260] {strides = array<i32>} : memref<96x256xf32, #tpu.memory_space<vmem>>, vector<16xf32>,
      %parallel_loop3A_262 = arith.mulf %parallel_loop3A_261, %parallel_loop3A_258 : vector<16xf32>
      %parallel_loop3A_263 = arith.index_cast %parallel_loop3A_254 : i32 to index
      %parallel_loop3A_264 = arith.constant 0 : index
      %parallel_loop3A_265 = tpu.vector_load %arg8[%parallel_loop3A_263, %parallel_loop3A_264] {strides = array<i32>} : memref<96x256xf32, #tpu.memory_space<vmem>>, vector<16xf32>,
      tpu.vector_store %arg8[%parallel_loop3A_263, %parallel_loop3A_264], %parallel_loop3A_262 {strides = array<i32>} : memref<96x256xf32, #tpu.memory_space<vmem>>, vector<16xf32>,
      %parallel_loop3A_266 = arith.index_cast %parallel_loop3A_254 : i32 to index
      %parallel_loop3A_267 = arith.constant 16 : index
      %parallel_loop3A_268 = tpu.vector_load %arg8[%parallel_loop3A_266, %parallel_loop3A_267] {strides = array<i32>} : memref<96x256xf32, #tpu.memory_space<vmem>>, vector<16xf32>,
      %parallel_loop3A_269 = arith.mulf %parallel_loop3A_268, %parallel_loop3A_258 : vector<16xf32>
      %parallel_loop3A_270 = arith.index_cast %parallel_loop3A_254 : i32 to index
      %parallel_loop3A_271 = arith.constant 16 : index
      %parallel_loop3A_272 = tpu.vector_load %arg8[%parallel_loop3A_270, %parallel_loop3A_271] {strides = array<i32>} : memref<96x256xf32, #tpu.memory_space<vmem>>, vector<16xf32>,
      tpu.vector_store %arg8[%parallel_loop3A_270, %parallel_loop3A_271], %parallel_loop3A_269 {strides = array<i32>} : memref<96x256xf32, #tpu.memory_space<vmem>>, vector<16xf32>,
      %parallel_loop3A_273 = arith.index_cast %parallel_loop3A_254 : i32 to index
      %parallel_loop3A_274 = arith.constant 32 : index
      %parallel_loop3A_275 = tpu.vector_load %arg8[%parallel_loop3A_273, %parallel_loop3A_274] {strides = array<i32>} : memref<96x256xf32, #tpu.memory_space<vmem>>, vector<16xf32>,
      %parallel_loop3A_276 = arith.mulf %parallel_loop3A_275, %parallel_loop3A_258 : vector<16xf32>
      %parallel_loop3A_277 = arith.index_cast %parallel_loop3A_254 : i32 to index
      %parallel_loop3A_278 = arith.constant 32 : index
      %parallel_loop3A_279 = tpu.vector_load %arg8[%parallel_loop3A_277, %parallel_loop3A_278] {strides = array<i32>} : memref<96x256xf32, #tpu.memory_space<vmem>>, vector<16xf32>,
      tpu.vector_store %arg8[%parallel_loop3A_277, %parallel_loop3A_278], %parallel_loop3A_276 {strides = array<i32>} : memref<96x256xf32, #tpu.memory_space<vmem>>, vector<16xf32>,
      %parallel_loop3A_280 = arith.index_cast %parallel_loop3A_254 : i32 to index
      %parallel_loop3A_281 = arith.constant 48 : index
      %parallel_loop3A_282 = tpu.vector_load %arg8[%parallel_loop3A_280, %parallel_loop3A_281] {strides = array<i32>} : memref<96x256xf32, #tpu.memory_space<vmem>>, vector<16xf32>,
      %parallel_loop3A_283 = arith.mulf %parallel_loop3A_282, %parallel_loop3A_258 : vector<16xf32>
      %parallel_loop3A_284 = arith.index_cast %parallel_loop3A_254 : i32 to index
      %parallel_loop3A_285 = arith.constant 48 : index
      %parallel_loop3A_286 = tpu.vector_load %arg8[%parallel_loop3A_284, %parallel_loop3A_285] {strides = array<i32>} : memref<96x256xf32, #tpu.memory_space<vmem>>, vector<16xf32>,
      tpu.vector_store %arg8[%parallel_loop3A_284, %parallel_loop3A_285], %parallel_loop3A_283 {strides = array<i32>} : memref<96x256xf32, #tpu.memory_space<vmem>>, vector<16xf32>,
      %parallel_loop3A_287 = arith.index_cast %parallel_loop3A_254 : i32 to index
      %parallel_loop3A_288 = arith.constant 64 : index
      %parallel_loop3A_289 = tpu.vector_load %arg8[%parallel_loop3A_287, %parallel_loop3A_288] {strides = array<i32>} : memref<96x256xf32, #tpu.memory_space<vmem>>, vector<16xf32>,
      %parallel_loop3A_290 = arith.mulf %parallel_loop3A_289, %parallel_loop3A_258 : vector<16xf32>
      %parallel_loop3A_291 = arith.index_cast %parallel_loop3A_254 : i32 to index
      %parallel_loop3A_292 = arith.constant 64 : index
      %parallel_loop3A_293 = tpu.vector_load %arg8[%parallel_loop3A_291, %parallel_loop3A_292] {strides = array<i32>} : memref<96x256xf32, #tpu.memory_space<vmem>>, vector<16xf32>,
      tpu.vector_store %arg8[%parallel_loop3A_291, %parallel_loop3A_292], %parallel_loop3A_290 {strides = array<i32>} : memref<96x256xf32, #tpu.memory_space<vmem>>, vector<16xf32>,
      %parallel_loop3A_294 = arith.index_cast %parallel_loop3A_254 : i32 to index
      %parallel_loop3A_295 = arith.constant 80 : index
      %parallel_loop3A_296 = tpu.vector_load %arg8[%parallel_loop3A_294, %parallel_loop3A_295] {strides = array<i32>} : memref<96x256xf32, #tpu.memory_space<vmem>>, vector<16xf32>,
      %parallel_loop3A_297 = arith.mulf %parallel_loop3A_296, %parallel_loop3A_258 : vector<16xf32>
      %parallel_loop3A_298 = arith.index_cast %parallel_loop3A_254 : i32 to index
      %parallel_loop3A_299 = arith.constant 80 : index
      %parallel_loop3A_300 = tpu.vector_load %arg8[%parallel_loop3A_298, %parallel_loop3A_299] {strides = array<i32>} : memref<96x256xf32, #tpu.memory_space<vmem>>, vector<16xf32>,
      tpu.vector_store %arg8[%parallel_loop3A_298, %parallel_loop3A_299], %parallel_loop3A_297 {strides = array<i32>} : memref<96x256xf32, #tpu.memory_space<vmem>>, vector<16xf32>,
      %parallel_loop3A_301 = arith.index_cast %parallel_loop3A_254 : i32 to index
      %parallel_loop3A_302 = arith.constant 96 : index
      %parallel_loop3A_303 = tpu.vector_load %arg8[%parallel_loop3A_301, %parallel_loop3A_302] {strides = array<i32>} : memref<96x256xf32, #tpu.memory_space<vmem>>, vector<16xf32>,
      %parallel_loop3A_304 = arith.mulf %parallel_loop3A_303, %parallel_loop3A_258 : vector<16xf32>
      %parallel_loop3A_305 = arith.index_cast %parallel_loop3A_254 : i32 to index
      %parallel_loop3A_306 = arith.constant 96 : index
      %parallel_loop3A_307 = tpu.vector_load %arg8[%parallel_loop3A_305, %parallel_loop3A_306] {strides = array<i32>} : memref<96x256xf32, #tpu.memory_space<vmem>>, vector<16xf32>,
      tpu.vector_store %arg8[%parallel_loop3A_305, %parallel_loop3A_306], %parallel_loop3A_304 {strides = array<i32>} : memref<96x256xf32, #tpu.memory_space<vmem>>, vector<16xf32>,
      %parallel_loop3A_308 = arith.index_cast %parallel_loop3A_254 : i32 to index
      %parallel_loop3A_309 = arith.constant 112 : index
      %parallel_loop3A_310 = tpu.vector_load %arg8[%parallel_loop3A_308, %parallel_loop3A_309] {strides = array<i32>} : memref<96x256xf32, #tpu.memory_space<vmem>>, vector<16xf32>,
      %parallel_loop3A_311 = arith.mulf %parallel_loop3A_310, %parallel_loop3A_258 : vector<16xf32>
      %parallel_loop3A_312 = arith.index_cast %parallel_loop3A_254 : i32 to index
      %parallel_loop3A_313 = arith.constant 112 : index
      %parallel_loop3A_314 = tpu.vector_load %arg8[%parallel_loop3A_312, %parallel_loop3A_313] {strides = array<i32>} : memref<96x256xf32, #tpu.memory_space<vmem>>, vector<16xf32>,
      tpu.vector_store %arg8[%parallel_loop3A_312, %parallel_loop3A_313], %parallel_loop3A_311 {strides = array<i32>} : memref<96x256xf32, #tpu.memory_space<vmem>>, vector<16xf32>,
      %parallel_loop3A_315 = arith.index_cast %parallel_loop3A_254 : i32 to index
      %parallel_loop3A_316 = arith.constant 128 : index
      %parallel_loop3A_317 = tpu.vector_load %arg8[%parallel_loop3A_315, %parallel_loop3A_316] {strides = array<i32>} : memref<96x256xf32, #tpu.memory_space<vmem>>, vector<16xf32>,
      %parallel_loop3A_318 = arith.mulf %parallel_loop3A_317, %parallel_loop3A_258 : vector<16xf32>
      %parallel_loop3A_319 = arith.index_cast %parallel_loop3A_254 : i32 to index
      %parallel_loop3A_320 = arith.constant 128 : index
      %parallel_loop3A_321 = tpu.vector_load %arg8[%parallel_loop3A_319, %parallel_loop3A_320] {strides = array<i32>} : memref<96x256xf32, #tpu.memory_space<vmem>>, vector<16xf32>,
      tpu.vector_store %arg8[%parallel_loop3A_319, %parallel_loop3A_320], %parallel_loop3A_318 {strides = array<i32>} : memref<96x256xf32, #tpu.memory_space<vmem>>, vector<16xf32>,
      %parallel_loop3A_322 = arith.index_cast %parallel_loop3A_254 : i32 to index
      %parallel_loop3A_323 = arith.constant 144 : index
      %parallel_loop3A_324 = tpu.vector_load %arg8[%parallel_loop3A_322, %parallel_loop3A_323] {strides = array<i32>} : memref<96x256xf32, #tpu.memory_space<vmem>>, vector<16xf32>,
      %parallel_loop3A_325 = arith.mulf %parallel_loop3A_324, %parallel_loop3A_258 : vector<16xf32>
      %parallel_loop3A_326 = arith.index_cast %parallel_loop3A_254 : i32 to index
      %parallel_loop3A_327 = arith.constant 144 : index
      %parallel_loop3A_328 = tpu.vector_load %arg8[%parallel_loop3A_326, %parallel_loop3A_327] {strides = array<i32>} : memref<96x256xf32, #tpu.memory_space<vmem>>, vector<16xf32>,
      tpu.vector_store %arg8[%parallel_loop3A_326, %parallel_loop3A_327], %parallel_loop3A_325 {strides = array<i32>} : memref<96x256xf32, #tpu.memory_space<vmem>>, vector<16xf32>,
      %parallel_loop3A_329 = arith.index_cast %parallel_loop3A_254 : i32 to index
      %parallel_loop3A_330 = arith.constant 160 : index
      %parallel_loop3A_331 = tpu.vector_load %arg8[%parallel_loop3A_329, %parallel_loop3A_330] {strides = array<i32>} : memref<96x256xf32, #tpu.memory_space<vmem>>, vector<16xf32>,
      %parallel_loop3A_332 = arith.mulf %parallel_loop3A_331, %parallel_loop3A_258 : vector<16xf32>
      %parallel_loop3A_333 = arith.index_cast %parallel_loop3A_254 : i32 to index
      %parallel_loop3A_334 = arith.constant 160 : index
      %parallel_loop3A_335 = tpu.vector_load %arg8[%parallel_loop3A_333, %parallel_loop3A_334] {strides = array<i32>} : memref<96x256xf32, #tpu.memory_space<vmem>>, vector<16xf32>,
      tpu.vector_store %arg8[%parallel_loop3A_333, %parallel_loop3A_334], %parallel_loop3A_332 {strides = array<i32>} : memref<96x256xf32, #tpu.memory_space<vmem>>, vector<16xf32>,
      %parallel_loop3A_336 = arith.index_cast %parallel_loop3A_254 : i32 to index
      %parallel_loop3A_337 = arith.constant 176 : index
      %parallel_loop3A_338 = tpu.vector_load %arg8[%parallel_loop3A_336, %parallel_loop3A_337] {strides = array<i32>} : memref<96x256xf32, #tpu.memory_space<vmem>>, vector<16xf32>,
      %parallel_loop3A_339 = arith.mulf %parallel_loop3A_338, %parallel_loop3A_258 : vector<16xf32>
      %parallel_loop3A_340 = arith.index_cast %parallel_loop3A_254 : i32 to index
      %parallel_loop3A_341 = arith.constant 176 : index
      %parallel_loop3A_342 = tpu.vector_load %arg8[%parallel_loop3A_340, %parallel_loop3A_341] {strides = array<i32>} : memref<96x256xf32, #tpu.memory_space<vmem>>, vector<16xf32>,
      tpu.vector_store %arg8[%parallel_loop3A_340, %parallel_loop3A_341], %parallel_loop3A_339 {strides = array<i32>} : memref<96x256xf32, #tpu.memory_space<vmem>>, vector<16xf32>,
      %parallel_loop3A_343 = arith.index_cast %parallel_loop3A_254 : i32 to index
      %parallel_loop3A_344 = arith.constant 192 : index
      %parallel_loop3A_345 = tpu.vector_load %arg8[%parallel_loop3A_343, %parallel_loop3A_344] {strides = array<i32>} : memref<96x256xf32, #tpu.memory_space<vmem>>, vector<16xf32>,
      %parallel_loop3A_346 = arith.mulf %parallel_loop3A_345, %parallel_loop3A_258 : vector<16xf32>
      %parallel_loop3A_347 = arith.index_cast %parallel_loop3A_254 : i32 to index
      %parallel_loop3A_348 = arith.constant 192 : index
      %parallel_loop3A_349 = tpu.vector_load %arg8[%parallel_loop3A_347, %parallel_loop3A_348] {strides = array<i32>} : memref<96x256xf32, #tpu.memory_space<vmem>>, vector<16xf32>,
      tpu.vector_store %arg8[%parallel_loop3A_347, %parallel_loop3A_348], %parallel_loop3A_346 {strides = array<i32>} : memref<96x256xf32, #tpu.memory_space<vmem>>, vector<16xf32>,
      %parallel_loop3A_350 = arith.index_cast %parallel_loop3A_254 : i32 to index
      %parallel_loop3A_351 = arith.constant 208 : index
      %parallel_loop3A_352 = tpu.vector_load %arg8[%parallel_loop3A_350, %parallel_loop3A_351] {strides = array<i32>} : memref<96x256xf32, #tpu.memory_space<vmem>>, vector<16xf32>,
      %parallel_loop3A_353 = arith.mulf %parallel_loop3A_352, %parallel_loop3A_258 : vector<16xf32>
      %parallel_loop3A_354 = arith.index_cast %parallel_loop3A_254 : i32 to index
      %parallel_loop3A_355 = arith.constant 208 : index
      %parallel_loop3A_356 = tpu.vector_load %arg8[%parallel_loop3A_354, %parallel_loop3A_355] {strides = array<i32>} : memref<96x256xf32, #tpu.memory_space<vmem>>, vector<16xf32>,
      tpu.vector_store %arg8[%parallel_loop3A_354, %parallel_loop3A_355], %parallel_loop3A_353 {strides = array<i32>} : memref<96x256xf32, #tpu.memory_space<vmem>>, vector<16xf32>,
      %parallel_loop3A_357 = arith.index_cast %parallel_loop3A_254 : i32 to index
      %parallel_loop3A_358 = arith.constant 224 : index
      %parallel_loop3A_359 = tpu.vector_load %arg8[%parallel_loop3A_357, %parallel_loop3A_358] {strides = array<i32>} : memref<96x256xf32, #tpu.memory_space<vmem>>, vector<16xf32>,
      %parallel_loop3A_360 = arith.mulf %parallel_loop3A_359, %parallel_loop3A_258 : vector<16xf32>
      %parallel_loop3A_361 = arith.index_cast %parallel_loop3A_254 : i32 to index
      %parallel_loop3A_362 = arith.constant 224 : index
      %parallel_loop3A_363 = tpu.vector_load %arg8[%parallel_loop3A_361, %parallel_loop3A_362] {strides = array<i32>} : memref<96x256xf32, #tpu.memory_space<vmem>>, vector<16xf32>,
      tpu.vector_store %arg8[%parallel_loop3A_361, %parallel_loop3A_362], %parallel_loop3A_360 {strides = array<i32>} : memref<96x256xf32, #tpu.memory_space<vmem>>, vector<16xf32>,
      %parallel_loop3A_364 = arith.index_cast %parallel_loop3A_254 : i32 to index
      %parallel_loop3A_365 = arith.constant 240 : index
      %parallel_loop3A_366 = tpu.vector_load %arg8[%parallel_loop3A_364, %parallel_loop3A_365] {strides = array<i32>} : memref<96x256xf32, #tpu.memory_space<vmem>>, vector<16xf32>,
      %parallel_loop3A_367 = arith.mulf %parallel_loop3A_366, %parallel_loop3A_258 : vector<16xf32>
      %parallel_loop3A_368 = arith.index_cast %parallel_loop3A_254 : i32 to index
      %parallel_loop3A_369 = arith.constant 240 : index
      %parallel_loop3A_370 = tpu.vector_load %arg8[%parallel_loop3A_368, %parallel_loop3A_369] {strides = array<i32>} : memref<96x256xf32, #tpu.memory_space<vmem>>, vector<16xf32>,
      tpu.vector_store %arg8[%parallel_loop3A_368, %parallel_loop3A_369], %parallel_loop3A_367 {strides = array<i32>} : memref<96x256xf32, #tpu.memory_space<vmem>>, vector<16xf32>,
    } {sc.loop_unroll_factor = 2 : i64, sc.parallel_access}
    %add3A_119 = arith.constant 4608 : i32
    %add3A_120 = arith.addi %mul3A_2, %add3A_119 : i32
    %dma_start3A_121 = arith.constant 0 : i32
    %dma_start3A_122 = tpu.memref_slice %arg5[%add3A_120, %dma_start3A_121] : memref<160000x256xf32, #tpu.memory_space<hbm>> -> memref<96x256xf32, #tpu.memory_space<hbm>>
    %dma_start3A_123 = arith.constant 0 : i32
    %dma_start3A_124 = tpu.memref_slice %arg5[%add3A_120, %dma_start3A_123] : memref<160000x256xf32, #tpu.memory_space<hbm>> -> memref<96x256xf32, #tpu.memory_space<hbm>>
    tpu.enqueue_dma source(%arg8 : memref<96x256xf32, #tpu.memory_space<vmem>>) target(%dma_start3A_124 : memref<96x256xf32, #tpu.memory_space<hbm>>) target_semaphore(%arg16 : memref<!tpu.dma_semaphore, #tpu.memory_space<semaphore_mem>>)
    %add3A_125 = arith.constant 4416 : i32
    %add3A_126 = arith.addi %mul3A_2, %add3A_125 : i32
    %dma_wait3A_127 = arith.constant 0 : i32
    %dma_wait3A_128 = tpu.memref_slice %arg5[%add3A_126, %dma_wait3A_127] : memref<160000x256xf32, #tpu.memory_space<hbm>> -> memref<96x256xf32, #tpu.memory_space<hbm>>
    %dma_wait3A_129 = arith.constant 0 : i32
    %dma_wait3A_130 = tpu.memref_slice %arg5[%add3A_126, %dma_wait3A_129] : memref<160000x256xf32, #tpu.memory_space<hbm>> -> memref<96x256xf32, #tpu.memory_space<hbm>>
    tpu.wait_dma2 semaphore(%arg18 : memref<!tpu.dma_semaphore, #tpu.memory_space<semaphore_mem>>) src(%arg10 : memref<96x256xf32, #tpu.memory_space<vmem>>) dst(%dma_wait3A_130 : memref<96x256xf32, #tpu.memory_space<hbm>>)
    %dma_start3A_131 = arith.constant 4800 : i32
    %dma_start3A_132 = tpu.memref_slice %arg6[%dma_start3A_131] : memref<5000xi32, #tpu.memory_space<vmem>> -> memref<96xi32, #tpu.memory_space<vmem>>
    %dma_start3A_133 = arith.constant 0 : i32
    %dma_start3A_134 = arith.constant 0 : i32
    %dma_start3A_135 = tpu.memref_slice %arg2[%dma_start3A_133, %dma_start3A_134] : memref<10000x256xf32, #tpu.memory_space<hbm>> -> memref<10000x256xf32, #tpu.memory_space<hbm>>
    tpu.enqueue_indirect_dma source(%dma_start3A_135 : memref<10000x256xf32, #tpu.memory_space<hbm>>) target(%arg10 : memref<96x256xf32, #tpu.memory_space<vmem>>) offsets(%dma_start3A_132 : memref<96xi32, #tpu.memory_space<vmem>>) semaphore(%arg14 : memref<!tpu.dma_semaphore, #tpu.memory_space<semaphore_mem>>)
    %dma_wait3A_136 = arith.constant 4704 : i32
    %dma_wait3A_137 = tpu.memref_slice %arg6[%dma_wait3A_136] : memref<5000xi32, #tpu.memory_space<vmem>> -> memref<96xi32, #tpu.memory_space<vmem>>
    %dma_wait3A_138 = arith.constant 0 : i32
    %dma_wait3A_139 = arith.constant 0 : i32
    %dma_wait3A_140 = tpu.memref_slice %arg2[%dma_wait3A_138, %dma_wait3A_139] : memref<10000x256xf32, #tpu.memory_space<hbm>> -> memref<10000x256xf32, #tpu.memory_space<hbm>>
    tpu.wait_indirect_dma semaphore(%arg13 : memref<!tpu.dma_semaphore, #tpu.memory_space<semaphore_mem>>) src(%dma_wait3A_140 : memref<10000x256xf32, #tpu.memory_space<hbm>>) dst(%arg9 : memref<96x256xf32, #tpu.memory_space<vmem>>)
    %parallel_loop3A_141 = arith.constant 0 : i32
    %parallel_loop3A_142 = arith.constant 96 : i32
    %parallel_loop3A_143 = arith.constant 1 : i32
    scf.for %parallel_loop3A_254 = %parallel_loop3A_141 to %parallel_loop3A_142 step %parallel_loop3A_143  : i32 {
      %parallel_loop3A_255 = arith.constant 4704 : i32
      %parallel_loop3A_256 = arith.addi %parallel_loop3A_255, %parallel_loop3A_254 : i32
      %parallel_loop3A_257 = vector.broadcast %parallel_loop3A_256 : i32 to vector<16xi32>
      %parallel_loop3A_258 = tpu.vector_load_idx %arg7[%parallel_loop3A_257] : memref<5000xf32, #tpu.memory_space<vmem>>[vector<16xi32>], vector<16xf32>,
      %parallel_loop3A_259 = arith.index_cast %parallel_loop3A_254 : i32 to index
      %parallel_loop3A_260 = arith.constant 0 : index
      %parallel_loop3A_261 = tpu.vector_load %arg9[%parallel_loop3A_259, %parallel_loop3A_260] {strides = array<i32>} : memref<96x256xf32, #tpu.memory_space<vmem>>, vector<16xf32>,
      %parallel_loop3A_262 = arith.mulf %parallel_loop3A_261, %parallel_loop3A_258 : vector<16xf32>
      %parallel_loop3A_263 = arith.index_cast %parallel_loop3A_254 : i32 to index
      %parallel_loop3A_264 = arith.constant 0 : index
      %parallel_loop3A_265 = tpu.vector_load %arg9[%parallel_loop3A_263, %parallel_loop3A_264] {strides = array<i32>} : memref<96x256xf32, #tpu.memory_space<vmem>>, vector<16xf32>,
      tpu.vector_store %arg9[%parallel_loop3A_263, %parallel_loop3A_264], %parallel_loop3A_262 {strides = array<i32>} : memref<96x256xf32, #tpu.memory_space<vmem>>, vector<16xf32>,
      %parallel_loop3A_266 = arith.index_cast %parallel_loop3A_254 : i32 to index
      %parallel_loop3A_267 = arith.constant 16 : index
      %parallel_loop3A_268 = tpu.vector_load %arg9[%parallel_loop3A_266, %parallel_loop3A_267] {strides = array<i32>} : memref<96x256xf32, #tpu.memory_space<vmem>>, vector<16xf32>,
      %parallel_loop3A_269 = arith.mulf %parallel_loop3A_268, %parallel_loop3A_258 : vector<16xf32>
      %parallel_loop3A_270 = arith.index_cast %parallel_loop3A_254 : i32 to index
      %parallel_loop3A_271 = arith.constant 16 : index
      %parallel_loop3A_272 = tpu.vector_load %arg9[%parallel_loop3A_270, %parallel_loop3A_271] {strides = array<i32>} : memref<96x256xf32, #tpu.memory_space<vmem>>, vector<16xf32>,
      tpu.vector_store %arg9[%parallel_loop3A_270, %parallel_loop3A_271], %parallel_loop3A_269 {strides = array<i32>} : memref<96x256xf32, #tpu.memory_space<vmem>>, vector<16xf32>,
      %parallel_loop3A_273 = arith.index_cast %parallel_loop3A_254 : i32 to index
      %parallel_loop3A_274 = arith.constant 32 : index
      %parallel_loop3A_275 = tpu.vector_load %arg9[%parallel_loop3A_273, %parallel_loop3A_274] {strides = array<i32>} : memref<96x256xf32, #tpu.memory_space<vmem>>, vector<16xf32>,
      %parallel_loop3A_276 = arith.mulf %parallel_loop3A_275, %parallel_loop3A_258 : vector<16xf32>
      %parallel_loop3A_277 = arith.index_cast %parallel_loop3A_254 : i32 to index
      %parallel_loop3A_278 = arith.constant 32 : index
      %parallel_loop3A_279 = tpu.vector_load %arg9[%parallel_loop3A_277, %parallel_loop3A_278] {strides = array<i32>} : memref<96x256xf32, #tpu.memory_space<vmem>>, vector<16xf32>,
      tpu.vector_store %arg9[%parallel_loop3A_277, %parallel_loop3A_278], %parallel_loop3A_276 {strides = array<i32>} : memref<96x256xf32, #tpu.memory_space<vmem>>, vector<16xf32>,
      %parallel_loop3A_280 = arith.index_cast %parallel_loop3A_254 : i32 to index
      %parallel_loop3A_281 = arith.constant 48 : index
      %parallel_loop3A_282 = tpu.vector_load %arg9[%parallel_loop3A_280, %parallel_loop3A_281] {strides = array<i32>} : memref<96x256xf32, #tpu.memory_space<vmem>>, vector<16xf32>,
      %parallel_loop3A_283 = arith.mulf %parallel_loop3A_282, %parallel_loop3A_258 : vector<16xf32>
      %parallel_loop3A_284 = arith.index_cast %parallel_loop3A_254 : i32 to index
      %parallel_loop3A_285 = arith.constant 48 : index
      %parallel_loop3A_286 = tpu.vector_load %arg9[%parallel_loop3A_284, %parallel_loop3A_285] {strides = array<i32>} : memref<96x256xf32, #tpu.memory_space<vmem>>, vector<16xf32>,
      tpu.vector_store %arg9[%parallel_loop3A_284, %parallel_loop3A_285], %parallel_loop3A_283 {strides = array<i32>} : memref<96x256xf32, #tpu.memory_space<vmem>>, vector<16xf32>,
      %parallel_loop3A_287 = arith.index_cast %parallel_loop3A_254 : i32 to index
      %parallel_loop3A_288 = arith.constant 64 : index
      %parallel_loop3A_289 = tpu.vector_load %arg9[%parallel_loop3A_287, %parallel_loop3A_288] {strides = array<i32>} : memref<96x256xf32, #tpu.memory_space<vmem>>, vector<16xf32>,
      %parallel_loop3A_290 = arith.mulf %parallel_loop3A_289, %parallel_loop3A_258 : vector<16xf32>
      %parallel_loop3A_291 = arith.index_cast %parallel_loop3A_254 : i32 to index
      %parallel_loop3A_292 = arith.constant 64 : index
      %parallel_loop3A_293 = tpu.vector_load %arg9[%parallel_loop3A_291, %parallel_loop3A_292] {strides = array<i32>} : memref<96x256xf32, #tpu.memory_space<vmem>>, vector<16xf32>,
      tpu.vector_store %arg9[%parallel_loop3A_291, %parallel_loop3A_292], %parallel_loop3A_290 {strides = array<i32>} : memref<96x256xf32, #tpu.memory_space<vmem>>, vector<16xf32>,
      %parallel_loop3A_294 = arith.index_cast %parallel_loop3A_254 : i32 to index
      %parallel_loop3A_295 = arith.constant 80 : index
      %parallel_loop3A_296 = tpu.vector_load %arg9[%parallel_loop3A_294, %parallel_loop3A_295] {strides = array<i32>} : memref<96x256xf32, #tpu.memory_space<vmem>>, vector<16xf32>,
      %parallel_loop3A_297 = arith.mulf %parallel_loop3A_296, %parallel_loop3A_258 : vector<16xf32>
      %parallel_loop3A_298 = arith.index_cast %parallel_loop3A_254 : i32 to index
      %parallel_loop3A_299 = arith.constant 80 : index
      %parallel_loop3A_300 = tpu.vector_load %arg9[%parallel_loop3A_298, %parallel_loop3A_299] {strides = array<i32>} : memref<96x256xf32, #tpu.memory_space<vmem>>, vector<16xf32>,
      tpu.vector_store %arg9[%parallel_loop3A_298, %parallel_loop3A_299], %parallel_loop3A_297 {strides = array<i32>} : memref<96x256xf32, #tpu.memory_space<vmem>>, vector<16xf32>,
      %parallel_loop3A_301 = arith.index_cast %parallel_loop3A_254 : i32 to index
      %parallel_loop3A_302 = arith.constant 96 : index
      %parallel_loop3A_303 = tpu.vector_load %arg9[%parallel_loop3A_301, %parallel_loop3A_302] {strides = array<i32>} : memref<96x256xf32, #tpu.memory_space<vmem>>, vector<16xf32>,
      %parallel_loop3A_304 = arith.mulf %parallel_loop3A_303, %parallel_loop3A_258 : vector<16xf32>
      %parallel_loop3A_305 = arith.index_cast %parallel_loop3A_254 : i32 to index
      %parallel_loop3A_306 = arith.constant 96 : index
      %parallel_loop3A_307 = tpu.vector_load %arg9[%parallel_loop3A_305, %parallel_loop3A_306] {strides = array<i32>} : memref<96x256xf32, #tpu.memory_space<vmem>>, vector<16xf32>,
      tpu.vector_store %arg9[%parallel_loop3A_305, %parallel_loop3A_306], %parallel_loop3A_304 {strides = array<i32>} : memref<96x256xf32, #tpu.memory_space<vmem>>, vector<16xf32>,
      %parallel_loop3A_308 = arith.index_cast %parallel_loop3A_254 : i32 to index
      %parallel_loop3A_309 = arith.constant 112 : index
      %parallel_loop3A_310 = tpu.vector_load %arg9[%parallel_loop3A_308, %parallel_loop3A_309] {strides = array<i32>} : memref<96x256xf32, #tpu.memory_space<vmem>>, vector<16xf32>,
      %parallel_loop3A_311 = arith.mulf %parallel_loop3A_310, %parallel_loop3A_258 : vector<16xf32>
      %parallel_loop3A_312 = arith.index_cast %parallel_loop3A_254 : i32 to index
      %parallel_loop3A_313 = arith.constant 112 : index
      %parallel_loop3A_314 = tpu.vector_load %arg9[%parallel_loop3A_312, %parallel_loop3A_313] {strides = array<i32>} : memref<96x256xf32, #tpu.memory_space<vmem>>, vector<16xf32>,
      tpu.vector_store %arg9[%parallel_loop3A_312, %parallel_loop3A_313], %parallel_loop3A_311 {strides = array<i32>} : memref<96x256xf32, #tpu.memory_space<vmem>>, vector<16xf32>,
      %parallel_loop3A_315 = arith.index_cast %parallel_loop3A_254 : i32 to index
      %parallel_loop3A_316 = arith.constant 128 : index
      %parallel_loop3A_317 = tpu.vector_load %arg9[%parallel_loop3A_315, %parallel_loop3A_316] {strides = array<i32>} : memref<96x256xf32, #tpu.memory_space<vmem>>, vector<16xf32>,
      %parallel_loop3A_318 = arith.mulf %parallel_loop3A_317, %parallel_loop3A_258 : vector<16xf32>
      %parallel_loop3A_319 = arith.index_cast %parallel_loop3A_254 : i32 to index
      %parallel_loop3A_320 = arith.constant 128 : index
      %parallel_loop3A_321 = tpu.vector_load %arg9[%parallel_loop3A_319, %parallel_loop3A_320] {strides = array<i32>} : memref<96x256xf32, #tpu.memory_space<vmem>>, vector<16xf32>,
      tpu.vector_store %arg9[%parallel_loop3A_319, %parallel_loop3A_320], %parallel_loop3A_318 {strides = array<i32>} : memref<96x256xf32, #tpu.memory_space<vmem>>, vector<16xf32>,
      %parallel_loop3A_322 = arith.index_cast %parallel_loop3A_254 : i32 to index
      %parallel_loop3A_323 = arith.constant 144 : index
      %parallel_loop3A_324 = tpu.vector_load %arg9[%parallel_loop3A_322, %parallel_loop3A_323] {strides = array<i32>} : memref<96x256xf32, #tpu.memory_space<vmem>>, vector<16xf32>,
      %parallel_loop3A_325 = arith.mulf %parallel_loop3A_324, %parallel_loop3A_258 : vector<16xf32>
      %parallel_loop3A_326 = arith.index_cast %parallel_loop3A_254 : i32 to index
      %parallel_loop3A_327 = arith.constant 144 : index
      %parallel_loop3A_328 = tpu.vector_load %arg9[%parallel_loop3A_326, %parallel_loop3A_327] {strides = array<i32>} : memref<96x256xf32, #tpu.memory_space<vmem>>, vector<16xf32>,
      tpu.vector_store %arg9[%parallel_loop3A_326, %parallel_loop3A_327], %parallel_loop3A_325 {strides = array<i32>} : memref<96x256xf32, #tpu.memory_space<vmem>>, vector<16xf32>,
      %parallel_loop3A_329 = arith.index_cast %parallel_loop3A_254 : i32 to index
      %parallel_loop3A_330 = arith.constant 160 : index
      %parallel_loop3A_331 = tpu.vector_load %arg9[%parallel_loop3A_329, %parallel_loop3A_330] {strides = array<i32>} : memref<96x256xf32, #tpu.memory_space<vmem>>, vector<16xf32>,
      %parallel_loop3A_332 = arith.mulf %parallel_loop3A_331, %parallel_loop3A_258 : vector<16xf32>
      %parallel_loop3A_333 = arith.index_cast %parallel_loop3A_254 : i32 to index
      %parallel_loop3A_334 = arith.constant 160 : index
      %parallel_loop3A_335 = tpu.vector_load %arg9[%parallel_loop3A_333, %parallel_loop3A_334] {strides = array<i32>} : memref<96x256xf32, #tpu.memory_space<vmem>>, vector<16xf32>,
      tpu.vector_store %arg9[%parallel_loop3A_333, %parallel_loop3A_334], %parallel_loop3A_332 {strides = array<i32>} : memref<96x256xf32, #tpu.memory_space<vmem>>, vector<16xf32>,
      %parallel_loop3A_336 = arith.index_cast %parallel_loop3A_254 : i32 to index
      %parallel_loop3A_337 = arith.constant 176 : index
      %parallel_loop3A_338 = tpu.vector_load %arg9[%parallel_loop3A_336, %parallel_loop3A_337] {strides = array<i32>} : memref<96x256xf32, #tpu.memory_space<vmem>>, vector<16xf32>,
      %parallel_loop3A_339 = arith.mulf %parallel_loop3A_338, %parallel_loop3A_258 : vector<16xf32>
      %parallel_loop3A_340 = arith.index_cast %parallel_loop3A_254 : i32 to index
      %parallel_loop3A_341 = arith.constant 176 : index
      %parallel_loop3A_342 = tpu.vector_load %arg9[%parallel_loop3A_340, %parallel_loop3A_341] {strides = array<i32>} : memref<96x256xf32, #tpu.memory_space<vmem>>, vector<16xf32>,
      tpu.vector_store %arg9[%parallel_loop3A_340, %parallel_loop3A_341], %parallel_loop3A_339 {strides = array<i32>} : memref<96x256xf32, #tpu.memory_space<vmem>>, vector<16xf32>,
      %parallel_loop3A_343 = arith.index_cast %parallel_loop3A_254 : i32 to index
      %parallel_loop3A_344 = arith.constant 192 : index
      %parallel_loop3A_345 = tpu.vector_load %arg9[%parallel_loop3A_343, %parallel_loop3A_344] {strides = array<i32>} : memref<96x256xf32, #tpu.memory_space<vmem>>, vector<16xf32>,
      %parallel_loop3A_346 = arith.mulf %parallel_loop3A_345, %parallel_loop3A_258 : vector<16xf32>
      %parallel_loop3A_347 = arith.index_cast %parallel_loop3A_254 : i32 to index
      %parallel_loop3A_348 = arith.constant 192 : index
      %parallel_loop3A_349 = tpu.vector_load %arg9[%parallel_loop3A_347, %parallel_loop3A_348] {strides = array<i32>} : memref<96x256xf32, #tpu.memory_space<vmem>>, vector<16xf32>,
      tpu.vector_store %arg9[%parallel_loop3A_347, %parallel_loop3A_348], %parallel_loop3A_346 {strides = array<i32>} : memref<96x256xf32, #tpu.memory_space<vmem>>, vector<16xf32>,
      %parallel_loop3A_350 = arith.index_cast %parallel_loop3A_254 : i32 to index
      %parallel_loop3A_351 = arith.constant 208 : index
      %parallel_loop3A_352 = tpu.vector_load %arg9[%parallel_loop3A_350, %parallel_loop3A_351] {strides = array<i32>} : memref<96x256xf32, #tpu.memory_space<vmem>>, vector<16xf32>,
      %parallel_loop3A_353 = arith.mulf %parallel_loop3A_352, %parallel_loop3A_258 : vector<16xf32>
      %parallel_loop3A_354 = arith.index_cast %parallel_loop3A_254 : i32 to index
      %parallel_loop3A_355 = arith.constant 208 : index
      %parallel_loop3A_356 = tpu.vector_load %arg9[%parallel_loop3A_354, %parallel_loop3A_355] {strides = array<i32>} : memref<96x256xf32, #tpu.memory_space<vmem>>, vector<16xf32>,
      tpu.vector_store %arg9[%parallel_loop3A_354, %parallel_loop3A_355], %parallel_loop3A_353 {strides = array<i32>} : memref<96x256xf32, #tpu.memory_space<vmem>>, vector<16xf32>,
      %parallel_loop3A_357 = arith.index_cast %parallel_loop3A_254 : i32 to index
      %parallel_loop3A_358 = arith.constant 224 : index
      %parallel_loop3A_359 = tpu.vector_load %arg9[%parallel_loop3A_357, %parallel_loop3A_358] {strides = array<i32>} : memref<96x256xf32, #tpu.memory_space<vmem>>, vector<16xf32>,
      %parallel_loop3A_360 = arith.mulf %parallel_loop3A_359, %parallel_loop3A_258 : vector<16xf32>
      %parallel_loop3A_361 = arith.index_cast %parallel_loop3A_254 : i32 to index
      %parallel_loop3A_362 = arith.constant 224 : index
      %parallel_loop3A_363 = tpu.vector_load %arg9[%parallel_loop3A_361, %parallel_loop3A_362] {strides = array<i32>} : memref<96x256xf32, #tpu.memory_space<vmem>>, vector<16xf32>,
      tpu.vector_store %arg9[%parallel_loop3A_361, %parallel_loop3A_362], %parallel_loop3A_360 {strides = array<i32>} : memref<96x256xf32, #tpu.memory_space<vmem>>, vector<16xf32>,
      %parallel_loop3A_364 = arith.index_cast %parallel_loop3A_254 : i32 to index
      %parallel_loop3A_365 = arith.constant 240 : index
      %parallel_loop3A_366 = tpu.vector_load %arg9[%parallel_loop3A_364, %parallel_loop3A_365] {strides = array<i32>} : memref<96x256xf32, #tpu.memory_space<vmem>>, vector<16xf32>,
      %parallel_loop3A_367 = arith.mulf %parallel_loop3A_366, %parallel_loop3A_258 : vector<16xf32>
      %parallel_loop3A_368 = arith.index_cast %parallel_loop3A_254 : i32 to index
      %parallel_loop3A_369 = arith.constant 240 : index
      %parallel_loop3A_370 = tpu.vector_load %arg9[%parallel_loop3A_368, %parallel_loop3A_369] {strides = array<i32>} : memref<96x256xf32, #tpu.memory_space<vmem>>, vector<16xf32>,
      tpu.vector_store %arg9[%parallel_loop3A_368, %parallel_loop3A_369], %parallel_loop3A_367 {strides = array<i32>} : memref<96x256xf32, #tpu.memory_space<vmem>>, vector<16xf32>,
    } {sc.loop_unroll_factor = 2 : i64, sc.parallel_access}
    %add3A_144 = arith.constant 4704 : i32
    %add3A_145 = arith.addi %mul3A_2, %add3A_144 : i32
    %dma_start3A_146 = arith.constant 0 : i32
    %dma_start3A_147 = tpu.memref_slice %arg5[%add3A_145, %dma_start3A_146] : memref<160000x256xf32, #tpu.memory_space<hbm>> -> memref<96x256xf32, #tpu.memory_space<hbm>>
    %dma_start3A_148 = arith.constant 0 : i32
    %dma_start3A_149 = tpu.memref_slice %arg5[%add3A_145, %dma_start3A_148] : memref<160000x256xf32, #tpu.memory_space<hbm>> -> memref<96x256xf32, #tpu.memory_space<hbm>>
    tpu.enqueue_dma source(%arg9 : memref<96x256xf32, #tpu.memory_space<vmem>>) target(%dma_start3A_149 : memref<96x256xf32, #tpu.memory_space<hbm>>) target_semaphore(%arg17 : memref<!tpu.dma_semaphore, #tpu.memory_space<semaphore_mem>>)
    %add3A_150 = arith.constant 4512 : i32
    %add3A_151 = arith.addi %mul3A_2, %add3A_150 : i32
    %dma_wait3A_152 = arith.constant 0 : i32
    %dma_wait3A_153 = tpu.memref_slice %arg5[%add3A_151, %dma_wait3A_152] : memref<160000x256xf32, #tpu.memory_space<hbm>> -> memref<96x256xf32, #tpu.memory_space<hbm>>
    %dma_wait3A_154 = arith.constant 0 : i32
    %dma_wait3A_155 = tpu.memref_slice %arg5[%add3A_151, %dma_wait3A_154] : memref<160000x256xf32, #tpu.memory_space<hbm>> -> memref<96x256xf32, #tpu.memory_space<hbm>>
    tpu.wait_dma2 semaphore(%arg19 : memref<!tpu.dma_semaphore, #tpu.memory_space<semaphore_mem>>) src(%arg11 : memref<96x256xf32, #tpu.memory_space<vmem>>) dst(%dma_wait3A_155 : memref<96x256xf32, #tpu.memory_space<hbm>>)
    %dma_start3A_156 = arith.constant 4896 : i32
    %dma_start3A_157 = tpu.memref_slice %arg6[%dma_start3A_156] : memref<5000xi32, #tpu.memory_space<vmem>> -> memref<96xi32, #tpu.memory_space<vmem>>
    %dma_start3A_158 = arith.constant 0 : i32
    %dma_start3A_159 = arith.constant 0 : i32
    %dma_start3A_160 = tpu.memref_slice %arg2[%dma_start3A_158, %dma_start3A_159] : memref<10000x256xf32, #tpu.memory_space<hbm>> -> memref<10000x256xf32, #tpu.memory_space<hbm>>
    tpu.enqueue_indirect_dma source(%dma_start3A_160 : memref<10000x256xf32, #tpu.memory_space<hbm>>) target(%arg11 : memref<96x256xf32, #tpu.memory_space<vmem>>) offsets(%dma_start3A_157 : memref<96xi32, #tpu.memory_space<vmem>>) semaphore(%arg15 : memref<!tpu.dma_semaphore, #tpu.memory_space<semaphore_mem>>)
    %dma_wait3A_161 = arith.constant 4800 : i32
    %dma_wait3A_162 = tpu.memref_slice %arg6[%dma_wait3A_161] : memref<5000xi32, #tpu.memory_space<vmem>> -> memref<96xi32, #tpu.memory_space<vmem>>
    %dma_wait3A_163 = arith.constant 0 : i32
    %dma_wait3A_164 = arith.constant 0 : i32
    %dma_wait3A_165 = tpu.memref_slice %arg2[%dma_wait3A_163, %dma_wait3A_164] : memref<10000x256xf32, #tpu.memory_space<hbm>> -> memref<10000x256xf32, #tpu.memory_space<hbm>>
    tpu.wait_indirect_dma semaphore(%arg14 : memref<!tpu.dma_semaphore, #tpu.memory_space<semaphore_mem>>) src(%dma_wait3A_165 : memref<10000x256xf32, #tpu.memory_space<hbm>>) dst(%arg10 : memref<96x256xf32, #tpu.memory_space<vmem>>)
    %parallel_loop3A_166 = arith.constant 0 : i32
    %parallel_loop3A_167 = arith.constant 96 : i32
    %parallel_loop3A_168 = arith.constant 1 : i32
    scf.for %parallel_loop3A_254 = %parallel_loop3A_166 to %parallel_loop3A_167 step %parallel_loop3A_168  : i32 {
      %parallel_loop3A_255 = arith.constant 4800 : i32
      %parallel_loop3A_256 = arith.addi %parallel_loop3A_255, %parallel_loop3A_254 : i32
      %parallel_loop3A_257 = vector.broadcast %parallel_loop3A_256 : i32 to vector<16xi32>
      %parallel_loop3A_258 = tpu.vector_load_idx %arg7[%parallel_loop3A_257] : memref<5000xf32, #tpu.memory_space<vmem>>[vector<16xi32>], vector<16xf32>,
      %parallel_loop3A_259 = arith.index_cast %parallel_loop3A_254 : i32 to index
      %parallel_loop3A_260 = arith.constant 0 : index
      %parallel_loop3A_261 = tpu.vector_load %arg10[%parallel_loop3A_259, %parallel_loop3A_260] {strides = array<i32>} : memref<96x256xf32, #tpu.memory_space<vmem>>, vector<16xf32>,
      %parallel_loop3A_262 = arith.mulf %parallel_loop3A_261, %parallel_loop3A_258 : vector<16xf32>
      %parallel_loop3A_263 = arith.index_cast %parallel_loop3A_254 : i32 to index
      %parallel_loop3A_264 = arith.constant 0 : index
      %parallel_loop3A_265 = tpu.vector_load %arg10[%parallel_loop3A_263, %parallel_loop3A_264] {strides = array<i32>} : memref<96x256xf32, #tpu.memory_space<vmem>>, vector<16xf32>,
      tpu.vector_store %arg10[%parallel_loop3A_263, %parallel_loop3A_264], %parallel_loop3A_262 {strides = array<i32>} : memref<96x256xf32, #tpu.memory_space<vmem>>, vector<16xf32>,
      %parallel_loop3A_266 = arith.index_cast %parallel_loop3A_254 : i32 to index
      %parallel_loop3A_267 = arith.constant 16 : index
      %parallel_loop3A_268 = tpu.vector_load %arg10[%parallel_loop3A_266, %parallel_loop3A_267] {strides = array<i32>} : memref<96x256xf32, #tpu.memory_space<vmem>>, vector<16xf32>,
      %parallel_loop3A_269 = arith.mulf %parallel_loop3A_268, %parallel_loop3A_258 : vector<16xf32>
      %parallel_loop3A_270 = arith.index_cast %parallel_loop3A_254 : i32 to index
      %parallel_loop3A_271 = arith.constant 16 : index
      %parallel_loop3A_272 = tpu.vector_load %arg10[%parallel_loop3A_270, %parallel_loop3A_271] {strides = array<i32>} : memref<96x256xf32, #tpu.memory_space<vmem>>, vector<16xf32>,
      tpu.vector_store %arg10[%parallel_loop3A_270, %parallel_loop3A_271], %parallel_loop3A_269 {strides = array<i32>} : memref<96x256xf32, #tpu.memory_space<vmem>>, vector<16xf32>,
      %parallel_loop3A_273 = arith.index_cast %parallel_loop3A_254 : i32 to index
      %parallel_loop3A_274 = arith.constant 32 : index
      %parallel_loop3A_275 = tpu.vector_load %arg10[%parallel_loop3A_273, %parallel_loop3A_274] {strides = array<i32>} : memref<96x256xf32, #tpu.memory_space<vmem>>, vector<16xf32>,
      %parallel_loop3A_276 = arith.mulf %parallel_loop3A_275, %parallel_loop3A_258 : vector<16xf32>
      %parallel_loop3A_277 = arith.index_cast %parallel_loop3A_254 : i32 to index
      %parallel_loop3A_278 = arith.constant 32 : index
      %parallel_loop3A_279 = tpu.vector_load %arg10[%parallel_loop3A_277, %parallel_loop3A_278] {strides = array<i32>} : memref<96x256xf32, #tpu.memory_space<vmem>>, vector<16xf32>,
      tpu.vector_store %arg10[%parallel_loop3A_277, %parallel_loop3A_278], %parallel_loop3A_276 {strides = array<i32>} : memref<96x256xf32, #tpu.memory_space<vmem>>, vector<16xf32>,
      %parallel_loop3A_280 = arith.index_cast %parallel_loop3A_254 : i32 to index
      %parallel_loop3A_281 = arith.constant 48 : index
      %parallel_loop3A_282 = tpu.vector_load %arg10[%parallel_loop3A_280, %parallel_loop3A_281] {strides = array<i32>} : memref<96x256xf32, #tpu.memory_space<vmem>>, vector<16xf32>,
      %parallel_loop3A_283 = arith.mulf %parallel_loop3A_282, %parallel_loop3A_258 : vector<16xf32>
      %parallel_loop3A_284 = arith.index_cast %parallel_loop3A_254 : i32 to index
      %parallel_loop3A_285 = arith.constant 48 : index
      %parallel_loop3A_286 = tpu.vector_load %arg10[%parallel_loop3A_284, %parallel_loop3A_285] {strides = array<i32>} : memref<96x256xf32, #tpu.memory_space<vmem>>, vector<16xf32>,
      tpu.vector_store %arg10[%parallel_loop3A_284, %parallel_loop3A_285], %parallel_loop3A_283 {strides = array<i32>} : memref<96x256xf32, #tpu.memory_space<vmem>>, vector<16xf32>,
      %parallel_loop3A_287 = arith.index_cast %parallel_loop3A_254 : i32 to index
      %parallel_loop3A_288 = arith.constant 64 : index
      %parallel_loop3A_289 = tpu.vector_load %arg10[%parallel_loop3A_287, %parallel_loop3A_288] {strides = array<i32>} : memref<96x256xf32, #tpu.memory_space<vmem>>, vector<16xf32>,
      %parallel_loop3A_290 = arith.mulf %parallel_loop3A_289, %parallel_loop3A_258 : vector<16xf32>
      %parallel_loop3A_291 = arith.index_cast %parallel_loop3A_254 : i32 to index
      %parallel_loop3A_292 = arith.constant 64 : index
      %parallel_loop3A_293 = tpu.vector_load %arg10[%parallel_loop3A_291, %parallel_loop3A_292] {strides = array<i32>} : memref<96x256xf32, #tpu.memory_space<vmem>>, vector<16xf32>,
      tpu.vector_store %arg10[%parallel_loop3A_291, %parallel_loop3A_292], %parallel_loop3A_290 {strides = array<i32>} : memref<96x256xf32, #tpu.memory_space<vmem>>, vector<16xf32>,
      %parallel_loop3A_294 = arith.index_cast %parallel_loop3A_254 : i32 to index
      %parallel_loop3A_295 = arith.constant 80 : index
      %parallel_loop3A_296 = tpu.vector_load %arg10[%parallel_loop3A_294, %parallel_loop3A_295] {strides = array<i32>} : memref<96x256xf32, #tpu.memory_space<vmem>>, vector<16xf32>,
      %parallel_loop3A_297 = arith.mulf %parallel_loop3A_296, %parallel_loop3A_258 : vector<16xf32>
      %parallel_loop3A_298 = arith.index_cast %parallel_loop3A_254 : i32 to index
      %parallel_loop3A_299 = arith.constant 80 : index
      %parallel_loop3A_300 = tpu.vector_load %arg10[%parallel_loop3A_298, %parallel_loop3A_299] {strides = array<i32>} : memref<96x256xf32, #tpu.memory_space<vmem>>, vector<16xf32>,
      tpu.vector_store %arg10[%parallel_loop3A_298, %parallel_loop3A_299], %parallel_loop3A_297 {strides = array<i32>} : memref<96x256xf32, #tpu.memory_space<vmem>>, vector<16xf32>,
      %parallel_loop3A_301 = arith.index_cast %parallel_loop3A_254 : i32 to index
      %parallel_loop3A_302 = arith.constant 96 : index
      %parallel_loop3A_303 = tpu.vector_load %arg10[%parallel_loop3A_301, %parallel_loop3A_302] {strides = array<i32>} : memref<96x256xf32, #tpu.memory_space<vmem>>, vector<16xf32>,
      %parallel_loop3A_304 = arith.mulf %parallel_loop3A_303, %parallel_loop3A_258 : vector<16xf32>
      %parallel_loop3A_305 = arith.index_cast %parallel_loop3A_254 : i32 to index
      %parallel_loop3A_306 = arith.constant 96 : index
      %parallel_loop3A_307 = tpu.vector_load %arg10[%parallel_loop3A_305, %parallel_loop3A_306] {strides = array<i32>} : memref<96x256xf32, #tpu.memory_space<vmem>>, vector<16xf32>,
      tpu.vector_store %arg10[%parallel_loop3A_305, %parallel_loop3A_306], %parallel_loop3A_304 {strides = array<i32>} : memref<96x256xf32, #tpu.memory_space<vmem>>, vector<16xf32>,
      %parallel_loop3A_308 = arith.index_cast %parallel_loop3A_254 : i32 to index
      %parallel_loop3A_309 = arith.constant 112 : index
      %parallel_loop3A_310 = tpu.vector_load %arg10[%parallel_loop3A_308, %parallel_loop3A_309] {strides = array<i32>} : memref<96x256xf32, #tpu.memory_space<vmem>>, vector<16xf32>,
      %parallel_loop3A_311 = arith.mulf %parallel_loop3A_310, %parallel_loop3A_258 : vector<16xf32>
      %parallel_loop3A_312 = arith.index_cast %parallel_loop3A_254 : i32 to index
      %parallel_loop3A_313 = arith.constant 112 : index
      %parallel_loop3A_314 = tpu.vector_load %arg10[%parallel_loop3A_312, %parallel_loop3A_313] {strides = array<i32>} : memref<96x256xf32, #tpu.memory_space<vmem>>, vector<16xf32>,
      tpu.vector_store %arg10[%parallel_loop3A_312, %parallel_loop3A_313], %parallel_loop3A_311 {strides = array<i32>} : memref<96x256xf32, #tpu.memory_space<vmem>>, vector<16xf32>,
      %parallel_loop3A_315 = arith.index_cast %parallel_loop3A_254 : i32 to index
      %parallel_loop3A_316 = arith.constant 128 : index
      %parallel_loop3A_317 = tpu.vector_load %arg10[%parallel_loop3A_315, %parallel_loop3A_316] {strides = array<i32>} : memref<96x256xf32, #tpu.memory_space<vmem>>, vector<16xf32>,
      %parallel_loop3A_318 = arith.mulf %parallel_loop3A_317, %parallel_loop3A_258 : vector<16xf32>
      %parallel_loop3A_319 = arith.index_cast %parallel_loop3A_254 : i32 to index
      %parallel_loop3A_320 = arith.constant 128 : index
      %parallel_loop3A_321 = tpu.vector_load %arg10[%parallel_loop3A_319, %parallel_loop3A_320] {strides = array<i32>} : memref<96x256xf32, #tpu.memory_space<vmem>>, vector<16xf32>,
      tpu.vector_store %arg10[%parallel_loop3A_319, %parallel_loop3A_320], %parallel_loop3A_318 {strides = array<i32>} : memref<96x256xf32, #tpu.memory_space<vmem>>, vector<16xf32>,
      %parallel_loop3A_322 = arith.index_cast %parallel_loop3A_254 : i32 to index
      %parallel_loop3A_323 = arith.constant 144 : index
      %parallel_loop3A_324 = tpu.vector_load %arg10[%parallel_loop3A_322, %parallel_loop3A_323] {strides = array<i32>} : memref<96x256xf32, #tpu.memory_space<vmem>>, vector<16xf32>,
      %parallel_loop3A_325 = arith.mulf %parallel_loop3A_324, %parallel_loop3A_258 : vector<16xf32>
      %parallel_loop3A_326 = arith.index_cast %parallel_loop3A_254 : i32 to index
      %parallel_loop3A_327 = arith.constant 144 : index
      %parallel_loop3A_328 = tpu.vector_load %arg10[%parallel_loop3A_326, %parallel_loop3A_327] {strides = array<i32>} : memref<96x256xf32, #tpu.memory_space<vmem>>, vector<16xf32>,
      tpu.vector_store %arg10[%parallel_loop3A_326, %parallel_loop3A_327], %parallel_loop3A_325 {strides = array<i32>} : memref<96x256xf32, #tpu.memory_space<vmem>>, vector<16xf32>,
      %parallel_loop3A_329 = arith.index_cast %parallel_loop3A_254 : i32 to index
      %parallel_loop3A_330 = arith.constant 160 : index
      %parallel_loop3A_331 = tpu.vector_load %arg10[%parallel_loop3A_329, %parallel_loop3A_330] {strides = array<i32>} : memref<96x256xf32, #tpu.memory_space<vmem>>, vector<16xf32>,
      %parallel_loop3A_332 = arith.mulf %parallel_loop3A_331, %parallel_loop3A_258 : vector<16xf32>
      %parallel_loop3A_333 = arith.index_cast %parallel_loop3A_254 : i32 to index
      %parallel_loop3A_334 = arith.constant 160 : index
      %parallel_loop3A_335 = tpu.vector_load %arg10[%parallel_loop3A_333, %parallel_loop3A_334] {strides = array<i32>} : memref<96x256xf32, #tpu.memory_space<vmem>>, vector<16xf32>,
      tpu.vector_store %arg10[%parallel_loop3A_333, %parallel_loop3A_334], %parallel_loop3A_332 {strides = array<i32>} : memref<96x256xf32, #tpu.memory_space<vmem>>, vector<16xf32>,
      %parallel_loop3A_336 = arith.index_cast %parallel_loop3A_254 : i32 to index
      %parallel_loop3A_337 = arith.constant 176 : index
      %parallel_loop3A_338 = tpu.vector_load %arg10[%parallel_loop3A_336, %parallel_loop3A_337] {strides = array<i32>} : memref<96x256xf32, #tpu.memory_space<vmem>>, vector<16xf32>,
      %parallel_loop3A_339 = arith.mulf %parallel_loop3A_338, %parallel_loop3A_258 : vector<16xf32>
      %parallel_loop3A_340 = arith.index_cast %parallel_loop3A_254 : i32 to index
      %parallel_loop3A_341 = arith.constant 176 : index
      %parallel_loop3A_342 = tpu.vector_load %arg10[%parallel_loop3A_340, %parallel_loop3A_341] {strides = array<i32>} : memref<96x256xf32, #tpu.memory_space<vmem>>, vector<16xf32>,
      tpu.vector_store %arg10[%parallel_loop3A_340, %parallel_loop3A_341], %parallel_loop3A_339 {strides = array<i32>} : memref<96x256xf32, #tpu.memory_space<vmem>>, vector<16xf32>,
      %parallel_loop3A_343 = arith.index_cast %parallel_loop3A_254 : i32 to index
      %parallel_loop3A_344 = arith.constant 192 : index
      %parallel_loop3A_345 = tpu.vector_load %arg10[%parallel_loop3A_343, %parallel_loop3A_344] {strides = array<i32>} : memref<96x256xf32, #tpu.memory_space<vmem>>, vector<16xf32>,
      %parallel_loop3A_346 = arith.mulf %parallel_loop3A_345, %parallel_loop3A_258 : vector<16xf32>
      %parallel_loop3A_347 = arith.index_cast %parallel_loop3A_254 : i32 to index
      %parallel_loop3A_348 = arith.constant 192 : index
      %parallel_loop3A_349 = tpu.vector_load %arg10[%parallel_loop3A_347, %parallel_loop3A_348] {strides = array<i32>} : memref<96x256xf32, #tpu.memory_space<vmem>>, vector<16xf32>,
      tpu.vector_store %arg10[%parallel_loop3A_347, %parallel_loop3A_348], %parallel_loop3A_346 {strides = array<i32>} : memref<96x256xf32, #tpu.memory_space<vmem>>, vector<16xf32>,
      %parallel_loop3A_350 = arith.index_cast %parallel_loop3A_254 : i32 to index
      %parallel_loop3A_351 = arith.constant 208 : index
      %parallel_loop3A_352 = tpu.vector_load %arg10[%parallel_loop3A_350, %parallel_loop3A_351] {strides = array<i32>} : memref<96x256xf32, #tpu.memory_space<vmem>>, vector<16xf32>,
      %parallel_loop3A_353 = arith.mulf %parallel_loop3A_352, %parallel_loop3A_258 : vector<16xf32>
      %parallel_loop3A_354 = arith.index_cast %parallel_loop3A_254 : i32 to index
      %parallel_loop3A_355 = arith.constant 208 : index
      %parallel_loop3A_356 = tpu.vector_load %arg10[%parallel_loop3A_354, %parallel_loop3A_355] {strides = array<i32>} : memref<96x256xf32, #tpu.memory_space<vmem>>, vector<16xf32>,
      tpu.vector_store %arg10[%parallel_loop3A_354, %parallel_loop3A_355], %parallel_loop3A_353 {strides = array<i32>} : memref<96x256xf32, #tpu.memory_space<vmem>>, vector<16xf32>,
      %parallel_loop3A_357 = arith.index_cast %parallel_loop3A_254 : i32 to index
      %parallel_loop3A_358 = arith.constant 224 : index
      %parallel_loop3A_359 = tpu.vector_load %arg10[%parallel_loop3A_357, %parallel_loop3A_358] {strides = array<i32>} : memref<96x256xf32, #tpu.memory_space<vmem>>, vector<16xf32>,
      %parallel_loop3A_360 = arith.mulf %parallel_loop3A_359, %parallel_loop3A_258 : vector<16xf32>
      %parallel_loop3A_361 = arith.index_cast %parallel_loop3A_254 : i32 to index
      %parallel_loop3A_362 = arith.constant 224 : index
      %parallel_loop3A_363 = tpu.vector_load %arg10[%parallel_loop3A_361, %parallel_loop3A_362] {strides = array<i32>} : memref<96x256xf32, #tpu.memory_space<vmem>>, vector<16xf32>,
      tpu.vector_store %arg10[%parallel_loop3A_361, %parallel_loop3A_362], %parallel_loop3A_360 {strides = array<i32>} : memref<96x256xf32, #tpu.memory_space<vmem>>, vector<16xf32>,
      %parallel_loop3A_364 = arith.index_cast %parallel_loop3A_254 : i32 to index
      %parallel_loop3A_365 = arith.constant 240 : index
      %parallel_loop3A_366 = tpu.vector_load %arg10[%parallel_loop3A_364, %parallel_loop3A_365] {strides = array<i32>} : memref<96x256xf32, #tpu.memory_space<vmem>>, vector<16xf32>,
      %parallel_loop3A_367 = arith.mulf %parallel_loop3A_366, %parallel_loop3A_258 : vector<16xf32>
      %parallel_loop3A_368 = arith.index_cast %parallel_loop3A_254 : i32 to index
      %parallel_loop3A_369 = arith.constant 240 : index
      %parallel_loop3A_370 = tpu.vector_load %arg10[%parallel_loop3A_368, %parallel_loop3A_369] {strides = array<i32>} : memref<96x256xf32, #tpu.memory_space<vmem>>, vector<16xf32>,
      tpu.vector_store %arg10[%parallel_loop3A_368, %parallel_loop3A_369], %parallel_loop3A_367 {strides = array<i32>} : memref<96x256xf32, #tpu.memory_space<vmem>>, vector<16xf32>,
    } {sc.loop_unroll_factor = 2 : i64, sc.parallel_access}
    %add3A_169 = arith.constant 4800 : i32
    %add3A_170 = arith.addi %mul3A_2, %add3A_169 : i32
    %dma_start3A_171 = arith.constant 0 : i32
    %dma_start3A_172 = tpu.memref_slice %arg5[%add3A_170, %dma_start3A_171] : memref<160000x256xf32, #tpu.memory_space<hbm>> -> memref<96x256xf32, #tpu.memory_space<hbm>>
    %dma_start3A_173 = arith.constant 0 : i32
    %dma_start3A_174 = tpu.memref_slice %arg5[%add3A_170, %dma_start3A_173] : memref<160000x256xf32, #tpu.memory_space<hbm>> -> memref<96x256xf32, #tpu.memory_space<hbm>>
    tpu.enqueue_dma source(%arg10 : memref<96x256xf32, #tpu.memory_space<vmem>>) target(%dma_start3A_174 : memref<96x256xf32, #tpu.memory_space<hbm>>) target_semaphore(%arg18 : memref<!tpu.dma_semaphore, #tpu.memory_space<semaphore_mem>>)
    %add3A_175 = arith.constant 4608 : i32
    %add3A_176 = arith.addi %mul3A_2, %add3A_175 : i32
    %dma_wait3A_177 = arith.constant 0 : i32
    %dma_wait3A_178 = tpu.memref_slice %arg5[%add3A_176, %dma_wait3A_177] : memref<160000x256xf32, #tpu.memory_space<hbm>> -> memref<96x256xf32, #tpu.memory_space<hbm>>
    %dma_wait3A_179 = arith.constant 0 : i32
    %dma_wait3A_180 = tpu.memref_slice %arg5[%add3A_176, %dma_wait3A_179] : memref<160000x256xf32, #tpu.memory_space<hbm>> -> memref<96x256xf32, #tpu.memory_space<hbm>>
    tpu.wait_dma2 semaphore(%arg16 : memref<!tpu.dma_semaphore, #tpu.memory_space<semaphore_mem>>) src(%arg8 : memref<96x256xf32, #tpu.memory_space<vmem>>) dst(%dma_wait3A_180 : memref<96x256xf32, #tpu.memory_space<hbm>>)
    %dma_wait3A_181 = arith.constant 4896 : i32
    %dma_wait3A_182 = tpu.memref_slice %arg6[%dma_wait3A_181] : memref<5000xi32, #tpu.memory_space<vmem>> -> memref<96xi32, #tpu.memory_space<vmem>>
    %dma_wait3A_183 = arith.constant 0 : i32
    %dma_wait3A_184 = arith.constant 0 : i32
    %dma_wait3A_185 = tpu.memref_slice %arg2[%dma_wait3A_183, %dma_wait3A_184] : memref<10000x256xf32, #tpu.memory_space<hbm>> -> memref<10000x256xf32, #tpu.memory_space<hbm>>
    tpu.wait_indirect_dma semaphore(%arg15 : memref<!tpu.dma_semaphore, #tpu.memory_space<semaphore_mem>>) src(%dma_wait3A_185 : memref<10000x256xf32, #tpu.memory_space<hbm>>) dst(%arg11 : memref<96x256xf32, #tpu.memory_space<vmem>>)
    %parallel_loop3A_186 = arith.constant 0 : i32
    %parallel_loop3A_187 = arith.constant 96 : i32
    %parallel_loop3A_188 = arith.constant 1 : i32
    scf.for %parallel_loop3A_254 = %parallel_loop3A_186 to %parallel_loop3A_187 step %parallel_loop3A_188  : i32 {
      %parallel_loop3A_255 = arith.constant 4896 : i32
      %parallel_loop3A_256 = arith.addi %parallel_loop3A_255, %parallel_loop3A_254 : i32
      %parallel_loop3A_257 = vector.broadcast %parallel_loop3A_256 : i32 to vector<16xi32>
      %parallel_loop3A_258 = tpu.vector_load_idx %arg7[%parallel_loop3A_257] : memref<5000xf32, #tpu.memory_space<vmem>>[vector<16xi32>], vector<16xf32>,
      %parallel_loop3A_259 = arith.index_cast %parallel_loop3A_254 : i32 to index
      %parallel_loop3A_260 = arith.constant 0 : index
      %parallel_loop3A_261 = tpu.vector_load %arg11[%parallel_loop3A_259, %parallel_loop3A_260] {strides = array<i32>} : memref<96x256xf32, #tpu.memory_space<vmem>>, vector<16xf32>,
      %parallel_loop3A_262 = arith.mulf %parallel_loop3A_261, %parallel_loop3A_258 : vector<16xf32>
      %parallel_loop3A_263 = arith.index_cast %parallel_loop3A_254 : i32 to index
      %parallel_loop3A_264 = arith.constant 0 : index
      %parallel_loop3A_265 = tpu.vector_load %arg11[%parallel_loop3A_263, %parallel_loop3A_264] {strides = array<i32>} : memref<96x256xf32, #tpu.memory_space<vmem>>, vector<16xf32>,
      tpu.vector_store %arg11[%parallel_loop3A_263, %parallel_loop3A_264], %parallel_loop3A_262 {strides = array<i32>} : memref<96x256xf32, #tpu.memory_space<vmem>>, vector<16xf32>,
      %parallel_loop3A_266 = arith.index_cast %parallel_loop3A_254 : i32 to index
      %parallel_loop3A_267 = arith.constant 16 : index
      %parallel_loop3A_268 = tpu.vector_load %arg11[%parallel_loop3A_266, %parallel_loop3A_267] {strides = array<i32>} : memref<96x256xf32, #tpu.memory_space<vmem>>, vector<16xf32>,
      %parallel_loop3A_269 = arith.mulf %parallel_loop3A_268, %parallel_loop3A_258 : vector<16xf32>
      %parallel_loop3A_270 = arith.index_cast %parallel_loop3A_254 : i32 to index
      %parallel_loop3A_271 = arith.constant 16 : index
      %parallel_loop3A_272 = tpu.vector_load %arg11[%parallel_loop3A_270, %parallel_loop3A_271] {strides = array<i32>} : memref<96x256xf32, #tpu.memory_space<vmem>>, vector<16xf32>,
      tpu.vector_store %arg11[%parallel_loop3A_270, %parallel_loop3A_271], %parallel_loop3A_269 {strides = array<i32>} : memref<96x256xf32, #tpu.memory_space<vmem>>, vector<16xf32>,
      %parallel_loop3A_273 = arith.index_cast %parallel_loop3A_254 : i32 to index
      %parallel_loop3A_274 = arith.constant 32 : index
      %parallel_loop3A_275 = tpu.vector_load %arg11[%parallel_loop3A_273, %parallel_loop3A_274] {strides = array<i32>} : memref<96x256xf32, #tpu.memory_space<vmem>>, vector<16xf32>,
      %parallel_loop3A_276 = arith.mulf %parallel_loop3A_275, %parallel_loop3A_258 : vector<16xf32>
      %parallel_loop3A_277 = arith.index_cast %parallel_loop3A_254 : i32 to index
      %parallel_loop3A_278 = arith.constant 32 : index
      %parallel_loop3A_279 = tpu.vector_load %arg11[%parallel_loop3A_277, %parallel_loop3A_278] {strides = array<i32>} : memref<96x256xf32, #tpu.memory_space<vmem>>, vector<16xf32>,
      tpu.vector_store %arg11[%parallel_loop3A_277, %parallel_loop3A_278], %parallel_loop3A_276 {strides = array<i32>} : memref<96x256xf32, #tpu.memory_space<vmem>>, vector<16xf32>,
      %parallel_loop3A_280 = arith.index_cast %parallel_loop3A_254 : i32 to index
      %parallel_loop3A_281 = arith.constant 48 : index
      %parallel_loop3A_282 = tpu.vector_load %arg11[%parallel_loop3A_280, %parallel_loop3A_281] {strides = array<i32>} : memref<96x256xf32, #tpu.memory_space<vmem>>, vector<16xf32>,
      %parallel_loop3A_283 = arith.mulf %parallel_loop3A_282, %parallel_loop3A_258 : vector<16xf32>
      %parallel_loop3A_284 = arith.index_cast %parallel_loop3A_254 : i32 to index
      %parallel_loop3A_285 = arith.constant 48 : index
      %parallel_loop3A_286 = tpu.vector_load %arg11[%parallel_loop3A_284, %parallel_loop3A_285] {strides = array<i32>} : memref<96x256xf32, #tpu.memory_space<vmem>>, vector<16xf32>,
      tpu.vector_store %arg11[%parallel_loop3A_284, %parallel_loop3A_285], %parallel_loop3A_283 {strides = array<i32>} : memref<96x256xf32, #tpu.memory_space<vmem>>, vector<16xf32>,
      %parallel_loop3A_287 = arith.index_cast %parallel_loop3A_254 : i32 to index
      %parallel_loop3A_288 = arith.constant 64 : index
      %parallel_loop3A_289 = tpu.vector_load %arg11[%parallel_loop3A_287, %parallel_loop3A_288] {strides = array<i32>} : memref<96x256xf32, #tpu.memory_space<vmem>>, vector<16xf32>,
      %parallel_loop3A_290 = arith.mulf %parallel_loop3A_289, %parallel_loop3A_258 : vector<16xf32>
      %parallel_loop3A_291 = arith.index_cast %parallel_loop3A_254 : i32 to index
      %parallel_loop3A_292 = arith.constant 64 : index
      %parallel_loop3A_293 = tpu.vector_load %arg11[%parallel_loop3A_291, %parallel_loop3A_292] {strides = array<i32>} : memref<96x256xf32, #tpu.memory_space<vmem>>, vector<16xf32>,
      tpu.vector_store %arg11[%parallel_loop3A_291, %parallel_loop3A_292], %parallel_loop3A_290 {strides = array<i32>} : memref<96x256xf32, #tpu.memory_space<vmem>>, vector<16xf32>,
      %parallel_loop3A_294 = arith.index_cast %parallel_loop3A_254 : i32 to index
      %parallel_loop3A_295 = arith.constant 80 : index
      %parallel_loop3A_296 = tpu.vector_load %arg11[%parallel_loop3A_294, %parallel_loop3A_295] {strides = array<i32>} : memref<96x256xf32, #tpu.memory_space<vmem>>, vector<16xf32>,
      %parallel_loop3A_297 = arith.mulf %parallel_loop3A_296, %parallel_loop3A_258 : vector<16xf32>
      %parallel_loop3A_298 = arith.index_cast %parallel_loop3A_254 : i32 to index
      %parallel_loop3A_299 = arith.constant 80 : index
      %parallel_loop3A_300 = tpu.vector_load %arg11[%parallel_loop3A_298, %parallel_loop3A_299] {strides = array<i32>} : memref<96x256xf32, #tpu.memory_space<vmem>>, vector<16xf32>,
      tpu.vector_store %arg11[%parallel_loop3A_298, %parallel_loop3A_299], %parallel_loop3A_297 {strides = array<i32>} : memref<96x256xf32, #tpu.memory_space<vmem>>, vector<16xf32>,
      %parallel_loop3A_301 = arith.index_cast %parallel_loop3A_254 : i32 to index
      %parallel_loop3A_302 = arith.constant 96 : index
      %parallel_loop3A_303 = tpu.vector_load %arg11[%parallel_loop3A_301, %parallel_loop3A_302] {strides = array<i32>} : memref<96x256xf32, #tpu.memory_space<vmem>>, vector<16xf32>,
      %parallel_loop3A_304 = arith.mulf %parallel_loop3A_303, %parallel_loop3A_258 : vector<16xf32>
      %parallel_loop3A_305 = arith.index_cast %parallel_loop3A_254 : i32 to index
      %parallel_loop3A_306 = arith.constant 96 : index
      %parallel_loop3A_307 = tpu.vector_load %arg11[%parallel_loop3A_305, %parallel_loop3A_306] {strides = array<i32>} : memref<96x256xf32, #tpu.memory_space<vmem>>, vector<16xf32>,
      tpu.vector_store %arg11[%parallel_loop3A_305, %parallel_loop3A_306], %parallel_loop3A_304 {strides = array<i32>} : memref<96x256xf32, #tpu.memory_space<vmem>>, vector<16xf32>,
      %parallel_loop3A_308 = arith.index_cast %parallel_loop3A_254 : i32 to index
      %parallel_loop3A_309 = arith.constant 112 : index
      %parallel_loop3A_310 = tpu.vector_load %arg11[%parallel_loop3A_308, %parallel_loop3A_309] {strides = array<i32>} : memref<96x256xf32, #tpu.memory_space<vmem>>, vector<16xf32>,
      %parallel_loop3A_311 = arith.mulf %parallel_loop3A_310, %parallel_loop3A_258 : vector<16xf32>
      %parallel_loop3A_312 = arith.index_cast %parallel_loop3A_254 : i32 to index
      %parallel_loop3A_313 = arith.constant 112 : index
      %parallel_loop3A_314 = tpu.vector_load %arg11[%parallel_loop3A_312, %parallel_loop3A_313] {strides = array<i32>} : memref<96x256xf32, #tpu.memory_space<vmem>>, vector<16xf32>,
      tpu.vector_store %arg11[%parallel_loop3A_312, %parallel_loop3A_313], %parallel_loop3A_311 {strides = array<i32>} : memref<96x256xf32, #tpu.memory_space<vmem>>, vector<16xf32>,
      %parallel_loop3A_315 = arith.index_cast %parallel_loop3A_254 : i32 to index
      %parallel_loop3A_316 = arith.constant 128 : index
      %parallel_loop3A_317 = tpu.vector_load %arg11[%parallel_loop3A_315, %parallel_loop3A_316] {strides = array<i32>} : memref<96x256xf32, #tpu.memory_space<vmem>>, vector<16xf32>,
      %parallel_loop3A_318 = arith.mulf %parallel_loop3A_317, %parallel_loop3A_258 : vector<16xf32>
      %parallel_loop3A_319 = arith.index_cast %parallel_loop3A_254 : i32 to index
      %parallel_loop3A_320 = arith.constant 128 : index
      %parallel_loop3A_321 = tpu.vector_load %arg11[%parallel_loop3A_319, %parallel_loop3A_320] {strides = array<i32>} : memref<96x256xf32, #tpu.memory_space<vmem>>, vector<16xf32>,
      tpu.vector_store %arg11[%parallel_loop3A_319, %parallel_loop3A_320], %parallel_loop3A_318 {strides = array<i32>} : memref<96x256xf32, #tpu.memory_space<vmem>>, vector<16xf32>,
      %parallel_loop3A_322 = arith.index_cast %parallel_loop3A_254 : i32 to index
      %parallel_loop3A_323 = arith.constant 144 : index
      %parallel_loop3A_324 = tpu.vector_load %arg11[%parallel_loop3A_322, %parallel_loop3A_323] {strides = array<i32>} : memref<96x256xf32, #tpu.memory_space<vmem>>, vector<16xf32>,
      %parallel_loop3A_325 = arith.mulf %parallel_loop3A_324, %parallel_loop3A_258 : vector<16xf32>
      %parallel_loop3A_326 = arith.index_cast %parallel_loop3A_254 : i32 to index
      %parallel_loop3A_327 = arith.constant 144 : index
      %parallel_loop3A_328 = tpu.vector_load %arg11[%parallel_loop3A_326, %parallel_loop3A_327] {strides = array<i32>} : memref<96x256xf32, #tpu.memory_space<vmem>>, vector<16xf32>,
      tpu.vector_store %arg11[%parallel_loop3A_326, %parallel_loop3A_327], %parallel_loop3A_325 {strides = array<i32>} : memref<96x256xf32, #tpu.memory_space<vmem>>, vector<16xf32>,
      %parallel_loop3A_329 = arith.index_cast %parallel_loop3A_254 : i32 to index
      %parallel_loop3A_330 = arith.constant 160 : index
      %parallel_loop3A_331 = tpu.vector_load %arg11[%parallel_loop3A_329, %parallel_loop3A_330] {strides = array<i32>} : memref<96x256xf32, #tpu.memory_space<vmem>>, vector<16xf32>,
      %parallel_loop3A_332 = arith.mulf %parallel_loop3A_331, %parallel_loop3A_258 : vector<16xf32>
      %parallel_loop3A_333 = arith.index_cast %parallel_loop3A_254 : i32 to index
      %parallel_loop3A_334 = arith.constant 160 : index
      %parallel_loop3A_335 = tpu.vector_load %arg11[%parallel_loop3A_333, %parallel_loop3A_334] {strides = array<i32>} : memref<96x256xf32, #tpu.memory_space<vmem>>, vector<16xf32>,
      tpu.vector_store %arg11[%parallel_loop3A_333, %parallel_loop3A_334], %parallel_loop3A_332 {strides = array<i32>} : memref<96x256xf32, #tpu.memory_space<vmem>>, vector<16xf32>,
      %parallel_loop3A_336 = arith.index_cast %parallel_loop3A_254 : i32 to index
      %parallel_loop3A_337 = arith.constant 176 : index
      %parallel_loop3A_338 = tpu.vector_load %arg11[%parallel_loop3A_336, %parallel_loop3A_337] {strides = array<i32>} : memref<96x256xf32, #tpu.memory_space<vmem>>, vector<16xf32>,
      %parallel_loop3A_339 = arith.mulf %parallel_loop3A_338, %parallel_loop3A_258 : vector<16xf32>
      %parallel_loop3A_340 = arith.index_cast %parallel_loop3A_254 : i32 to index
      %parallel_loop3A_341 = arith.constant 176 : index
      %parallel_loop3A_342 = tpu.vector_load %arg11[%parallel_loop3A_340, %parallel_loop3A_341] {strides = array<i32>} : memref<96x256xf32, #tpu.memory_space<vmem>>, vector<16xf32>,
      tpu.vector_store %arg11[%parallel_loop3A_340, %parallel_loop3A_341], %parallel_loop3A_339 {strides = array<i32>} : memref<96x256xf32, #tpu.memory_space<vmem>>, vector<16xf32>,
      %parallel_loop3A_343 = arith.index_cast %parallel_loop3A_254 : i32 to index
      %parallel_loop3A_344 = arith.constant 192 : index
      %parallel_loop3A_345 = tpu.vector_load %arg11[%parallel_loop3A_343, %parallel_loop3A_344] {strides = array<i32>} : memref<96x256xf32, #tpu.memory_space<vmem>>, vector<16xf32>,
      %parallel_loop3A_346 = arith.mulf %parallel_loop3A_345, %parallel_loop3A_258 : vector<16xf32>
      %parallel_loop3A_347 = arith.index_cast %parallel_loop3A_254 : i32 to index
      %parallel_loop3A_348 = arith.constant 192 : index
      %parallel_loop3A_349 = tpu.vector_load %arg11[%parallel_loop3A_347, %parallel_loop3A_348] {strides = array<i32>} : memref<96x256xf32, #tpu.memory_space<vmem>>, vector<16xf32>,
      tpu.vector_store %arg11[%parallel_loop3A_347, %parallel_loop3A_348], %parallel_loop3A_346 {strides = array<i32>} : memref<96x256xf32, #tpu.memory_space<vmem>>, vector<16xf32>,
      %parallel_loop3A_350 = arith.index_cast %parallel_loop3A_254 : i32 to index
      %parallel_loop3A_351 = arith.constant 208 : index
      %parallel_loop3A_352 = tpu.vector_load %arg11[%parallel_loop3A_350, %parallel_loop3A_351] {strides = array<i32>} : memref<96x256xf32, #tpu.memory_space<vmem>>, vector<16xf32>,
      %parallel_loop3A_353 = arith.mulf %parallel_loop3A_352, %parallel_loop3A_258 : vector<16xf32>
      %parallel_loop3A_354 = arith.index_cast %parallel_loop3A_254 : i32 to index
      %parallel_loop3A_355 = arith.constant 208 : index
      %parallel_loop3A_356 = tpu.vector_load %arg11[%parallel_loop3A_354, %parallel_loop3A_355] {strides = array<i32>} : memref<96x256xf32, #tpu.memory_space<vmem>>, vector<16xf32>,
      tpu.vector_store %arg11[%parallel_loop3A_354, %parallel_loop3A_355], %parallel_loop3A_353 {strides = array<i32>} : memref<96x256xf32, #tpu.memory_space<vmem>>, vector<16xf32>,
      %parallel_loop3A_357 = arith.index_cast %parallel_loop3A_254 : i32 to index
      %parallel_loop3A_358 = arith.constant 224 : index
      %parallel_loop3A_359 = tpu.vector_load %arg11[%parallel_loop3A_357, %parallel_loop3A_358] {strides = array<i32>} : memref<96x256xf32, #tpu.memory_space<vmem>>, vector<16xf32>,
      %parallel_loop3A_360 = arith.mulf %parallel_loop3A_359, %parallel_loop3A_258 : vector<16xf32>
      %parallel_loop3A_361 = arith.index_cast %parallel_loop3A_254 : i32 to index
      %parallel_loop3A_362 = arith.constant 224 : index
      %parallel_loop3A_363 = tpu.vector_load %arg11[%parallel_loop3A_361, %parallel_loop3A_362] {strides = array<i32>} : memref<96x256xf32, #tpu.memory_space<vmem>>, vector<16xf32>,
      tpu.vector_store %arg11[%parallel_loop3A_361, %parallel_loop3A_362], %parallel_loop3A_360 {strides = array<i32>} : memref<96x256xf32, #tpu.memory_space<vmem>>, vector<16xf32>,
      %parallel_loop3A_364 = arith.index_cast %parallel_loop3A_254 : i32 to index
      %parallel_loop3A_365 = arith.constant 240 : index
      %parallel_loop3A_366 = tpu.vector_load %arg11[%parallel_loop3A_364, %parallel_loop3A_365] {strides = array<i32>} : memref<96x256xf32, #tpu.memory_space<vmem>>, vector<16xf32>,
      %parallel_loop3A_367 = arith.mulf %parallel_loop3A_366, %parallel_loop3A_258 : vector<16xf32>
      %parallel_loop3A_368 = arith.index_cast %parallel_loop3A_254 : i32 to index
      %parallel_loop3A_369 = arith.constant 240 : index
      %parallel_loop3A_370 = tpu.vector_load %arg11[%parallel_loop3A_368, %parallel_loop3A_369] {strides = array<i32>} : memref<96x256xf32, #tpu.memory_space<vmem>>, vector<16xf32>,
      tpu.vector_store %arg11[%parallel_loop3A_368, %parallel_loop3A_369], %parallel_loop3A_367 {strides = array<i32>} : memref<96x256xf32, #tpu.memory_space<vmem>>, vector<16xf32>,
    } {sc.loop_unroll_factor = 2 : i64, sc.parallel_access}
    %add3A_189 = arith.constant 4896 : i32
    %add3A_190 = arith.addi %mul3A_2, %add3A_189 : i32
    %dma_start3A_191 = arith.constant 0 : i32
    %dma_start3A_192 = tpu.memref_slice %arg5[%add3A_190, %dma_start3A_191] : memref<160000x256xf32, #tpu.memory_space<hbm>> -> memref<96x256xf32, #tpu.memory_space<hbm>>
    %dma_start3A_193 = arith.constant 0 : i32
    %dma_start3A_194 = tpu.memref_slice %arg5[%add3A_190, %dma_start3A_193] : memref<160000x256xf32, #tpu.memory_space<hbm>> -> memref<96x256xf32, #tpu.memory_space<hbm>>
    tpu.enqueue_dma source(%arg11 : memref<96x256xf32, #tpu.memory_space<vmem>>) target(%dma_start3A_194 : memref<96x256xf32, #tpu.memory_space<hbm>>) target_semaphore(%arg19 : memref<!tpu.dma_semaphore, #tpu.memory_space<semaphore_mem>>)
    %add3A_195 = arith.constant 4704 : i32
    %add3A_196 = arith.addi %mul3A_2, %add3A_195 : i32
    %dma_wait3A_197 = arith.constant 0 : i32
    %dma_wait3A_198 = tpu.memref_slice %arg5[%add3A_196, %dma_wait3A_197] : memref<160000x256xf32, #tpu.memory_space<hbm>> -> memref<96x256xf32, #tpu.memory_space<hbm>>
    %dma_wait3A_199 = arith.constant 0 : i32
    %dma_wait3A_200 = tpu.memref_slice %arg5[%add3A_196, %dma_wait3A_199] : memref<160000x256xf32, #tpu.memory_space<hbm>> -> memref<96x256xf32, #tpu.memory_space<hbm>>
    tpu.wait_dma2 semaphore(%arg17 : memref<!tpu.dma_semaphore, #tpu.memory_space<semaphore_mem>>) src(%arg9 : memref<96x256xf32, #tpu.memory_space<vmem>>) dst(%dma_wait3A_200 : memref<96x256xf32, #tpu.memory_space<hbm>>)
    %add3A_201 = arith.constant 4800 : i32
    %add3A_202 = arith.addi %mul3A_2, %add3A_201 : i32
    %dma_wait3A_203 = arith.constant 0 : i32
    %dma_wait3A_204 = tpu.memref_slice %arg5[%add3A_202, %dma_wait3A_203] : memref<160000x256xf32, #tpu.memory_space<hbm>> -> memref<96x256xf32, #tpu.memory_space<hbm>>
    %dma_wait3A_205 = arith.constant 0 : i32
    %dma_wait3A_206 = tpu.memref_slice %arg5[%add3A_202, %dma_wait3A_205] : memref<160000x256xf32, #tpu.memory_space<hbm>> -> memref<96x256xf32, #tpu.memory_space<hbm>>
    tpu.wait_dma2 semaphore(%arg18 : memref<!tpu.dma_semaphore, #tpu.memory_space<semaphore_mem>>) src(%arg10 : memref<96x256xf32, #tpu.memory_space<vmem>>) dst(%dma_wait3A_206 : memref<96x256xf32, #tpu.memory_space<hbm>>)
    %add3A_207 = arith.constant 4896 : i32
    %add3A_208 = arith.addi %mul3A_2, %add3A_207 : i32
    %dma_wait3A_209 = arith.constant 0 : i32
    %dma_wait3A_210 = tpu.memref_slice %arg5[%add3A_208, %dma_wait3A_209] : memref<160000x256xf32, #tpu.memory_space<hbm>> -> memref<96x256xf32, #tpu.memory_space<hbm>>
    %dma_wait3A_211 = arith.constant 0 : i32
    %dma_wait3A_212 = tpu.memref_slice %arg5[%add3A_208, %dma_wait3A_211] : memref<160000x256xf32, #tpu.memory_space<hbm>> -> memref<96x256xf32, #tpu.memory_space<hbm>>
    tpu.wait_dma2 semaphore(%arg19 : memref<!tpu.dma_semaphore, #tpu.memory_space<semaphore_mem>>) src(%arg11 : memref<96x256xf32, #tpu.memory_space<vmem>>) dst(%dma_wait3A_212 : memref<96x256xf32, #tpu.memory_space<hbm>>)
    %dma_start3A_213 = arith.constant 0 : i32
    %dma_start3A_214 = arith.constant 0 : i32
    %dma_start3A_215 = tpu.memref_slice %arg8[%dma_start3A_213, %dma_start3A_214] : memref<96x256xf32, #tpu.memory_space<vmem>> -> memref<8x256xf32, #tpu.memory_space<vmem>>
    %dma_start3A_216 = arith.constant 4992 : i32
    %dma_start3A_217 = tpu.memref_slice %arg6[%dma_start3A_216] : memref<5000xi32, #tpu.memory_space<vmem>> -> memref<8xi32, #tpu.memory_space<vmem>>
    %dma_start3A_218 = arith.constant 0 : i32
    %dma_start3A_219 = arith.constant 0 : i32
    %dma_start3A_220 = tpu.memref_slice %arg2[%dma_start3A_218, %dma_start3A_219] : memref<10000x256xf32, #tpu.memory_space<hbm>> -> memref<10000x256xf32, #tpu.memory_space<hbm>>
    tpu.enqueue_indirect_dma source(%dma_start3A_220 : memref<10000x256xf32, #tpu.memory_space<hbm>>) target(%dma_start3A_215 : memref<8x256xf32, #tpu.memory_space<vmem>>) offsets(%dma_start3A_217 : memref<8xi32, #tpu.memory_space<vmem>>) semaphore(%arg12 : memref<!tpu.dma_semaphore, #tpu.memory_space<semaphore_mem>>)
    %dma_wait3A_221 = arith.constant 0 : i32
    %dma_wait3A_222 = arith.constant 0 : i32
    %dma_wait3A_223 = tpu.memref_slice %arg8[%dma_wait3A_221, %dma_wait3A_222] : memref<96x256xf32, #tpu.memory_space<vmem>> -> memref<8x256xf32, #tpu.memory_space<vmem>>
    %dma_wait3A_224 = arith.constant 4992 : i32
    %dma_wait3A_225 = tpu.memref_slice %arg6[%dma_wait3A_224] : memref<5000xi32, #tpu.memory_space<vmem>> -> memref<8xi32, #tpu.memory_space<vmem>>
    %dma_wait3A_226 = arith.constant 0 : i32
    %dma_wait3A_227 = arith.constant 0 : i32
    %dma_wait3A_228 = tpu.memref_slice %arg2[%dma_wait3A_226, %dma_wait3A_227] : memref<10000x256xf32, #tpu.memory_space<hbm>> -> memref<10000x256xf32, #tpu.memory_space<hbm>>
    tpu.wait_indirect_dma semaphore(%arg12 : memref<!tpu.dma_semaphore, #tpu.memory_space<semaphore_mem>>) src(%dma_wait3A_228 : memref<10000x256xf32, #tpu.memory_space<hbm>>) dst(%dma_wait3A_223 : memref<8x256xf32, #tpu.memory_space<vmem>>)
    %parallel_loop3A_229 = arith.constant 0 : i32
    %parallel_loop3A_230 = arith.constant 8 : i32
    %parallel_loop3A_231 = arith.constant 1 : i32
    scf.for %parallel_loop3A_254 = %parallel_loop3A_229 to %parallel_loop3A_230 step %parallel_loop3A_231  : i32 {
      %parallel_loop3A_255 = arith.constant 4992 : i32
      %parallel_loop3A_256 = arith.addi %parallel_loop3A_255, %parallel_loop3A_254 : i32
      %parallel_loop3A_257 = vector.broadcast %parallel_loop3A_256 : i32 to vector<16xi32>
      %parallel_loop3A_258 = tpu.vector_load_idx %arg7[%parallel_loop3A_257] : memref<5000xf32, #tpu.memory_space<vmem>>[vector<16xi32>], vector<16xf32>,
      %parallel_loop3A_259 = arith.index_cast %parallel_loop3A_254 : i32 to index
      %parallel_loop3A_260 = arith.constant 0 : index
      %parallel_loop3A_261 = tpu.vector_load %arg8[%parallel_loop3A_259, %parallel_loop3A_260] {strides = array<i32>} : memref<96x256xf32, #tpu.memory_space<vmem>>, vector<16xf32>,
      %parallel_loop3A_262 = arith.mulf %parallel_loop3A_261, %parallel_loop3A_258 : vector<16xf32>
      %parallel_loop3A_263 = arith.index_cast %parallel_loop3A_254 : i32 to index
      %parallel_loop3A_264 = arith.constant 0 : index
      %parallel_loop3A_265 = tpu.vector_load %arg8[%parallel_loop3A_263, %parallel_loop3A_264] {strides = array<i32>} : memref<96x256xf32, #tpu.memory_space<vmem>>, vector<16xf32>,
      tpu.vector_store %arg8[%parallel_loop3A_263, %parallel_loop3A_264], %parallel_loop3A_262 {strides = array<i32>} : memref<96x256xf32, #tpu.memory_space<vmem>>, vector<16xf32>,
      %parallel_loop3A_266 = arith.index_cast %parallel_loop3A_254 : i32 to index
      %parallel_loop3A_267 = arith.constant 16 : index
      %parallel_loop3A_268 = tpu.vector_load %arg8[%parallel_loop3A_266, %parallel_loop3A_267] {strides = array<i32>} : memref<96x256xf32, #tpu.memory_space<vmem>>, vector<16xf32>,
      %parallel_loop3A_269 = arith.mulf %parallel_loop3A_268, %parallel_loop3A_258 : vector<16xf32>
      %parallel_loop3A_270 = arith.index_cast %parallel_loop3A_254 : i32 to index
      %parallel_loop3A_271 = arith.constant 16 : index
      %parallel_loop3A_272 = tpu.vector_load %arg8[%parallel_loop3A_270, %parallel_loop3A_271] {strides = array<i32>} : memref<96x256xf32, #tpu.memory_space<vmem>>, vector<16xf32>,
      tpu.vector_store %arg8[%parallel_loop3A_270, %parallel_loop3A_271], %parallel_loop3A_269 {strides = array<i32>} : memref<96x256xf32, #tpu.memory_space<vmem>>, vector<16xf32>,
      %parallel_loop3A_273 = arith.index_cast %parallel_loop3A_254 : i32 to index
      %parallel_loop3A_274 = arith.constant 32 : index
      %parallel_loop3A_275 = tpu.vector_load %arg8[%parallel_loop3A_273, %parallel_loop3A_274] {strides = array<i32>} : memref<96x256xf32, #tpu.memory_space<vmem>>, vector<16xf32>,
      %parallel_loop3A_276 = arith.mulf %parallel_loop3A_275, %parallel_loop3A_258 : vector<16xf32>
      %parallel_loop3A_277 = arith.index_cast %parallel_loop3A_254 : i32 to index
      %parallel_loop3A_278 = arith.constant 32 : index
      %parallel_loop3A_279 = tpu.vector_load %arg8[%parallel_loop3A_277, %parallel_loop3A_278] {strides = array<i32>} : memref<96x256xf32, #tpu.memory_space<vmem>>, vector<16xf32>,
      tpu.vector_store %arg8[%parallel_loop3A_277, %parallel_loop3A_278], %parallel_loop3A_276 {strides = array<i32>} : memref<96x256xf32, #tpu.memory_space<vmem>>, vector<16xf32>,
      %parallel_loop3A_280 = arith.index_cast %parallel_loop3A_254 : i32 to index
      %parallel_loop3A_281 = arith.constant 48 : index
      %parallel_loop3A_282 = tpu.vector_load %arg8[%parallel_loop3A_280, %parallel_loop3A_281] {strides = array<i32>} : memref<96x256xf32, #tpu.memory_space<vmem>>, vector<16xf32>,
      %parallel_loop3A_283 = arith.mulf %parallel_loop3A_282, %parallel_loop3A_258 : vector<16xf32>
      %parallel_loop3A_284 = arith.index_cast %parallel_loop3A_254 : i32 to index
      %parallel_loop3A_285 = arith.constant 48 : index
      %parallel_loop3A_286 = tpu.vector_load %arg8[%parallel_loop3A_284, %parallel_loop3A_285] {strides = array<i32>} : memref<96x256xf32, #tpu.memory_space<vmem>>, vector<16xf32>,
      tpu.vector_store %arg8[%parallel_loop3A_284, %parallel_loop3A_285], %parallel_loop3A_283 {strides = array<i32>} : memref<96x256xf32, #tpu.memory_space<vmem>>, vector<16xf32>,
      %parallel_loop3A_287 = arith.index_cast %parallel_loop3A_254 : i32 to index
      %parallel_loop3A_288 = arith.constant 64 : index
      %parallel_loop3A_289 = tpu.vector_load %arg8[%parallel_loop3A_287, %parallel_loop3A_288] {strides = array<i32>} : memref<96x256xf32, #tpu.memory_space<vmem>>, vector<16xf32>,
      %parallel_loop3A_290 = arith.mulf %parallel_loop3A_289, %parallel_loop3A_258 : vector<16xf32>
      %parallel_loop3A_291 = arith.index_cast %parallel_loop3A_254 : i32 to index
      %parallel_loop3A_292 = arith.constant 64 : index
      %parallel_loop3A_293 = tpu.vector_load %arg8[%parallel_loop3A_291, %parallel_loop3A_292] {strides = array<i32>} : memref<96x256xf32, #tpu.memory_space<vmem>>, vector<16xf32>,
      tpu.vector_store %arg8[%parallel_loop3A_291, %parallel_loop3A_292], %parallel_loop3A_290 {strides = array<i32>} : memref<96x256xf32, #tpu.memory_space<vmem>>, vector<16xf32>,
      %parallel_loop3A_294 = arith.index_cast %parallel_loop3A_254 : i32 to index
      %parallel_loop3A_295 = arith.constant 80 : index
      %parallel_loop3A_296 = tpu.vector_load %arg8[%parallel_loop3A_294, %parallel_loop3A_295] {strides = array<i32>} : memref<96x256xf32, #tpu.memory_space<vmem>>, vector<16xf32>,
      %parallel_loop3A_297 = arith.mulf %parallel_loop3A_296, %parallel_loop3A_258 : vector<16xf32>
      %parallel_loop3A_298 = arith.index_cast %parallel_loop3A_254 : i32 to index
      %parallel_loop3A_299 = arith.constant 80 : index
      %parallel_loop3A_300 = tpu.vector_load %arg8[%parallel_loop3A_298, %parallel_loop3A_299] {strides = array<i32>} : memref<96x256xf32, #tpu.memory_space<vmem>>, vector<16xf32>,
      tpu.vector_store %arg8[%parallel_loop3A_298, %parallel_loop3A_299], %parallel_loop3A_297 {strides = array<i32>} : memref<96x256xf32, #tpu.memory_space<vmem>>, vector<16xf32>,
      %parallel_loop3A_301 = arith.index_cast %parallel_loop3A_254 : i32 to index
      %parallel_loop3A_302 = arith.constant 96 : index
      %parallel_loop3A_303 = tpu.vector_load %arg8[%parallel_loop3A_301, %parallel_loop3A_302] {strides = array<i32>} : memref<96x256xf32, #tpu.memory_space<vmem>>, vector<16xf32>,
      %parallel_loop3A_304 = arith.mulf %parallel_loop3A_303, %parallel_loop3A_258 : vector<16xf32>
      %parallel_loop3A_305 = arith.index_cast %parallel_loop3A_254 : i32 to index
      %parallel_loop3A_306 = arith.constant 96 : index
      %parallel_loop3A_307 = tpu.vector_load %arg8[%parallel_loop3A_305, %parallel_loop3A_306] {strides = array<i32>} : memref<96x256xf32, #tpu.memory_space<vmem>>, vector<16xf32>,
      tpu.vector_store %arg8[%parallel_loop3A_305, %parallel_loop3A_306], %parallel_loop3A_304 {strides = array<i32>} : memref<96x256xf32, #tpu.memory_space<vmem>>, vector<16xf32>,
      %parallel_loop3A_308 = arith.index_cast %parallel_loop3A_254 : i32 to index
      %parallel_loop3A_309 = arith.constant 112 : index
      %parallel_loop3A_310 = tpu.vector_load %arg8[%parallel_loop3A_308, %parallel_loop3A_309] {strides = array<i32>} : memref<96x256xf32, #tpu.memory_space<vmem>>, vector<16xf32>,
      %parallel_loop3A_311 = arith.mulf %parallel_loop3A_310, %parallel_loop3A_258 : vector<16xf32>
      %parallel_loop3A_312 = arith.index_cast %parallel_loop3A_254 : i32 to index
      %parallel_loop3A_313 = arith.constant 112 : index
      %parallel_loop3A_314 = tpu.vector_load %arg8[%parallel_loop3A_312, %parallel_loop3A_313] {strides = array<i32>} : memref<96x256xf32, #tpu.memory_space<vmem>>, vector<16xf32>,
      tpu.vector_store %arg8[%parallel_loop3A_312, %parallel_loop3A_313], %parallel_loop3A_311 {strides = array<i32>} : memref<96x256xf32, #tpu.memory_space<vmem>>, vector<16xf32>,
      %parallel_loop3A_315 = arith.index_cast %parallel_loop3A_254 : i32 to index
      %parallel_loop3A_316 = arith.constant 128 : index
      %parallel_loop3A_317 = tpu.vector_load %arg8[%parallel_loop3A_315, %parallel_loop3A_316] {strides = array<i32>} : memref<96x256xf32, #tpu.memory_space<vmem>>, vector<16xf32>,
      %parallel_loop3A_318 = arith.mulf %parallel_loop3A_317, %parallel_loop3A_258 : vector<16xf32>
      %parallel_loop3A_319 = arith.index_cast %parallel_loop3A_254 : i32 to index
      %parallel_loop3A_320 = arith.constant 128 : index
      %parallel_loop3A_321 = tpu.vector_load %arg8[%parallel_loop3A_319, %parallel_loop3A_320] {strides = array<i32>} : memref<96x256xf32, #tpu.memory_space<vmem>>, vector<16xf32>,
      tpu.vector_store %arg8[%parallel_loop3A_319, %parallel_loop3A_320], %parallel_loop3A_318 {strides = array<i32>} : memref<96x256xf32, #tpu.memory_space<vmem>>, vector<16xf32>,
      %parallel_loop3A_322 = arith.index_cast %parallel_loop3A_254 : i32 to index
      %parallel_loop3A_323 = arith.constant 144 : index
      %parallel_loop3A_324 = tpu.vector_load %arg8[%parallel_loop3A_322, %parallel_loop3A_323] {strides = array<i32>} : memref<96x256xf32, #tpu.memory_space<vmem>>, vector<16xf32>,
      %parallel_loop3A_325 = arith.mulf %parallel_loop3A_324, %parallel_loop3A_258 : vector<16xf32>
      %parallel_loop3A_326 = arith.index_cast %parallel_loop3A_254 : i32 to index
      %parallel_loop3A_327 = arith.constant 144 : index
      %parallel_loop3A_328 = tpu.vector_load %arg8[%parallel_loop3A_326, %parallel_loop3A_327] {strides = array<i32>} : memref<96x256xf32, #tpu.memory_space<vmem>>, vector<16xf32>,
      tpu.vector_store %arg8[%parallel_loop3A_326, %parallel_loop3A_327], %parallel_loop3A_325 {strides = array<i32>} : memref<96x256xf32, #tpu.memory_space<vmem>>, vector<16xf32>,
      %parallel_loop3A_329 = arith.index_cast %parallel_loop3A_254 : i32 to index
      %parallel_loop3A_330 = arith.constant 160 : index
      %parallel_loop3A_331 = tpu.vector_load %arg8[%parallel_loop3A_329, %parallel_loop3A_330] {strides = array<i32>} : memref<96x256xf32, #tpu.memory_space<vmem>>, vector<16xf32>,
      %parallel_loop3A_332 = arith.mulf %parallel_loop3A_331, %parallel_loop3A_258 : vector<16xf32>
      %parallel_loop3A_333 = arith.index_cast %parallel_loop3A_254 : i32 to index
      %parallel_loop3A_334 = arith.constant 160 : index
      %parallel_loop3A_335 = tpu.vector_load %arg8[%parallel_loop3A_333, %parallel_loop3A_334] {strides = array<i32>} : memref<96x256xf32, #tpu.memory_space<vmem>>, vector<16xf32>,
      tpu.vector_store %arg8[%parallel_loop3A_333, %parallel_loop3A_334], %parallel_loop3A_332 {strides = array<i32>} : memref<96x256xf32, #tpu.memory_space<vmem>>, vector<16xf32>,
      %parallel_loop3A_336 = arith.index_cast %parallel_loop3A_254 : i32 to index
      %parallel_loop3A_337 = arith.constant 176 : index
      %parallel_loop3A_338 = tpu.vector_load %arg8[%parallel_loop3A_336, %parallel_loop3A_337] {strides = array<i32>} : memref<96x256xf32, #tpu.memory_space<vmem>>, vector<16xf32>,
      %parallel_loop3A_339 = arith.mulf %parallel_loop3A_338, %parallel_loop3A_258 : vector<16xf32>
      %parallel_loop3A_340 = arith.index_cast %parallel_loop3A_254 : i32 to index
      %parallel_loop3A_341 = arith.constant 176 : index
      %parallel_loop3A_342 = tpu.vector_load %arg8[%parallel_loop3A_340, %parallel_loop3A_341] {strides = array<i32>} : memref<96x256xf32, #tpu.memory_space<vmem>>, vector<16xf32>,
      tpu.vector_store %arg8[%parallel_loop3A_340, %parallel_loop3A_341], %parallel_loop3A_339 {strides = array<i32>} : memref<96x256xf32, #tpu.memory_space<vmem>>, vector<16xf32>,
      %parallel_loop3A_343 = arith.index_cast %parallel_loop3A_254 : i32 to index
      %parallel_loop3A_344 = arith.constant 192 : index
      %parallel_loop3A_345 = tpu.vector_load %arg8[%parallel_loop3A_343, %parallel_loop3A_344] {strides = array<i32>} : memref<96x256xf32, #tpu.memory_space<vmem>>, vector<16xf32>,
      %parallel_loop3A_346 = arith.mulf %parallel_loop3A_345, %parallel_loop3A_258 : vector<16xf32>
      %parallel_loop3A_347 = arith.index_cast %parallel_loop3A_254 : i32 to index
      %parallel_loop3A_348 = arith.constant 192 : index
      %parallel_loop3A_349 = tpu.vector_load %arg8[%parallel_loop3A_347, %parallel_loop3A_348] {strides = array<i32>} : memref<96x256xf32, #tpu.memory_space<vmem>>, vector<16xf32>,
      tpu.vector_store %arg8[%parallel_loop3A_347, %parallel_loop3A_348], %parallel_loop3A_346 {strides = array<i32>} : memref<96x256xf32, #tpu.memory_space<vmem>>, vector<16xf32>,
      %parallel_loop3A_350 = arith.index_cast %parallel_loop3A_254 : i32 to index
      %parallel_loop3A_351 = arith.constant 208 : index
      %parallel_loop3A_352 = tpu.vector_load %arg8[%parallel_loop3A_350, %parallel_loop3A_351] {strides = array<i32>} : memref<96x256xf32, #tpu.memory_space<vmem>>, vector<16xf32>,
      %parallel_loop3A_353 = arith.mulf %parallel_loop3A_352, %parallel_loop3A_258 : vector<16xf32>
      %parallel_loop3A_354 = arith.index_cast %parallel_loop3A_254 : i32 to index
      %parallel_loop3A_355 = arith.constant 208 : index
      %parallel_loop3A_356 = tpu.vector_load %arg8[%parallel_loop3A_354, %parallel_loop3A_355] {strides = array<i32>} : memref<96x256xf32, #tpu.memory_space<vmem>>, vector<16xf32>,
      tpu.vector_store %arg8[%parallel_loop3A_354, %parallel_loop3A_355], %parallel_loop3A_353 {strides = array<i32>} : memref<96x256xf32, #tpu.memory_space<vmem>>, vector<16xf32>,
      %parallel_loop3A_357 = arith.index_cast %parallel_loop3A_254 : i32 to index
      %parallel_loop3A_358 = arith.constant 224 : index
      %parallel_loop3A_359 = tpu.vector_load %arg8[%parallel_loop3A_357, %parallel_loop3A_358] {strides = array<i32>} : memref<96x256xf32, #tpu.memory_space<vmem>>, vector<16xf32>,
      %parallel_loop3A_360 = arith.mulf %parallel_loop3A_359, %parallel_loop3A_258 : vector<16xf32>
      %parallel_loop3A_361 = arith.index_cast %parallel_loop3A_254 : i32 to index
      %parallel_loop3A_362 = arith.constant 224 : index
      %parallel_loop3A_363 = tpu.vector_load %arg8[%parallel_loop3A_361, %parallel_loop3A_362] {strides = array<i32>} : memref<96x256xf32, #tpu.memory_space<vmem>>, vector<16xf32>,
      tpu.vector_store %arg8[%parallel_loop3A_361, %parallel_loop3A_362], %parallel_loop3A_360 {strides = array<i32>} : memref<96x256xf32, #tpu.memory_space<vmem>>, vector<16xf32>,
      %parallel_loop3A_364 = arith.index_cast %parallel_loop3A_254 : i32 to index
      %parallel_loop3A_365 = arith.constant 240 : index
      %parallel_loop3A_366 = tpu.vector_load %arg8[%parallel_loop3A_364, %parallel_loop3A_365] {strides = array<i32>} : memref<96x256xf32, #tpu.memory_space<vmem>>, vector<16xf32>,
      %parallel_loop3A_367 = arith.mulf %parallel_loop3A_366, %parallel_loop3A_258 : vector<16xf32>
      %parallel_loop3A_368 = arith.index_cast %parallel_loop3A_254 : i32 to index
      %parallel_loop3A_369 = arith.constant 240 : index
      %parallel_loop3A_370 = tpu.vector_load %arg8[%parallel_loop3A_368, %parallel_loop3A_369] {strides = array<i32>} : memref<96x256xf32, #tpu.memory_space<vmem>>, vector<16xf32>,
      tpu.vector_store %arg8[%parallel_loop3A_368, %parallel_loop3A_369], %parallel_loop3A_367 {strides = array<i32>} : memref<96x256xf32, #tpu.memory_space<vmem>>, vector<16xf32>,
    } {sc.loop_unroll_factor = 2 : i64, sc.parallel_access}
    %add3A_232 = arith.constant 4992 : i32
    %add3A_233 = arith.addi %mul3A_2, %add3A_232 : i32
    %dma_start3A_234 = arith.constant 0 : i32
    %dma_start3A_235 = arith.constant 0 : i32
    %dma_start3A_236 = tpu.memref_slice %arg8[%dma_start3A_234, %dma_start3A_235] : memref<96x256xf32, #tpu.memory_space<vmem>> -> memref<8x256xf32, #tpu.memory_space<vmem>>
    %dma_start3A_237 = arith.constant 0 : i32
    %dma_start3A_238 = tpu.memref_slice %arg5[%add3A_233, %dma_start3A_237] : memref<160000x256xf32, #tpu.memory_space<hbm>> -> memref<8x256xf32, #tpu.memory_space<hbm>>
    %dma_start3A_239 = arith.constant 0 : i32
    %dma_start3A_240 = tpu.memref_slice %arg5[%add3A_233, %dma_start3A_239] : memref<160000x256xf32, #tpu.memory_space<hbm>> -> memref<8x256xf32, #tpu.memory_space<hbm>>
    %dma_start3A_241 = arith.constant 0 : i32
    %dma_start3A_242 = arith.constant 0 : i32
    %dma_start3A_243 = tpu.memref_slice %arg8[%dma_start3A_241, %dma_start3A_242] : memref<96x256xf32, #tpu.memory_space<vmem>> -> memref<8x256xf32, #tpu.memory_space<vmem>>
    tpu.enqueue_dma source(%dma_start3A_243 : memref<8x256xf32, #tpu.memory_space<vmem>>) target(%dma_start3A_240 : memref<8x256xf32, #tpu.memory_space<hbm>>) target_semaphore(%arg16 : memref<!tpu.dma_semaphore, #tpu.memory_space<semaphore_mem>>)
    %dma_wait3A_244 = arith.constant 0 : i32
    %dma_wait3A_245 = arith.constant 0 : i32
    %dma_wait3A_246 = tpu.memref_slice %arg8[%dma_wait3A_244, %dma_wait3A_245] : memref<96x256xf32, #tpu.memory_space<vmem>> -> memref<8x256xf32, #tpu.memory_space<vmem>>
    %dma_wait3A_247 = arith.constant 0 : i32
    %dma_wait3A_248 = tpu.memref_slice %arg5[%add3A_233, %dma_wait3A_247] : memref<160000x256xf32, #tpu.memory_space<hbm>> -> memref<8x256xf32, #tpu.memory_space<hbm>>
    %dma_wait3A_249 = arith.constant 0 : i32
    %dma_wait3A_250 = tpu.memref_slice %arg5[%add3A_233, %dma_wait3A_249] : memref<160000x256xf32, #tpu.memory_space<hbm>> -> memref<8x256xf32, #tpu.memory_space<hbm>>
    %dma_wait3A_251 = arith.constant 0 : i32
    %dma_wait3A_252 = arith.constant 0 : i32
    %dma_wait3A_253 = tpu.memref_slice %arg8[%dma_wait3A_251, %dma_wait3A_252] : memref<96x256xf32, #tpu.memory_space<vmem>> -> memref<8x256xf32, #tpu.memory_space<vmem>>
    tpu.wait_dma2 semaphore(%arg16 : memref<!tpu.dma_semaphore, #tpu.memory_space<semaphore_mem>>) src(%dma_wait3A_253 : memref<8x256xf32, #tpu.memory_space<vmem>>) dst(%dma_wait3A_250 : memref<8x256xf32, #tpu.memory_space<hbm>>)
    return
  }
}

module attributes {stable_mosaic.version = 14 : i64} {
  func.func @_softmax_body(%arg0: memref<1250x128xf32, #tpu.memory_space<vmem>>, %arg1: memref<1250x128xf32, #tpu.memory_space<vmem>>) attributes {dimension_semantics = [], scalar_prefetch = 0 : i64, scratch_operands = 0 : i64, tpu.core_type = #tpu.core_type<tc>} {
    %get3A = arith.constant 0 : index
    %get3A_0 = arith.constant 0 : index
    %get3A_1 = vector.load %arg0[%get3A, %get3A_0] : memref<1250x128xf32, #tpu.memory_space<vmem>>, vector<1250x128xf32>
    %reduce_max3A = vector.shape_cast %get3A_1 : vector<1250x128xf32> to vector<1x1250x128xf32>
    %reduce_max3A_2 = arith.constant dense<0xFF800000> : vector<1xf32>
    %reduce_max3A_3 = vector.multi_reduction <maximumf>, %reduce_max3A, %reduce_max3A_2 [1, 2] : vector<1x1250x128xf32> to vector<1xf32>
    %reduce_max3A_4 = vector.shape_cast %reduce_max3A_3 : vector<1xf32> to vector<1x1x1xf32>
    %reduce_max3A_5 = vector.extract %reduce_max3A_4[0, 0, 0] : f32 from vector<1x1x1xf32>
    %sub3A = vector.broadcast %reduce_max3A_5 : f32 to vector<1250x128xf32>
    %sub3A_6 = arith.subf %get3A_1, %sub3A : vector<1250x128xf32>
    %exp3A = math.exp %sub3A_6 : vector<1250x128xf32>
    %reduce_sum3A = vector.shape_cast %exp3A : vector<1250x128xf32> to vector<1x1250x128xf32>
    %reduce_sum3A_7 = arith.constant dense<0.000000e+00> : vector<1xf32>
    %reduce_sum3A_8 = vector.multi_reduction <add>, %reduce_sum3A, %reduce_sum3A_7 [1, 2] : vector<1x1250x128xf32> to vector<1xf32>
    %reduce_sum3A_9 = vector.shape_cast %reduce_sum3A_8 : vector<1xf32> to vector<1x1x1xf32>
    %reduce_sum3A_10 = vector.extract %reduce_sum3A_9[0, 0, 0] : f32 from vector<1x1x1xf32>
    %div3A = arith.constant 1.000000e+00 : f32
    %div3A_11 = arith.divf %div3A, %reduce_sum3A_10 : f32
    %mul3A = vector.broadcast %div3A_11 : f32 to vector<1250x128xf32>
    %mul3A_12 = arith.mulf %exp3A, %mul3A : vector<1250x128xf32>
    %swap3A = arith.constant 0 : index
    %swap3A_13 = arith.constant 0 : index
    %swap3A_14 = vector.load %arg1[%swap3A, %swap3A_13] : memref<1250x128xf32, #tpu.memory_space<vmem>>, vector<1250x128xf32>
    tpu.vector_store %arg1[%swap3A, %swap3A_13], %mul3A_12 {strides = array<i32>} : memref<1250x128xf32, #tpu.memory_space<vmem>>, vector<1250x128xf32>,
    return
  }
}

module attributes {stable_mosaic.version = 14 : i64} {
  func.func @_node_scores_body(%arg0: memref<10000x256xf32, #tpu.memory_space<vmem>>, %arg1: memref<10000x256xf32, #tpu.memory_space<vmem>>, %arg2: memref<1x256xf32, #tpu.memory_space<vmem>>, %arg3: memref<1x256xf32, #tpu.memory_space<vmem>>, %arg4: memref<10000xf32, #tpu.memory_space<vmem>>, %arg5: memref<10000xf32, #tpu.memory_space<vmem>>) attributes {dimension_semantics = [], scalar_prefetch = 0 : i64, scratch_operands = 0 : i64, tpu.core_type = #tpu.core_type<tc>} {
    %get3A = arith.constant 0 : index
    %get3A_0 = arith.constant 0 : index
    %get3A_1 = vector.load %arg0[%get3A, %get3A_0] : memref<10000x256xf32, #tpu.memory_space<vmem>>, vector<10000x256xf32>
    %get3A_2 = arith.constant 0 : index
    %get3A_3 = arith.constant 0 : index
    %get3A_4 = vector.load %arg2[%get3A_2, %get3A_3] : memref<1x256xf32, #tpu.memory_space<vmem>>, vector<1x256xf32>
    %mul3A = vector.broadcast %get3A_4 : vector<1x256xf32> to vector<10000x256xf32>
    %mul3A_5 = arith.mulf %get3A_1, %mul3A : vector<10000x256xf32>
    %reduce_sum3A = arith.constant dense<0.000000e+00> : vector<10000xf32>
    %reduce_sum3A_6 = vector.multi_reduction <add>, %mul3A_5, %reduce_sum3A [1] : vector<10000x256xf32> to vector<10000xf32>
    %swap3A = arith.constant 0 : index
    %swap3A_7 = vector.load %arg4[%swap3A] : memref<10000xf32, #tpu.memory_space<vmem>>, vector<10000xf32>
    tpu.vector_store %arg4[%swap3A], %reduce_sum3A_6 {strides = array<i32>} : memref<10000xf32, #tpu.memory_space<vmem>>, vector<10000xf32>,
    %get3A_8 = arith.constant 0 : index
    %get3A_9 = arith.constant 0 : index
    %get3A_10 = vector.load %arg1[%get3A_8, %get3A_9] : memref<10000x256xf32, #tpu.memory_space<vmem>>, vector<10000x256xf32>
    %get3A_11 = arith.constant 0 : index
    %get3A_12 = arith.constant 0 : index
    %get3A_13 = vector.load %arg3[%get3A_11, %get3A_12] : memref<1x256xf32, #tpu.memory_space<vmem>>, vector<1x256xf32>
    %mul3A_14 = vector.broadcast %get3A_13 : vector<1x256xf32> to vector<10000x256xf32>
    %mul3A_15 = arith.mulf %get3A_10, %mul3A_14 : vector<10000x256xf32>
    %reduce_sum3A_16 = arith.constant dense<0.000000e+00> : vector<10000xf32>
    %reduce_sum3A_17 = vector.multi_reduction <add>, %mul3A_15, %reduce_sum3A_16 [1] : vector<10000x256xf32> to vector<10000xf32>
    %swap3A_18 = arith.constant 0 : index
    %swap3A_19 = vector.load %arg5[%swap3A_18] : memref<10000xf32, #tpu.memory_space<vmem>>, vector<10000xf32>
    tpu.vector_store %arg5[%swap3A_18], %reduce_sum3A_17 {strides = array<i32>} : memref<10000xf32, #tpu.memory_space<vmem>>, vector<10000xf32>,
    return
  }
}

</mosaic_0001>

<sc_bundles>
// kernel: kernel.6.cloned.1.call-start
scs
__scs_entry_jumppad:
0x0: {  	(pc) =	sbr.rel $0x88, $3  }
0x1: {  	(tag) =	ssettag $0x0;
	lr =	simm.s32 $0x1  }
0x2: {  	[smem:$0x3F9D] =	sst lr;
	_ =	strace $0xD0000000  }
0x3: {  	_ = 	snop  }
0x4: {  	_ = 	snop  }
0x5: {  	_ = 	snop  }
0x6: {  	_ = 	snop  }
0x7: {  	_ = 	snop  }
__scs_overlays_trampoline_lowered:
0x8: {  	[smem:$0x3FAC] =	sst s0  }
0x9: {  	[smem:$0x3FAD] =	sst s1  }
0xa: {  	[smem:$0x3FAE] =	sst s2  }
0xb: {  	[smem:$0x3FAF] =	sst s3  }
0xc: {  	[smem:$0x3FB0] =	sst s4  }
0xd: {  	[smem:$0x3FB1] =	sst s5  }
0xe: {  	[smem:$0x3FB2] =	sst s6  }
0xf: {  	[smem:$0x3FB3] =	sst s7  }
0x10: {  	[smem:$0x3FB4] =	sst s8  }
0x11: {  	[smem:$0x3FB5] =	sst s9;
	s0 =	simm.s32 @!p0 $0x0  }
0x12: {  	s1 =	sld [smem:$0x3F9B];
	s0 =	simm.s32 @p0 $0x1  }
0x13: {  	[smem:$0x3FB6] =	sst s0;
	s0 =	simm.s32 @!p1 $0x0  }
0x14: {  	s2 =	sld [smem:$0x3F9A];
	s0 =	simm.s32 @p1 $0x1  }
0x15: {  	[smem:$0x3FB7] =	sst s0;
	s0 =	simm.s32 @!p2 $0x0  }
0x16: {  	s3 =	sld [smem:$0x3FDB];
	s0 =	simm.s32 @p2 $0x1  }
0x17: {  	s4 =	simm.s32 $0x1BF5;
	[smem:$0x3FB9] =	sst s0  }
0x18: {  	s0 =	sld [smem:$0x3F9C];
	_ =	swait.ge [sflag:s4], $0x0  }
0x19: {  	s7 =	sld [smem:$0x3F9D]  }
0x1a: {  	s8 =	sadd.s32 $0xFFFFE003, lr  }
0x1b: {  	s9 =	sadd.s32 $0xFFFFFEF7, lr;
	s5 =	simm.s32 $0xFFFFFFFF;
	p2 =	slt.u32 s8, $0xFFFFF086  }
0x1c: {  	p1 =	slt.u32 s9, $0xF7A;
	s5 =	simm.s32 @!p2 $0x0  }
0x1d: {  	s5 =	simm.s32 @p1 $0x1;
	p0 =	seq.s32 s7, s2  }
0x1e: {  	s7 =	smul.u32 @!p0 $0xF7A, s2;
	p2 =	seq.s32 @!p0 s5, $0x0  }
0x1f: {  	s9 =	smul.u32 $0xF7A, s1;
	s8 =	simm.s32 @!p0 $0x1BF5;
	p2 =	por !p2, p0  }
0x20: {  	[sflag:s8] =	ssyncset.s32 @!p0 $0xFFFFF086;
	s6 =	sadd.s32 @!p0 s3, s7;
	s7 =	simm.s32 @!p0 $0x108  }
0x21: {  	s3 =	sadd.s32 s3, s9;
	s6 =	sadd.s32 @!p0 $0x88, s6;
	s7 =	simm.s32 @p2 $0x1082  }
0x22: {  	[simem:s7], [sflag:s8] =	dma.local @!p0 [hbm:s6], $0xF7A  }
0x23: {  	s9 =	sor.u32 $0xD0000000, s2;
	s6 =	simm.s32 $0x108;
	_ =	swait.ge @!p0 [sflag:s8], $0x0  }
0x24: {  	s3 =	sadd.s32 $0x88, s3;
	s6 =	simm.s32 @!p1 $0x1082;
	[sflag:s4] =	ssyncset.s32 $0xFFFFF086  }
0x25: {  	[simem:s6], [sflag:s4] =	dma.local [hbm:s3], $0xF7A  }
0x26: {  	[smem:$0x3F9D] =	sst s1;
	(tag) =	ssettag s2;
	_ =	strace s9  }
0x27: {  	s1 =	sld [smem:$0x3FAD]  }
0x28: {  	s2 =	sld [smem:$0x3FAE]  }
0x29: {  	s4 =	sld [smem:$0x3FB0]  }
0x2a: {  	p0 =	seq.s32 s5, $0x0;
	s5 =	sld [smem:$0x3FB1]  }
0x2b: {  	s6 =	sld [smem:$0x3FB2]  }
0x2c: {  	s7 =	sld [smem:$0x3FB3]  }
0x2d: {  	s3 =	simm.s32 $0x108;
	s8 =	sld [smem:$0x3FB4]  }
0x2e: {  	s3 =	simm.s32 @!p0 $0x1082;
	s9 =	sld [smem:$0x3FB5]  }
0x2f: {  	lr =	sadd.s32 s0, s3;
	s0 =	sld [smem:$0x3FAC]  }
0x30: {  	s3 =	sld [smem:$0x3FAF]  }
0x31: {  	[smem:$0x3FB8] =	sst s10  }
0x32: {  	s10 =	sld [smem:$0x3FB6];
	_ =	sdelay $0x3  }
0x33: {  	p0 =	seq.s32 s10, $0x1;
	s10 =	sld [smem:$0x3FB8];
	_ =	sdelay $0x3  }
0x34: {  	[smem:$0x3FB8] =	sst s10  }
0x35: {  	s10 =	sld [smem:$0x3FB7];
	_ =	sdelay $0x3  }
0x36: {  	p1 =	seq.s32 s10, $0x1;
	s10 =	sld [smem:$0x3FB8];
	_ =	sdelay $0x3  }
0x37: {  	[smem:$0x3FB8] =	sst s10  }
0x38: {  	s10 =	sld [smem:$0x3FB9]  }
0x39: {  	_ = 	snop;
	(pc) =	sbr.ind lr, $3  }
0x3a: {  	_ = 	snop  }
0x3b: {  	_ = 	snop  }
0x3c: {  	p2 =	seq.s32 s10, $0x1;
	s10 =	sld [smem:$0x3FB8]  }
0x3d: {  	_ =	shalt  }
0x3e: {  	_ =	shalt  }
0x3f: {  	_ =	shalt  }
0x40: {  	_ =	shalt  }
0x41: {  	_ =	shalt  }
0x42: {  	_ =	shalt  }
0x43: {  	_ =	shalt  }
0x44: {  	_ =	shalt  }
0x45: {  	_ =	shalt  }
0x46: {  	_ =	shalt  }
0x47: {  	_ =	shalt  }
0x48: {  	_ =	shalt  }
0x49: {  	_ =	shalt  }
0x4a: {  	_ =	shalt  }
0x4b: {  	_ =	shalt  }
0x4c: {  	_ =	shalt  }
0x4d: {  	_ =	shalt  }
0x4e: {  	_ =	shalt  }
0x4f: {  	_ =	shalt  }
0x50: {  	_ =	shalt  }
0x51: {  	_ =	shalt  }
0x52: {  	_ =	shalt  }
0x53: {  	_ =	shalt  }
0x54: {  	_ =	shalt  }
0x55: {  	_ =	shalt  }
0x56: {  	_ =	shalt  }
0x57: {  	_ =	shalt  }
0x58: {  	_ =	shalt  }
0x59: {  	_ =	shalt  }
0x5a: {  	_ =	shalt  }
0x5b: {  	_ =	shalt  }
0x5c: {  	_ =	shalt  }
0x5d: {  	_ =	shalt  }
0x5e: {  	_ =	shalt  }
0x5f: {  	_ =	shalt  }
0x60: {  	_ =	shalt  }
0x61: {  	_ =	shalt  }
0x62: {  	_ =	shalt  }
0x63: {  	_ =	shalt  }
0x64: {  	_ =	shalt  }
0x65: {  	_ =	shalt  }
0x66: {  	_ =	shalt  }
0x67: {  	_ =	shalt  }
0x68: {  	_ =	shalt  }
0x69: {  	_ =	shalt  }
0x6a: {  	_ =	shalt  }
0x6b: {  	_ =	shalt  }
0x6c: {  	_ =	shalt  }
0x6d: {  	_ =	shalt  }
0x6e: {  	_ =	shalt  }
0x6f: {  	_ =	shalt  }
0x70: {  	_ =	shalt  }
0x71: {  	_ =	shalt  }
0x72: {  	_ =	shalt  }
0x73: {  	_ =	shalt  }
0x74: {  	_ =	shalt  }
0x75: {  	_ =	shalt  }
0x76: {  	_ =	shalt  }
0x77: {  	_ =	shalt  }
0x78: {  	_ =	shalt  }
0x79: {  	_ =	shalt  }
0x7a: {  	_ =	shalt  }
0x7b: {  	_ =	shalt  }
0x7c: {  	_ =	shalt  }
0x7d: {  	_ =	shalt  }
0x7e: {  	_ =	shalt  }
0x7f: {  	_ =	shalt  }
0x80: {  	_ =	shalt  }
0x81: {  	_ =	shalt  }
0x82: {  	_ =	shalt  }
0x83: {  	_ =	shalt  }
0x84: {  	_ =	shalt  }
0x85: {  	_ =	shalt  }
0x86: {  	_ =	shalt  }
0x87: {  	_ =	shalt  }
.Lfunc_end0:
.L_simem_size_0:
called_computation_lowered:
.L_overlay_start_0:
0x88: {  	s2 =	sld [smem:$0x3FD9]  }
0x89: {  	s3 =	sld [smem:$0x3FFE];
	_ =	sdelay $0x1  }
0x8a: {  	s1 =	srdreg.scid  }
0x8b: {  	s0 =	sand.u32 $0x1, s1  }
0x8c: {  	s17 =	sshll.u32 s0, $0xA;
	s2 =	sadd.s32 s3, s2  }
0x8d: {  	s2 =	sadd.s32 s2, s17  }
0x8e: {  	[smem:$0x3FC4] =	sst s2  }
0x8f: {  	_ = 	snop  }
0x90: {  	s2 =	sld [smem:$0x3FD0];
	(tm) =	ssettm $0x1  }
0x91: {  	s18 =	sld [smem:$0x3FFB];
	_ =	sdelay $0x3  }
0x92: {  	_ =	strace s18  }
0x93: {  	s3 =	sld [smem:$0x3FFC];
	_ =	sdelay $0x3  }
0x94: {  	_ =	strace s3  }
0x95: {  	s3 =	sld [smem:$0x3FFD];
	_ =	sdelay $0x3  }
0x96: {  	_ =	strace s3  }
0x97: {  	_ =	strace $0x8FFFFFFF  }
0x98: {  	s19 =	sld [smem:$0x3FDB];
	_ =	sdelay $0x1  }
0x99: {  	s4 =	simm.s32 $_scs_section_size  }
0x9a: {  	s5 =	simm.s32 $_size__tile_overlayer_lowered;
	s6 =	simm.s32 $_tile_overlayer_lowered  }
0x9b: {  	s22 =	simm.s32 $0x1BFF;
	s21 =	sshll.u32 s6, $0x1;
	s3 =	sadd.s32 s4, s19  }
0x9c: {  	s7 =	simm.s32 $0x0;
	s20 =	sshll.u32 s5, $0x1;
	s5 =	sadd.s32 s21, s3  }
0x9d: {  	[timem:s7], [sflag:s22] =	dma.local [hbm:s5], s20  }
0x9e: {  	_ =	swait.ge [sflag:s22], s20  }
0x9f: {  	s4 =	ssub.s32 $0x0, s20;
	[sflag:s22] =	ssyncset.done $0x0  }
0xa0: {  	[sflag:s22] =	ssyncadd.s32 s4;
	_ =	sdelay $0x1  }
0xa1: {  	s23 =	simm.s32 $0x1B8B  }
0xa2: {  	_ =	swait.ge [sflag:s23], $0x1  }
0xa3: {  	[sflag:s23] =	ssyncset.done $0x0  }
0xa4: {  	s25 =	simm.s32 $0x1B8E;
	s24 =	sld [smem:$0x3FFE];
	[sflag:s23] =	ssyncadd.s32 $0xFFFFFFFF  }
0xa5: {  	s26 =	simm.s32 $execute0_lowered;
	[smem:$0x3FD2] =	sst s25  }
0xa6: {  	s5 =	sshll.u32 s26, $0x1;
	_ =	strace $0x80000046;
	[dreg:$0x1] =	wrdreg $0xFFFFFFFF  }
0xa7: {  	s28 =	simm.s32 $_size_execute0_lowered;
	s3 =	sadd.s32 s3, s5;
	[dreg:$0x0] =	wrdreg $0x0  }
0xa8: {  	s5 =	sshll.u32 s28, $0x1;
	[dreg:$0x2] =	wrdreg s3  }
0xa9: {  	[dreg:$0x3] =	wrdreg s5  }
0xaa: {  	[dreg:$0x4] =	wrdreg $0xC0  }
0xab: {  	_ =	task [dreg:s7], $0x5FFFF  }
0xac: {  	[dreg:$0x1] =	wrdreg $0xFFFFFFFF  }
0xad: {  	[dreg:$0x0] =	wrdreg $0x60  }
0xae: {  	[dreg:$0x2] =	wrdreg s24  }
0xaf: {  	[dreg:$0x3] =	wrdreg s2  }
0xb0: {  	[dreg:$0x4] =	wrdreg $0x9  }
0xb1: {  	_ =	task.clear_ibuf [dreg:s7], $0x5FFFF;
	_ =	strace $0x90000046  }
0xb2: {  	s29 =	simm.s32 $0x9;
	_ =	strace $0x80000048  }
0xb3: {  	_ =	swait.ge [sflag:s29], $0x1  }
0xb4: {  	[sflag:s29] =	ssyncadd.s32 $0xFFFFFFFF  }
0xb5: {  	_ =	strace $0x90000048  }
0xb6: {  	_ =	sfence  }
0xb7: {  	s30 =	sld [smem:$0x0];
	_ =	sdelay $0x2  }
0xb8: {  	s31 =	sshll.u32 s1, $0xD;
	s1 =	sshrl.u32 s1, $0x2  }
0xb9: {  	s3 =	sand.u32 $0x4000, s31;
	s1 =	sadd.s32 s1, s30  }
0xba: {  	s0 =	sor.u32 s3, s0;
	s1 =	sshll.u32 s1, $0x11  }
0xbb: {  	s0 =	sor.u32 s1, s0  }
0xbc: {  	s0 =	sadd.s32 $0x8F2B, s0  }
0xbd: {  	[sflag:s0] =	ssyncadd.remote.s32 $0x1  }
0xbe: {  	_ =	sfence.sel $0xFFFF  }
0xbf: {  	[dreg:$0x0] =	wrdreg $0xFFFFFFFF;
	(pc) =	sbr.abs _section_cstart, $3  }
0xc0: {  	[dreg:$0x1] =	wrdreg $0xFFFFFFFF  }
0xc1: {  	_ =	task.clear_ibuf [dreg:s7], $0x2FFFF;
	_ =	strace $0x9FFFFFFF  }
0xc2: {  	(tm) =	ssettm $0x7FFFFFFF  }
0xc3: {  	_ =	shalt  }
tec
execute0_lowered:
.L_overlay_start_1:
0x0: {  	(tag) =	ssettag $0x1  }
0x1: {  	s5 =	rddreg [dreg:$0x0];
	s1 =	srdreg.scid  }
0x2: {  	s0 =	stileid.u32;
	s6 =	rddreg [dreg:$0x1];
	s2 =	simm.s32 $0x0  }
0x3: {  	s10 =	simm.s32 $0x4F00;
	s11 =	simm.s32 $0x6300;
	s12 =	simm.s32 $0x1  }
0x4: {  	s13 =	simm.s32 $0x2;
	s14 =	simm.s32 $0x3;
	s15 =	simm.s32 $0x4  }
0x5: {  	s16 =	simm.s32 $0x7700;
	s17 =	simm.s32 $0x5;
	s18 =	simm.s32 $0x0  }
0x6: {  	s4 =	sand.u32 $0x1, s1;
	s3 =	sshll.u32 s0, $0x1;
	s1 =	rddreg [dreg:$0x2]  }
0x7: {  	[smem:$0x7FF] =	sst s2;
	s3 =	sor.u32 s4, s3;
	s8 =	ssub.s32 $0x2, s4  }
0x8: {  	_ =	strace $0x80000047;
	s7 =	smul.u32 $0x271, s3;
	s31 =	sshrl.u32 s8, $0x1  }
0x9: {  	s4 =	sadd.s32 $0x6600, s5;
	s3 =	sadd.s32 $0x6000, s5;
	s8 =	ssub.s32 s8, s31  }
0xa: {  	s9 =	sadd.s32 s7, s5;
	s6 =	sadd.s32 s6, s7;
	s8 =	smax.u32 s8, $0x1  }
0xb: {  	vm0 =	vmmov $0xff;
	s5 =	sadd.s32 $0x1000, s9;
	s7 =	sadd.s32 $0x6C00, s9;
	s9 =	simm.s32 $0x2780  }
.LBB2_1:
0xc: {  	[tilespmem:s2], [sflag:$0x1] =	stream.linear.gather [hbm4b:s3+s2], $0x2780, $0x38;
	[tilespmem:$0x8B00] =	vst v63  }
0xd: {  	_ = 	snop  }
0xe: {  	[tilespmem:s9], [sflag:$0x2] =	stream.linear.gather [hbm4b:s4+s2], $0x2780, $0x38;
	[tilespmem:$0x8B00] =	vst v63  }
0xf: {  	_ = 	snop  }
0x10: {  	[tilespmem:s10], [sflag:$0x3] =	stream.linear.gather [hbm4b:s5+s2], $0x1388, $0x38;
	[tilespmem:$0x8B00] =	vst v63  }
0x11: {  	_ = 	snop  }
0x12: {  	[tilespmem:s11], [sflag:$0x4] =	stream.linear.gather [hbm4b:s6+s2], $0x1388, $0x38;
	[tilespmem:$0x8B00] =	vst v63  }
0x13: {  	_ =	swait.ge [sflag:s12], $0x2780  }
0x14: {  	[sflag:s12] =	ssyncset.done $0x0  }
0x15: {  	[sflag:s12] =	ssyncadd.s32 $0xFFFFD880  }
0x16: {  	_ =	swait.ge [sflag:s13], $0x2780  }
0x17: {  	[sflag:s13] =	ssyncset.done $0x0  }
0x18: {  	[sflag:s13] =	ssyncadd.s32 $0xFFFFD880  }
0x19: {  	_ =	swait.ge [sflag:s14], $0x1388  }
0x1a: {  	[sflag:s14] =	ssyncset.done $0x0  }
0x1b: {  	[sflag:s14] =	ssyncadd.s32 $0xFFFFEC78  }
0x1c: {  	_ =	swait.ge [sflag:s15], $0x1388  }
0x1d: {  	[sflag:s15] =	ssyncset.done $0x0  }
0x1e: {  	s19 =	simm.s32 $0x0;
	[sflag:s15] =	ssyncadd.s32 $0xFFFFEC78  }
0x1f: {  	v0 =	vld [tilespmem:s19+$0x6300]  }
0x20: {  	v1 =	vld [tilespmem:s19+$0x4F00];
	_ =	sdelay $0x6  }
0x21: {  	v0 =	vld.idx.msk [tilespmem:v0+s9+$0x0], $0xffff  }
0x22: {  	s20 =	simm.s32 $0x10;
	v2 =	vld.idx.msk [tilespmem:v1+s2+$0x0], $0xffff  }
0x23: {  	s21 =	simm.s32 $0x80;
	v1 =	vld [tilespmem:s20+$0x6300]  }
.LBB2_2:
0x24: {  	p0 =	sne.s32 s21, $0x4DC0;
	v3 =	vld [tilespmem:s20+$0x4F00];
	_ =	sdelay $0x3  }
0x25: {  	v0 =	vadd.f32 v0, v2  }
.Ltmp0:
0x26: {  	(pc) =	sbr.rel @p0 .LBB2_2-.Ltmp0, $4  }
0x27: {  	[tilespmem:s19+$0x7700] =	vst v0;
	s19 =	smov.u32 s20  }
0x28: {  	v0 =	vld.idx.msk [tilespmem:v1+s9+$0x0], $0xffff  }
0x29: {  	s20 =	sshra.s32 s21, $0x2;
	v2 =	vld.idx.msk [tilespmem:v3+s2+$0x0], $0xffff  }
0x2a: {  	s21 =	sadd.s32 $0x40, s21;
	v1 =	vld [tilespmem:s20+$0x6300]  }
0x2b: {  	_ = 	snop  }
0x2c: {  	v3 =	vld [tilespmem:s20+$0x4F00];
	_ =	sdelay $0x3  }
0x2d: {  	v0 =	vadd.f32 v0, v2;
	_ =	sdelay $0x1  }
0x2e: {  	[tilespmem:s19+$0x7700] =	vst v0  }
0x2f: {  	v0 =	vld.idx.msk [tilespmem:v1+s9+$0x0], $0xffff  }
0x30: {  	v62 =	vld.idx.msk [tilespmem:v3+s2+$0x0], $0xffff;
	_ =	sdelay $0x4  }
0x31: {  	v0 =	vadd.f32 v0, v62;
	_ =	sdelay $0x1  }
0x32: {  	[tilespmem:s20+$0x7700] =	vst v0  }
0x33: {  	v0 =	vld [tilespmem:$0x6280]  }
0x34: {  	v63 =	vld [tilespmem:$0x7680];
	_ =	sdelay $0x3  }
0x35: {  	v0 =	vnsel vm0, $0x0, v0  }
0x36: {  	v1 =	vnsel vm0, $0x0, v63;
	_ =	sdelay $0x3  }
0x37: {  	v0 =	vld.idx.msk [tilespmem:v0+s2+$0x0], $0xffff  }
0x38: {  	v1 =	vld.idx.msk [tilespmem:v1+s9+$0x0], $0xffff;
	_ =	sdelay $0x4  }
0x39: {  	s18 =	sadd.s32 $0x1, s18;
	v0 =	vadd.f32 v1, v0  }
0x3a: {  	p0 =	sne.s32 s18, s8  }
.Ltmp1:
0x3b: {  	[tilespmem:$0x8A80] =	vst v0;
	(pc) =	sbr.rel @p0 .LBB2_1-.Ltmp1, $4  }
0x3c: {  	[hbm4b:s7+s2] =	stream.linear.scatter [tilespmem:s16], [sflag:$0x5], $0x1388, $0x38;
	[tilespmem:$0x8B00] =	vst v63  }
0x3d: {  	_ =	swait.ge [sflag:s17], $0x1388  }
0x3e: {  	[sflag:s17] =	ssyncset.done $0x0  }
0x3f: {  	[sflag:s17] =	ssyncadd.s32 $0xFFFFEC78  }
0x40: {  	_ =	sfence.sel $0x180000  }
0x41: {  	[bflag:$0x0] =	sbarrier.arrive $0xFFFF  }
0x42: {  	p0 =	sne.s32 s0, $0x0;
	_ =	strace $0x90000047  }
0x43: {  	s0 =	sadd.s32 @!p0 $0x100000, s1;
	[bflag:$0x2] =	sbarrier.arrive $0xFFFF  }
0x44: {  	[sflag:s0] =	ssyncadd.tile.s32 @!p0 $0x1;
	_ =	shalt  }
.Lfunc_end2:
_tile_overlayer_lowered:
.L_overlay_start_2:
0x45: {  	(tag) =	ssettag $0x2  }
0x46: {  	s0 =	rddreg [dreg:$0x0];
	s2 =	stileid.u32  }
0x47: {  	s1 =	rddreg [dreg:$0x1];
	p0 =	sne.s32 s2, $0x0  }
0x48: {  	s3 =	rddreg [dreg:$0x2];
	[bflag:$0x3] =	sbarrier.arrive $0xFFFF;
	s2 =	simm.s32 @!p0 $0x1C05  }
0x49: {  	[timem:s3], [sflag:s2] =	dma.local @!p0 [hbm:s0], s1  }
0x4a: {  	s0 =	simm.s32 @!p0 $0x5  }
0x4b: {  	_ =	swait.ge @!p0 [sflag:s0], s1  }
0x4c: {  	s1 =	ssub.s32 @!p0 $0x0, s1;
	[sflag:s0] =	ssyncset.done @!p0 $0x0  }
0x4d: {  	[sflag:s0] =	ssyncadd.s32 @!p0 s1  }
0x4e: {  	[bflag:$0x3] =	sbarrier.arrive $0xFFFF  }
0x4f: {  	_ =	shalt  }

// kernel: kernel.9.cloned.1.call-start
scs
__scs_entry_jumppad:
0x0: {  	(pc) =	sbr.rel $0x88, $3  }
0x1: {  	(tag) =	ssettag $0x0;
	lr =	simm.s32 $0x1  }
0x2: {  	[smem:$0x3F9D] =	sst lr;
	_ =	strace $0xD0000000  }
0x3: {  	_ = 	snop  }
0x4: {  	_ = 	snop  }
0x5: {  	_ = 	snop  }
0x6: {  	_ = 	snop  }
0x7: {  	_ = 	snop  }
__scs_overlays_trampoline_lowered:
0x8: {  	[smem:$0x3FAC] =	sst s0  }
0x9: {  	[smem:$0x3FAD] =	sst s1  }
0xa: {  	[smem:$0x3FAE] =	sst s2  }
0xb: {  	[smem:$0x3FAF] =	sst s3  }
0xc: {  	[smem:$0x3FB0] =	sst s4  }
0xd: {  	[smem:$0x3FB1] =	sst s5  }
0xe: {  	[smem:$0x3FB2] =	sst s6  }
0xf: {  	[smem:$0x3FB3] =	sst s7  }
0x10: {  	[smem:$0x3FB4] =	sst s8  }
0x11: {  	[smem:$0x3FB5] =	sst s9;
	s0 =	simm.s32 @!p0 $0x0  }
0x12: {  	s1 =	sld [smem:$0x3F9B];
	s0 =	simm.s32 @p0 $0x1  }
0x13: {  	[smem:$0x3FB6] =	sst s0;
	s0 =	simm.s32 @!p1 $0x0  }
0x14: {  	s2 =	sld [smem:$0x3F9A];
	s0 =	simm.s32 @p1 $0x1  }
0x15: {  	[smem:$0x3FB7] =	sst s0;
	s0 =	simm.s32 @!p2 $0x0  }
0x16: {  	s3 =	sld [smem:$0x3FDB];
	s0 =	simm.s32 @p2 $0x1  }
0x17: {  	s4 =	simm.s32 $0x1BF5;
	[smem:$0x3FB9] =	sst s0  }
0x18: {  	s0 =	sld [smem:$0x3F9C];
	_ =	swait.ge [sflag:s4], $0x0  }
0x19: {  	s7 =	sld [smem:$0x3F9D]  }
0x1a: {  	s8 =	sadd.s32 $0xFFFFE003, lr  }
0x1b: {  	s9 =	sadd.s32 $0xFFFFFEF7, lr;
	s5 =	simm.s32 $0xFFFFFFFF;
	p2 =	slt.u32 s8, $0xFFFFF086  }
0x1c: {  	p1 =	slt.u32 s9, $0xF7A;
	s5 =	simm.s32 @!p2 $0x0  }
0x1d: {  	s5 =	simm.s32 @p1 $0x1;
	p0 =	seq.s32 s7, s2  }
0x1e: {  	s7 =	smul.u32 @!p0 $0xF7A, s2;
	p2 =	seq.s32 @!p0 s5, $0x0  }
0x1f: {  	s9 =	smul.u32 $0xF7A, s1;
	s8 =	simm.s32 @!p0 $0x1BF5;
	p2 =	por !p2, p0  }
0x20: {  	[sflag:s8] =	ssyncset.s32 @!p0 $0xFFFFF086;
	s6 =	sadd.s32 @!p0 s3, s7;
	s7 =	simm.s32 @!p0 $0x108  }
0x21: {  	s3 =	sadd.s32 s3, s9;
	s6 =	sadd.s32 @!p0 $0x88, s6;
	s7 =	simm.s32 @p2 $0x1082  }
0x22: {  	[simem:s7], [sflag:s8] =	dma.local @!p0 [hbm:s6], $0xF7A  }
0x23: {  	s9 =	sor.u32 $0xD0000000, s2;
	s6 =	simm.s32 $0x108;
	_ =	swait.ge @!p0 [sflag:s8], $0x0  }
0x24: {  	s3 =	sadd.s32 $0x88, s3;
	s6 =	simm.s32 @!p1 $0x1082;
	[sflag:s4] =	ssyncset.s32 $0xFFFFF086  }
0x25: {  	[simem:s6], [sflag:s4] =	dma.local [hbm:s3], $0xF7A  }
0x26: {  	[smem:$0x3F9D] =	sst s1;
	(tag) =	ssettag s2;
	_ =	strace s9  }
0x27: {  	s1 =	sld [smem:$0x3FAD]  }
0x28: {  	s2 =	sld [smem:$0x3FAE]  }
0x29: {  	s4 =	sld [smem:$0x3FB0]  }
0x2a: {  	p0 =	seq.s32 s5, $0x0;
	s5 =	sld [smem:$0x3FB1]  }
0x2b: {  	s6 =	sld [smem:$0x3FB2]  }
0x2c: {  	s7 =	sld [smem:$0x3FB3]  }
0x2d: {  	s3 =	simm.s32 $0x108;
	s8 =	sld [smem:$0x3FB4]  }
0x2e: {  	s3 =	simm.s32 @!p0 $0x1082;
	s9 =	sld [smem:$0x3FB5]  }
0x2f: {  	lr =	sadd.s32 s0, s3;
	s0 =	sld [smem:$0x3FAC]  }
0x30: {  	s3 =	sld [smem:$0x3FAF]  }
0x31: {  	[smem:$0x3FB8] =	sst s10  }
0x32: {  	s10 =	sld [smem:$0x3FB6];
	_ =	sdelay $0x3  }
0x33: {  	p0 =	seq.s32 s10, $0x1;
	s10 =	sld [smem:$0x3FB8];
	_ =	sdelay $0x3  }
0x34: {  	[smem:$0x3FB8] =	sst s10  }
0x35: {  	s10 =	sld [smem:$0x3FB7];
	_ =	sdelay $0x3  }
0x36: {  	p1 =	seq.s32 s10, $0x1;
	s10 =	sld [smem:$0x3FB8];
	_ =	sdelay $0x3  }
0x37: {  	[smem:$0x3FB8] =	sst s10  }
0x38: {  	s10 =	sld [smem:$0x3FB9]  }
0x39: {  	_ = 	snop;
	(pc) =	sbr.ind lr, $3  }
0x3a: {  	_ = 	snop  }
0x3b: {  	_ = 	snop  }
0x3c: {  	p2 =	seq.s32 s10, $0x1;
	s10 =	sld [smem:$0x3FB8]  }
0x3d: {  	_ =	shalt  }
0x3e: {  	_ =	shalt  }
0x3f: {  	_ =	shalt  }
0x40: {  	_ =	shalt  }
0x41: {  	_ =	shalt  }
0x42: {  	_ =	shalt  }
0x43: {  	_ =	shalt  }
0x44: {  	_ =	shalt  }
0x45: {  	_ =	shalt  }
0x46: {  	_ =	shalt  }
0x47: {  	_ =	shalt  }
0x48: {  	_ =	shalt  }
0x49: {  	_ =	shalt  }
0x4a: {  	_ =	shalt  }
0x4b: {  	_ =	shalt  }
0x4c: {  	_ =	shalt  }
0x4d: {  	_ =	shalt  }
0x4e: {  	_ =	shalt  }
0x4f: {  	_ =	shalt  }
0x50: {  	_ =	shalt  }
0x51: {  	_ =	shalt  }
0x52: {  	_ =	shalt  }
0x53: {  	_ =	shalt  }
0x54: {  	_ =	shalt  }
0x55: {  	_ =	shalt  }
0x56: {  	_ =	shalt  }
0x57: {  	_ =	shalt  }
0x58: {  	_ =	shalt  }
0x59: {  	_ =	shalt  }
0x5a: {  	_ =	shalt  }
0x5b: {  	_ =	shalt  }
0x5c: {  	_ =	shalt  }
0x5d: {  	_ =	shalt  }
0x5e: {  	_ =	shalt  }
0x5f: {  	_ =	shalt  }
0x60: {  	_ =	shalt  }
0x61: {  	_ =	shalt  }
0x62: {  	_ =	shalt  }
0x63: {  	_ =	shalt  }
0x64: {  	_ =	shalt  }
0x65: {  	_ =	shalt  }
0x66: {  	_ =	shalt  }
0x67: {  	_ =	shalt  }
0x68: {  	_ =	shalt  }
0x69: {  	_ =	shalt  }
0x6a: {  	_ =	shalt  }
0x6b: {  	_ =	shalt  }
0x6c: {  	_ =	shalt  }
0x6d: {  	_ =	shalt  }
0x6e: {  	_ =	shalt  }
0x6f: {  	_ =	shalt  }
0x70: {  	_ =	shalt  }
0x71: {  	_ =	shalt  }
0x72: {  	_ =	shalt  }
0x73: {  	_ =	shalt  }
0x74: {  	_ =	shalt  }
0x75: {  	_ =	shalt  }
0x76: {  	_ =	shalt  }
0x77: {  	_ =	shalt  }
0x78: {  	_ =	shalt  }
0x79: {  	_ =	shalt  }
0x7a: {  	_ =	shalt  }
0x7b: {  	_ =	shalt  }
0x7c: {  	_ =	shalt  }
0x7d: {  	_ =	shalt  }
0x7e: {  	_ =	shalt  }
0x7f: {  	_ =	shalt  }
0x80: {  	_ =	shalt  }
0x81: {  	_ =	shalt  }
0x82: {  	_ =	shalt  }
0x83: {  	_ =	shalt  }
0x84: {  	_ =	shalt  }
0x85: {  	_ =	shalt  }
0x86: {  	_ =	shalt  }
0x87: {  	_ =	shalt  }
.Lfunc_end0:
.L_simem_size_0:
called_computation.1_lowered:
.L_overlay_start_0:
0x88: {  	s2 =	sld [smem:$0x3FD9]  }
0x89: {  	s3 =	sld [smem:$0x3FFE];
	_ =	sdelay $0x1  }
0x8a: {  	s1 =	srdreg.scid  }
0x8b: {  	s0 =	sand.u32 $0x1, s1  }
0x8c: {  	s17 =	sshll.u32 s0, $0xA;
	s2 =	sadd.s32 s3, s2  }
0x8d: {  	s2 =	sadd.s32 s2, s17  }
0x8e: {  	[smem:$0x3FC4] =	sst s2  }
0x8f: {  	_ = 	snop  }
0x90: {  	s2 =	sld [smem:$0x3FC9]  }
0x91: {  	s18 =	sld [smem:$0x3FD0];
	(tm) =	ssettm $0x1  }
0x92: {  	s4 =	sld [smem:$0x3FFB];
	_ =	sdelay $0x3  }
0x93: {  	_ =	strace s4  }
0x94: {  	s4 =	sld [smem:$0x3FFC];
	_ =	sdelay $0x3  }
0x95: {  	_ =	strace s4  }
0x96: {  	s4 =	sld [smem:$0x3FFD];
	_ =	sdelay $0x3  }
0x97: {  	_ =	strace s4  }
0x98: {  	_ =	strace $0x8FFFFFFF  }
0x99: {  	s19 =	sld [smem:$0x3FDB];
	_ =	sdelay $0x1  }
0x9a: {  	s5 =	simm.s32 $_scs_section_size  }
0x9b: {  	s6 =	simm.s32 $_size__tile_overlayer_lowered;
	s7 =	simm.s32 $_tile_overlayer_lowered  }
0x9c: {  	s22 =	simm.s32 $0x1BFF;
	s21 =	sshll.u32 s7, $0x1;
	s4 =	sadd.s32 s5, s19  }
0x9d: {  	s8 =	simm.s32 $0x0;
	s20 =	sshll.u32 s6, $0x1;
	s6 =	sadd.s32 s21, s4  }
0x9e: {  	[timem:s8], [sflag:s22] =	dma.local [hbm:s6], s20  }
0x9f: {  	_ =	swait.ge [sflag:s22], s20  }
0xa0: {  	s5 =	ssub.s32 $0x0, s20;
	[sflag:s22] =	ssyncset.done $0x0  }
0xa1: {  	[sflag:s22] =	ssyncadd.s32 s5;
	_ =	sdelay $0x1  }
0xa2: {  	s23 =	simm.s32 $0x1B8B  }
0xa3: {  	_ =	swait.ge [sflag:s23], $0x1  }
0xa4: {  	[sflag:s23] =	ssyncset.done $0x0  }
0xa5: {  	s25 =	simm.s32 $0x1B8E;
	s24 =	sld [smem:$0x3FFE];
	[sflag:s23] =	ssyncadd.s32 $0xFFFFFFFF  }
0xa6: {  	s26 =	simm.s32 $execute0_lowered;
	[smem:$0x3FD2] =	sst s25  }
0xa7: {  	s6 =	sshll.u32 s26, $0x1;
	_ =	strace $0x80000049;
	[dreg:$0x1] =	wrdreg $0xFFFFFFFF  }
0xa8: {  	s28 =	simm.s32 $_size_execute0_lowered;
	s4 =	sadd.s32 s4, s6;
	[dreg:$0x0] =	wrdreg $0x0  }
0xa9: {  	s6 =	sshll.u32 s28, $0x1;
	[dreg:$0x2] =	wrdreg s4  }
0xaa: {  	[dreg:$0x3] =	wrdreg s6  }
0xab: {  	[dreg:$0x4] =	wrdreg $0xC0  }
0xac: {  	_ =	task [dreg:s8], $0x5FFFF  }
0xad: {  	[dreg:$0x1] =	wrdreg $0xFFFFFFFF  }
0xae: {  	[dreg:$0x0] =	wrdreg $0x60  }
0xaf: {  	[dreg:$0x2] =	wrdreg s2  }
0xb0: {  	[dreg:$0x3] =	wrdreg s24  }
0xb1: {  	[dreg:$0x4] =	wrdreg s18  }
0xb2: {  	[dreg:$0x5] =	wrdreg $0x9  }
0xb3: {  	_ =	task.clear_ibuf [dreg:s8], $0x6FFFF;
	_ =	strace $0x90000049  }
0xb4: {  	s29 =	simm.s32 $0x9;
	_ =	strace $0x8000004B  }
0xb5: {  	_ =	swait.ge [sflag:s29], $0x1  }
0xb6: {  	[sflag:s29] =	ssyncadd.s32 $0xFFFFFFFF  }
0xb7: {  	_ =	strace $0x9000004B  }
0xb8: {  	_ =	sfence  }
0xb9: {  	s30 =	sld [smem:$0x0];
	_ =	sdelay $0x2  }
0xba: {  	s31 =	sshll.u32 s1, $0xD;
	s1 =	sshrl.u32 s1, $0x2  }
0xbb: {  	s3 =	sand.u32 $0x4000, s31;
	s1 =	sadd.s32 s1, s30  }
0xbc: {  	s0 =	sor.u32 s3, s0;
	s1 =	sshll.u32 s1, $0x11  }
0xbd: {  	s0 =	sor.u32 s1, s0  }
0xbe: {  	s0 =	sadd.s32 $0x8F2B, s0  }
0xbf: {  	[sflag:s0] =	ssyncadd.remote.s32 $0x1  }
0xc0: {  	_ =	sfence.sel $0xFFFF  }
0xc1: {  	[dreg:$0x0] =	wrdreg $0xFFFFFFFF;
	(pc) =	sbr.abs _section_cstart, $3  }
0xc2: {  	[dreg:$0x1] =	wrdreg $0xFFFFFFFF  }
0xc3: {  	_ =	task.clear_ibuf [dreg:s8], $0x2FFFF;
	_ =	strace $0x9FFFFFFF  }
0xc4: {  	(tm) =	ssettm $0x7FFFFFFF  }
0xc5: {  	_ =	shalt  }
tec
execute0_lowered:
.L_overlay_start_1:
0x0: {  	(tag) =	ssettag $0x1  }
0x1: {  	s0 =	srdreg.scid;
	s2 =	stileid.u32  }
0x2: {  	s0 =	sand.u32 $0x1, s0;
	s2 =	sshll.u32 s2, $0x1  }
0x3: {  	s2 =	sor.u32 s0, s2  }
0x4: {  	s1 =	rddreg [dreg:$0x0];
	s4 =	smul.u32 $0x1388, s2  }
0x5: {  	s6 =	rddreg [dreg:$0x1];
	s5 =	simm.s32 $0x0;
	s8 =	smul.u32 $0x138800, s2  }
0x6: {  	[smem:$0x7FF] =	sst s5;
	s0 =	ssub.s32 $0x2, s0;
	s2 =	smul.u32 $0x27100, s2  }
0x7: {  	s3 =	rddreg [dreg:$0x2];
	_ =	strace $0x8000004A;
	s16 =	sshrl.u32 s0, $0x1  }
0x8: {  	s0 =	ssub.s32 s0, s16;
	s7 =	sshrl.u32 s4, $0x3;
	s2 =	sadd.s32 s3, s2  }
0x9: {  	s0 =	smax.u32 s0, $0x1;
	s6 =	sadd.s32 s7, s6;
	[dreg:$0x6] =	wrdreg s2  }
0xa: {  	s8 =	sshrl.u32 s8, $0x3;
	[dreg:$0xf] =	wrdreg s0;
	s17 =	sadd.s32 $0x1000, s6  }
0xb: {  	s18 =	sadd.s32 s3, s8;
	s6 =	sadd.s32 $0x6000, s6;
	[dreg:$0x4] =	wrdreg s17  }
0xc: {  	s19 =	sadd.s32 $0xC00, s18;
	[dreg:$0x5] =	wrdreg s6  }
0xd: {  	s20 =	sadd.s32 $0x1800, s18;
	[dreg:$0x7] =	wrdreg s19  }
0xe: {  	s9 =	simm.s32 $0x14800;
	s21 =	sadd.s32 $0x2400, s18;
	[dreg:$0x8] =	wrdreg s20  }
0xf: {  	s28 =	simm.s32 $0x3;
	s22 =	sadd.s32 $0x24000, s18;
	[dreg:$0x9] =	wrdreg s21  }
0x10: {  	s29 =	simm.s32 $0x5;
	s23 =	sadd.s32 $0x24C00, s18;
	[dreg:$0xa] =	wrdreg s22  }
0x11: {  	s30 =	simm.s32 $0x6;
	s24 =	sadd.s32 $0x25800, s18;
	[dreg:$0xb] =	wrdreg s23  }
0x12: {  	s31 =	simm.s32 $0x7;
	s25 =	sadd.s32 $0x26400, s18;
	[dreg:$0xc] =	wrdreg s24  }
0x13: {  	s0 =	simm.s32 $0x8800;
	s26 =	sadd.s32 $0x27000, s18;
	[dreg:$0xd] =	wrdreg s25  }
0x14: {  	v2 =	vlaneseq.u32;
	s8 =	simm.s32 $0x2;
	s18 =	simm.s32 $0x1400;
	[dreg:$0xe] =	wrdreg s26  }
0x15: {  	vm0 =	vmmov $0xffff;
	v1 =	vshrl.u32 v2, $0x3;
	s19 =	simm.s32 $0x4;
	s20 =	simm.s32 $0x2800;
	s17 =	simm.s32 $0x8  }
0x16: {  	v0 =	vand.u32 $0x7, v2;
	v2 =	vor.u32 $0x8, v2;
	v1 =	vmul.u32 $0x8, v1;
	s21 =	simm.s32 $0x1;
	s22 =	simm.s32 $0xE800;
	s6 =	simm.s32 $0x0  }
.LBB2_1:
0x17: {  	[dreg:$0x10] =	wrdreg s6  }
0x18: {  	s2 =	rddreg [dreg:$0x4]  }
0x19: {  	[tilespmem:s5], [sflag:$0x4] =	stream.linear.gather [hbm4b:s2+s5], $0x1388, $0x38;
	[tilespmem:$0x1A800] =	vst v63  }
0x1a: {  	s6 =	rddreg [dreg:$0x5]  }
0x1b: {  	[tilespmem:s18], [sflag:$0x8] =	stream.linear.gather [hbm4b:s6+s5], $0x1388, $0x38;
	[tilespmem:$0x1A800] =	vst v63  }
0x1c: {  	_ =	swait.ge [sflag:s19], $0x1388  }
0x1d: {  	[sflag:s19] =	ssyncset.done $0x0  }
0x1e: {  	[sflag:s19] =	ssyncadd.s32 $0xFFFFEC78  }
0x1f: {  	v3 =	vld [tilespmem:$0x0];
	_ =	sdelay $0x4  }
0x20: {  	v4 =	vshll.u32 v3, $0x1  }
0x21: {  	v3 =	vand.u32 $0x7, v3;
	v4 =	vand.u32 $0xFFFFFFF0, v4  }
0x22: {  	v3 =	vor.u32 v3, v4  }
0x23: {  	v4 =	vperm.xlane v3, v0;
	_ =	sdelay $0x1  }
0x24: {  	v3 =	vperm.xlane v3, v2;
	v4 =	vadd.s32 v1, v4;
	_ =	sdelay $0x1  }
0x25: {  	v3 =	vadd.s32 v1, v3;
	_ =	sdelay $0x2  }
0x26: {  	[tilespmem:s20], [sflag:$0x1] =	stream.indirect_vreg.gather [hbm4b:s1+s5], $0x80, v4, vm0, $0xb8;
	[tilespmem:$0x1A800] =	vst v63  }
0x27: {  	s7 =	simm.s32 $0x3000  }
0x28: {  	[tilespmem:s7], [sflag:$0x1] =	stream.indirect_vreg.gather [hbm4b:s1+s5], $0x80, v3, vm0, $0xb8;
	[tilespmem:$0x1A800] =	vst v63  }
0x29: {  	v3 =	vld [tilespmem:$0x10];
	_ =	sdelay $0x4  }
0x2a: {  	v4 =	vshll.u32 v3, $0x1  }
0x2b: {  	v3 =	vand.u32 $0x7, v3;
	v4 =	vand.u32 $0xFFFFFFF0, v4  }
0x2c: {  	v3 =	vor.u32 v3, v4  }
0x2d: {  	v4 =	vperm.xlane v3, v0;
	_ =	sdelay $0x1  }
0x2e: {  	v3 =	vperm.xlane v3, v2;
	v4 =	vadd.s32 v1, v4;
	_ =	sdelay $0x1  }
0x2f: {  	v3 =	vadd.s32 v1, v3;
	_ =	sdelay $0x1  }
0x30: {  	s10 =	simm.s32 $0x3800  }
0x31: {  	[tilespmem:s10], [sflag:$0x1] =	stream.indirect_vreg.gather [hbm4b:s1+s5], $0x80, v4, vm0, $0xb8;
	[tilespmem:$0x1A800] =	vst v63  }
0x32: {  	s11 =	simm.s32 $0x4000  }
0x33: {  	[tilespmem:s11], [sflag:$0x1] =	stream.indirect_vreg.gather [hbm4b:s1+s5], $0x80, v3, vm0, $0xb8;
	[tilespmem:$0x1A800] =	vst v63  }
0x34: {  	v3 =	vld [tilespmem:$0x20];
	_ =	sdelay $0x4  }
0x35: {  	v4 =	vshll.u32 v3, $0x1  }
0x36: {  	v3 =	vand.u32 $0x7, v3;
	v4 =	vand.u32 $0xFFFFFFF0, v4  }
0x37: {  	v3 =	vor.u32 v3, v4  }
0x38: {  	v4 =	vperm.xlane v3, v0;
	_ =	sdelay $0x1  }
0x39: {  	v3 =	vperm.xlane v3, v2;
	v4 =	vadd.s32 v1, v4;
	_ =	sdelay $0x1  }
0x3a: {  	v3 =	vadd.s32 v1, v3;
	_ =	sdelay $0x1  }
0x3b: {  	s12 =	simm.s32 $0x4800  }
0x3c: {  	[tilespmem:s12], [sflag:$0x1] =	stream.indirect_vreg.gather [hbm4b:s1+s5], $0x80, v4, vm0, $0xb8;
	[tilespmem:$0x1A800] =	vst v63  }
0x3d: {  	s13 =	simm.s32 $0x5000  }
0x3e: {  	[tilespmem:s13], [sflag:$0x1] =	stream.indirect_vreg.gather [hbm4b:s1+s5], $0x80, v3, vm0, $0xb8;
	[tilespmem:$0x1A800] =	vst v63  }
0x3f: {  	v3 =	vld [tilespmem:$0x30];
	_ =	sdelay $0x4  }
0x40: {  	v4 =	vshll.u32 v3, $0x1  }
0x41: {  	v3 =	vand.u32 $0x7, v3;
	v4 =	vand.u32 $0xFFFFFFF0, v4  }
0x42: {  	v3 =	vor.u32 v3, v4  }
0x43: {  	v4 =	vperm.xlane v3, v0;
	_ =	sdelay $0x1  }
0x44: {  	v3 =	vperm.xlane v3, v2;
	v4 =	vadd.s32 v1, v4;
	_ =	sdelay $0x1  }
0x45: {  	v3 =	vadd.s32 v1, v3;
	_ =	sdelay $0x1  }
0x46: {  	s14 =	simm.s32 $0x5800  }
0x47: {  	[tilespmem:s14], [sflag:$0x1] =	stream.indirect_vreg.gather [hbm4b:s1+s5], $0x80, v4, vm0, $0xb8;
	[tilespmem:$0x1A800] =	vst v63  }
0x48: {  	s15 =	simm.s32 $0x6000  }
0x49: {  	[tilespmem:s15], [sflag:$0x1] =	stream.indirect_vreg.gather [hbm4b:s1+s5], $0x80, v3, vm0, $0xb8;
	[tilespmem:$0x1A800] =	vst v63  }
0x4a: {  	v3 =	vld [tilespmem:$0x40];
	_ =	sdelay $0x4  }
0x4b: {  	v4 =	vshll.u32 v3, $0x1  }
0x4c: {  	v3 =	vand.u32 $0x7, v3;
	v4 =	vand.u32 $0xFFFFFFF0, v4  }
0x4d: {  	v3 =	vor.u32 v3, v4  }
0x4e: {  	v4 =	vperm.xlane v3, v0;
	_ =	sdelay $0x1  }
0x4f: {  	v3 =	vperm.xlane v3, v2;
	v4 =	vadd.s32 v1, v4;
	_ =	sdelay $0x1  }
0x50: {  	v3 =	vadd.s32 v1, v3;
	_ =	sdelay $0x1  }
0x51: {  	s16 =	simm.s32 $0x6800  }
0x52: {  	[tilespmem:s16], [sflag:$0x1] =	stream.indirect_vreg.gather [hbm4b:s1+s5], $0x80, v4, vm0, $0xb8;
	[tilespmem:$0x1A800] =	vst v63  }
0x53: {  	s23 =	simm.s32 $0x7000  }
0x54: {  	[tilespmem:s23], [sflag:$0x1] =	stream.indirect_vreg.gather [hbm4b:s1+s5], $0x80, v3, vm0, $0xb8;
	[tilespmem:$0x1A800] =	vst v63  }
0x55: {  	v3 =	vld [tilespmem:$0x50];
	_ =	sdelay $0x4  }
0x56: {  	v4 =	vshll.u32 v3, $0x1  }
0x57: {  	v3 =	vand.u32 $0x7, v3;
	v4 =	vand.u32 $0xFFFFFFF0, v4  }
0x58: {  	v3 =	vor.u32 v3, v4  }
0x59: {  	v4 =	vperm.xlane v3, v0;
	_ =	sdelay $0x1  }
0x5a: {  	v3 =	vperm.xlane v3, v2;
	v4 =	vadd.s32 v1, v4;
	_ =	sdelay $0x1  }
0x5b: {  	v3 =	vadd.s32 v1, v3;
	_ =	sdelay $0x1  }
0x5c: {  	s24 =	simm.s32 $0x7800  }
0x5d: {  	[tilespmem:s24], [sflag:$0x1] =	stream.indirect_vreg.gather [hbm4b:s1+s5], $0x80, v4, vm0, $0xb8;
	[tilespmem:$0x1A800] =	vst v63  }
0x5e: {  	s25 =	simm.s32 $0x8000  }
0x5f: {  	[tilespmem:s25], [sflag:$0x1] =	stream.indirect_vreg.gather [hbm4b:s1+s5], $0x80, v3, vm0, $0xb8;
	[tilespmem:$0x1A800] =	vst v63  }
0x60: {  	v3 =	vld [tilespmem:$0x60];
	_ =	sdelay $0x4  }
0x61: {  	v4 =	vshll.u32 v3, $0x1  }
0x62: {  	v3 =	vand.u32 $0x7, v3;
	v4 =	vand.u32 $0xFFFFFFF0, v4  }
0x63: {  	v3 =	vor.u32 v3, v4  }
0x64: {  	v4 =	vperm.xlane v3, v0;
	_ =	sdelay $0x1  }
0x65: {  	v3 =	vperm.xlane v3, v2;
	v4 =	vadd.s32 v1, v4;
	_ =	sdelay $0x1  }
0x66: {  	v3 =	vadd.s32 v1, v3;
	_ =	sdelay $0x2  }
0x67: {  	[tilespmem:s0], [sflag:$0x2] =	stream.indirect_vreg.gather [hbm4b:s1+s5], $0x80, v4, vm0, $0xb8;
	[tilespmem:$0x1A800] =	vst v63  }
0x68: {  	s26 =	simm.s32 $0x9000  }
0x69: {  	[tilespmem:s26], [sflag:$0x2] =	stream.indirect_vreg.gather [hbm4b:s1+s5], $0x80, v3, vm0, $0xb8;
	[tilespmem:$0x1A800] =	vst v63  }
0x6a: {  	v3 =	vld [tilespmem:$0x70];
	_ =	sdelay $0x4  }
0x6b: {  	v4 =	vshll.u32 v3, $0x1  }
0x6c: {  	v3 =	vand.u32 $0x7, v3;
	v4 =	vand.u32 $0xFFFFFFF0, v4  }
0x6d: {  	v3 =	vor.u32 v3, v4  }
0x6e: {  	v4 =	vperm.xlane v3, v0;
	_ =	sdelay $0x1  }
0x6f: {  	v3 =	vperm.xlane v3, v2;
	v4 =	vadd.s32 v1, v4;
	_ =	sdelay $0x1  }
0x70: {  	v3 =	vadd.s32 v1, v3;
	_ =	sdelay $0x1  }
0x71: {  	s6 =	simm.s32 $0x9800  }
0x72: {  	[tilespmem:s6], [sflag:$0x2] =	stream.indirect_vreg.gather [hbm4b:s1+s5], $0x80, v4, vm0, $0xb8;
	[tilespmem:$0x1A800] =	vst v63  }
0x73: {  	s7 =	simm.s32 $0xA000  }
0x74: {  	[tilespmem:s7], [sflag:$0x2] =	stream.indirect_vreg.gather [hbm4b:s1+s5], $0x80, v3, vm0, $0xb8;
	[tilespmem:$0x1A800] =	vst v63  }
0x75: {  	v3 =	vld [tilespmem:$0x80];
	_ =	sdelay $0x4  }
0x76: {  	v4 =	vshll.u32 v3, $0x1  }
0x77: {  	v3 =	vand.u32 $0x7, v3;
	v4 =	vand.u32 $0xFFFFFFF0, v4  }
0x78: {  	v3 =	vor.u32 v3, v4  }
0x79: {  	v4 =	vperm.xlane v3, v0;
	_ =	sdelay $0x1  }
0x7a: {  	v3 =	vperm.xlane v3, v2;
	v4 =	vadd.s32 v1, v4;
	_ =	sdelay $0x1  }
0x7b: {  	v3 =	vadd.s32 v1, v3;
	_ =	sdelay $0x1  }
0x7c: {  	s10 =	simm.s32 $0xA800  }
0x7d: {  	[tilespmem:s10], [sflag:$0x2] =	stream.indirect_vreg.gather [hbm4b:s1+s5], $0x80, v4, vm0, $0xb8;
	[tilespmem:$0x1A800] =	vst v63  }
0x7e: {  	s11 =	simm.s32 $0xB000  }
0x7f: {  	[tilespmem:s11], [sflag:$0x2] =	stream.indirect_vreg.gather [hbm4b:s1+s5], $0x80, v3, vm0, $0xb8;
	[tilespmem:$0x1A800] =	vst v63  }
0x80: {  	v3 =	vld [tilespmem:$0x90];
	_ =	sdelay $0x4  }
0x81: {  	v4 =	vshll.u32 v3, $0x1  }
0x82: {  	v3 =	vand.u32 $0x7, v3;
	v4 =	vand.u32 $0xFFFFFFF0, v4  }
0x83: {  	v3 =	vor.u32 v3, v4  }
0x84: {  	v4 =	vperm.xlane v3, v0;
	_ =	sdelay $0x1  }
0x85: {  	v3 =	vperm.xlane v3, v2;
	v4 =	vadd.s32 v1, v4;
	_ =	sdelay $0x1  }
0x86: {  	v3 =	vadd.s32 v1, v3;
	_ =	sdelay $0x1  }
0x87: {  	s12 =	simm.s32 $0xB800  }
0x88: {  	[tilespmem:s12], [sflag:$0x2] =	stream.indirect_vreg.gather [hbm4b:s1+s5], $0x80, v4, vm0, $0xb8;
	[tilespmem:$0x1A800] =	vst v63  }
0x89: {  	s13 =	simm.s32 $0xC000  }
0x8a: {  	[tilespmem:s13], [sflag:$0x2] =	stream.indirect_vreg.gather [hbm4b:s1+s5], $0x80, v3, vm0, $0xb8;
	[tilespmem:$0x1A800] =	vst v63  }
0x8b: {  	v3 =	vld [tilespmem:$0xA0];
	_ =	sdelay $0x4  }
0x8c: {  	v4 =	vshll.u32 v3, $0x1  }
0x8d: {  	v3 =	vand.u32 $0x7, v3;
	v4 =	vand.u32 $0xFFFFFFF0, v4  }
0x8e: {  	v3 =	vor.u32 v3, v4  }
0x8f: {  	v4 =	vperm.xlane v3, v0;
	_ =	sdelay $0x1  }
0x90: {  	v3 =	vperm.xlane v3, v2;
	v4 =	vadd.s32 v1, v4;
	_ =	sdelay $0x1  }
0x91: {  	v3 =	vadd.s32 v1, v3;
	_ =	sdelay $0x1  }
0x92: {  	s14 =	simm.s32 $0xC800  }
0x93: {  	[tilespmem:s14], [sflag:$0x2] =	stream.indirect_vreg.gather [hbm4b:s1+s5], $0x80, v4, vm0, $0xb8;
	[tilespmem:$0x1A800] =	vst v63  }
0x94: {  	s15 =	simm.s32 $0xD000  }
0x95: {  	[tilespmem:s15], [sflag:$0x2] =	stream.indirect_vreg.gather [hbm4b:s1+s5], $0x80, v3, vm0, $0xb8;
	[tilespmem:$0x1A800] =	vst v63  }
0x96: {  	v3 =	vld [tilespmem:$0xB0];
	_ =	sdelay $0x4  }
0x97: {  	v4 =	vshll.u32 v3, $0x1  }
0x98: {  	v3 =	vand.u32 $0x7, v3;
	v4 =	vand.u32 $0xFFFFFFF0, v4  }
0x99: {  	v3 =	vor.u32 v3, v4  }
0x9a: {  	v4 =	vperm.xlane v3, v0;
	_ =	sdelay $0x1  }
0x9b: {  	v3 =	vperm.xlane v3, v2;
	v4 =	vadd.s32 v1, v4;
	_ =	sdelay $0x1  }
0x9c: {  	v3 =	vadd.s32 v1, v3;
	_ =	sdelay $0x1  }
0x9d: {  	s16 =	simm.s32 $0xD800  }
0x9e: {  	[tilespmem:s16], [sflag:$0x2] =	stream.indirect_vreg.gather [hbm4b:s1+s5], $0x80, v4, vm0, $0xb8;
	[tilespmem:$0x1A800] =	vst v63  }
0x9f: {  	s23 =	simm.s32 $0xE000  }
0xa0: {  	[tilespmem:s23], [sflag:$0x2] =	stream.indirect_vreg.gather [hbm4b:s1+s5], $0x80, v3, vm0, $0xb8;
	v3 =	vmov s5;
	[tilespmem:$0x1A800] =	vst v63  }
0xa1: {  	s24 =	simm.s32 $0x1;
	_ =	swait.ge [sflag:s17], $0x1388;
	v3 =	vand.u32 $0xFFFFFFFE, v3  }
0xa2: {  	[sflag:s17] =	ssyncset.done $0x0;
	v4 =	vbroadcast v3, $0x0;
	v3 =	vmov s24  }
0xa3: {  	[sflag:s17] =	ssyncadd.s32 $0xFFFFEC78  }
0xa4: {  	_ =	swait.ge [sflag:s21], $0x6000  }
0xa5: {  	[sflag:s21] =	ssyncset.done $0x0  }
0xa6: {  	s25 =	sand.u32 $0x7800, s5;
	s26 =	simm.s32 $0x0;
	[sflag:s21] =	ssyncadd.s32 $0xFFFFA000  }
0xa7: {  	s2 =	sadd.s32 $0x2800, s25;
	s6 =	sand.u32 $0x300, s26;
	v3 =	vld.idx.msk [tilespmem:v3+s18+$0x0], $0xffff  }
0xa8: {  	s7 =	sor.u32 s6, s2;
	v6 =	vld.idx.msk [tilespmem:v4+s18+$0x0], $0xffff  }
0xa9: {  	v4 =	vld [tilespmem:s7+$0x470]  }
0xaa: {  	v5 =	vld [tilespmem:s7+$0x0]  }
0xab: {  	v7 =	vld [tilespmem:s7+$0x10]  }
0xac: {  	v8 =	vld [tilespmem:s7+$0x20]  }
0xad: {  	v9 =	vld [tilespmem:s7+$0x30]  }
0xae: {  	v10 =	vld [tilespmem:s7+$0x40];
	v4 =	vmul.f32 v4, v6  }
0xaf: {  	v11 =	vld [tilespmem:s7+$0x50];
	v5 =	vmul.f32 v5, v6  }
0xb0: {  	v12 =	vld [tilespmem:s7+$0x60];
	v7 =	vmul.f32 v7, v6;
	[tilespmem:s7+$0x470] =	vst v4  }
0xb1: {  	v13 =	vld [tilespmem:s7+$0x70];
	[tilespmem:s7+$0x0] =	vst v5;
	v5 =	vmul.f32 v8, v6  }
0xb2: {  	v4 =	vld [tilespmem:s7+$0x410];
	[tilespmem:s7+$0x10] =	vst v7;
	v7 =	vmul.f32 v9, v6  }
0xb3: {  	s6 =	simm.s32 $0x80;
	v14 =	vld [tilespmem:s7+$0x400];
	[tilespmem:s7+$0x20] =	vst v5;
	v5 =	vmul.f32 v10, v6  }
0xb4: {  	s10 =	sand.u32 $0x380, s6;
	v9 =	vld [tilespmem:s7+$0x430];
	[tilespmem:s7+$0x30] =	vst v7;
	v7 =	vmul.f32 v11, v6  }
0xb5: {  	s2 =	sor.u32 s10, s2;
	v10 =	vld [tilespmem:s7+$0x440];
	[tilespmem:s7+$0x40] =	vst v5;
	v5 =	vmul.f32 v12, v6  }
0xb6: {  	v63 =	vld [tilespmem:s2+$0x10];
	[tilespmem:s7+$0x50] =	vst v7;
	v7 =	vmul.f32 v13, v6  }
0xb7: {  	v8 =	vld [tilespmem:s7+$0x420];
	v4 =	vmul.f32 v4, v6;
	[tilespmem:s7+$0x60] =	vst v5  }
0xb8: {  	v11 =	vld [tilespmem:s7+$0x450];
	v5 =	vmul.f32 v14, v6;
	[tilespmem:s7+$0x70] =	vst v7  }
0xb9: {  	v62 =	vld [tilespmem:s2+$0x0];
	[tilespmem:s7+$0x410] =	vst v4;
	v4 =	vmul.f32 v9, v6  }
0xba: {  	v61 =	vld [tilespmem:s7+$0x460];
	v9 =	vmul.f32 v10, v6;
	[tilespmem:s7+$0x400] =	vst v5  }
0xbb: {  	v7 =	vld [tilespmem:s2+$0x20];
	v10 =	vmul.f32 v63, v3;
	[tilespmem:s7+$0x430] =	vst v4  }
0xbc: {  	v15 =	vld [tilespmem:s2+$0x30];
	v5 =	vmul.f32 v8, v6;
	[tilespmem:s7+$0x440] =	vst v9  }
0xbd: {  	v16 =	vld [tilespmem:s2+$0x40];
	v11 =	vmul.f32 v11, v6;
	[tilespmem:s2+$0x10] =	vst v10  }
0xbe: {  	v8 =	vld [tilespmem:s2+$0x50];
	[tilespmem:s7+$0x420] =	vst v5;
	v5 =	vmul.f32 v62, v3  }
0xbf: {  	v4 =	vld [tilespmem:s2+$0x60];
	v9 =	vmul.f32 v61, v6;
	[tilespmem:s7+$0x450] =	vst v11  }
0xc0: {  	v7 =	vmul.f32 v7, v3;
	[tilespmem:s2+$0x0] =	vst v5;
	v5 =	vld [tilespmem:s2+$0x70]  }
0xc1: {  	s10 =	simm.s32 $0x2;
	v6 =	vld [tilespmem:s2+$0x400];
	v11 =	vmul.f32 v15, v3;
	[tilespmem:s7+$0x460] =	vst v9  }
0xc2: {  	s11 =	simm.s32 $0x4;
	v10 =	vmul.f32 v16, v3;
	v9 =	vmov s10;
	s7 =	simm.s32 $0x0;
	[tilespmem:s2+$0x20] =	vst v7;
	v7 =	vld [tilespmem:s2+$0x410]  }
.LBB2_2:
0xc3: {  	p0 =	slt.u32 s11, $0x5E;
	v9 =	vand.u32 $0xFFFFFFFE, v9;
	s12 =	sadd.s32 $0x1, s10;
	[tilespmem:s2+$0x30] =	vst v11;
	v8 =	vmul.f32 v8, v3;
	v11 =	vld [tilespmem:s2+$0x420];
	s10 =	smov.u32 s11  }
0xc4: {  	v9 =	vbroadcast v9, $0x0;
	v12 =	vmov s12;
	[tilespmem:s2+$0x40] =	vst v10;
	v4 =	vmul.f32 v4, v3;
	v10 =	vld [tilespmem:s2+$0x430]  }
0xc5: {  	[tilespmem:s2+$0x50] =	vst v8;
	v5 =	vmul.f32 v5, v3;
	v8 =	vld [tilespmem:s2+$0x440]  }
0xc6: {  	[tilespmem:s2+$0x60] =	vst v4;
	v4 =	vmul.f32 v6, v3;
	v6 =	vld [tilespmem:s2+$0x450]  }
0xc7: {  	s6 =	sadd.s32 $0x100, s6;
	s7 =	sadd.s32 $0x200, s7;
	[tilespmem:s2+$0x70] =	vst v5;
	v5 =	vmul.f32 v7, v3;
	v7 =	vld [tilespmem:s2+$0x460]  }
0xc8: {  	s12 =	sand.u32 $0x7800, s7;
	s13 =	sadd.s32 $0xFFFFFF80, s6;
	s14 =	sand.u32 $0x380, s6;
	[tilespmem:s2+$0x400] =	vst v4;
	v4 =	vmul.f32 v11, v3;
	v11 =	vld [tilespmem:s2+$0x470]  }
0xc9: {  	s13 =	sand.u32 $0x300, s13;
	s15 =	sadd.s32 $0x2800, s12;
	v12 =	vld.idx.msk [tilespmem:v12+s18+$0x0], $0xffff;
	[tilespmem:s2+$0x410] =	vst v5;
	v5 =	vmul.f32 v10, v3  }
0xca: {  	s12 =	sor.u32 s13, s15;
	s13 =	sor.u32 s14, s15;
	v9 =	vld.idx.msk [tilespmem:v9+s18+$0x0], $0xffff;
	[tilespmem:s2+$0x420] =	vst v4;
	v4 =	vmul.f32 v8, v3  }
0xcb: {  	v8 =	vld [tilespmem:s12+$0x470];
	[tilespmem:s2+$0x430] =	vst v5;
	v5 =	vmul.f32 v6, v3  }
0xcc: {  	v6 =	vld [tilespmem:s12+$0x0];
	[tilespmem:s2+$0x440] =	vst v4;
	v4 =	vmul.f32 v7, v3  }
0xcd: {  	v7 =	vld [tilespmem:s12+$0x10];
	[tilespmem:s2+$0x450] =	vst v5;
	v10 =	vmul.f32 v11, v3  }
0xce: {  	v5 =	vld [tilespmem:s12+$0x20];
	[tilespmem:s2+$0x460] =	vst v4  }
0xcf: {  	v3 =	vmov v12;
	v4 =	vld [tilespmem:s12+$0x30];
	[tilespmem:s2+$0x470] =	vst v10;
	s2 =	smov.u32 s13  }
0xd0: {  	v10 =	vld [tilespmem:s12+$0x40];
	v8 =	vmul.f32 v8, v9  }
0xd1: {  	v6 =	vmul.f32 v6, v9;
	v11 =	vld [tilespmem:s12+$0x50]  }
0xd2: {  	v7 =	vmul.f32 v7, v9;
	v12 =	vld [tilespmem:s12+$0x60];
	[tilespmem:s12+$0x470] =	vst v8  }
0xd3: {  	[tilespmem:s12+$0x0] =	vst v6;
	v5 =	vmul.f32 v5, v9;
	v6 =	vld [tilespmem:s12+$0x70]  }
0xd4: {  	[tilespmem:s12+$0x10] =	vst v7;
	v4 =	vmul.f32 v4, v9;
	v7 =	vld [tilespmem:s12+$0x400]  }
0xd5: {  	[tilespmem:s12+$0x20] =	vst v5;
	v5 =	vmul.f32 v10, v9;
	v8 =	vld [tilespmem:s12+$0x410]  }
0xd6: {  	[tilespmem:s12+$0x30] =	vst v4;
	v4 =	vmul.f32 v11, v9;
	v10 =	vld [tilespmem:s12+$0x420]  }
0xd7: {  	[tilespmem:s12+$0x40] =	vst v5;
	v5 =	vmul.f32 v12, v9;
	v11 =	vld [tilespmem:s12+$0x430]  }
0xd8: {  	[tilespmem:s12+$0x50] =	vst v4;
	v4 =	vmul.f32 v6, v9;
	v6 =	vld [tilespmem:s12+$0x440]  }
0xd9: {  	[tilespmem:s12+$0x60] =	vst v5;
	v5 =	vmul.f32 v7, v9;
	v7 =	vld [tilespmem:s12+$0x450]  }
0xda: {  	[tilespmem:s12+$0x70] =	vst v4;
	v4 =	vmul.f32 v8, v9;
	v8 =	vld [tilespmem:s12+$0x460]  }
0xdb: {  	[tilespmem:s12+$0x400] =	vst v5;
	v5 =	vmul.f32 v10, v9;
	v10 =	vld [tilespmem:s2+$0x0]  }
0xdc: {  	[tilespmem:s12+$0x410] =	vst v4;
	v4 =	vmul.f32 v11, v9;
	v11 =	vld [tilespmem:s2+$0x10]  }
0xdd: {  	[tilespmem:s12+$0x420] =	vst v5;
	v5 =	vmul.f32 v6, v9;
	v6 =	vld [tilespmem:s2+$0x20]  }
0xde: {  	[tilespmem:s12+$0x430] =	vst v4;
	v4 =	vmul.f32 v7, v9;
	v7 =	vld [tilespmem:s2+$0x30]  }
0xdf: {  	[tilespmem:s12+$0x440] =	vst v5;
	v5 =	vmul.f32 v8, v9;
	v12 =	vld [tilespmem:s2+$0x40]  }
.Ltmp0:
0xe0: {  	[tilespmem:s12+$0x450] =	vst v4;
	v9 =	vmul.f32 v10, v3;
	v8 =	vld [tilespmem:s2+$0x50];
	(pc) =	sbr.rel @p0 .LBB2_2-.Ltmp0, $4  }
0xe1: {  	[tilespmem:s12+$0x460] =	vst v5;
	v10 =	vmul.f32 v11, v3;
	v4 =	vld [tilespmem:s2+$0x60]  }
0xe2: {  	[tilespmem:s2+$0x0] =	vst v9;
	v13 =	vmul.f32 v6, v3;
	v5 =	vld [tilespmem:s2+$0x70]  }
0xe3: {  	[tilespmem:s2+$0x10] =	vst v10;
	v11 =	vmul.f32 v7, v3;
	v6 =	vld [tilespmem:s2+$0x400]  }
0xe4: {  	s11 =	sadd.s32 $0x2, s11;
	v9 =	vmov s10;
	[tilespmem:s2+$0x20] =	vst v13;
	v10 =	vmul.f32 v12, v3;
	v7 =	vld [tilespmem:s2+$0x410]  }
0xe5: {  	_ = 	snop  }
0xe6: {  	[tilespmem:s2+$0x30] =	vst v11;
	v11 =	vld [tilespmem:s2+$0x420];
	v4 =	vmul.f32 v4, v3  }
0xe7: {  	v8 =	vmul.f32 v8, v3;
	v9 =	vand.u32 $0xFFFFFFFE, v9;
	v12 =	vld [tilespmem:s2+$0x450];
	s14 =	sadd.s32 $0x100, s6;
	s15 =	sadd.s32 $0x200, s7;
	[tilespmem:s2+$0x40] =	vst v10  }
0xe8: {  	v10 =	vld [tilespmem:s2+$0x430];
	s6 =	sand.u32 $0x7800, s15;
	s16 =	sadd.s32 $0xFFFFFF80, s14;
	v5 =	vmul.f32 v5, v3;
	[tilespmem:s2+$0x60] =	vst v4;
	v4 =	vbroadcast v9, $0x0  }
0xe9: {  	[tilespmem:s2+$0x50] =	vst v8;
	v8 =	vld [tilespmem:s2+$0x440];
	s7 =	sand.u32 $0x300, s16;
	s11 =	sadd.s32 $0x2800, s6  }
0xea: {  	v6 =	vmul.f32 v6, v3;
	s6 =	sor.u32 s7, s11;
	[tilespmem:s2+$0x70] =	vst v5;
	v5 =	vld [tilespmem:s2+$0x460]  }
0xeb: {  	v7 =	vmul.f32 v7, v3;
	v61 =	vld [tilespmem:s6+$0x10]  }
0xec: {  	[tilespmem:s2+$0x400] =	vst v6;
	v6 =	vld [tilespmem:s2+$0x470]  }
0xed: {  	v11 =	vmul.f32 v11, v3;
	[tilespmem:s2+$0x410] =	vst v7;
	v7 =	vmul.f32 v10, v3;
	v10 =	vld [tilespmem:s6+$0x470]  }
0xee: {  	v4 =	vld.idx.msk [tilespmem:v4+s18+$0x0], $0xffff  }
0xef: {  	s10 =	sadd.s32 $0x1, s10;
	[tilespmem:s2+$0x420] =	vst v11;
	v8 =	vmul.f32 v8, v3;
	v11 =	vld [tilespmem:s6+$0x0]  }
0xf0: {  	v9 =	vmov s10;
	v62 =	vld [tilespmem:s6+$0x60];
	[tilespmem:s2+$0x430] =	vst v7;
	v7 =	vmul.f32 v12, v3  }
0xf1: {  	[tilespmem:s2+$0x440] =	vst v8;
	v5 =	vmul.f32 v5, v3;
	v8 =	vld [tilespmem:s6+$0x20]  }
0xf2: {  	[tilespmem:s2+$0x450] =	vst v7;
	v3 =	vmul.f32 v6, v3;
	v6 =	vld [tilespmem:s6+$0x30]  }
0xf3: {  	[tilespmem:s2+$0x460] =	vst v5;
	v5 =	vld [tilespmem:s6+$0x40];
	v7 =	vmul.f32 v10, v4  }
0xf4: {  	[tilespmem:s2+$0x470] =	vst v3;
	v3 =	vmul.f32 v11, v4;
	v10 =	vld [tilespmem:s6+$0x50]  }
0xf5: {  	v9 =	vld.idx.msk [tilespmem:v9+s18+$0x0], $0xffff;
	v11 =	vmul.f32 v61, v4;
	[tilespmem:s6+$0x470] =	vst v7  }
0xf6: {  	[tilespmem:s6+$0x0] =	vst v3;
	v3 =	vmul.f32 v8, v4;
	v7 =	vld [tilespmem:s6+$0x70]  }
0xf7: {  	v6 =	vmul.f32 v6, v4;
	[tilespmem:s6+$0x10] =	vst v11;
	v8 =	vld [tilespmem:s6+$0x400]  }
0xf8: {  	[tilespmem:s6+$0x20] =	vst v3;
	v3 =	vmul.f32 v5, v4;
	v5 =	vld [tilespmem:s6+$0x410]  }
0xf9: {  	[tilespmem:s6+$0x30] =	vst v6;
	v6 =	vmul.f32 v10, v4;
	v10 =	vld [tilespmem:s6+$0x420]  }
0xfa: {  	v11 =	vld [tilespmem:s6+$0x430];
	[tilespmem:s6+$0x40] =	vst v3;
	v3 =	vmul.f32 v62, v4  }
0xfb: {  	[tilespmem:s6+$0x50] =	vst v6;
	v6 =	vmul.f32 v7, v4;
	v7 =	vld [tilespmem:s6+$0x440]  }
0xfc: {  	s23 =	sand.u32 $0x380, s14;
	[tilespmem:s6+$0x60] =	vst v3;
	v3 =	vmul.f32 v8, v4;
	v8 =	vld [tilespmem:s6+$0x450]  }
0xfd: {  	s2 =	sor.u32 s23, s11;
	[tilespmem:s6+$0x70] =	vst v6;
	v5 =	vmul.f32 v5, v4;
	v6 =	vld [tilespmem:s6+$0x460]  }
0xfe: {  	[tilespmem:s6+$0x400] =	vst v3;
	v3 =	vmul.f32 v10, v4;
	v10 =	vld [tilespmem:s2+$0x0]  }
0xff: {  	[tilespmem:s6+$0x410] =	vst v5;
	v5 =	vmul.f32 v11, v4;
	v11 =	vld [tilespmem:s2+$0x10]  }
0x100: {  	[tilespmem:s6+$0x420] =	vst v3;
	v3 =	vmul.f32 v7, v4;
	v7 =	vld [tilespmem:s2+$0x20]  }
0x101: {  	[tilespmem:s6+$0x430] =	vst v5;
	v5 =	vmul.f32 v8, v4;
	v8 =	vld [tilespmem:s2+$0x30]  }
0x102: {  	[tilespmem:s6+$0x440] =	vst v3;
	v3 =	vmul.f32 v6, v4;
	v4 =	vld [tilespmem:s2+$0x40]  }
0x103: {  	v6 =	vld [tilespmem:s2+$0x50];
	[tilespmem:s6+$0x450] =	vst v5;
	v5 =	vmul.f32 v10, v9  }
0x104: {  	v10 =	vld [tilespmem:s2+$0x60];
	[tilespmem:s6+$0x460] =	vst v3;
	v3 =	vmul.f32 v11, v9  }
0x105: {  	[tilespmem:s2+$0x0] =	vst v5;
	v5 =	vmul.f32 v7, v9;
	v7 =	vld [tilespmem:s2+$0x70]  }
0x106: {  	[tilespmem:s2+$0x10] =	vst v3;
	v3 =	vmul.f32 v8, v9;
	v8 =	vld [tilespmem:s2+$0x400]  }
0x107: {  	[tilespmem:s2+$0x20] =	vst v5;
	v4 =	vmul.f32 v4, v9;
	v5 =	vld [tilespmem:s2+$0x410]  }
0x108: {  	[tilespmem:s2+$0x30] =	vst v3;
	v3 =	vmul.f32 v6, v9;
	v6 =	vld [tilespmem:s2+$0x420]  }
0x109: {  	[tilespmem:s2+$0x40] =	vst v4;
	v4 =	vmul.f32 v10, v9;
	v10 =	vld [tilespmem:s2+$0x430]  }
0x10a: {  	[tilespmem:s2+$0x50] =	vst v3;
	v3 =	vmul.f32 v7, v9;
	v7 =	vld [tilespmem:s2+$0x440]  }
0x10b: {  	[tilespmem:s2+$0x60] =	vst v4;
	v4 =	vmul.f32 v8, v9;
	v8 =	vld [tilespmem:s2+$0x450]  }
0x10c: {  	[tilespmem:s2+$0x70] =	vst v3;
	v3 =	vmul.f32 v5, v9;
	v5 =	vld [tilespmem:s2+$0x460]  }
0x10d: {  	[tilespmem:s2+$0x400] =	vst v4;
	v4 =	vmul.f32 v6, v9;
	v6 =	vld [tilespmem:s2+$0x470]  }
0x10e: {  	[tilespmem:s2+$0x410] =	vst v3;
	v3 =	vmul.f32 v10, v9  }
0x10f: {  	[tilespmem:s2+$0x420] =	vst v4;
	v4 =	vmul.f32 v7, v9  }
0x110: {  	[tilespmem:s2+$0x430] =	vst v3;
	v3 =	vmul.f32 v8, v9  }
0x111: {  	[tilespmem:s2+$0x440] =	vst v4;
	v4 =	vmul.f32 v5, v9  }
0x112: {  	[tilespmem:s2+$0x450] =	vst v3;
	v3 =	vmul.f32 v6, v9  }
0x113: {  	[tilespmem:s2+$0x460] =	vst v4  }
0x114: {  	[tilespmem:s2+$0x470] =	vst v3  }
0x115: {  	s2 =	simm.s32 $0x0;
	s6 =	rddreg [dreg:$0x6]  }
0x116: {  	[hbm4b:s6+s2] =	stream.linear.scatter [tilespmem:s20], [sflag:$0x5], $0x6000, $0x38;
	[tilespmem:$0x1A800] =	vst v63  }
0x117: {  	v3 =	vld [tilespmem:$0xC0];
	_ =	sdelay $0x4  }
0x118: {  	v4 =	vshll.u32 v3, $0x1  }
0x119: {  	v3 =	vand.u32 $0x7, v3;
	v4 =	vand.u32 $0xFFFFFFF0, v4  }
0x11a: {  	v3 =	vor.u32 v3, v4  }
0x11b: {  	v4 =	vperm.xlane v3, v0;
	_ =	sdelay $0x1  }
0x11c: {  	v3 =	vperm.xlane v3, v2;
	v4 =	vadd.s32 v1, v4;
	_ =	sdelay $0x1  }
0x11d: {  	v3 =	vadd.s32 v1, v3;
	_ =	sdelay $0x2  }
0x11e: {  	[tilespmem:s22], [sflag:$0x3] =	stream.indirect_vreg.gather [hbm4b:s1+s2], $0x80, v4, vm0, $0xb8;
	[tilespmem:$0x1A800] =	vst v63  }
0x11f: {  	s24 =	simm.s32 $0xF000  }
0x120: {  	[tilespmem:s24], [sflag:$0x3] =	stream.indirect_vreg.gather [hbm4b:s1+s2], $0x80, v3, vm0, $0xb8;
	[tilespmem:$0x1A800] =	vst v63  }
0x121: {  	v3 =	vld [tilespmem:$0xD0];
	_ =	sdelay $0x4  }
0x122: {  	v4 =	vshll.u32 v3, $0x1  }
0x123: {  	v3 =	vand.u32 $0x7, v3;
	v4 =	vand.u32 $0xFFFFFFF0, v4  }
0x124: {  	v3 =	vor.u32 v3, v4  }
0x125: {  	v4 =	vperm.xlane v3, v0;
	_ =	sdelay $0x1  }
0x126: {  	v3 =	vperm.xlane v3, v2;
	v4 =	vadd.s32 v1, v4;
	_ =	sdelay $0x1  }
0x127: {  	v3 =	vadd.s32 v1, v3;
	_ =	sdelay $0x1  }
0x128: {  	s25 =	simm.s32 $0xF800  }
0x129: {  	[tilespmem:s25], [sflag:$0x3] =	stream.indirect_vreg.gather [hbm4b:s1+s2], $0x80, v4, vm0, $0xb8;
	[tilespmem:$0x1A800] =	vst v63  }
0x12a: {  	s26 =	simm.s32 $0x10000  }
0x12b: {  	[tilespmem:s26], [sflag:$0x3] =	stream.indirect_vreg.gather [hbm4b:s1+s2], $0x80, v3, vm0, $0xb8;
	[tilespmem:$0x1A800] =	vst v63  }
0x12c: {  	v3 =	vld [tilespmem:$0xE0];
	_ =	sdelay $0x4  }
0x12d: {  	v4 =	vshll.u32 v3, $0x1  }
0x12e: {  	v3 =	vand.u32 $0x7, v3;
	v4 =	vand.u32 $0xFFFFFFF0, v4  }
0x12f: {  	v3 =	vor.u32 v3, v4  }
0x130: {  	v4 =	vperm.xlane v3, v0;
	_ =	sdelay $0x1  }
0x131: {  	v3 =	vperm.xlane v3, v2;
	v4 =	vadd.s32 v1, v4;
	_ =	sdelay $0x1  }
0x132: {  	v3 =	vadd.s32 v1, v3;
	_ =	sdelay $0x1  }
0x133: {  	s7 =	simm.s32 $0x10800  }
0x134: {  	[tilespmem:s7], [sflag:$0x3] =	stream.indirect_vreg.gather [hbm4b:s1+s2], $0x80, v4, vm0, $0xb8;
	[tilespmem:$0x1A800] =	vst v63  }
0x135: {  	s10 =	simm.s32 $0x11000  }
0x136: {  	[tilespmem:s10], [sflag:$0x3] =	stream.indirect_vreg.gather [hbm4b:s1+s2], $0x80, v3, vm0, $0xb8;
	[tilespmem:$0x1A800] =	vst v63  }
0x137: {  	v3 =	vld [tilespmem:$0xF0];
	_ =	sdelay $0x4  }
0x138: {  	v4 =	vshll.u32 v3, $0x1  }
0x139: {  	v3 =	vand.u32 $0x7, v3;
	v4 =	vand.u32 $0xFFFFFFF0, v4  }
0x13a: {  	v3 =	vor.u32 v3, v4  }
0x13b: {  	v4 =	vperm.xlane v3, v0;
	_ =	sdelay $0x1  }
0x13c: {  	v3 =	vperm.xlane v3, v2;
	v4 =	vadd.s32 v1, v4;
	_ =	sdelay $0x1  }
0x13d: {  	v3 =	vadd.s32 v1, v3;
	_ =	sdelay $0x1  }
0x13e: {  	s11 =	simm.s32 $0x11800  }
0x13f: {  	[tilespmem:s11], [sflag:$0x3] =	stream.indirect_vreg.gather [hbm4b:s1+s2], $0x80, v4, vm0, $0xb8;
	[tilespmem:$0x1A800] =	vst v63  }
0x140: {  	s12 =	simm.s32 $0x12000  }
0x141: {  	[tilespmem:s12], [sflag:$0x3] =	stream.indirect_vreg.gather [hbm4b:s1+s2], $0x80, v3, vm0, $0xb8;
	[tilespmem:$0x1A800] =	vst v63  }
0x142: {  	v3 =	vld [tilespmem:$0x100];
	_ =	sdelay $0x4  }
0x143: {  	v4 =	vshll.u32 v3, $0x1  }
0x144: {  	v3 =	vand.u32 $0x7, v3;
	v4 =	vand.u32 $0xFFFFFFF0, v4  }
0x145: {  	v3 =	vor.u32 v3, v4  }
0x146: {  	v4 =	vperm.xlane v3, v0;
	_ =	sdelay $0x1  }
0x147: {  	v3 =	vperm.xlane v3, v2;
	v4 =	vadd.s32 v1, v4;
	_ =	sdelay $0x1  }
0x148: {  	v3 =	vadd.s32 v1, v3;
	_ =	sdelay $0x1  }
0x149: {  	s13 =	simm.s32 $0x12800  }
0x14a: {  	[tilespmem:s13], [sflag:$0x3] =	stream.indirect_vreg.gather [hbm4b:s1+s2], $0x80, v4, vm0, $0xb8;
	[tilespmem:$0x1A800] =	vst v63  }
0x14b: {  	s14 =	simm.s32 $0x13000  }
0x14c: {  	[tilespmem:s14], [sflag:$0x3] =	stream.indirect_vreg.gather [hbm4b:s1+s2], $0x80, v3, vm0, $0xb8;
	[tilespmem:$0x1A800] =	vst v63  }
0x14d: {  	v3 =	vld [tilespmem:$0x110];
	_ =	sdelay $0x4  }
0x14e: {  	v4 =	vshll.u32 v3, $0x1  }
0x14f: {  	v3 =	vand.u32 $0x7, v3;
	v4 =	vand.u32 $0xFFFFFFF0, v4  }
0x150: {  	v3 =	vor.u32 v3, v4  }
0x151: {  	v4 =	vperm.xlane v3, v0;
	_ =	sdelay $0x1  }
0x152: {  	v3 =	vperm.xlane v3, v2;
	v4 =	vadd.s32 v1, v4;
	_ =	sdelay $0x1  }
0x153: {  	s15 =	simm.s32 $0x60;
	v3 =	vadd.s32 v1, v3  }
0x154: {  	v5 =	vmov s15  }
0x155: {  	s16 =	simm.s32 $0x13800;
	v5 =	vand.u32 $0xFFFFFFFE, v5  }
0x156: {  	[tilespmem:s16], [sflag:$0x3] =	stream.indirect_vreg.gather [hbm4b:s1+s2], $0x80, v4, vm0, $0xb8;
	v4 =	vbroadcast v5, $0x0;
	[tilespmem:$0x1A800] =	vst v63  }
0x157: {  	s23 =	simm.s32 $0x14000  }
0x158: {  	[tilespmem:s23], [sflag:$0x3] =	stream.indirect_vreg.gather [hbm4b:s1+s2], $0x80, v3, vm0, $0xb8;
	[tilespmem:$0x1A800] =	vst v63  }
0x159: {  	_ =	swait.ge [sflag:s8], $0x6000  }
0x15a: {  	[sflag:s8] =	ssyncset.done $0x0  }
0x15b: {  	s24 =	sand.u32 $0x7800, s2;
	s25 =	sand.u32 $0x300, s2;
	[sflag:s8] =	ssyncadd.s32 $0xFFFFA000  }
0x15c: {  	s6 =	sor.u32 s25, s24;
	v4 =	vld.idx.msk [tilespmem:v4+s18+$0x0], $0xffff  }
0x15d: {  	v3 =	vld [tilespmem:s6+$0x8C70]  }
0x15e: {  	v5 =	vld [tilespmem:s6+$0x8800]  }
0x15f: {  	v6 =	vld [tilespmem:s6+$0x8810]  }
0x160: {  	v7 =	vld [tilespmem:s6+$0x8820]  }
0x161: {  	v8 =	vld [tilespmem:s6+$0x8830]  }
0x162: {  	v9 =	vld [tilespmem:s6+$0x8840]  }
0x163: {  	v3 =	vmul.f32 v3, v4  }
0x164: {  	v10 =	vld [tilespmem:s6+$0x8850];
	v5 =	vmul.f32 v5, v4  }
0x165: {  	v11 =	vld [tilespmem:s6+$0x8860];
	[tilespmem:s6+$0x8C70] =	vst v3;
	v3 =	vmul.f32 v6, v4  }
0x166: {  	[tilespmem:s6+$0x8800] =	vst v5;
	v5 =	vld [tilespmem:s6+$0x8870];
	v6 =	vmul.f32 v7, v4  }
0x167: {  	v63 =	vld [tilespmem:s6+$0x8C40];
	[tilespmem:s6+$0x8810] =	vst v3;
	v3 =	vmul.f32 v8, v4;
	v8 =	vmul.f32 v9, v4  }
0x168: {  	s26 =	simm.s32 $0x61;
	v7 =	vld [tilespmem:s6+$0x8C00];
	[tilespmem:s6+$0x8820] =	vst v6  }
0x169: {  	v6 =	vld [tilespmem:s6+$0x8C10];
	[tilespmem:s6+$0x8840] =	vst v8;
	v8 =	vmov s26  }
0x16a: {  	v11 =	vmul.f32 v11, v4;
	v9 =	vld [tilespmem:s6+$0x8C20]  }
0x16b: {  	[tilespmem:s6+$0x8830] =	vst v3;
	v3 =	vmul.f32 v10, v4;
	v10 =	vld [tilespmem:s6+$0x8C30];
	v5 =	vmul.f32 v5, v4  }
0x16c: {  	v14 =	vld [tilespmem:s6+$0x8880];
	[tilespmem:s6+$0x8860] =	vst v11  }
0x16d: {  	v11 =	vld [tilespmem:s6+$0x8C50];
	[tilespmem:s6+$0x8870] =	vst v5;
	v5 =	vmul.f32 v7, v4  }
0x16e: {  	[tilespmem:s6+$0x8850] =	vst v3;
	v6 =	vmul.f32 v6, v4;
	v3 =	vld.idx.msk [tilespmem:v8+s18+$0x0], $0xffff  }
0x16f: {  	v13 =	vld [tilespmem:s6+$0x8C60];
	[tilespmem:s6+$0x8C00] =	vst v5;
	v5 =	vmul.f32 v9, v4  }
0x170: {  	v9 =	vld [tilespmem:s6+$0x8890];
	[tilespmem:s6+$0x8C10] =	vst v6;
	v6 =	vmul.f32 v10, v4  }
0x171: {  	v15 =	vld [tilespmem:s6+$0x88A0];
	[tilespmem:s6+$0x8C20] =	vst v5;
	v5 =	vmul.f32 v63, v4  }
0x172: {  	v8 =	vld [tilespmem:s6+$0x88B0];
	[tilespmem:s6+$0x8C30] =	vst v6;
	v6 =	vmul.f32 v11, v4  }
0x173: {  	v7 =	vld [tilespmem:s6+$0x88C0];
	[tilespmem:s6+$0x8C40] =	vst v5;
	v10 =	vmul.f32 v14, v3  }
0x174: {  	v11 =	vmul.f32 v13, v4;
	v5 =	vld [tilespmem:s6+$0x88D0];
	[tilespmem:s6+$0x8C50] =	vst v6  }
0x175: {  	v4 =	vld [tilespmem:s6+$0x88E0];
	[tilespmem:s6+$0x8880] =	vst v10;
	v10 =	vmul.f32 v9, v3  }
0x176: {  	s7 =	simm.s32 $0x0;
	s10 =	simm.s32 $0x0;
	[tilespmem:s6+$0x8C60] =	vst v11;
	v6 =	vld [tilespmem:s6+$0x88F0];
	v9 =	vmul.f32 v15, v3  }
.LBB2_4:
0x177: {  	s11 =	sadd.s32 $0x62, s7;
	[tilespmem:s6+$0x8890] =	vst v10;
	v8 =	vmul.f32 v8, v3;
	v10 =	vld [tilespmem:s6+$0x8C80];
	s12 =	smov.u32 s7;
	s7 =	sadd.s32 $0x2, s7  }
0x178: {  	v11 =	vmov s11;
	p0 =	slt.u32 s7, $0x5E;
	[tilespmem:s6+$0x88A0] =	vst v9;
	v7 =	vmul.f32 v7, v3;
	v9 =	vld [tilespmem:s6+$0x8C90]  }
0x179: {  	s11 =	sadd.s32 $0x63, s12;
	v11 =	vand.u32 $0xFFFFFFFE, v11;
	[tilespmem:s6+$0x88B0] =	vst v8;
	v5 =	vmul.f32 v5, v3;
	v8 =	vld [tilespmem:s6+$0x8CA0]  }
0x17a: {  	v12 =	vmov s11;
	v11 =	vbroadcast v11, $0x0;
	[tilespmem:s6+$0x88C0] =	vst v7;
	v4 =	vmul.f32 v4, v3;
	v7 =	vld [tilespmem:s6+$0x8CB0]  }
0x17b: {  	[tilespmem:s6+$0x88D0] =	vst v5;
	v5 =	vmul.f32 v6, v3;
	v6 =	vld [tilespmem:s6+$0x8CC0]  }
0x17c: {  	[tilespmem:s6+$0x88E0] =	vst v4;
	v4 =	vmul.f32 v10, v3;
	v10 =	vld [tilespmem:s6+$0x8CD0]  }
0x17d: {  	[tilespmem:s6+$0x88F0] =	vst v5;
	v5 =	vmul.f32 v9, v3;
	v9 =	vld [tilespmem:s6+$0x8CE0]  }
0x17e: {  	s2 =	sadd.s32 $0x100, s2;
	s10 =	sadd.s32 $0x200, s10;
	[tilespmem:s6+$0x8C80] =	vst v4;
	v4 =	vmul.f32 v8, v3;
	v8 =	vld [tilespmem:s6+$0x8CF0]  }
0x17f: {  	s12 =	sand.u32 $0x300, s2;
	s11 =	sand.u32 $0x7800, s10;
	v12 =	vld.idx.msk [tilespmem:v12+s18+$0x0], $0xffff;
	[tilespmem:s6+$0x8C90] =	vst v5;
	v5 =	vmul.f32 v7, v3  }
0x180: {  	s11 =	sor.u32 s12, s11;
	v7 =	vld.idx.msk [tilespmem:v11+s18+$0x0], $0xffff;
	[tilespmem:s6+$0x8CA0] =	vst v4;
	v4 =	vmul.f32 v6, v3  }
0x181: {  	v6 =	vld [tilespmem:s11+$0x8C70];
	[tilespmem:s6+$0x8CB0] =	vst v5;
	v5 =	vmul.f32 v10, v3  }
0x182: {  	v10 =	vld [tilespmem:s11+$0x8800];
	[tilespmem:s6+$0x8CC0] =	vst v4;
	v4 =	vmul.f32 v9, v3  }
0x183: {  	v9 =	vld [tilespmem:s11+$0x8810];
	[tilespmem:s6+$0x8CD0] =	vst v5;
	v8 =	vmul.f32 v8, v3  }
0x184: {  	v5 =	vld [tilespmem:s11+$0x8820];
	[tilespmem:s6+$0x8CE0] =	vst v4  }
0x185: {  	v3 =	vmov v12;
	v4 =	vld [tilespmem:s11+$0x8830];
	[tilespmem:s6+$0x8CF0] =	vst v8;
	s6 =	smov.u32 s11  }
0x186: {  	v8 =	vld [tilespmem:s6+$0x8840];
	v6 =	vmul.f32 v6, v7  }
0x187: {  	v10 =	vmul.f32 v10, v7;
	v11 =	vld [tilespmem:s6+$0x8850]  }
0x188: {  	v9 =	vmul.f32 v9, v7;
	v12 =	vld [tilespmem:s6+$0x8860];
	[tilespmem:s6+$0x8C70] =	vst v6  }
0x189: {  	[tilespmem:s6+$0x8800] =	vst v10;
	v5 =	vmul.f32 v5, v7;
	v6 =	vld [tilespmem:s6+$0x8870]  }
0x18a: {  	[tilespmem:s6+$0x8810] =	vst v9;
	v4 =	vmul.f32 v4, v7;
	v9 =	vld [tilespmem:s6+$0x8C00]  }
0x18b: {  	[tilespmem:s6+$0x8820] =	vst v5;
	v5 =	vmul.f32 v8, v7;
	v8 =	vld [tilespmem:s6+$0x8C10]  }
0x18c: {  	[tilespmem:s6+$0x8830] =	vst v4;
	v4 =	vmul.f32 v11, v7;
	v10 =	vld [tilespmem:s6+$0x8C20]  }
0x18d: {  	[tilespmem:s6+$0x8840] =	vst v5;
	v5 =	vmul.f32 v12, v7;
	v11 =	vld [tilespmem:s6+$0x8C30]  }
0x18e: {  	[tilespmem:s6+$0x8850] =	vst v4;
	v4 =	vmul.f32 v6, v7;
	v6 =	vld [tilespmem:s6+$0x8C40]  }
0x18f: {  	[tilespmem:s6+$0x8860] =	vst v5;
	v5 =	vmul.f32 v9, v7;
	v9 =	vld [tilespmem:s6+$0x8C50]  }
0x190: {  	[tilespmem:s6+$0x8870] =	vst v4;
	v4 =	vmul.f32 v8, v7;
	v12 =	vld [tilespmem:s6+$0x8C60]  }
0x191: {  	[tilespmem:s6+$0x8C00] =	vst v5;
	v5 =	vmul.f32 v10, v7;
	v10 =	vld [tilespmem:s6+$0x8880]  }
0x192: {  	[tilespmem:s6+$0x8C10] =	vst v4;
	v4 =	vmul.f32 v11, v7;
	v11 =	vld [tilespmem:s6+$0x8890]  }
0x193: {  	[tilespmem:s6+$0x8C20] =	vst v5;
	v5 =	vmul.f32 v6, v7;
	v6 =	vld [tilespmem:s6+$0x88A0]  }
.Ltmp1:
0x194: {  	[tilespmem:s6+$0x8C30] =	vst v4;
	v4 =	vmul.f32 v9, v7;
	v8 =	vld [tilespmem:s6+$0x88B0];
	(pc) =	sbr.rel @p0 .LBB2_4-.Ltmp1, $4  }
0x195: {  	[tilespmem:s6+$0x8C40] =	vst v5;
	v9 =	vmul.f32 v12, v7;
	v7 =	vld [tilespmem:s6+$0x88C0]  }
0x196: {  	[tilespmem:s6+$0x8C50] =	vst v4;
	v12 =	vmul.f32 v10, v3;
	v5 =	vld [tilespmem:s6+$0x88D0]  }
0x197: {  	[tilespmem:s6+$0x8C60] =	vst v9;
	v10 =	vmul.f32 v11, v3;
	v4 =	vld [tilespmem:s6+$0x88E0]  }
0x198: {  	[tilespmem:s6+$0x8880] =	vst v12;
	v9 =	vmul.f32 v6, v3;
	v6 =	vld [tilespmem:s6+$0x88F0]  }
0x199: {  	[tilespmem:s6+$0x8890] =	vst v10;
	v10 =	vld [tilespmem:s6+$0x8C80];
	v8 =	vmul.f32 v8, v3  }
0x19a: {  	[tilespmem:s6+$0x88A0] =	vst v9;
	v9 =	vld [tilespmem:s6+$0x8C90];
	v7 =	vmul.f32 v7, v3  }
0x19b: {  	[tilespmem:s6+$0x88B0] =	vst v8;
	v8 =	vld [tilespmem:s6+$0x8CA0];
	v5 =	vmul.f32 v5, v3  }
0x19c: {  	[tilespmem:s6+$0x88C0] =	vst v7;
	v7 =	vld [tilespmem:s6+$0x8CB0];
	v4 =	vmul.f32 v4, v3  }
0x19d: {  	[tilespmem:s6+$0x88D0] =	vst v5;
	v5 =	vld [tilespmem:s6+$0x8CC0];
	v6 =	vmul.f32 v6, v3  }
0x19e: {  	[tilespmem:s6+$0x88E0] =	vst v4;
	v4 =	vld [tilespmem:s6+$0x8CD0];
	v10 =	vmul.f32 v10, v3  }
0x19f: {  	[tilespmem:s6+$0x88F0] =	vst v6;
	v6 =	vld [tilespmem:s6+$0x8CE0];
	v9 =	vmul.f32 v9, v3  }
0x1a0: {  	[tilespmem:s6+$0x8C80] =	vst v10;
	v8 =	vmul.f32 v8, v3;
	v10 =	vld [tilespmem:s6+$0x8CF0]  }
0x1a1: {  	[tilespmem:s6+$0x8C90] =	vst v9;
	v7 =	vmul.f32 v7, v3  }
0x1a2: {  	[tilespmem:s6+$0x8CA0] =	vst v8;
	v5 =	vmul.f32 v5, v3  }
0x1a3: {  	[tilespmem:s6+$0x8CB0] =	vst v7;
	v4 =	vmul.f32 v4, v3  }
0x1a4: {  	[tilespmem:s6+$0x8CC0] =	vst v5;
	v5 =	vmul.f32 v6, v3  }
0x1a5: {  	[tilespmem:s6+$0x8CD0] =	vst v4;
	v3 =	vmul.f32 v10, v3  }
0x1a6: {  	[tilespmem:s6+$0x8CE0] =	vst v5  }
0x1a7: {  	[tilespmem:s6+$0x8CF0] =	vst v3  }
0x1a8: {  	s2 =	simm.s32 $0x0;
	s6 =	rddreg [dreg:$0x7]  }
0x1a9: {  	[hbm4b:s6+s2] =	stream.linear.scatter [tilespmem:s0], [sflag:$0x6], $0x6000, $0x38;
	[tilespmem:$0x1A800] =	vst v63  }
0x1aa: {  	v3 =	vld [tilespmem:$0x120];
	_ =	sdelay $0x4  }
0x1ab: {  	v4 =	vshll.u32 v3, $0x1  }
0x1ac: {  	v3 =	vand.u32 $0x7, v3;
	v4 =	vand.u32 $0xFFFFFFF0, v4  }
0x1ad: {  	v3 =	vor.u32 v3, v4  }
0x1ae: {  	v4 =	vperm.xlane v3, v0;
	_ =	sdelay $0x1  }
0x1af: {  	v3 =	vperm.xlane v3, v2;
	v4 =	vadd.s32 v1, v4;
	_ =	sdelay $0x1  }
0x1b0: {  	v3 =	vadd.s32 v1, v3;
	_ =	sdelay $0x2  }
0x1b1: {  	[tilespmem:s9], [sflag:$0x4] =	stream.indirect_vreg.gather [hbm4b:s1+s2], $0x80, v4, vm0, $0xb8;
	[tilespmem:$0x1A800] =	vst v63  }
0x1b2: {  	s25 =	simm.s32 $0x15000  }
0x1b3: {  	[tilespmem:s25], [sflag:$0x4] =	stream.indirect_vreg.gather [hbm4b:s1+s2], $0x80, v3, vm0, $0xb8;
	[tilespmem:$0x1A800] =	vst v63  }
0x1b4: {  	v3 =	vld [tilespmem:$0x130];
	_ =	sdelay $0x4  }
0x1b5: {  	v4 =	vshll.u32 v3, $0x1  }
0x1b6: {  	v3 =	vand.u32 $0x7, v3;
	v4 =	vand.u32 $0xFFFFFFF0, v4  }
0x1b7: {  	v3 =	vor.u32 v3, v4  }
0x1b8: {  	v4 =	vperm.xlane v3, v0;
	_ =	sdelay $0x1  }
0x1b9: {  	v3 =	vperm.xlane v3, v2;
	v4 =	vadd.s32 v1, v4;
	_ =	sdelay $0x1  }
0x1ba: {  	v3 =	vadd.s32 v1, v3;
	_ =	sdelay $0x1  }
0x1bb: {  	s26 =	simm.s32 $0x15800  }
0x1bc: {  	[tilespmem:s26], [sflag:$0x4] =	stream.indirect_vreg.gather [hbm4b:s1+s2], $0x80, v4, vm0, $0xb8;
	[tilespmem:$0x1A800] =	vst v63  }
0x1bd: {  	s7 =	simm.s32 $0x16000  }
0x1be: {  	[tilespmem:s7], [sflag:$0x4] =	stream.indirect_vreg.gather [hbm4b:s1+s2], $0x80, v3, vm0, $0xb8;
	[tilespmem:$0x1A800] =	vst v63  }
0x1bf: {  	v3 =	vld [tilespmem:$0x140];
	_ =	sdelay $0x4  }
0x1c0: {  	v4 =	vshll.u32 v3, $0x1  }
0x1c1: {  	v3 =	vand.u32 $0x7, v3;
	v4 =	vand.u32 $0xFFFFFFF0, v4  }
0x1c2: {  	v3 =	vor.u32 v3, v4  }
0x1c3: {  	v4 =	vperm.xlane v3, v0;
	_ =	sdelay $0x1  }
0x1c4: {  	v3 =	vperm.xlane v3, v2;
	v4 =	vadd.s32 v1, v4;
	_ =	sdelay $0x1  }
0x1c5: {  	v3 =	vadd.s32 v1, v3;
	_ =	sdelay $0x1  }
0x1c6: {  	s10 =	simm.s32 $0x16800  }
0x1c7: {  	[tilespmem:s10], [sflag:$0x4] =	stream.indirect_vreg.gather [hbm4b:s1+s2], $0x80, v4, vm0, $0xb8;
	[tilespmem:$0x1A800] =	vst v63  }
0x1c8: {  	s11 =	simm.s32 $0x17000  }
0x1c9: {  	[tilespmem:s11], [sflag:$0x4] =	stream.indirect_vreg.gather [hbm4b:s1+s2], $0x80, v3, vm0, $0xb8;
	[tilespmem:$0x1A800] =	vst v63  }
0x1ca: {  	v3 =	vld [tilespmem:$0x150];
	_ =	sdelay $0x4  }
0x1cb: {  	v4 =	vshll.u32 v3, $0x1  }
0x1cc: {  	v3 =	vand.u32 $0x7, v3;
	v4 =	vand.u32 $0xFFFFFFF0, v4  }
0x1cd: {  	v3 =	vor.u32 v3, v4  }
0x1ce: {  	v4 =	vperm.xlane v3, v0;
	_ =	sdelay $0x1  }
0x1cf: {  	v3 =	vperm.xlane v3, v2;
	v4 =	vadd.s32 v1, v4;
	_ =	sdelay $0x1  }
0x1d0: {  	v3 =	vadd.s32 v1, v3;
	_ =	sdelay $0x1  }
0x1d1: {  	s12 =	simm.s32 $0x17800  }
0x1d2: {  	[tilespmem:s12], [sflag:$0x4] =	stream.indirect_vreg.gather [hbm4b:s1+s2], $0x80, v4, vm0, $0xb8;
	[tilespmem:$0x1A800] =	vst v63  }
0x1d3: {  	s13 =	simm.s32 $0x18000  }
0x1d4: {  	[tilespmem:s13], [sflag:$0x4] =	stream.indirect_vreg.gather [hbm4b:s1+s2], $0x80, v3, vm0, $0xb8;
	[tilespmem:$0x1A800] =	vst v63  }
0x1d5: {  	v3 =	vld [tilespmem:$0x160];
	_ =	sdelay $0x4  }
0x1d6: {  	v4 =	vshll.u32 v3, $0x1  }
0x1d7: {  	v3 =	vand.u32 $0x7, v3;
	v4 =	vand.u32 $0xFFFFFFF0, v4  }
0x1d8: {  	v3 =	vor.u32 v3, v4  }
0x1d9: {  	v4 =	vperm.xlane v3, v0;
	_ =	sdelay $0x1  }
0x1da: {  	v3 =	vperm.xlane v3, v2;
	v4 =	vadd.s32 v1, v4;
	_ =	sdelay $0x1  }
0x1db: {  	v3 =	vadd.s32 v1, v3;
	_ =	sdelay $0x1  }
0x1dc: {  	s14 =	simm.s32 $0x18800  }
0x1dd: {  	[tilespmem:s14], [sflag:$0x4] =	stream.indirect_vreg.gather [hbm4b:s1+s2], $0x80, v4, vm0, $0xb8;
	[tilespmem:$0x1A800] =	vst v63  }
0x1de: {  	s15 =	simm.s32 $0x19000  }
0x1df: {  	[tilespmem:s15], [sflag:$0x4] =	stream.indirect_vreg.gather [hbm4b:s1+s2], $0x80, v3, vm0, $0xb8;
	[tilespmem:$0x1A800] =	vst v63  }
0x1e0: {  	v3 =	vld [tilespmem:$0x170];
	_ =	sdelay $0x4  }
0x1e1: {  	v4 =	vshll.u32 v3, $0x1  }
0x1e2: {  	v3 =	vand.u32 $0x7, v3;
	v4 =	vand.u32 $0xFFFFFFF0, v4  }
0x1e3: {  	v3 =	vor.u32 v3, v4  }
0x1e4: {  	v4 =	vperm.xlane v3, v0;
	_ =	sdelay $0x1  }
0x1e5: {  	v3 =	vperm.xlane v3, v2;
	v4 =	vadd.s32 v1, v4;
	_ =	sdelay $0x1  }
0x1e6: {  	s16 =	simm.s32 $0xC0;
	v3 =	vadd.s32 v1, v3  }
0x1e7: {  	v5 =	vmov s16  }
0x1e8: {  	s23 =	simm.s32 $0x19800;
	v5 =	vand.u32 $0xFFFFFFFE, v5  }
0x1e9: {  	[tilespmem:s23], [sflag:$0x4] =	stream.indirect_vreg.gather [hbm4b:s1+s2], $0x80, v4, vm0, $0xb8;
	v4 =	vbroadcast v5, $0x0;
	[tilespmem:$0x1A800] =	vst v63  }
0x1ea: {  	s24 =	simm.s32 $0x1A000  }
0x1eb: {  	[tilespmem:s24], [sflag:$0x4] =	stream.indirect_vreg.gather [hbm4b:s1+s2], $0x80, v3, vm0, $0xb8;
	[tilespmem:$0x1A800] =	vst v63  }
0x1ec: {  	_ =	swait.ge [sflag:s28], $0x6000  }
0x1ed: {  	[sflag:s28] =	ssyncset.done $0x0  }
0x1ee: {  	s25 =	sand.u32 $0x7800, s2;
	s7 =	sand.u32 $0x300, s2;
	[sflag:s28] =	ssyncadd.s32 $0xFFFFA000  }
0x1ef: {  	s6 =	sor.u32 s7, s25;
	v4 =	vld.idx.msk [tilespmem:v4+s18+$0x0], $0xffff  }
0x1f0: {  	v3 =	vld [tilespmem:s6+$0xEC70]  }
0x1f1: {  	v5 =	vld [tilespmem:s6+$0xE800]  }
0x1f2: {  	v6 =	vld [tilespmem:s6+$0xE810]  }
0x1f3: {  	v7 =	vld [tilespmem:s6+$0xE820]  }
0x1f4: {  	v8 =	vld [tilespmem:s6+$0xE830]  }
0x1f5: {  	v9 =	vld [tilespmem:s6+$0xE840]  }
0x1f6: {  	v3 =	vmul.f32 v3, v4  }
0x1f7: {  	v10 =	vld [tilespmem:s6+$0xE850];
	v5 =	vmul.f32 v5, v4  }
0x1f8: {  	v11 =	vld [tilespmem:s6+$0xE860];
	[tilespmem:s6+$0xEC70] =	vst v3;
	v3 =	vmul.f32 v6, v4  }
0x1f9: {  	[tilespmem:s6+$0xE800] =	vst v5;
	v5 =	vld [tilespmem:s6+$0xE870];
	v6 =	vmul.f32 v7, v4  }
0x1fa: {  	v12 =	vld [tilespmem:s6+$0xEC40];
	[tilespmem:s6+$0xE810] =	vst v3;
	v3 =	vmul.f32 v8, v4;
	v8 =	vmul.f32 v9, v4  }
0x1fb: {  	s26 =	simm.s32 $0xC1;
	v7 =	vld [tilespmem:s6+$0xEC00];
	[tilespmem:s6+$0xE820] =	vst v6  }
0x1fc: {  	v6 =	vld [tilespmem:s6+$0xEC10];
	[tilespmem:s6+$0xE840] =	vst v8;
	v8 =	vmov s26  }
0x1fd: {  	v11 =	vmul.f32 v11, v4;
	v9 =	vld [tilespmem:s6+$0xEC20]  }
0x1fe: {  	[tilespmem:s6+$0xE830] =	vst v3;
	v3 =	vmul.f32 v10, v4;
	v10 =	vld [tilespmem:s6+$0xEC30];
	v5 =	vmul.f32 v5, v4  }
0x1ff: {  	v14 =	vld [tilespmem:s6+$0xE880];
	[tilespmem:s6+$0xE860] =	vst v11  }
0x200: {  	v11 =	vld [tilespmem:s6+$0xEC50];
	[tilespmem:s6+$0xE870] =	vst v5;
	v5 =	vmul.f32 v7, v4  }
0x201: {  	[tilespmem:s6+$0xE850] =	vst v3;
	v6 =	vmul.f32 v6, v4;
	v3 =	vld.idx.msk [tilespmem:v8+s18+$0x0], $0xffff  }
0x202: {  	v13 =	vld [tilespmem:s6+$0xEC60];
	[tilespmem:s6+$0xEC00] =	vst v5;
	v5 =	vmul.f32 v9, v4  }
0x203: {  	v9 =	vld [tilespmem:s6+$0xE890];
	[tilespmem:s6+$0xEC10] =	vst v6;
	v6 =	vmul.f32 v10, v4  }
0x204: {  	v15 =	vld [tilespmem:s6+$0xE8A0];
	[tilespmem:s6+$0xEC20] =	vst v5;
	v5 =	vmul.f32 v12, v4  }
0x205: {  	v8 =	vld [tilespmem:s6+$0xE8B0];
	[tilespmem:s6+$0xEC30] =	vst v6;
	v6 =	vmul.f32 v11, v4  }
0x206: {  	v7 =	vld [tilespmem:s6+$0xE8C0];
	[tilespmem:s6+$0xEC40] =	vst v5;
	v10 =	vmul.f32 v14, v3  }
0x207: {  	v11 =	vmul.f32 v13, v4;
	v5 =	vld [tilespmem:s6+$0xE8D0];
	[tilespmem:s6+$0xEC50] =	vst v6  }
0x208: {  	v4 =	vld [tilespmem:s6+$0xE8E0];
	[tilespmem:s6+$0xE880] =	vst v10;
	v10 =	vmul.f32 v9, v3  }
0x209: {  	s7 =	simm.s32 $0x0;
	s10 =	simm.s32 $0x0;
	[tilespmem:s6+$0xEC60] =	vst v11;
	v6 =	vld [tilespmem:s6+$0xE8F0];
	v9 =	vmul.f32 v15, v3  }
.LBB2_6:
0x20a: {  	s11 =	sadd.s32 $0xC2, s7;
	[tilespmem:s6+$0xE890] =	vst v10;
	v8 =	vmul.f32 v8, v3;
	v10 =	vld [tilespmem:s6+$0xEC80];
	s12 =	smov.u32 s7;
	s7 =	sadd.s32 $0x2, s7  }
0x20b: {  	v11 =	vmov s11;
	p0 =	slt.u32 s7, $0x5E;
	[tilespmem:s6+$0xE8A0] =	vst v9;
	v7 =	vmul.f32 v7, v3;
	v9 =	vld [tilespmem:s6+$0xEC90]  }
0x20c: {  	s11 =	sadd.s32 $0xC3, s12;
	v11 =	vand.u32 $0xFFFFFFFE, v11;
	[tilespmem:s6+$0xE8B0] =	vst v8;
	v5 =	vmul.f32 v5, v3;
	v8 =	vld [tilespmem:s6+$0xECA0]  }
0x20d: {  	v12 =	vmov s11;
	v11 =	vbroadcast v11, $0x0;
	[tilespmem:s6+$0xE8C0] =	vst v7;
	v4 =	vmul.f32 v4, v3;
	v7 =	vld [tilespmem:s6+$0xECB0]  }
0x20e: {  	[tilespmem:s6+$0xE8D0] =	vst v5;
	v5 =	vmul.f32 v6, v3;
	v6 =	vld [tilespmem:s6+$0xECC0]  }
0x20f: {  	[tilespmem:s6+$0xE8E0] =	vst v4;
	v4 =	vmul.f32 v10, v3;
	v10 =	vld [tilespmem:s6+$0xECD0]  }
0x210: {  	[tilespmem:s6+$0xE8F0] =	vst v5;
	v5 =	vmul.f32 v9, v3;
	v9 =	vld [tilespmem:s6+$0xECE0]  }
0x211: {  	s2 =	sadd.s32 $0x100, s2;
	s10 =	sadd.s32 $0x200, s10;
	[tilespmem:s6+$0xEC80] =	vst v4;
	v4 =	vmul.f32 v8, v3;
	v8 =	vld [tilespmem:s6+$0xECF0]  }
0x212: {  	s12 =	sand.u32 $0x300, s2;
	s11 =	sand.u32 $0x7800, s10;
	v12 =	vld.idx.msk [tilespmem:v12+s18+$0x0], $0xffff;
	[tilespmem:s6+$0xEC90] =	vst v5;
	v5 =	vmul.f32 v7, v3  }
0x213: {  	s11 =	sor.u32 s12, s11;
	v7 =	vld.idx.msk [tilespmem:v11+s18+$0x0], $0xffff;
	[tilespmem:s6+$0xECA0] =	vst v4;
	v4 =	vmul.f32 v6, v3  }
0x214: {  	v6 =	vld [tilespmem:s11+$0xEC70];
	[tilespmem:s6+$0xECB0] =	vst v5;
	v5 =	vmul.f32 v10, v3  }
0x215: {  	v10 =	vld [tilespmem:s11+$0xE800];
	[tilespmem:s6+$0xECC0] =	vst v4;
	v4 =	vmul.f32 v9, v3  }
0x216: {  	v9 =	vld [tilespmem:s11+$0xE810];
	[tilespmem:s6+$0xECD0] =	vst v5;
	v8 =	vmul.f32 v8, v3  }
0x217: {  	v5 =	vld [tilespmem:s11+$0xE820];
	[tilespmem:s6+$0xECE0] =	vst v4  }
0x218: {  	v3 =	vmov v12;
	v4 =	vld [tilespmem:s11+$0xE830];
	[tilespmem:s6+$0xECF0] =	vst v8;
	s6 =	smov.u32 s11  }
0x219: {  	v8 =	vld [tilespmem:s6+$0xE840];
	v6 =	vmul.f32 v6, v7  }
0x21a: {  	v10 =	vmul.f32 v10, v7;
	v11 =	vld [tilespmem:s6+$0xE850]  }
0x21b: {  	v9 =	vmul.f32 v9, v7;
	v12 =	vld [tilespmem:s6+$0xE860];
	[tilespmem:s6+$0xEC70] =	vst v6  }
0x21c: {  	[tilespmem:s6+$0xE800] =	vst v10;
	v5 =	vmul.f32 v5, v7;
	v6 =	vld [tilespmem:s6+$0xE870]  }
0x21d: {  	[tilespmem:s6+$0xE810] =	vst v9;
	v4 =	vmul.f32 v4, v7;
	v9 =	vld [tilespmem:s6+$0xEC00]  }
0x21e: {  	[tilespmem:s6+$0xE820] =	vst v5;
	v5 =	vmul.f32 v8, v7;
	v8 =	vld [tilespmem:s6+$0xEC10]  }
0x21f: {  	[tilespmem:s6+$0xE830] =	vst v4;
	v4 =	vmul.f32 v11, v7;
	v10 =	vld [tilespmem:s6+$0xEC20]  }
0x220: {  	[tilespmem:s6+$0xE840] =	vst v5;
	v5 =	vmul.f32 v12, v7;
	v11 =	vld [tilespmem:s6+$0xEC30]  }
0x221: {  	[tilespmem:s6+$0xE850] =	vst v4;
	v4 =	vmul.f32 v6, v7;
	v6 =	vld [tilespmem:s6+$0xEC40]  }
0x222: {  	[tilespmem:s6+$0xE860] =	vst v5;
	v5 =	vmul.f32 v9, v7;
	v9 =	vld [tilespmem:s6+$0xEC50]  }
0x223: {  	[tilespmem:s6+$0xE870] =	vst v4;
	v4 =	vmul.f32 v8, v7;
	v12 =	vld [tilespmem:s6+$0xEC60]  }
0x224: {  	[tilespmem:s6+$0xEC00] =	vst v5;
	v5 =	vmul.f32 v10, v7;
	v10 =	vld [tilespmem:s6+$0xE880]  }
0x225: {  	[tilespmem:s6+$0xEC10] =	vst v4;
	v4 =	vmul.f32 v11, v7;
	v11 =	vld [tilespmem:s6+$0xE890]  }
0x226: {  	[tilespmem:s6+$0xEC20] =	vst v5;
	v5 =	vmul.f32 v6, v7;
	v6 =	vld [tilespmem:s6+$0xE8A0]  }
.Ltmp2:
0x227: {  	[tilespmem:s6+$0xEC30] =	vst v4;
	v4 =	vmul.f32 v9, v7;
	v8 =	vld [tilespmem:s6+$0xE8B0];
	(pc) =	sbr.rel @p0 .LBB2_6-.Ltmp2, $4  }
0x228: {  	[tilespmem:s6+$0xEC40] =	vst v5;
	v9 =	vmul.f32 v12, v7;
	v7 =	vld [tilespmem:s6+$0xE8C0]  }
0x229: {  	[tilespmem:s6+$0xEC50] =	vst v4;
	v12 =	vmul.f32 v10, v3;
	v5 =	vld [tilespmem:s6+$0xE8D0]  }
0x22a: {  	[tilespmem:s6+$0xEC60] =	vst v9;
	v10 =	vmul.f32 v11, v3;
	v4 =	vld [tilespmem:s6+$0xE8E0]  }
0x22b: {  	[tilespmem:s6+$0xE880] =	vst v12;
	v9 =	vmul.f32 v6, v3;
	v6 =	vld [tilespmem:s6+$0xE8F0]  }
0x22c: {  	[tilespmem:s6+$0xE890] =	vst v10;
	v10 =	vld [tilespmem:s6+$0xEC80];
	v8 =	vmul.f32 v8, v3  }
0x22d: {  	[tilespmem:s6+$0xE8A0] =	vst v9;
	v9 =	vld [tilespmem:s6+$0xEC90];
	v7 =	vmul.f32 v7, v3  }
0x22e: {  	[tilespmem:s6+$0xE8B0] =	vst v8;
	v8 =	vld [tilespmem:s6+$0xECA0];
	v5 =	vmul.f32 v5, v3  }
0x22f: {  	[tilespmem:s6+$0xE8C0] =	vst v7;
	v7 =	vld [tilespmem:s6+$0xECB0];
	v4 =	vmul.f32 v4, v3  }
0x230: {  	[tilespmem:s6+$0xE8D0] =	vst v5;
	v5 =	vld [tilespmem:s6+$0xECC0];
	v6 =	vmul.f32 v6, v3  }
0x231: {  	[tilespmem:s6+$0xE8E0] =	vst v4;
	v4 =	vld [tilespmem:s6+$0xECD0];
	v10 =	vmul.f32 v10, v3  }
0x232: {  	[tilespmem:s6+$0xE8F0] =	vst v6;
	v6 =	vld [tilespmem:s6+$0xECE0];
	v9 =	vmul.f32 v9, v3  }
0x233: {  	[tilespmem:s6+$0xEC80] =	vst v10;
	v8 =	vmul.f32 v8, v3;
	v10 =	vld [tilespmem:s6+$0xECF0]  }
0x234: {  	[tilespmem:s6+$0xEC90] =	vst v9;
	v7 =	vmul.f32 v7, v3  }
0x235: {  	[tilespmem:s6+$0xECA0] =	vst v8;
	v5 =	vmul.f32 v5, v3  }
0x236: {  	[tilespmem:s6+$0xECB0] =	vst v7;
	v4 =	vmul.f32 v4, v3  }
0x237: {  	[tilespmem:s6+$0xECC0] =	vst v5;
	v5 =	vmul.f32 v6, v3  }
0x238: {  	[tilespmem:s6+$0xECD0] =	vst v4;
	v3 =	vmul.f32 v10, v3  }
0x239: {  	[tilespmem:s6+$0xECE0] =	vst v5  }
0x23a: {  	[tilespmem:s6+$0xECF0] =	vst v3  }
0x23b: {  	s2 =	simm.s32 $0x0;
	s6 =	rddreg [dreg:$0x8]  }
0x23c: {  	[hbm4b:s6+s2] =	stream.linear.scatter [tilespmem:s22], [sflag:$0x7], $0x6000, $0x38;
	[tilespmem:$0x1A800] =	vst v63  }
0x23d: {  	_ =	swait.ge [sflag:s29], $0x6000  }
0x23e: {  	[sflag:s29] =	ssyncset.done $0x0  }
0x23f: {  	[sflag:s29] =	ssyncadd.s32 $0xFFFFA000  }
0x240: {  	v3 =	vld [tilespmem:$0x180];
	_ =	sdelay $0x4  }
0x241: {  	v4 =	vshll.u32 v3, $0x1  }
0x242: {  	v3 =	vand.u32 $0x7, v3;
	v4 =	vand.u32 $0xFFFFFFF0, v4  }
0x243: {  	v3 =	vor.u32 v3, v4  }
0x244: {  	v4 =	vperm.xlane v3, v0;
	_ =	sdelay $0x1  }
0x245: {  	v3 =	vperm.xlane v3, v2;
	v4 =	vadd.s32 v1, v4;
	_ =	sdelay $0x1  }
0x246: {  	v3 =	vadd.s32 v1, v3;
	_ =	sdelay $0x2  }
0x247: {  	[tilespmem:s20], [sflag:$0x1] =	stream.indirect_vreg.gather [hbm4b:s1+s2], $0x80, v4, vm0, $0xb8;
	[tilespmem:$0x1A800] =	vst v63  }
0x248: {  	s25 =	simm.s32 $0x3000  }
0x249: {  	[tilespmem:s25], [sflag:$0x1] =	stream.indirect_vreg.gather [hbm4b:s1+s2], $0x80, v3, vm0, $0xb8;
	[tilespmem:$0x1A800] =	vst v63  }
0x24a: {  	v3 =	vld [tilespmem:$0x190];
	_ =	sdelay $0x4  }
0x24b: {  	v4 =	vshll.u32 v3, $0x1  }
0x24c: {  	v3 =	vand.u32 $0x7, v3;
	v4 =	vand.u32 $0xFFFFFFF0, v4  }
0x24d: {  	v3 =	vor.u32 v3, v4  }
0x24e: {  	v4 =	vperm.xlane v3, v0;
	_ =	sdelay $0x1  }
0x24f: {  	v3 =	vperm.xlane v3, v2;
	v4 =	vadd.s32 v1, v4;
	_ =	sdelay $0x1  }
0x250: {  	v3 =	vadd.s32 v1, v3;
	_ =	sdelay $0x1  }
0x251: {  	s26 =	simm.s32 $0x3800  }
0x252: {  	[tilespmem:s26], [sflag:$0x1] =	stream.indirect_vreg.gather [hbm4b:s1+s2], $0x80, v4, vm0, $0xb8;
	[tilespmem:$0x1A800] =	vst v63  }
0x253: {  	s7 =	simm.s32 $0x4000  }
0x254: {  	[tilespmem:s7], [sflag:$0x1] =	stream.indirect_vreg.gather [hbm4b:s1+s2], $0x80, v3, vm0, $0xb8;
	[tilespmem:$0x1A800] =	vst v63  }
0x255: {  	v3 =	vld [tilespmem:$0x1A0];
	_ =	sdelay $0x4  }
0x256: {  	v4 =	vshll.u32 v3, $0x1  }
0x257: {  	v3 =	vand.u32 $0x7, v3;
	v4 =	vand.u32 $0xFFFFFFF0, v4  }
0x258: {  	v3 =	vor.u32 v3, v4  }
0x259: {  	v4 =	vperm.xlane v3, v0;
	_ =	sdelay $0x1  }
0x25a: {  	v3 =	vperm.xlane v3, v2;
	v4 =	vadd.s32 v1, v4;
	_ =	sdelay $0x1  }
0x25b: {  	v3 =	vadd.s32 v1, v3;
	_ =	sdelay $0x1  }
0x25c: {  	s10 =	simm.s32 $0x4800  }
0x25d: {  	[tilespmem:s10], [sflag:$0x1] =	stream.indirect_vreg.gather [hbm4b:s1+s2], $0x80, v4, vm0, $0xb8;
	[tilespmem:$0x1A800] =	vst v63  }
0x25e: {  	s11 =	simm.s32 $0x5000  }
0x25f: {  	[tilespmem:s11], [sflag:$0x1] =	stream.indirect_vreg.gather [hbm4b:s1+s2], $0x80, v3, vm0, $0xb8;
	[tilespmem:$0x1A800] =	vst v63  }
0x260: {  	v3 =	vld [tilespmem:$0x1B0];
	_ =	sdelay $0x4  }
0x261: {  	v4 =	vshll.u32 v3, $0x1  }
0x262: {  	v3 =	vand.u32 $0x7, v3;
	v4 =	vand.u32 $0xFFFFFFF0, v4  }
0x263: {  	v3 =	vor.u32 v3, v4  }
0x264: {  	v4 =	vperm.xlane v3, v0;
	_ =	sdelay $0x1  }
0x265: {  	v3 =	vperm.xlane v3, v2;
	v4 =	vadd.s32 v1, v4;
	_ =	sdelay $0x1  }
0x266: {  	v3 =	vadd.s32 v1, v3;
	_ =	sdelay $0x1  }
0x267: {  	s12 =	simm.s32 $0x5800  }
0x268: {  	[tilespmem:s12], [sflag:$0x1] =	stream.indirect_vreg.gather [hbm4b:s1+s2], $0x80, v4, vm0, $0xb8;
	[tilespmem:$0x1A800] =	vst v63  }
0x269: {  	s13 =	simm.s32 $0x6000  }
0x26a: {  	[tilespmem:s13], [sflag:$0x1] =	stream.indirect_vreg.gather [hbm4b:s1+s2], $0x80, v3, vm0, $0xb8;
	[tilespmem:$0x1A800] =	vst v63  }
0x26b: {  	v3 =	vld [tilespmem:$0x1C0];
	_ =	sdelay $0x4  }
0x26c: {  	v4 =	vshll.u32 v3, $0x1  }
0x26d: {  	v3 =	vand.u32 $0x7, v3;
	v4 =	vand.u32 $0xFFFFFFF0, v4  }
0x26e: {  	v3 =	vor.u32 v3, v4  }
0x26f: {  	v4 =	vperm.xlane v3, v0;
	_ =	sdelay $0x1  }
0x270: {  	v3 =	vperm.xlane v3, v2;
	v4 =	vadd.s32 v1, v4;
	_ =	sdelay $0x1  }
0x271: {  	v3 =	vadd.s32 v1, v3;
	_ =	sdelay $0x1  }
0x272: {  	s14 =	simm.s32 $0x6800  }
0x273: {  	[tilespmem:s14], [sflag:$0x1] =	stream.indirect_vreg.gather [hbm4b:s1+s2], $0x80, v4, vm0, $0xb8;
	[tilespmem:$0x1A800] =	vst v63  }
0x274: {  	s15 =	simm.s32 $0x7000  }
0x275: {  	[tilespmem:s15], [sflag:$0x1] =	stream.indirect_vreg.gather [hbm4b:s1+s2], $0x80, v3, vm0, $0xb8;
	[tilespmem:$0x1A800] =	vst v63  }
0x276: {  	v3 =	vld [tilespmem:$0x1D0];
	_ =	sdelay $0x4  }
0x277: {  	v4 =	vshll.u32 v3, $0x1  }
0x278: {  	v3 =	vand.u32 $0x7, v3;
	v4 =	vand.u32 $0xFFFFFFF0, v4  }
0x279: {  	v3 =	vor.u32 v3, v4  }
0x27a: {  	v4 =	vperm.xlane v3, v0;
	_ =	sdelay $0x1  }
0x27b: {  	v3 =	vperm.xlane v3, v2;
	v4 =	vadd.s32 v1, v4;
	_ =	sdelay $0x1  }
0x27c: {  	s16 =	simm.s32 $0x120;
	v3 =	vadd.s32 v1, v3  }
0x27d: {  	v5 =	vmov s16  }
0x27e: {  	s23 =	simm.s32 $0x7800;
	v5 =	vand.u32 $0xFFFFFFFE, v5  }
0x27f: {  	[tilespmem:s23], [sflag:$0x1] =	stream.indirect_vreg.gather [hbm4b:s1+s2], $0x80, v4, vm0, $0xb8;
	v4 =	vbroadcast v5, $0x0;
	[tilespmem:$0x1A800] =	vst v63  }
0x280: {  	s24 =	simm.s32 $0x8000  }
0x281: {  	[tilespmem:s24], [sflag:$0x1] =	stream.indirect_vreg.gather [hbm4b:s1+s2], $0x80, v3, vm0, $0xb8;
	[tilespmem:$0x1A800] =	vst v63  }
0x282: {  	_ =	swait.ge [sflag:s19], $0x6000  }
0x283: {  	[sflag:s19] =	ssyncset.done $0x0  }
0x284: {  	s25 =	sand.u32 $0x7800, s2;
	s7 =	sand.u32 $0x300, s2;
	[sflag:s19] =	ssyncadd.s32 $0xFFFFA000  }
0x285: {  	s7 =	sor.u32 s7, s25;
	v3 =	vld.idx.msk [tilespmem:v4+s18+$0x0], $0xffff  }
0x286: {  	v4 =	vld [tilespmem:s7+$0x14800];
	_ =	sdelay $0x4  }
0x287: {  	v4 =	vmul.f32 v4, v3;
	_ =	sdelay $0x1  }
0x288: {  	s6 =	sadd.s32 $0x14800, s7;
	[tilespmem:s7+$0x14800] =	vst v4  }
0x289: {  	v4 =	vld [tilespmem:s6+$0x30]  }
0x28a: {  	v6 =	vld [tilespmem:s6+$0x20]  }
0x28b: {  	v5 =	vld [tilespmem:s6+$0x10]  }
0x28c: {  	v8 =	vld [tilespmem:s6+$0x50];
	_ =	sdelay $0x1  }
0x28d: {  	v7 =	vld [tilespmem:s6+$0x40];
	v4 =	vmul.f32 v4, v3  }
0x28e: {  	v9 =	vld [tilespmem:s6+$0x60];
	v6 =	vmul.f32 v6, v3  }
0x28f: {  	v10 =	vld [tilespmem:s6+$0x70];
	v5 =	vmul.f32 v5, v3;
	[tilespmem:s6+$0x30] =	vst v4  }
0x290: {  	v11 =	vld [tilespmem:s6+$0x410];
	[tilespmem:s6+$0x20] =	vst v6;
	v6 =	vmul.f32 v8, v3  }
0x291: {  	s26 =	simm.s32 $0x121;
	v4 =	vld [tilespmem:s6+$0x400];
	[tilespmem:s6+$0x10] =	vst v5  }
0x292: {  	v12 =	vld [tilespmem:s6+$0x420];
	v5 =	vmul.f32 v7, v3;
	[tilespmem:s6+$0x50] =	vst v6;
	v6 =	vmov s26  }
0x293: {  	v13 =	vld [tilespmem:s6+$0x430]  }
0x294: {  	v8 =	vld [tilespmem:s6+$0x440];
	[tilespmem:s6+$0x40] =	vst v5;
	v5 =	vmul.f32 v9, v3  }
0x295: {  	v7 =	vld [tilespmem:s6+$0x450];
	v9 =	vmul.f32 v10, v3  }
0x296: {  	[tilespmem:s6+$0x60] =	vst v5;
	v5 =	vld [tilespmem:s6+$0x460];
	v10 =	vmul.f32 v4, v3  }
0x297: {  	[tilespmem:s6+$0x70] =	vst v9;
	v9 =	vmul.f32 v11, v3;
	v4 =	vld.idx.msk [tilespmem:v6+s18+$0x0], $0xffff  }
0x298: {  	[tilespmem:s6+$0x400] =	vst v10;
	v6 =	vld [tilespmem:s6+$0x470];
	v10 =	vmul.f32 v12, v3  }
0x299: {  	s10 =	simm.s32 $0x0;
	s7 =	simm.s32 $0x0;
	v11 =	vld [tilespmem:s6+$0x80];
	[tilespmem:s6+$0x410] =	vst v9;
	v9 =	vmul.f32 v13, v3  }
.LBB2_8:
0x29a: {  	s11 =	sadd.s32 $0x122, s7;
	[tilespmem:s6+$0x420] =	vst v10;
	v8 =	vmul.f32 v8, v3;
	v10 =	vld [tilespmem:s6+$0x90];
	s12 =	smov.u32 s7;
	s7 =	sadd.s32 $0x2, s7  }
0x29b: {  	v12 =	vmov s11;
	p0 =	slt.u32 s7, $0x5E;
	[tilespmem:s6+$0x430] =	vst v9;
	v7 =	vmul.f32 v7, v3;
	v9 =	vld [tilespmem:s6+$0xA0]  }
0x29c: {  	v12 =	vand.u32 $0xFFFFFFFE, v12;
	[tilespmem:s6+$0x440] =	vst v8;
	v5 =	vmul.f32 v5, v3;
	v8 =	vld [tilespmem:s6+$0xB0]  }
0x29d: {  	v12 =	vbroadcast v12, $0x0;
	[tilespmem:s6+$0x450] =	vst v7;
	v3 =	vmul.f32 v6, v3;
	v6 =	vld [tilespmem:s6+$0xC0]  }
0x29e: {  	[tilespmem:s6+$0x460] =	vst v5;
	v5 =	vmul.f32 v11, v4;
	v7 =	vld [tilespmem:s6+$0xD0]  }
0x29f: {  	[tilespmem:s6+$0x470] =	vst v3;
	v3 =	vmul.f32 v10, v4;
	v10 =	vld [tilespmem:s6+$0xE0]  }
0x2a0: {  	[tilespmem:s6+$0x80] =	vst v5;
	v5 =	vmul.f32 v9, v4;
	v9 =	vld [tilespmem:s6+$0xF0]  }
0x2a1: {  	s2 =	sadd.s32 $0x100, s2;
	s10 =	sadd.s32 $0x200, s10;
	[tilespmem:s6+$0x90] =	vst v3;
	v8 =	vmul.f32 v8, v4;
	v11 =	vld [tilespmem:s6+$0x480]  }
0x2a2: {  	s11 =	sand.u32 $0x7800, s10;
	s13 =	sand.u32 $0x300, s2;
	[tilespmem:s6+$0xA0] =	vst v5;
	v5 =	vmul.f32 v6, v4;
	v6 =	vld [tilespmem:s6+$0x490]  }
0x2a3: {  	s11 =	sor.u32 s13, s11;
	v3 =	vld.idx.msk [tilespmem:v12+s18+$0x0], $0xffff;
	[tilespmem:s6+$0xB0] =	vst v8;
	v7 =	vmul.f32 v7, v4  }
0x2a4: {  	v8 =	vld [tilespmem:s11+$0x14800];
	[tilespmem:s6+$0xC0] =	vst v5;
	v5 =	vmul.f32 v10, v4  }
0x2a5: {  	s12 =	sadd.s32 $0x123, s12;
	[tilespmem:s6+$0xD0] =	vst v7;
	v7 =	vmul.f32 v9, v4;
	v9 =	vld [tilespmem:s6+$0x4A0]  }
0x2a6: {  	v10 =	vmov s12;
	[tilespmem:s6+$0xE0] =	vst v5;
	v5 =	vmul.f32 v11, v4;
	v11 =	vld [tilespmem:s6+$0x4B0]  }
0x2a7: {  	[tilespmem:s6+$0xF0] =	vst v7;
	v6 =	vmul.f32 v6, v4;
	v7 =	vld [tilespmem:s6+$0x4C0]  }
0x2a8: {  	[tilespmem:s6+$0x480] =	vst v5;
	v5 =	vld [tilespmem:s6+$0x4D0]  }
0x2a9: {  	v8 =	vmul.f32 v8, v3;
	[tilespmem:s6+$0x490] =	vst v6;
	v6 =	vld [tilespmem:s6+$0x4E0]  }
0x2aa: {  	v9 =	vmul.f32 v9, v4;
	v12 =	vld [tilespmem:s6+$0x4F0]  }
0x2ab: {  	s12 =	sadd.s32 $0x14800, s11;
	[tilespmem:s11+$0x14800] =	vst v8;
	v8 =	vld.idx.msk [tilespmem:v10+s18+$0x0], $0xffff;
	v10 =	vmul.f32 v11, v4  }
0x2ac: {  	v11 =	vld [tilespmem:s12+$0x30];
	[tilespmem:s6+$0x4A0] =	vst v9;
	v7 =	vmul.f32 v7, v4  }
0x2ad: {  	v9 =	vld [tilespmem:s12+$0x10];
	[tilespmem:s6+$0x4B0] =	vst v10;
	v5 =	vmul.f32 v5, v4  }
0x2ae: {  	v10 =	vld [tilespmem:s12+$0x20];
	[tilespmem:s6+$0x4C0] =	vst v7;
	v6 =	vmul.f32 v6, v4  }
0x2af: {  	v7 =	vld [tilespmem:s12+$0x40];
	[tilespmem:s6+$0x4D0] =	vst v5;
	v12 =	vmul.f32 v12, v4  }
0x2b0: {  	v5 =	vld [tilespmem:s12+$0x50];
	[tilespmem:s6+$0x4E0] =	vst v6  }
0x2b1: {  	v4 =	vmov v8;
	v6 =	vmul.f32 v11, v3;
	v11 =	vld [tilespmem:s12+$0x60];
	[tilespmem:s6+$0x4F0] =	vst v12;
	s6 =	smov.u32 s12  }
0x2b2: {  	v8 =	vmul.f32 v9, v3;
	v9 =	vld [tilespmem:s6+$0x70]  }
0x2b3: {  	v10 =	vmul.f32 v10, v3;
	[tilespmem:s6+$0x30] =	vst v6;
	v6 =	vld [tilespmem:s6+$0x400]  }
0x2b4: {  	[tilespmem:s6+$0x10] =	vst v8;
	v7 =	vmul.f32 v7, v3;
	v12 =	vld [tilespmem:s6+$0x410]  }
0x2b5: {  	[tilespmem:s6+$0x20] =	vst v10;
	v5 =	vmul.f32 v5, v3;
	v10 =	vld [tilespmem:s6+$0x420]  }
0x2b6: {  	[tilespmem:s6+$0x40] =	vst v7;
	v7 =	vmul.f32 v11, v3;
	v11 =	vld [tilespmem:s6+$0x430]  }
.Ltmp3:
0x2b7: {  	[tilespmem:s6+$0x50] =	vst v5;
	v5 =	vmul.f32 v9, v3;
	v8 =	vld [tilespmem:s6+$0x440];
	(pc) =	sbr.rel @p0 .LBB2_8-.Ltmp3, $4  }
0x2b8: {  	[tilespmem:s6+$0x60] =	vst v7;
	v6 =	vmul.f32 v6, v3;
	v7 =	vld [tilespmem:s6+$0x450]  }
0x2b9: {  	[tilespmem:s6+$0x70] =	vst v5;
	v9 =	vmul.f32 v12, v3;
	v5 =	vld [tilespmem:s6+$0x460]  }
0x2ba: {  	[tilespmem:s6+$0x400] =	vst v6;
	v10 =	vmul.f32 v10, v3;
	v6 =	vld [tilespmem:s6+$0x470]  }
0x2bb: {  	[tilespmem:s6+$0x410] =	vst v9;
	v9 =	vmul.f32 v11, v3;
	v11 =	vld [tilespmem:s6+$0x80]  }
0x2bc: {  	v12 =	vld [tilespmem:s6+$0x90];
	[tilespmem:s6+$0x420] =	vst v10;
	v8 =	vmul.f32 v8, v3  }
0x2bd: {  	v13 =	vld [tilespmem:s6+$0xA0];
	[tilespmem:s6+$0x430] =	vst v9;
	v7 =	vmul.f32 v7, v3  }
0x2be: {  	v14 =	vld [tilespmem:s6+$0xB0];
	[tilespmem:s6+$0x440] =	vst v8;
	v5 =	vmul.f32 v5, v3  }
0x2bf: {  	v15 =	vld [tilespmem:s6+$0xC0];
	[tilespmem:s6+$0x450] =	vst v7;
	v3 =	vmul.f32 v6, v3  }
0x2c0: {  	v16 =	vld [tilespmem:s6+$0xD0];
	v11 =	vmul.f32 v11, v4;
	[tilespmem:s6+$0x460] =	vst v5  }
0x2c1: {  	v17 =	vld [tilespmem:s6+$0xE0];
	v12 =	vmul.f32 v12, v4;
	[tilespmem:s6+$0x470] =	vst v3  }
0x2c2: {  	v42 =	vld [tilespmem:s6+$0x480];
	v13 =	vmul.f32 v13, v4;
	[tilespmem:s6+$0x80] =	vst v11  }
0x2c3: {  	v44 =	vld [tilespmem:s6+$0x490];
	v14 =	vmul.f32 v14, v4;
	[tilespmem:s6+$0x90] =	vst v12  }
0x2c4: {  	v47 =	vld [tilespmem:s6+$0x4A0];
	v43 =	vmul.f32 v15, v4;
	[tilespmem:s6+$0xA0] =	vst v13  }
0x2c5: {  	v48 =	vld [tilespmem:s6+$0x4B0];
	v45 =	vmul.f32 v16, v4;
	[tilespmem:s6+$0xB0] =	vst v14  }
0x2c6: {  	v50 =	vld [tilespmem:s6+$0x4C0];
	v46 =	vmul.f32 v17, v4;
	[tilespmem:s6+$0xC0] =	vst v43  }
0x2c7: {  	v53 =	vld [tilespmem:s6+$0x4E0];
	v49 =	vmul.f32 v42, v4;
	[tilespmem:s6+$0xD0] =	vst v45  }
0x2c8: {  	v52 =	vld [tilespmem:s6+$0x4D0];
	v51 =	vmul.f32 v44, v4;
	[tilespmem:s6+$0xE0] =	vst v46  }
0x2c9: {  	v41 =	vld [tilespmem:s6+$0xF0];
	v54 =	vmul.f32 v47, v4;
	[tilespmem:s6+$0x480] =	vst v49  }
0x2ca: {  	v55 =	vld [tilespmem:s6+$0x4F0];
	v3 =	vmul.f32 v48, v4;
	[tilespmem:s6+$0x490] =	vst v51  }
0x2cb: {  	v56 =	vmul.f32 v50, v4;
	[tilespmem:s6+$0x4A0] =	vst v54  }
0x2cc: {  	v57 =	vmul.f32 v53, v4;
	[tilespmem:s6+$0x4B0] =	vst v3  }
0x2cd: {  	v3 =	vmul.f32 v52, v4;
	[tilespmem:s6+$0x4C0] =	vst v56  }
0x2ce: {  	v11 =	vmul.f32 v41, v4;
	[tilespmem:s6+$0x4E0] =	vst v57  }
0x2cf: {  	[tilespmem:s6+$0x4D0] =	vst v3;
	v3 =	vmul.f32 v55, v4  }
0x2d0: {  	[tilespmem:s6+$0xF0] =	vst v11  }
0x2d1: {  	[tilespmem:s6+$0x4F0] =	vst v3  }
0x2d2: {  	s2 =	simm.s32 $0x0;
	s6 =	rddreg [dreg:$0x9]  }
0x2d3: {  	[hbm4b:s6+s2] =	stream.linear.scatter [tilespmem:s9], [sflag:$0x8], $0x6000, $0x38;
	[tilespmem:$0x1A800] =	vst v63  }
0x2d4: {  	_ =	swait.ge [sflag:s30], $0x6000  }
0x2d5: {  	[sflag:s30] =	ssyncset.done $0x0  }
0x2d6: {  	[sflag:s30] =	ssyncadd.s32 $0xFFFFA000  }
0x2d7: {  	v3 =	vld [tilespmem:$0x1E0];
	_ =	sdelay $0x4  }
0x2d8: {  	v58 =	vshll.u32 v3, $0x1  }
0x2d9: {  	v3 =	vand.u32 $0x7, v3;
	v4 =	vand.u32 $0xFFFFFFF0, v58  }
0x2da: {  	v3 =	vor.u32 v3, v4  }
0x2db: {  	v4 =	vperm.xlane v3, v0;
	_ =	sdelay $0x1  }
0x2dc: {  	v3 =	vperm.xlane v3, v2;
	v4 =	vadd.s32 v1, v4;
	_ =	sdelay $0x1  }
0x2dd: {  	v3 =	vadd.s32 v1, v3;
	_ =	sdelay $0x2  }
0x2de: {  	[tilespmem:s0], [sflag:$0x2] =	stream.indirect_vreg.gather [hbm4b:s1+s2], $0x80, v4, vm0, $0xb8;
	[tilespmem:$0x1A800] =	vst v63  }
0x2df: {  	s10 =	simm.s32 $0x9000  }
0x2e0: {  	[tilespmem:s10], [sflag:$0x2] =	stream.indirect_vreg.gather [hbm4b:s1+s2], $0x80, v3, vm0, $0xb8;
	[tilespmem:$0x1A800] =	vst v63  }
0x2e1: {  	v3 =	vld [tilespmem:$0x1F0];
	_ =	sdelay $0x4  }
0x2e2: {  	v59 =	vshll.u32 v3, $0x1  }
0x2e3: {  	v3 =	vand.u32 $0x7, v3;
	v4 =	vand.u32 $0xFFFFFFF0, v59  }
0x2e4: {  	v3 =	vor.u32 v3, v4  }
0x2e5: {  	v4 =	vperm.xlane v3, v0;
	_ =	sdelay $0x1  }
0x2e6: {  	v3 =	vperm.xlane v3, v2;
	v4 =	vadd.s32 v1, v4;
	_ =	sdelay $0x1  }
0x2e7: {  	v3 =	vadd.s32 v1, v3;
	_ =	sdelay $0x1  }
0x2e8: {  	s11 =	simm.s32 $0x9800  }
0x2e9: {  	[tilespmem:s11], [sflag:$0x2] =	stream.indirect_vreg.gather [hbm4b:s1+s2], $0x80, v4, vm0, $0xb8;
	[tilespmem:$0x1A800] =	vst v63  }
0x2ea: {  	s12 =	simm.s32 $0xA000  }
0x2eb: {  	[tilespmem:s12], [sflag:$0x2] =	stream.indirect_vreg.gather [hbm4b:s1+s2], $0x80, v3, vm0, $0xb8;
	[tilespmem:$0x1A800] =	vst v63  }
0x2ec: {  	v3 =	vld [tilespmem:$0x200];
	_ =	sdelay $0x4  }
0x2ed: {  	v60 =	vshll.u32 v3, $0x1  }
0x2ee: {  	v3 =	vand.u32 $0x7, v3;
	v4 =	vand.u32 $0xFFFFFFF0, v60  }
0x2ef: {  	v3 =	vor.u32 v3, v4  }
0x2f0: {  	v4 =	vperm.xlane v3, v0;
	_ =	sdelay $0x1  }
0x2f1: {  	v3 =	vperm.xlane v3, v2;
	v4 =	vadd.s32 v1, v4;
	_ =	sdelay $0x1  }
0x2f2: {  	v3 =	vadd.s32 v1, v3;
	_ =	sdelay $0x1  }
0x2f3: {  	s13 =	simm.s32 $0xA800  }
0x2f4: {  	[tilespmem:s13], [sflag:$0x2] =	stream.indirect_vreg.gather [hbm4b:s1+s2], $0x80, v4, vm0, $0xb8;
	[tilespmem:$0x1A800] =	vst v63  }
0x2f5: {  	s14 =	simm.s32 $0xB000  }
0x2f6: {  	[tilespmem:s14], [sflag:$0x2] =	stream.indirect_vreg.gather [hbm4b:s1+s2], $0x80, v3, vm0, $0xb8;
	[tilespmem:$0x1A800] =	vst v63  }
0x2f7: {  	v3 =	vld [tilespmem:$0x210];
	_ =	sdelay $0x4  }
0x2f8: {  	v61 =	vshll.u32 v3, $0x1  }
0x2f9: {  	v3 =	vand.u32 $0x7, v3;
	v4 =	vand.u32 $0xFFFFFFF0, v61  }
0x2fa: {  	v3 =	vor.u32 v3, v4  }
0x2fb: {  	v4 =	vperm.xlane v3, v0;
	_ =	sdelay $0x1  }
0x2fc: {  	v3 =	vperm.xlane v3, v2;
	v4 =	vadd.s32 v1, v4;
	_ =	sdelay $0x1  }
0x2fd: {  	v3 =	vadd.s32 v1, v3;
	_ =	sdelay $0x1  }
0x2fe: {  	s15 =	simm.s32 $0xB800  }
0x2ff: {  	[tilespmem:s15], [sflag:$0x2] =	stream.indirect_vreg.gather [hbm4b:s1+s2], $0x80, v4, vm0, $0xb8;
	[tilespmem:$0x1A800] =	vst v63  }
0x300: {  	s16 =	simm.s32 $0xC000  }
0x301: {  	[tilespmem:s16], [sflag:$0x2] =	stream.indirect_vreg.gather [hbm4b:s1+s2], $0x80, v3, vm0, $0xb8;
	[tilespmem:$0x1A800] =	vst v63  }
0x302: {  	v3 =	vld [tilespmem:$0x220];
	_ =	sdelay $0x4  }
0x303: {  	v62 =	vshll.u32 v3, $0x1  }
0x304: {  	v3 =	vand.u32 $0x7, v3;
	v4 =	vand.u32 $0xFFFFFFF0, v62  }
0x305: {  	v3 =	vor.u32 v3, v4  }
0x306: {  	v4 =	vperm.xlane v3, v0;
	_ =	sdelay $0x1  }
0x307: {  	v3 =	vperm.xlane v3, v2;
	v4 =	vadd.s32 v1, v4;
	_ =	sdelay $0x1  }
0x308: {  	v3 =	vadd.s32 v1, v3;
	_ =	sdelay $0x1  }
0x309: {  	s23 =	simm.s32 $0xC800  }
0x30a: {  	[tilespmem:s23], [sflag:$0x2] =	stream.indirect_vreg.gather [hbm4b:s1+s2], $0x80, v4, vm0, $0xb8;
	[tilespmem:$0x1A800] =	vst v63  }
0x30b: {  	s24 =	simm.s32 $0xD000  }
0x30c: {  	[tilespmem:s24], [sflag:$0x2] =	stream.indirect_vreg.gather [hbm4b:s1+s2], $0x80, v3, vm0, $0xb8;
	[tilespmem:$0x1A800] =	vst v63  }
0x30d: {  	v3 =	vld [tilespmem:$0x230];
	_ =	sdelay $0x4  }
0x30e: {  	v63 =	vshll.u32 v3, $0x1  }
0x30f: {  	v3 =	vand.u32 $0x7, v3;
	v4 =	vand.u32 $0xFFFFFFF0, v63  }
0x310: {  	v3 =	vor.u32 v3, v4  }
0x311: {  	v4 =	vperm.xlane v3, v0;
	_ =	sdelay $0x1  }
0x312: {  	v3 =	vperm.xlane v3, v2;
	v4 =	vadd.s32 v1, v4;
	_ =	sdelay $0x1  }
0x313: {  	v3 =	vadd.s32 v1, v3;
	_ =	sdelay $0x1  }
0x314: {  	s25 =	simm.s32 $0xD800  }
0x315: {  	[tilespmem:s25], [sflag:$0x2] =	stream.indirect_vreg.gather [hbm4b:s1+s2], $0x80, v4, vm0, $0xb8;
	[tilespmem:$0x1A800] =	vst v63  }
0x316: {  	s26 =	simm.s32 $0xE000;
	s7 =	simm.s32 $0x0;
	s6 =	simm.s32 $0x1  }
0x317: {  	[tilespmem:s26], [sflag:$0x2] =	stream.indirect_vreg.gather [hbm4b:s1+s2], $0x80, v3, vm0, $0xb8;
	[tilespmem:$0x1A800] =	vst v63  }
.LBB2_10:
0x318: {  	s10 =	sadd.s32 $0xFFFFFFFE, s7  }
0x319: {  	s11 =	sadd.s32 $0x182, s10  }
0x31a: {  	v3 =	vmov s11  }
0x31b: {  	s10 =	sadd.s32 $0x183, s10;
	v3 =	vand.u32 $0xFFFFFFFE, v3  }
0x31c: {  	v4 =	vmov s10;
	v5 =	vbroadcast v3, $0x0;
	_ =	sdelay $0x1  }
0x31d: {  	_ =	swait.ge [sflag:s21], $0x6000  }
0x31e: {  	[sflag:s21] =	ssyncset.done $0x0  }
0x31f: {  	s24 =	sand.u32 $0x7800, s2;
	s25 =	simm.s32 $0x0;
	[sflag:s21] =	ssyncadd.s32 $0xFFFFA000  }
0x320: {  	s11 =	sand.u32 $0x300, s25;
	s10 =	sadd.s32 $0x2800, s24;
	v3 =	vld.idx.msk [tilespmem:v4+s18+$0x0], $0xffff  }
0x321: {  	s14 =	sor.u32 s11, s10;
	v4 =	vld.idx.msk [tilespmem:v5+s18+$0x0], $0xffff  }
0x322: {  	v5 =	vld [tilespmem:s14+$0x470]  }
0x323: {  	v6 =	vld [tilespmem:s14+$0x0]  }
0x324: {  	v7 =	vld [tilespmem:s14+$0x10]  }
0x325: {  	v8 =	vld [tilespmem:s14+$0x20]  }
0x326: {  	v9 =	vld [tilespmem:s14+$0x30]  }
0x327: {  	v10 =	vld [tilespmem:s14+$0x40];
	v5 =	vmul.f32 v5, v4  }
0x328: {  	v11 =	vld [tilespmem:s14+$0x50];
	v6 =	vmul.f32 v6, v4  }
0x329: {  	v12 =	vld [tilespmem:s14+$0x60];
	v7 =	vmul.f32 v7, v4;
	[tilespmem:s14+$0x470] =	vst v5  }
0x32a: {  	[tilespmem:s14+$0x0] =	vst v6;
	v5 =	vmul.f32 v8, v4;
	v6 =	vld [tilespmem:s14+$0x70]  }
0x32b: {  	[tilespmem:s14+$0x10] =	vst v7;
	v7 =	vmul.f32 v9, v4;
	v8 =	vld [tilespmem:s14+$0x400]  }
0x32c: {  	v9 =	vld [tilespmem:s14+$0x410];
	[tilespmem:s14+$0x20] =	vst v5;
	v5 =	vmul.f32 v10, v4  }
0x32d: {  	[tilespmem:s14+$0x30] =	vst v7;
	v7 =	vmul.f32 v11, v4;
	v10 =	vld [tilespmem:s14+$0x420]  }
0x32e: {  	v11 =	vld [tilespmem:s14+$0x430];
	[tilespmem:s14+$0x40] =	vst v5;
	v5 =	vmul.f32 v12, v4  }
0x32f: {  	s12 =	simm.s32 $0x80;
	[tilespmem:s14+$0x50] =	vst v7;
	v7 =	vld [tilespmem:s14+$0x440];
	v6 =	vmul.f32 v6, v4  }
0x330: {  	s26 =	sand.u32 $0x380, s12;
	v63 =	vld [tilespmem:s14+$0x450];
	[tilespmem:s14+$0x60] =	vst v5;
	v5 =	vmul.f32 v8, v4  }
0x331: {  	s11 =	sor.u32 s26, s10;
	[tilespmem:s14+$0x70] =	vst v6;
	v6 =	vmul.f32 v9, v4;
	v9 =	vld [tilespmem:s14+$0x460]  }
0x332: {  	[tilespmem:s14+$0x400] =	vst v5;
	v5 =	vmul.f32 v10, v4;
	v10 =	vld [tilespmem:s11+$0x0]  }
0x333: {  	[tilespmem:s14+$0x410] =	vst v6;
	v6 =	vmul.f32 v11, v4;
	v11 =	vld [tilespmem:s11+$0x10]  }
0x334: {  	v8 =	vld [tilespmem:s11+$0x20];
	[tilespmem:s14+$0x420] =	vst v5;
	v5 =	vmul.f32 v7, v4  }
0x335: {  	v7 =	vld [tilespmem:s11+$0x30];
	[tilespmem:s14+$0x430] =	vst v6;
	v6 =	vmul.f32 v63, v4  }
0x336: {  	[tilespmem:s14+$0x440] =	vst v5;
	v9 =	vmul.f32 v9, v4;
	v5 =	vld [tilespmem:s11+$0x40]  }
0x337: {  	v4 =	vld [tilespmem:s11+$0x50];
	[tilespmem:s14+$0x450] =	vst v6;
	v10 =	vmul.f32 v10, v3  }
0x338: {  	s13 =	simm.s32 $0x0;
	s10 =	smul.u32 $0x180, s6;
	v6 =	vld [tilespmem:s11+$0x60];
	[tilespmem:s14+$0x460] =	vst v9;
	v9 =	vmul.f32 v11, v3;
	s14 =	simm.s32 $0x0  }
.LBB2_11:
0x339: {  	s15 =	sadd.s32 s13, s7;
	s13 =	sadd.s32 $0x2, s13;
	[tilespmem:s11+$0x0] =	vst v10;
	v8 =	vmul.f32 v8, v3;
	v10 =	vld [tilespmem:s11+$0x70]  }
0x33a: {  	s16 =	sadd.s32 $0x182, s15;
	s15 =	sadd.s32 $0x183, s15;
	p0 =	slt.u32 s13, $0x5E;
	[tilespmem:s11+$0x10] =	vst v9;
	v7 =	vmul.f32 v7, v3;
	v9 =	vld [tilespmem:s11+$0x400]  }
0x33b: {  	v11 =	vmov s16;
	v12 =	vmov s15;
	[tilespmem:s11+$0x20] =	vst v8;
	v5 =	vmul.f32 v5, v3;
	v8 =	vld [tilespmem:s11+$0x410]  }
0x33c: {  	v11 =	vand.u32 $0xFFFFFFFE, v11;
	[tilespmem:s11+$0x30] =	vst v7;
	v4 =	vmul.f32 v4, v3;
	v7 =	vld [tilespmem:s11+$0x420]  }
0x33d: {  	v11 =	vbroadcast v11, $0x0;
	[tilespmem:s11+$0x40] =	vst v5;
	v5 =	vmul.f32 v6, v3;
	v6 =	vld [tilespmem:s11+$0x430]  }
0x33e: {  	[tilespmem:s11+$0x50] =	vst v4;
	v4 =	vmul.f32 v10, v3;
	v10 =	vld [tilespmem:s11+$0x440]  }
0x33f: {  	[tilespmem:s11+$0x60] =	vst v5;
	v5 =	vmul.f32 v9, v3;
	v9 =	vld [tilespmem:s11+$0x450]  }
0x340: {  	s12 =	sadd.s32 $0x100, s12;
	s14 =	sadd.s32 $0x200, s14;
	v12 =	vld.idx.msk [tilespmem:v12+s18+$0x0], $0xffff;
	[tilespmem:s11+$0x70] =	vst v4;
	v4 =	vmul.f32 v8, v3  }
0x341: {  	s23 =	sand.u32 $0x380, s12;
	s15 =	sand.u32 $0x7800, s14;
	s16 =	sadd.s32 $0xFFFFFF80, s12;
	[tilespmem:s11+$0x400] =	vst v5;
	v5 =	vmul.f32 v7, v3;
	v7 =	vld [tilespmem:s11+$0x460]  }
0x342: {  	s16 =	sand.u32 $0x300, s16;
	s24 =	sadd.s32 $0x2800, s15;
	[tilespmem:s11+$0x410] =	vst v4;
	v4 =	vmul.f32 v6, v3;
	v6 =	vld [tilespmem:s11+$0x470]  }
0x343: {  	s15 =	sor.u32 s16, s24;
	s16 =	sor.u32 s23, s24;
	v11 =	vld.idx.msk [tilespmem:v11+s18+$0x0], $0xffff;
	[tilespmem:s11+$0x420] =	vst v5;
	v5 =	vmul.f32 v10, v3  }
0x344: {  	v8 =	vld [tilespmem:s15+$0x470];
	[tilespmem:s11+$0x430] =	vst v4;
	v4 =	vmul.f32 v9, v3  }
0x345: {  	v9 =	vld [tilespmem:s15+$0x0];
	[tilespmem:s11+$0x440] =	vst v5  }
0x346: {  	v5 =	vld [tilespmem:s15+$0x10];
	[tilespmem:s11+$0x450] =	vst v4;
	v4 =	vmul.f32 v7, v3  }
0x347: {  	v7 =	vld [tilespmem:s15+$0x20];
	v6 =	vmul.f32 v6, v3;
	v3 =	vmov v12  }
0x348: {  	v10 =	vld [tilespmem:s15+$0x30];
	[tilespmem:s11+$0x460] =	vst v4  }
0x349: {  	v4 =	vld [tilespmem:s15+$0x40];
	v8 =	vmul.f32 v8, v11;
	[tilespmem:s11+$0x470] =	vst v6;
	s11 =	smov.u32 s16  }
0x34a: {  	v6 =	vmul.f32 v9, v11;
	v9 =	vld [tilespmem:s15+$0x50]  }
0x34b: {  	v5 =	vmul.f32 v5, v11;
	v12 =	vld [tilespmem:s15+$0x60];
	[tilespmem:s15+$0x470] =	vst v8  }
0x34c: {  	[tilespmem:s15+$0x0] =	vst v6;
	v6 =	vmul.f32 v7, v11;
	v7 =	vld [tilespmem:s15+$0x70]  }
0x34d: {  	[tilespmem:s15+$0x10] =	vst v5;
	v5 =	vmul.f32 v10, v11;
	v8 =	vld [tilespmem:s15+$0x400]  }
0x34e: {  	[tilespmem:s15+$0x20] =	vst v6;
	v4 =	vmul.f32 v4, v11;
	v6 =	vld [tilespmem:s15+$0x410]  }
0x34f: {  	[tilespmem:s15+$0x30] =	vst v5;
	v5 =	vmul.f32 v9, v11;
	v9 =	vld [tilespmem:s15+$0x420]  }
0x350: {  	[tilespmem:s15+$0x40] =	vst v4;
	v4 =	vmul.f32 v12, v11;
	v10 =	vld [tilespmem:s15+$0x430]  }
0x351: {  	[tilespmem:s15+$0x50] =	vst v5;
	v5 =	vmul.f32 v7, v11;
	v7 =	vld [tilespmem:s15+$0x440]  }
0x352: {  	[tilespmem:s15+$0x60] =	vst v4;
	v4 =	vmul.f32 v8, v11;
	v12 =	vld [tilespmem:s15+$0x450]  }
0x353: {  	[tilespmem:s15+$0x70] =	vst v5;
	v5 =	vmul.f32 v6, v11;
	v6 =	vld [tilespmem:s15+$0x460]  }
0x354: {  	[tilespmem:s15+$0x400] =	vst v4;
	v4 =	vmul.f32 v9, v11;
	v9 =	vld [tilespmem:s11+$0x0]  }
0x355: {  	[tilespmem:s15+$0x410] =	vst v5;
	v5 =	vmul.f32 v10, v11;
	v13 =	vld [tilespmem:s11+$0x10]  }
.Ltmp4:
0x356: {  	[tilespmem:s15+$0x420] =	vst v4;
	v4 =	vmul.f32 v7, v11;
	v8 =	vld [tilespmem:s11+$0x20];
	(pc) =	sbr.rel @p0 .LBB2_11-.Ltmp4, $4  }
0x357: {  	[tilespmem:s15+$0x430] =	vst v5;
	v10 =	vmul.f32 v12, v11;
	v7 =	vld [tilespmem:s11+$0x30]  }
0x358: {  	[tilespmem:s15+$0x440] =	vst v4;
	v6 =	vmul.f32 v6, v11;
	v5 =	vld [tilespmem:s11+$0x40]  }
0x359: {  	[tilespmem:s15+$0x450] =	vst v10;
	v10 =	vmul.f32 v9, v3;
	v4 =	vld [tilespmem:s11+$0x50]  }
0x35a: {  	[tilespmem:s15+$0x460] =	vst v6;
	v9 =	vmul.f32 v13, v3;
	v6 =	vld [tilespmem:s11+$0x60]  }
0x35b: {  	[tilespmem:s11+$0x0] =	vst v10;
	v8 =	vmul.f32 v8, v3  }
0x35c: {  	[tilespmem:s11+$0x10] =	vst v9;
	v9 =	vld [tilespmem:s11+$0x400];
	v7 =	vmul.f32 v7, v3  }
0x35d: {  	[tilespmem:s11+$0x20] =	vst v8;
	v8 =	vld [tilespmem:s11+$0x410];
	v5 =	vmul.f32 v5, v3  }
0x35e: {  	v10 =	vld [tilespmem:s11+$0x70];
	[tilespmem:s11+$0x30] =	vst v7;
	v4 =	vmul.f32 v4, v3  }
0x35f: {  	v7 =	vld [tilespmem:s11+$0x420];
	[tilespmem:s11+$0x40] =	vst v5;
	v6 =	vmul.f32 v6, v3  }
0x360: {  	v5 =	vld [tilespmem:s11+$0x430];
	[tilespmem:s11+$0x50] =	vst v4  }
0x361: {  	v4 =	vld [tilespmem:s11+$0x440];
	[tilespmem:s11+$0x60] =	vst v6;
	v6 =	vmul.f32 v9, v3  }
0x362: {  	v9 =	vld [tilespmem:s11+$0x450];
	v8 =	vmul.f32 v8, v3  }
0x363: {  	v10 =	vmul.f32 v10, v3;
	[tilespmem:s11+$0x400] =	vst v6;
	v6 =	vld [tilespmem:s11+$0x460]  }
0x364: {  	v7 =	vmul.f32 v7, v3;
	[tilespmem:s11+$0x410] =	vst v8;
	v8 =	vld [tilespmem:s11+$0x470]  }
0x365: {  	[tilespmem:s11+$0x70] =	vst v10;
	v5 =	vmul.f32 v5, v3  }
0x366: {  	[tilespmem:s11+$0x420] =	vst v7;
	v4 =	vmul.f32 v4, v3  }
0x367: {  	[tilespmem:s11+$0x430] =	vst v5;
	v5 =	vmul.f32 v9, v3  }
0x368: {  	[tilespmem:s11+$0x440] =	vst v4;
	v4 =	vmul.f32 v6, v3  }
0x369: {  	s12 =	sadd.s32 s4, s10;
	[tilespmem:s11+$0x450] =	vst v5;
	v3 =	vmul.f32 v8, v3  }
0x36a: {  	s12 =	sshll.u32 s12, $0x5;
	[tilespmem:s11+$0x460] =	vst v4  }
0x36b: {  	s14 =	sadd.s32 s3, s12;
	s12 =	simm.s32 $0x0;
	[tilespmem:s11+$0x470] =	vst v3  }
0x36c: {  	[hbm4b:s14+s12] =	stream.linear.scatter [tilespmem:s20], [sflag:$0x5], $0x6000, $0x38;
	[tilespmem:$0x1A800] =	vst v63  }
0x36d: {  	_ =	swait.ge [sflag:s31], $0x6000  }
0x36e: {  	[sflag:s31] =	ssyncset.done $0x0  }
0x36f: {  	[sflag:s31] =	ssyncadd.s32 $0xFFFFA000  }
0x370: {  	v3 =	vld [tilespmem:s10+$0xC0];
	_ =	sdelay $0x4  }
0x371: {  	v4 =	vshll.u32 v3, $0x1  }
0x372: {  	v3 =	vand.u32 $0x7, v3;
	v4 =	vand.u32 $0xFFFFFFF0, v4  }
0x373: {  	v3 =	vor.u32 v3, v4  }
0x374: {  	v4 =	vperm.xlane v3, v0;
	_ =	sdelay $0x1  }
0x375: {  	v3 =	vperm.xlane v3, v2;
	v4 =	vadd.s32 v1, v4;
	_ =	sdelay $0x1  }
0x376: {  	v3 =	vadd.s32 v1, v3;
	_ =	sdelay $0x2  }
0x377: {  	[tilespmem:s22], [sflag:$0x3] =	stream.indirect_vreg.gather [hbm4b:s1+s12], $0x80, v4, vm0, $0xb8;
	[tilespmem:$0x1A800] =	vst v63  }
0x378: {  	s15 =	simm.s32 $0xF000  }
0x379: {  	[tilespmem:s15], [sflag:$0x3] =	stream.indirect_vreg.gather [hbm4b:s1+s12], $0x80, v3, vm0, $0xb8;
	[tilespmem:$0x1A800] =	vst v63  }
0x37a: {  	v3 =	vld [tilespmem:s10+$0xD0];
	_ =	sdelay $0x4  }
0x37b: {  	v4 =	vshll.u32 v3, $0x1  }
0x37c: {  	v3 =	vand.u32 $0x7, v3;
	v4 =	vand.u32 $0xFFFFFFF0, v4  }
0x37d: {  	v3 =	vor.u32 v3, v4  }
0x37e: {  	v4 =	vperm.xlane v3, v0;
	_ =	sdelay $0x1  }
0x37f: {  	v3 =	vperm.xlane v3, v2;
	v4 =	vadd.s32 v1, v4;
	_ =	sdelay $0x1  }
0x380: {  	v3 =	vadd.s32 v1, v3;
	_ =	sdelay $0x1  }
0x381: {  	s16 =	simm.s32 $0xF800  }
0x382: {  	[tilespmem:s16], [sflag:$0x3] =	stream.indirect_vreg.gather [hbm4b:s1+s12], $0x80, v4, vm0, $0xb8;
	[tilespmem:$0x1A800] =	vst v63  }
0x383: {  	s23 =	simm.s32 $0x10000  }
0x384: {  	[tilespmem:s23], [sflag:$0x3] =	stream.indirect_vreg.gather [hbm4b:s1+s12], $0x80, v3, vm0, $0xb8;
	[tilespmem:$0x1A800] =	vst v63  }
0x385: {  	v3 =	vld [tilespmem:s10+$0xE0];
	_ =	sdelay $0x4  }
0x386: {  	v4 =	vshll.u32 v3, $0x1  }
0x387: {  	v3 =	vand.u32 $0x7, v3;
	v4 =	vand.u32 $0xFFFFFFF0, v4  }
0x388: {  	v3 =	vor.u32 v3, v4  }
0x389: {  	v4 =	vperm.xlane v3, v0;
	_ =	sdelay $0x1  }
0x38a: {  	v3 =	vperm.xlane v3, v2;
	v4 =	vadd.s32 v1, v4;
	_ =	sdelay $0x1  }
0x38b: {  	v3 =	vadd.s32 v1, v3;
	_ =	sdelay $0x1  }
0x38c: {  	s24 =	simm.s32 $0x10800  }
0x38d: {  	[tilespmem:s24], [sflag:$0x3] =	stream.indirect_vreg.gather [hbm4b:s1+s12], $0x80, v4, vm0, $0xb8;
	[tilespmem:$0x1A800] =	vst v63  }
0x38e: {  	s25 =	simm.s32 $0x11000  }
0x38f: {  	[tilespmem:s25], [sflag:$0x3] =	stream.indirect_vreg.gather [hbm4b:s1+s12], $0x80, v3, vm0, $0xb8;
	[tilespmem:$0x1A800] =	vst v63  }
0x390: {  	v3 =	vld [tilespmem:s10+$0xF0];
	_ =	sdelay $0x4  }
0x391: {  	v4 =	vshll.u32 v3, $0x1  }
0x392: {  	v3 =	vand.u32 $0x7, v3;
	v4 =	vand.u32 $0xFFFFFFF0, v4  }
0x393: {  	v3 =	vor.u32 v3, v4  }
0x394: {  	v4 =	vperm.xlane v3, v0;
	_ =	sdelay $0x1  }
0x395: {  	v3 =	vperm.xlane v3, v2;
	v4 =	vadd.s32 v1, v4;
	_ =	sdelay $0x1  }
0x396: {  	v3 =	vadd.s32 v1, v3;
	_ =	sdelay $0x1  }
0x397: {  	s26 =	simm.s32 $0x11800  }
0x398: {  	[tilespmem:s26], [sflag:$0x3] =	stream.indirect_vreg.gather [hbm4b:s1+s12], $0x80, v4, vm0, $0xb8;
	[tilespmem:$0x1A800] =	vst v63  }
0x399: {  	s13 =	simm.s32 $0x12000  }
0x39a: {  	[tilespmem:s13], [sflag:$0x3] =	stream.indirect_vreg.gather [hbm4b:s1+s12], $0x80, v3, vm0, $0xb8;
	[tilespmem:$0x1A800] =	vst v63  }
0x39b: {  	v3 =	vld [tilespmem:s10+$0x100];
	_ =	sdelay $0x4  }
0x39c: {  	v4 =	vshll.u32 v3, $0x1  }
0x39d: {  	v3 =	vand.u32 $0x7, v3;
	v4 =	vand.u32 $0xFFFFFFF0, v4  }
0x39e: {  	v3 =	vor.u32 v3, v4  }
0x39f: {  	v4 =	vperm.xlane v3, v0;
	_ =	sdelay $0x1  }
0x3a0: {  	v3 =	vperm.xlane v3, v2;
	v4 =	vadd.s32 v1, v4;
	_ =	sdelay $0x1  }
0x3a1: {  	v3 =	vadd.s32 v1, v3;
	_ =	sdelay $0x1  }
0x3a2: {  	s14 =	simm.s32 $0x12800  }
0x3a3: {  	[tilespmem:s14], [sflag:$0x3] =	stream.indirect_vreg.gather [hbm4b:s1+s12], $0x80, v4, vm0, $0xb8;
	[tilespmem:$0x1A800] =	vst v63  }
0x3a4: {  	s15 =	simm.s32 $0x13000  }
0x3a5: {  	[tilespmem:s15], [sflag:$0x3] =	stream.indirect_vreg.gather [hbm4b:s1+s12], $0x80, v3, vm0, $0xb8;
	[tilespmem:$0x1A800] =	vst v63  }
0x3a6: {  	v3 =	vld [tilespmem:s10+$0x110];
	_ =	sdelay $0x4  }
0x3a7: {  	v4 =	vshll.u32 v3, $0x1  }
0x3a8: {  	v3 =	vand.u32 $0x7, v3;
	v4 =	vand.u32 $0xFFFFFFF0, v4  }
0x3a9: {  	v3 =	vor.u32 v3, v4  }
0x3aa: {  	v4 =	vperm.xlane v3, v0;
	_ =	sdelay $0x1  }
0x3ab: {  	v3 =	vperm.xlane v3, v2;
	v4 =	vadd.s32 v1, v4;
	_ =	sdelay $0x1  }
0x3ac: {  	v3 =	vadd.s32 v1, v3  }
0x3ad: {  	s16 =	sadd.s32 $0xFFFFFFFE, s7  }
0x3ae: {  	s11 =	sadd.s32 $0x1E3, s16;
	s13 =	sadd.s32 $0x1E2, s16;
	s14 =	simm.s32 $0x13800  }
0x3af: {  	[tilespmem:s14], [sflag:$0x3] =	stream.indirect_vreg.gather [hbm4b:s1+s12], $0x80, v4, vm0, $0xb8;
	v4 =	vmov s13;
	[tilespmem:$0x1A800] =	vst v63  }
0x3b0: {  	v5 =	vmov s11;
	s23 =	simm.s32 $0x14000;
	v4 =	vand.u32 $0xFFFFFFFE, v4  }
0x3b1: {  	v4 =	vbroadcast v4, $0x0;
	[tilespmem:s23], [sflag:$0x3] =	stream.indirect_vreg.gather [hbm4b:s1+s12], $0x80, v3, vm0, $0xb8;
	[tilespmem:$0x1A800] =	vst v63  }
0x3b2: {  	_ =	swait.ge [sflag:s8], $0x6000  }
0x3b3: {  	s24 =	sand.u32 $0x7800, s12;
	s25 =	simm.s32 $0x0;
	[sflag:s8] =	ssyncset.done $0x0  }
0x3b4: {  	s11 =	sadd.s32 $0x8800, s24;
	s13 =	sand.u32 $0x300, s25;
	[sflag:s8] =	ssyncadd.s32 $0xFFFFA000  }
0x3b5: {  	s16 =	sor.u32 s13, s11;
	v3 =	vld.idx.msk [tilespmem:v5+s18+$0x0], $0xffff  }
0x3b6: {  	v5 =	vld [tilespmem:s16+$0x470]  }
0x3b7: {  	v4 =	vld.idx.msk [tilespmem:v4+s18+$0x0], $0xffff  }
0x3b8: {  	v6 =	vld [tilespmem:s16+$0x0]  }
0x3b9: {  	v7 =	vld [tilespmem:s16+$0x10]  }
0x3ba: {  	v8 =	vld [tilespmem:s16+$0x20]  }
0x3bb: {  	v9 =	vld [tilespmem:s16+$0x30]  }
0x3bc: {  	v10 =	vld [tilespmem:s16+$0x40];
	v5 =	vmul.f32 v5, v4  }
0x3bd: {  	v11 =	vld [tilespmem:s16+$0x50];
	v6 =	vmul.f32 v6, v4  }
0x3be: {  	v12 =	vld [tilespmem:s16+$0x60];
	v7 =	vmul.f32 v7, v4;
	[tilespmem:s16+$0x470] =	vst v5  }
0x3bf: {  	[tilespmem:s16+$0x0] =	vst v6;
	v5 =	vmul.f32 v8, v4;
	v6 =	vld [tilespmem:s16+$0x70]  }
0x3c0: {  	[tilespmem:s16+$0x10] =	vst v7;
	v7 =	vmul.f32 v9, v4;
	v8 =	vld [tilespmem:s16+$0x400]  }
0x3c1: {  	v9 =	vld [tilespmem:s16+$0x410];
	[tilespmem:s16+$0x20] =	vst v5;
	v5 =	vmul.f32 v10, v4  }
0x3c2: {  	[tilespmem:s16+$0x30] =	vst v7;
	v7 =	vmul.f32 v11, v4;
	v10 =	vld [tilespmem:s16+$0x420]  }
0x3c3: {  	v11 =	vld [tilespmem:s16+$0x430];
	[tilespmem:s16+$0x40] =	vst v5;
	v5 =	vmul.f32 v12, v4  }
0x3c4: {  	s15 =	simm.s32 $0x80;
	[tilespmem:s16+$0x50] =	vst v7;
	v7 =	vld [tilespmem:s16+$0x440];
	v6 =	vmul.f32 v6, v4  }
0x3c5: {  	s26 =	sand.u32 $0x380, s15;
	v63 =	vld [tilespmem:s16+$0x450];
	[tilespmem:s16+$0x60] =	vst v5;
	v5 =	vmul.f32 v8, v4  }
0x3c6: {  	s13 =	sor.u32 s26, s11;
	[tilespmem:s16+$0x70] =	vst v6;
	v6 =	vmul.f32 v9, v4;
	v9 =	vld [tilespmem:s16+$0x460]  }
0x3c7: {  	[tilespmem:s16+$0x400] =	vst v5;
	v5 =	vmul.f32 v10, v4;
	v10 =	vld [tilespmem:s13+$0x0]  }
0x3c8: {  	[tilespmem:s16+$0x410] =	vst v6;
	v6 =	vmul.f32 v11, v4;
	v11 =	vld [tilespmem:s13+$0x10]  }
0x3c9: {  	v8 =	vld [tilespmem:s13+$0x20];
	[tilespmem:s16+$0x420] =	vst v5;
	v5 =	vmul.f32 v7, v4  }
0x3ca: {  	v7 =	vld [tilespmem:s13+$0x30];
	[tilespmem:s16+$0x430] =	vst v6;
	v6 =	vmul.f32 v63, v4  }
0x3cb: {  	[tilespmem:s16+$0x440] =	vst v5;
	v9 =	vmul.f32 v9, v4;
	v5 =	vld [tilespmem:s13+$0x40]  }
0x3cc: {  	v4 =	vld [tilespmem:s13+$0x50];
	[tilespmem:s16+$0x450] =	vst v6;
	v10 =	vmul.f32 v10, v3  }
0x3cd: {  	s14 =	sor.u32 $0x60, s10;
	s11 =	sadd.s32 $0xC0, s10;
	v6 =	vld [tilespmem:s13+$0x60];
	[tilespmem:s16+$0x460] =	vst v9;
	s16 =	simm.s32 $0x0;
	v9 =	vmul.f32 v11, v3  }
.LBB2_13:
0x3ce: {  	s23 =	sadd.s32 s16, s7;
	s16 =	sadd.s32 $0x2, s16;
	[tilespmem:s13+$0x0] =	vst v10;
	v8 =	vmul.f32 v8, v3;
	v10 =	vld [tilespmem:s13+$0x70]  }
0x3cf: {  	s24 =	sadd.s32 $0x1E2, s23;
	s23 =	sadd.s32 $0x1E3, s23;
	p0 =	slt.u32 s16, $0x5E;
	[tilespmem:s13+$0x10] =	vst v9;
	v7 =	vmul.f32 v7, v3;
	v9 =	vld [tilespmem:s13+$0x400]  }
0x3d0: {  	v11 =	vmov s24;
	v12 =	vmov s23;
	[tilespmem:s13+$0x20] =	vst v8;
	v5 =	vmul.f32 v5, v3;
	v8 =	vld [tilespmem:s13+$0x410]  }
0x3d1: {  	v11 =	vand.u32 $0xFFFFFFFE, v11;
	[tilespmem:s13+$0x30] =	vst v7;
	v4 =	vmul.f32 v4, v3;
	v7 =	vld [tilespmem:s13+$0x420]  }
0x3d2: {  	v11 =	vbroadcast v11, $0x0;
	[tilespmem:s13+$0x40] =	vst v5;
	v5 =	vmul.f32 v6, v3;
	v6 =	vld [tilespmem:s13+$0x430]  }
0x3d3: {  	[tilespmem:s13+$0x50] =	vst v4;
	v4 =	vmul.f32 v10, v3;
	v10 =	vld [tilespmem:s13+$0x440]  }
0x3d4: {  	[tilespmem:s13+$0x60] =	vst v5;
	v5 =	vmul.f32 v9, v3;
	v9 =	vld [tilespmem:s13+$0x450]  }
0x3d5: {  	s15 =	sadd.s32 $0x100, s15;
	s12 =	sadd.s32 $0x200, s12;
	v12 =	vld.idx.msk [tilespmem:v12+s18+$0x0], $0xffff;
	[tilespmem:s13+$0x70] =	vst v4;
	v4 =	vmul.f32 v8, v3  }
0x3d6: {  	s25 =	sand.u32 $0x380, s15;
	s23 =	sand.u32 $0x7800, s12;
	s24 =	sadd.s32 $0xFFFFFF80, s15;
	[tilespmem:s13+$0x400] =	vst v5;
	v5 =	vmul.f32 v7, v3;
	v7 =	vld [tilespmem:s13+$0x460]  }
0x3d7: {  	s24 =	sand.u32 $0x300, s24;
	s26 =	sadd.s32 $0x8800, s23;
	[tilespmem:s13+$0x410] =	vst v4;
	v4 =	vmul.f32 v6, v3;
	v6 =	vld [tilespmem:s13+$0x470]  }
0x3d8: {  	s23 =	sor.u32 s24, s26;
	s24 =	sor.u32 s25, s26;
	v11 =	vld.idx.msk [tilespmem:v11+s18+$0x0], $0xffff;
	[tilespmem:s13+$0x420] =	vst v5;
	v5 =	vmul.f32 v10, v3  }
0x3d9: {  	v8 =	vld [tilespmem:s23+$0x470];
	[tilespmem:s13+$0x430] =	vst v4;
	v4 =	vmul.f32 v9, v3  }
0x3da: {  	v9 =	vld [tilespmem:s23+$0x0];
	[tilespmem:s13+$0x440] =	vst v5  }
0x3db: {  	v5 =	vld [tilespmem:s23+$0x10];
	[tilespmem:s13+$0x450] =	vst v4;
	v4 =	vmul.f32 v7, v3  }
0x3dc: {  	v7 =	vld [tilespmem:s23+$0x20];
	v6 =	vmul.f32 v6, v3;
	v3 =	vmov v12  }
0x3dd: {  	v10 =	vld [tilespmem:s23+$0x30];
	[tilespmem:s13+$0x460] =	vst v4  }
0x3de: {  	v4 =	vld [tilespmem:s23+$0x40];
	v8 =	vmul.f32 v8, v11;
	[tilespmem:s13+$0x470] =	vst v6;
	s13 =	smov.u32 s24  }
0x3df: {  	v6 =	vmul.f32 v9, v11;
	v9 =	vld [tilespmem:s23+$0x50]  }
0x3e0: {  	v5 =	vmul.f32 v5, v11;
	v12 =	vld [tilespmem:s23+$0x60];
	[tilespmem:s23+$0x470] =	vst v8  }
0x3e1: {  	[tilespmem:s23+$0x0] =	vst v6;
	v6 =	vmul.f32 v7, v11;
	v7 =	vld [tilespmem:s23+$0x70]  }
0x3e2: {  	[tilespmem:s23+$0x10] =	vst v5;
	v5 =	vmul.f32 v10, v11;
	v8 =	vld [tilespmem:s23+$0x400]  }
0x3e3: {  	[tilespmem:s23+$0x20] =	vst v6;
	v4 =	vmul.f32 v4, v11;
	v6 =	vld [tilespmem:s23+$0x410]  }
0x3e4: {  	[tilespmem:s23+$0x30] =	vst v5;
	v5 =	vmul.f32 v9, v11;
	v9 =	vld [tilespmem:s23+$0x420]  }
0x3e5: {  	[tilespmem:s23+$0x40] =	vst v4;
	v4 =	vmul.f32 v12, v11;
	v10 =	vld [tilespmem:s23+$0x430]  }
0x3e6: {  	[tilespmem:s23+$0x50] =	vst v5;
	v5 =	vmul.f32 v7, v11;
	v7 =	vld [tilespmem:s23+$0x440]  }
0x3e7: {  	[tilespmem:s23+$0x60] =	vst v4;
	v4 =	vmul.f32 v8, v11;
	v12 =	vld [tilespmem:s23+$0x450]  }
0x3e8: {  	[tilespmem:s23+$0x70] =	vst v5;
	v5 =	vmul.f32 v6, v11;
	v6 =	vld [tilespmem:s23+$0x460]  }
0x3e9: {  	[tilespmem:s23+$0x400] =	vst v4;
	v4 =	vmul.f32 v9, v11;
	v9 =	vld [tilespmem:s13+$0x0]  }
0x3ea: {  	[tilespmem:s23+$0x410] =	vst v5;
	v5 =	vmul.f32 v10, v11;
	v13 =	vld [tilespmem:s13+$0x10]  }
.Ltmp5:
0x3eb: {  	[tilespmem:s23+$0x420] =	vst v4;
	v4 =	vmul.f32 v7, v11;
	v8 =	vld [tilespmem:s13+$0x20];
	(pc) =	sbr.rel @p0 .LBB2_13-.Ltmp5, $4  }
0x3ec: {  	[tilespmem:s23+$0x430] =	vst v5;
	v10 =	vmul.f32 v12, v11;
	v7 =	vld [tilespmem:s13+$0x30]  }
0x3ed: {  	[tilespmem:s23+$0x440] =	vst v4;
	v6 =	vmul.f32 v6, v11;
	v5 =	vld [tilespmem:s13+$0x40]  }
0x3ee: {  	[tilespmem:s23+$0x450] =	vst v10;
	v10 =	vmul.f32 v9, v3;
	v4 =	vld [tilespmem:s13+$0x50]  }
0x3ef: {  	[tilespmem:s23+$0x460] =	vst v6;
	v9 =	vmul.f32 v13, v3;
	v6 =	vld [tilespmem:s13+$0x60]  }
0x3f0: {  	[tilespmem:s13+$0x0] =	vst v10;
	v8 =	vmul.f32 v8, v3  }
0x3f1: {  	[tilespmem:s13+$0x10] =	vst v9;
	v9 =	vld [tilespmem:s13+$0x400];
	v7 =	vmul.f32 v7, v3  }
0x3f2: {  	[tilespmem:s13+$0x20] =	vst v8;
	v8 =	vld [tilespmem:s13+$0x410];
	v5 =	vmul.f32 v5, v3  }
0x3f3: {  	v10 =	vld [tilespmem:s13+$0x70];
	[tilespmem:s13+$0x30] =	vst v7;
	v4 =	vmul.f32 v4, v3  }
0x3f4: {  	v7 =	vld [tilespmem:s13+$0x420];
	[tilespmem:s13+$0x40] =	vst v5;
	v6 =	vmul.f32 v6, v3  }
0x3f5: {  	v5 =	vld [tilespmem:s13+$0x430];
	[tilespmem:s13+$0x50] =	vst v4  }
0x3f6: {  	v4 =	vld [tilespmem:s13+$0x440];
	[tilespmem:s13+$0x60] =	vst v6;
	v6 =	vmul.f32 v9, v3  }
0x3f7: {  	v9 =	vld [tilespmem:s13+$0x450];
	v8 =	vmul.f32 v8, v3  }
0x3f8: {  	v10 =	vmul.f32 v10, v3;
	[tilespmem:s13+$0x400] =	vst v6;
	v6 =	vld [tilespmem:s13+$0x460]  }
0x3f9: {  	v7 =	vmul.f32 v7, v3;
	[tilespmem:s13+$0x410] =	vst v8;
	v8 =	vld [tilespmem:s13+$0x470]  }
0x3fa: {  	[tilespmem:s13+$0x70] =	vst v10;
	v5 =	vmul.f32 v5, v3  }
0x3fb: {  	[tilespmem:s13+$0x420] =	vst v7;
	v4 =	vmul.f32 v4, v3  }
0x3fc: {  	[tilespmem:s13+$0x430] =	vst v5;
	v5 =	vmul.f32 v9, v3  }
0x3fd: {  	[tilespmem:s13+$0x440] =	vst v4;
	v4 =	vmul.f32 v6, v3  }
0x3fe: {  	s12 =	sadd.s32 s4, s14;
	[tilespmem:s13+$0x450] =	vst v5;
	v3 =	vmul.f32 v8, v3  }
0x3ff: {  	s12 =	sshll.u32 s12, $0x5;
	[tilespmem:s13+$0x460] =	vst v4  }
0x400: {  	s23 =	sadd.s32 s3, s12;
	s12 =	simm.s32 $0x0;
	[tilespmem:s13+$0x470] =	vst v3  }
0x401: {  	[hbm4b:s23+s12] =	stream.linear.scatter [tilespmem:s0], [sflag:$0x6], $0x6000, $0x38;
	[tilespmem:$0x1A800] =	vst v63  }
0x402: {  	_ =	swait.ge [sflag:s17], $0x6000  }
0x403: {  	[sflag:s17] =	ssyncset.done $0x0  }
0x404: {  	[sflag:s17] =	ssyncadd.s32 $0xFFFFA000  }
0x405: {  	v3 =	vld [tilespmem:s10+$0x120];
	_ =	sdelay $0x4  }
0x406: {  	v4 =	vshll.u32 v3, $0x1  }
0x407: {  	v3 =	vand.u32 $0x7, v3;
	v4 =	vand.u32 $0xFFFFFFF0, v4  }
0x408: {  	v3 =	vor.u32 v3, v4  }
0x409: {  	v4 =	vperm.xlane v3, v0;
	_ =	sdelay $0x1  }
0x40a: {  	v3 =	vperm.xlane v3, v2;
	v4 =	vadd.s32 v1, v4;
	_ =	sdelay $0x1  }
0x40b: {  	v3 =	vadd.s32 v1, v3;
	_ =	sdelay $0x2  }
0x40c: {  	[tilespmem:s9], [sflag:$0x4] =	stream.indirect_vreg.gather [hbm4b:s1+s12], $0x80, v4, vm0, $0xb8;
	[tilespmem:$0x1A800] =	vst v63  }
0x40d: {  	s24 =	simm.s32 $0x15000  }
0x40e: {  	[tilespmem:s24], [sflag:$0x4] =	stream.indirect_vreg.gather [hbm4b:s1+s12], $0x80, v3, vm0, $0xb8;
	[tilespmem:$0x1A800] =	vst v63  }
0x40f: {  	v3 =	vld [tilespmem:s10+$0x130];
	_ =	sdelay $0x4  }
0x410: {  	v4 =	vshll.u32 v3, $0x1  }
0x411: {  	v3 =	vand.u32 $0x7, v3;
	v4 =	vand.u32 $0xFFFFFFF0, v4  }
0x412: {  	v3 =	vor.u32 v3, v4  }
0x413: {  	v4 =	vperm.xlane v3, v0;
	_ =	sdelay $0x1  }
0x414: {  	v3 =	vperm.xlane v3, v2;
	v4 =	vadd.s32 v1, v4;
	_ =	sdelay $0x1  }
0x415: {  	v3 =	vadd.s32 v1, v3;
	_ =	sdelay $0x1  }
0x416: {  	s25 =	simm.s32 $0x15800  }
0x417: {  	[tilespmem:s25], [sflag:$0x4] =	stream.indirect_vreg.gather [hbm4b:s1+s12], $0x80, v4, vm0, $0xb8;
	[tilespmem:$0x1A800] =	vst v63  }
0x418: {  	s26 =	simm.s32 $0x16000  }
0x419: {  	[tilespmem:s26], [sflag:$0x4] =	stream.indirect_vreg.gather [hbm4b:s1+s12], $0x80, v3, vm0, $0xb8;
	[tilespmem:$0x1A800] =	vst v63  }
0x41a: {  	v3 =	vld [tilespmem:s10+$0x140];
	_ =	sdelay $0x4  }
0x41b: {  	v4 =	vshll.u32 v3, $0x1  }
0x41c: {  	v3 =	vand.u32 $0x7, v3;
	v4 =	vand.u32 $0xFFFFFFF0, v4  }
0x41d: {  	v3 =	vor.u32 v3, v4  }
0x41e: {  	v4 =	vperm.xlane v3, v0;
	_ =	sdelay $0x1  }
0x41f: {  	v3 =	vperm.xlane v3, v2;
	v4 =	vadd.s32 v1, v4;
	_ =	sdelay $0x1  }
0x420: {  	v3 =	vadd.s32 v1, v3;
	_ =	sdelay $0x1  }
0x421: {  	s14 =	simm.s32 $0x16800  }
0x422: {  	[tilespmem:s14], [sflag:$0x4] =	stream.indirect_vreg.gather [hbm4b:s1+s12], $0x80, v4, vm0, $0xb8;
	[tilespmem:$0x1A800] =	vst v63  }
0x423: {  	s15 =	simm.s32 $0x17000  }
0x424: {  	[tilespmem:s15], [sflag:$0x4] =	stream.indirect_vreg.gather [hbm4b:s1+s12], $0x80, v3, vm0, $0xb8;
	[tilespmem:$0x1A800] =	vst v63  }
0x425: {  	v3 =	vld [tilespmem:s10+$0x150];
	_ =	sdelay $0x4  }
0x426: {  	v4 =	vshll.u32 v3, $0x1  }
0x427: {  	v3 =	vand.u32 $0x7, v3;
	v4 =	vand.u32 $0xFFFFFFF0, v4  }
0x428: {  	v3 =	vor.u32 v3, v4  }
0x429: {  	v4 =	vperm.xlane v3, v0;
	_ =	sdelay $0x1  }
0x42a: {  	v3 =	vperm.xlane v3, v2;
	v4 =	vadd.s32 v1, v4;
	_ =	sdelay $0x1  }
0x42b: {  	v3 =	vadd.s32 v1, v3;
	_ =	sdelay $0x1  }
0x42c: {  	s16 =	simm.s32 $0x17800  }
0x42d: {  	[tilespmem:s16], [sflag:$0x4] =	stream.indirect_vreg.gather [hbm4b:s1+s12], $0x80, v4, vm0, $0xb8;
	[tilespmem:$0x1A800] =	vst v63  }
0x42e: {  	s23 =	simm.s32 $0x18000  }
0x42f: {  	[tilespmem:s23], [sflag:$0x4] =	stream.indirect_vreg.gather [hbm4b:s1+s12], $0x80, v3, vm0, $0xb8;
	[tilespmem:$0x1A800] =	vst v63  }
0x430: {  	v3 =	vld [tilespmem:s10+$0x160];
	_ =	sdelay $0x4  }
0x431: {  	v4 =	vshll.u32 v3, $0x1  }
0x432: {  	v3 =	vand.u32 $0x7, v3;
	v4 =	vand.u32 $0xFFFFFFF0, v4  }
0x433: {  	v3 =	vor.u32 v3, v4  }
0x434: {  	v4 =	vperm.xlane v3, v0;
	_ =	sdelay $0x1  }
0x435: {  	v3 =	vperm.xlane v3, v2;
	v4 =	vadd.s32 v1, v4;
	_ =	sdelay $0x1  }
0x436: {  	v3 =	vadd.s32 v1, v3;
	_ =	sdelay $0x1  }
0x437: {  	s24 =	simm.s32 $0x18800  }
0x438: {  	[tilespmem:s24], [sflag:$0x4] =	stream.indirect_vreg.gather [hbm4b:s1+s12], $0x80, v4, vm0, $0xb8;
	[tilespmem:$0x1A800] =	vst v63  }
0x439: {  	s25 =	simm.s32 $0x19000  }
0x43a: {  	[tilespmem:s25], [sflag:$0x4] =	stream.indirect_vreg.gather [hbm4b:s1+s12], $0x80, v3, vm0, $0xb8;
	[tilespmem:$0x1A800] =	vst v63  }
0x43b: {  	v3 =	vld [tilespmem:s10+$0x170];
	_ =	sdelay $0x4  }
0x43c: {  	v4 =	vshll.u32 v3, $0x1  }
0x43d: {  	v3 =	vand.u32 $0x7, v3;
	v4 =	vand.u32 $0xFFFFFFF0, v4  }
0x43e: {  	v3 =	vor.u32 v3, v4  }
0x43f: {  	v4 =	vperm.xlane v3, v0;
	_ =	sdelay $0x1  }
0x440: {  	v3 =	vperm.xlane v3, v2;
	v4 =	vadd.s32 v1, v4;
	_ =	sdelay $0x1  }
0x441: {  	v3 =	vadd.s32 v1, v3  }
0x442: {  	s26 =	sadd.s32 $0xFFFFFFFE, s7  }
0x443: {  	s13 =	sadd.s32 $0x243, s26;
	s15 =	simm.s32 $0x19800;
	s16 =	sadd.s32 $0x242, s26  }
0x444: {  	[tilespmem:s15], [sflag:$0x4] =	stream.indirect_vreg.gather [hbm4b:s1+s12], $0x80, v4, vm0, $0xb8;
	v4 =	vmov s16;
	[tilespmem:$0x1A800] =	vst v63  }
0x445: {  	v5 =	vmov s13;
	s23 =	simm.s32 $0x1A000;
	v4 =	vand.u32 $0xFFFFFFFE, v4  }
0x446: {  	v4 =	vbroadcast v4, $0x0;
	[tilespmem:s23], [sflag:$0x4] =	stream.indirect_vreg.gather [hbm4b:s1+s12], $0x80, v3, vm0, $0xb8;
	[tilespmem:$0x1A800] =	vst v63  }
0x447: {  	_ =	swait.ge [sflag:s28], $0x6000  }
0x448: {  	s24 =	sand.u32 $0x7800, s12;
	s25 =	simm.s32 $0x0;
	[sflag:s28] =	ssyncset.done $0x0  }
0x449: {  	s13 =	sadd.s32 $0xE800, s24;
	s14 =	sand.u32 $0x300, s25;
	[sflag:s28] =	ssyncadd.s32 $0xFFFFA000  }
0x44a: {  	s26 =	sor.u32 s14, s13;
	v3 =	vld.idx.msk [tilespmem:v5+s18+$0x0], $0xffff  }
0x44b: {  	v5 =	vld [tilespmem:s26+$0x470]  }
0x44c: {  	v4 =	vld.idx.msk [tilespmem:v4+s18+$0x0], $0xffff  }
0x44d: {  	v6 =	vld [tilespmem:s26+$0x0]  }
0x44e: {  	v7 =	vld [tilespmem:s26+$0x10]  }
0x44f: {  	v8 =	vld [tilespmem:s26+$0x20]  }
0x450: {  	v9 =	vld [tilespmem:s26+$0x30]  }
0x451: {  	v10 =	vld [tilespmem:s26+$0x40];
	v5 =	vmul.f32 v5, v4  }
0x452: {  	v11 =	vld [tilespmem:s26+$0x50];
	v6 =	vmul.f32 v6, v4  }
0x453: {  	v12 =	vld [tilespmem:s26+$0x60];
	v7 =	vmul.f32 v7, v4;
	[tilespmem:s26+$0x470] =	vst v5  }
0x454: {  	[tilespmem:s26+$0x0] =	vst v6;
	v5 =	vmul.f32 v8, v4;
	v6 =	vld [tilespmem:s26+$0x70]  }
0x455: {  	[tilespmem:s26+$0x10] =	vst v7;
	v7 =	vmul.f32 v9, v4;
	v8 =	vld [tilespmem:s26+$0x400]  }
0x456: {  	v9 =	vld [tilespmem:s26+$0x410];
	[tilespmem:s26+$0x20] =	vst v5;
	v5 =	vmul.f32 v10, v4  }
0x457: {  	[tilespmem:s26+$0x30] =	vst v7;
	v7 =	vmul.f32 v11, v4;
	v10 =	vld [tilespmem:s26+$0x420]  }
0x458: {  	v11 =	vld [tilespmem:s26+$0x430];
	[tilespmem:s26+$0x40] =	vst v5;
	v5 =	vmul.f32 v12, v4  }
0x459: {  	s14 =	simm.s32 $0x80;
	[tilespmem:s26+$0x50] =	vst v7;
	v7 =	vld [tilespmem:s26+$0x440];
	v6 =	vmul.f32 v6, v4  }
0x45a: {  	s16 =	sand.u32 $0x380, s14;
	v63 =	vld [tilespmem:s26+$0x450];
	[tilespmem:s26+$0x60] =	vst v5;
	v5 =	vmul.f32 v8, v4  }
0x45b: {  	s13 =	sor.u32 s16, s13;
	[tilespmem:s26+$0x70] =	vst v6;
	v6 =	vmul.f32 v9, v4;
	v9 =	vld [tilespmem:s26+$0x460]  }
0x45c: {  	[tilespmem:s26+$0x400] =	vst v5;
	v5 =	vmul.f32 v10, v4;
	v10 =	vld [tilespmem:s13+$0x0]  }
0x45d: {  	[tilespmem:s26+$0x410] =	vst v6;
	v6 =	vmul.f32 v11, v4;
	v11 =	vld [tilespmem:s13+$0x10]  }
0x45e: {  	v8 =	vld [tilespmem:s13+$0x20];
	[tilespmem:s26+$0x420] =	vst v5;
	v5 =	vmul.f32 v7, v4  }
0x45f: {  	v7 =	vld [tilespmem:s13+$0x30];
	[tilespmem:s26+$0x430] =	vst v6;
	v6 =	vmul.f32 v63, v4  }
0x460: {  	[tilespmem:s26+$0x440] =	vst v5;
	v9 =	vmul.f32 v9, v4;
	v5 =	vld [tilespmem:s13+$0x40]  }
0x461: {  	v4 =	vld [tilespmem:s13+$0x50];
	[tilespmem:s26+$0x450] =	vst v6;
	v10 =	vmul.f32 v10, v3  }
0x462: {  	s10 =	sadd.s32 $0x120, s10;
	s15 =	simm.s32 $0x0;
	v6 =	vld [tilespmem:s13+$0x60];
	[tilespmem:s26+$0x460] =	vst v9;
	v9 =	vmul.f32 v11, v3  }
.LBB2_15:
0x463: {  	s16 =	sadd.s32 s15, s7;
	s15 =	sadd.s32 $0x2, s15;
	[tilespmem:s13+$0x0] =	vst v10;
	v8 =	vmul.f32 v8, v3;
	v10 =	vld [tilespmem:s13+$0x70]  }
0x464: {  	s23 =	sadd.s32 $0x242, s16;
	s16 =	sadd.s32 $0x243, s16;
	p0 =	slt.u32 s15, $0x5E;
	[tilespmem:s13+$0x10] =	vst v9;
	v7 =	vmul.f32 v7, v3;
	v9 =	vld [tilespmem:s13+$0x400]  }
0x465: {  	v11 =	vmov s23;
	v12 =	vmov s16;
	[tilespmem:s13+$0x20] =	vst v8;
	v5 =	vmul.f32 v5, v3;
	v8 =	vld [tilespmem:s13+$0x410]  }
0x466: {  	v11 =	vand.u32 $0xFFFFFFFE, v11;
	[tilespmem:s13+$0x30] =	vst v7;
	v4 =	vmul.f32 v4, v3;
	v7 =	vld [tilespmem:s13+$0x420]  }
0x467: {  	v11 =	vbroadcast v11, $0x0;
	[tilespmem:s13+$0x40] =	vst v5;
	v5 =	vmul.f32 v6, v3;
	v6 =	vld [tilespmem:s13+$0x430]  }
0x468: {  	[tilespmem:s13+$0x50] =	vst v4;
	v4 =	vmul.f32 v10, v3;
	v10 =	vld [tilespmem:s13+$0x440]  }
0x469: {  	[tilespmem:s13+$0x60] =	vst v5;
	v5 =	vmul.f32 v9, v3;
	v9 =	vld [tilespmem:s13+$0x450]  }
0x46a: {  	s14 =	sadd.s32 $0x100, s14;
	s12 =	sadd.s32 $0x200, s12;
	v12 =	vld.idx.msk [tilespmem:v12+s18+$0x0], $0xffff;
	[tilespmem:s13+$0x70] =	vst v4;
	v4 =	vmul.f32 v8, v3  }
0x46b: {  	s24 =	sand.u32 $0x380, s14;
	s16 =	sand.u32 $0x7800, s12;
	s23 =	sadd.s32 $0xFFFFFF80, s14;
	[tilespmem:s13+$0x400] =	vst v5;
	v5 =	vmul.f32 v7, v3;
	v7 =	vld [tilespmem:s13+$0x460]  }
0x46c: {  	s23 =	sand.u32 $0x300, s23;
	s25 =	sadd.s32 $0xE800, s16;
	[tilespmem:s13+$0x410] =	vst v4;
	v4 =	vmul.f32 v6, v3;
	v6 =	vld [tilespmem:s13+$0x470]  }
0x46d: {  	s16 =	sor.u32 s23, s25;
	s23 =	sor.u32 s24, s25;
	v11 =	vld.idx.msk [tilespmem:v11+s18+$0x0], $0xffff;
	[tilespmem:s13+$0x420] =	vst v5;
	v5 =	vmul.f32 v10, v3  }
0x46e: {  	v8 =	vld [tilespmem:s16+$0x470];
	[tilespmem:s13+$0x430] =	vst v4;
	v4 =	vmul.f32 v9, v3  }
0x46f: {  	v9 =	vld [tilespmem:s16+$0x0];
	[tilespmem:s13+$0x440] =	vst v5  }
0x470: {  	v5 =	vld [tilespmem:s16+$0x10];
	[tilespmem:s13+$0x450] =	vst v4;
	v4 =	vmul.f32 v7, v3  }
0x471: {  	v7 =	vld [tilespmem:s16+$0x20];
	v6 =	vmul.f32 v6, v3;
	v3 =	vmov v12  }
0x472: {  	v10 =	vld [tilespmem:s16+$0x30];
	[tilespmem:s13+$0x460] =	vst v4  }
0x473: {  	v4 =	vld [tilespmem:s16+$0x40];
	v8 =	vmul.f32 v8, v11;
	[tilespmem:s13+$0x470] =	vst v6;
	s13 =	smov.u32 s23  }
0x474: {  	v6 =	vmul.f32 v9, v11;
	v9 =	vld [tilespmem:s16+$0x50]  }
0x475: {  	v5 =	vmul.f32 v5, v11;
	v12 =	vld [tilespmem:s16+$0x60];
	[tilespmem:s16+$0x470] =	vst v8  }
0x476: {  	[tilespmem:s16+$0x0] =	vst v6;
	v6 =	vmul.f32 v7, v11;
	v7 =	vld [tilespmem:s16+$0x70]  }
0x477: {  	[tilespmem:s16+$0x10] =	vst v5;
	v5 =	vmul.f32 v10, v11;
	v8 =	vld [tilespmem:s16+$0x400]  }
0x478: {  	[tilespmem:s16+$0x20] =	vst v6;
	v4 =	vmul.f32 v4, v11;
	v6 =	vld [tilespmem:s16+$0x410]  }
0x479: {  	[tilespmem:s16+$0x30] =	vst v5;
	v5 =	vmul.f32 v9, v11;
	v9 =	vld [tilespmem:s16+$0x420]  }
0x47a: {  	[tilespmem:s16+$0x40] =	vst v4;
	v4 =	vmul.f32 v12, v11;
	v10 =	vld [tilespmem:s16+$0x430]  }
0x47b: {  	[tilespmem:s16+$0x50] =	vst v5;
	v5 =	vmul.f32 v7, v11;
	v7 =	vld [tilespmem:s16+$0x440]  }
0x47c: {  	[tilespmem:s16+$0x60] =	vst v4;
	v4 =	vmul.f32 v8, v11;
	v12 =	vld [tilespmem:s16+$0x450]  }
0x47d: {  	[tilespmem:s16+$0x70] =	vst v5;
	v5 =	vmul.f32 v6, v11;
	v6 =	vld [tilespmem:s16+$0x460]  }
0x47e: {  	[tilespmem:s16+$0x400] =	vst v4;
	v4 =	vmul.f32 v9, v11;
	v9 =	vld [tilespmem:s13+$0x0]  }
0x47f: {  	[tilespmem:s16+$0x410] =	vst v5;
	v5 =	vmul.f32 v10, v11;
	v13 =	vld [tilespmem:s13+$0x10]  }
.Ltmp6:
0x480: {  	[tilespmem:s16+$0x420] =	vst v4;
	v4 =	vmul.f32 v7, v11;
	v8 =	vld [tilespmem:s13+$0x20];
	(pc) =	sbr.rel @p0 .LBB2_15-.Ltmp6, $4  }
0x481: {  	[tilespmem:s16+$0x430] =	vst v5;
	v10 =	vmul.f32 v12, v11;
	v7 =	vld [tilespmem:s13+$0x30]  }
0x482: {  	[tilespmem:s16+$0x440] =	vst v4;
	v6 =	vmul.f32 v6, v11;
	v5 =	vld [tilespmem:s13+$0x40]  }
0x483: {  	[tilespmem:s16+$0x450] =	vst v10;
	v10 =	vmul.f32 v9, v3;
	v4 =	vld [tilespmem:s13+$0x50]  }
0x484: {  	[tilespmem:s16+$0x460] =	vst v6;
	v9 =	vmul.f32 v13, v3;
	v6 =	vld [tilespmem:s13+$0x60]  }
0x485: {  	[tilespmem:s13+$0x0] =	vst v10;
	v8 =	vmul.f32 v8, v3  }
0x486: {  	[tilespmem:s13+$0x10] =	vst v9;
	v9 =	vld [tilespmem:s13+$0x400];
	v7 =	vmul.f32 v7, v3  }
0x487: {  	[tilespmem:s13+$0x20] =	vst v8;
	v8 =	vld [tilespmem:s13+$0x410];
	v5 =	vmul.f32 v5, v3  }
0x488: {  	v10 =	vld [tilespmem:s13+$0x70];
	[tilespmem:s13+$0x30] =	vst v7;
	v4 =	vmul.f32 v4, v3  }
0x489: {  	v7 =	vld [tilespmem:s13+$0x420];
	[tilespmem:s13+$0x40] =	vst v5;
	v6 =	vmul.f32 v6, v3  }
0x48a: {  	v5 =	vld [tilespmem:s13+$0x430];
	[tilespmem:s13+$0x50] =	vst v4  }
0x48b: {  	v4 =	vld [tilespmem:s13+$0x440];
	[tilespmem:s13+$0x60] =	vst v6;
	v6 =	vmul.f32 v9, v3  }
0x48c: {  	v9 =	vld [tilespmem:s13+$0x450];
	v8 =	vmul.f32 v8, v3  }
0x48d: {  	v10 =	vmul.f32 v10, v3;
	[tilespmem:s13+$0x400] =	vst v6;
	v6 =	vld [tilespmem:s13+$0x460]  }
0x48e: {  	v7 =	vmul.f32 v7, v3;
	[tilespmem:s13+$0x410] =	vst v8;
	v8 =	vld [tilespmem:s13+$0x470]  }
0x48f: {  	[tilespmem:s13+$0x70] =	vst v10;
	v5 =	vmul.f32 v5, v3  }
0x490: {  	[tilespmem:s13+$0x420] =	vst v7;
	v4 =	vmul.f32 v4, v3  }
0x491: {  	[tilespmem:s13+$0x430] =	vst v5;
	v5 =	vmul.f32 v9, v3  }
0x492: {  	[tilespmem:s13+$0x440] =	vst v4;
	v4 =	vmul.f32 v6, v3  }
0x493: {  	s11 =	sadd.s32 s4, s11;
	[tilespmem:s13+$0x450] =	vst v5;
	v3 =	vmul.f32 v8, v3  }
0x494: {  	s11 =	sshll.u32 s11, $0x5;
	[tilespmem:s13+$0x460] =	vst v4  }
0x495: {  	s12 =	simm.s32 $0x0;
	s11 =	sadd.s32 s3, s11;
	[tilespmem:s13+$0x470] =	vst v3  }
0x496: {  	[hbm4b:s11+s12] =	stream.linear.scatter [tilespmem:s22], [sflag:$0x7], $0x6000, $0x38;
	[tilespmem:$0x1A800] =	vst v63  }
0x497: {  	s13 =	smul.u32 $0x600, s6;
	_ =	swait.ge [sflag:s29], $0x6000  }
0x498: {  	[sflag:s29] =	ssyncset.done $0x0  }
0x499: {  	s11 =	sshra.s32 s13, $0x2;
	[sflag:s29] =	ssyncadd.s32 $0xFFFFA000  }
0x49a: {  	v3 =	vld [tilespmem:s11+$0x180];
	_ =	sdelay $0x4  }
0x49b: {  	v4 =	vshll.u32 v3, $0x1  }
0x49c: {  	v3 =	vand.u32 $0x7, v3;
	v4 =	vand.u32 $0xFFFFFFF0, v4  }
0x49d: {  	v3 =	vor.u32 v3, v4  }
0x49e: {  	v4 =	vperm.xlane v3, v0;
	_ =	sdelay $0x1  }
0x49f: {  	v3 =	vperm.xlane v3, v2;
	v4 =	vadd.s32 v1, v4;
	_ =	sdelay $0x1  }
0x4a0: {  	v3 =	vadd.s32 v1, v3;
	_ =	sdelay $0x2  }
0x4a1: {  	[tilespmem:s20], [sflag:$0x1] =	stream.indirect_vreg.gather [hbm4b:s1+s12], $0x80, v4, vm0, $0xb8;
	[tilespmem:$0x1A800] =	vst v63  }
0x4a2: {  	s14 =	simm.s32 $0x3000  }
0x4a3: {  	[tilespmem:s14], [sflag:$0x1] =	stream.indirect_vreg.gather [hbm4b:s1+s12], $0x80, v3, vm0, $0xb8;
	[tilespmem:$0x1A800] =	vst v63  }
0x4a4: {  	v3 =	vld [tilespmem:s11+$0x190];
	_ =	sdelay $0x4  }
0x4a5: {  	v4 =	vshll.u32 v3, $0x1  }
0x4a6: {  	v3 =	vand.u32 $0x7, v3;
	v4 =	vand.u32 $0xFFFFFFF0, v4  }
0x4a7: {  	v3 =	vor.u32 v3, v4  }
0x4a8: {  	v4 =	vperm.xlane v3, v0;
	_ =	sdelay $0x1  }
0x4a9: {  	v3 =	vperm.xlane v3, v2;
	v4 =	vadd.s32 v1, v4;
	_ =	sdelay $0x1  }
0x4aa: {  	v3 =	vadd.s32 v1, v3;
	_ =	sdelay $0x1  }
0x4ab: {  	s15 =	simm.s32 $0x3800  }
0x4ac: {  	[tilespmem:s15], [sflag:$0x1] =	stream.indirect_vreg.gather [hbm4b:s1+s12], $0x80, v4, vm0, $0xb8;
	[tilespmem:$0x1A800] =	vst v63  }
0x4ad: {  	s16 =	simm.s32 $0x4000  }
0x4ae: {  	[tilespmem:s16], [sflag:$0x1] =	stream.indirect_vreg.gather [hbm4b:s1+s12], $0x80, v3, vm0, $0xb8;
	[tilespmem:$0x1A800] =	vst v63  }
0x4af: {  	v3 =	vld [tilespmem:s11+$0x1A0];
	_ =	sdelay $0x4  }
0x4b0: {  	v4 =	vshll.u32 v3, $0x1  }
0x4b1: {  	v3 =	vand.u32 $0x7, v3;
	v4 =	vand.u32 $0xFFFFFFF0, v4  }
0x4b2: {  	v3 =	vor.u32 v3, v4  }
0x4b3: {  	v4 =	vperm.xlane v3, v0;
	_ =	sdelay $0x1  }
0x4b4: {  	v3 =	vperm.xlane v3, v2;
	v4 =	vadd.s32 v1, v4;
	_ =	sdelay $0x1  }
0x4b5: {  	v3 =	vadd.s32 v1, v3;
	_ =	sdelay $0x1  }
0x4b6: {  	s23 =	simm.s32 $0x4800  }
0x4b7: {  	[tilespmem:s23], [sflag:$0x1] =	stream.indirect_vreg.gather [hbm4b:s1+s12], $0x80, v4, vm0, $0xb8;
	[tilespmem:$0x1A800] =	vst v63  }
0x4b8: {  	s24 =	simm.s32 $0x5000  }
0x4b9: {  	[tilespmem:s24], [sflag:$0x1] =	stream.indirect_vreg.gather [hbm4b:s1+s12], $0x80, v3, vm0, $0xb8;
	[tilespmem:$0x1A800] =	vst v63  }
0x4ba: {  	v3 =	vld [tilespmem:s11+$0x1B0];
	_ =	sdelay $0x4  }
0x4bb: {  	v4 =	vshll.u32 v3, $0x1  }
0x4bc: {  	v3 =	vand.u32 $0x7, v3;
	v4 =	vand.u32 $0xFFFFFFF0, v4  }
0x4bd: {  	v3 =	vor.u32 v3, v4  }
0x4be: {  	v4 =	vperm.xlane v3, v0;
	_ =	sdelay $0x1  }
0x4bf: {  	v3 =	vperm.xlane v3, v2;
	v4 =	vadd.s32 v1, v4;
	_ =	sdelay $0x1  }
0x4c0: {  	v3 =	vadd.s32 v1, v3;
	_ =	sdelay $0x1  }
0x4c1: {  	s25 =	simm.s32 $0x5800  }
0x4c2: {  	[tilespmem:s25], [sflag:$0x1] =	stream.indirect_vreg.gather [hbm4b:s1+s12], $0x80, v4, vm0, $0xb8;
	[tilespmem:$0x1A800] =	vst v63  }
0x4c3: {  	s26 =	simm.s32 $0x6000  }
0x4c4: {  	[tilespmem:s26], [sflag:$0x1] =	stream.indirect_vreg.gather [hbm4b:s1+s12], $0x80, v3, vm0, $0xb8;
	[tilespmem:$0x1A800] =	vst v63  }
0x4c5: {  	v3 =	vld [tilespmem:s11+$0x1C0];
	_ =	sdelay $0x4  }
0x4c6: {  	v4 =	vshll.u32 v3, $0x1  }
0x4c7: {  	v3 =	vand.u32 $0x7, v3;
	v4 =	vand.u32 $0xFFFFFFF0, v4  }
0x4c8: {  	v3 =	vor.u32 v3, v4  }
0x4c9: {  	v4 =	vperm.xlane v3, v0;
	_ =	sdelay $0x1  }
0x4ca: {  	v3 =	vperm.xlane v3, v2;
	v4 =	vadd.s32 v1, v4;
	_ =	sdelay $0x1  }
0x4cb: {  	v3 =	vadd.s32 v1, v3;
	_ =	sdelay $0x1  }
0x4cc: {  	s14 =	simm.s32 $0x6800  }
0x4cd: {  	[tilespmem:s14], [sflag:$0x1] =	stream.indirect_vreg.gather [hbm4b:s1+s12], $0x80, v4, vm0, $0xb8;
	[tilespmem:$0x1A800] =	vst v63  }
0x4ce: {  	s15 =	simm.s32 $0x7000  }
0x4cf: {  	[tilespmem:s15], [sflag:$0x1] =	stream.indirect_vreg.gather [hbm4b:s1+s12], $0x80, v3, vm0, $0xb8;
	[tilespmem:$0x1A800] =	vst v63  }
0x4d0: {  	v3 =	vld [tilespmem:s11+$0x1D0];
	_ =	sdelay $0x4  }
0x4d1: {  	v4 =	vshll.u32 v3, $0x1  }
0x4d2: {  	v3 =	vand.u32 $0x7, v3;
	v4 =	vand.u32 $0xFFFFFFF0, v4  }
0x4d3: {  	v3 =	vor.u32 v3, v4  }
0x4d4: {  	v4 =	vperm.xlane v3, v0;
	_ =	sdelay $0x1  }
0x4d5: {  	v3 =	vperm.xlane v3, v2;
	v4 =	vadd.s32 v1, v4;
	_ =	sdelay $0x1  }
0x4d6: {  	v3 =	vadd.s32 v1, v3  }
0x4d7: {  	s16 =	sadd.s32 $0xFFFFFFFE, s7  }
0x4d8: {  	s13 =	sadd.s32 $0x2A3, s16;
	s14 =	sadd.s32 $0x2A2, s16;
	s15 =	simm.s32 $0x7800  }
0x4d9: {  	[tilespmem:s15], [sflag:$0x1] =	stream.indirect_vreg.gather [hbm4b:s1+s12], $0x80, v4, vm0, $0xb8;
	v4 =	vmov s14;
	[tilespmem:$0x1A800] =	vst v63  }
0x4da: {  	v5 =	vmov s13;
	s23 =	simm.s32 $0x8000;
	v4 =	vand.u32 $0xFFFFFFFE, v4  }
0x4db: {  	v4 =	vbroadcast v4, $0x0;
	[tilespmem:s23], [sflag:$0x1] =	stream.indirect_vreg.gather [hbm4b:s1+s12], $0x80, v3, vm0, $0xb8;
	[tilespmem:$0x1A800] =	vst v63  }
0x4dc: {  	_ =	swait.ge [sflag:s19], $0x6000  }
0x4dd: {  	s24 =	sand.u32 $0x7800, s12;
	s25 =	simm.s32 $0x0;
	[sflag:s19] =	ssyncset.done $0x0  }
0x4de: {  	s13 =	sadd.s32 $0x14800, s24;
	s14 =	sand.u32 $0x300, s25;
	[sflag:s19] =	ssyncadd.s32 $0xFFFFA000  }
0x4df: {  	s26 =	sor.u32 s14, s13;
	v3 =	vld.idx.msk [tilespmem:v5+s18+$0x0], $0xffff  }
0x4e0: {  	v5 =	vld [tilespmem:s26+$0x470]  }
0x4e1: {  	v4 =	vld.idx.msk [tilespmem:v4+s18+$0x0], $0xffff  }
0x4e2: {  	v6 =	vld [tilespmem:s26+$0x0]  }
0x4e3: {  	v7 =	vld [tilespmem:s26+$0x10]  }
0x4e4: {  	v8 =	vld [tilespmem:s26+$0x20]  }
0x4e5: {  	v9 =	vld [tilespmem:s26+$0x30]  }
0x4e6: {  	v10 =	vld [tilespmem:s26+$0x40];
	v5 =	vmul.f32 v5, v4  }
0x4e7: {  	v11 =	vld [tilespmem:s26+$0x50];
	v6 =	vmul.f32 v6, v4  }
0x4e8: {  	v12 =	vld [tilespmem:s26+$0x60];
	v7 =	vmul.f32 v7, v4;
	[tilespmem:s26+$0x470] =	vst v5  }
0x4e9: {  	[tilespmem:s26+$0x0] =	vst v6;
	v5 =	vmul.f32 v8, v4;
	v6 =	vld [tilespmem:s26+$0x70]  }
0x4ea: {  	[tilespmem:s26+$0x10] =	vst v7;
	v7 =	vmul.f32 v9, v4;
	v8 =	vld [tilespmem:s26+$0x400]  }
0x4eb: {  	v9 =	vld [tilespmem:s26+$0x410];
	[tilespmem:s26+$0x20] =	vst v5;
	v5 =	vmul.f32 v10, v4  }
0x4ec: {  	[tilespmem:s26+$0x30] =	vst v7;
	v7 =	vmul.f32 v11, v4;
	v10 =	vld [tilespmem:s26+$0x420]  }
0x4ed: {  	v11 =	vld [tilespmem:s26+$0x430];
	[tilespmem:s26+$0x40] =	vst v5;
	v5 =	vmul.f32 v12, v4  }
0x4ee: {  	s14 =	simm.s32 $0x80;
	[tilespmem:s26+$0x50] =	vst v7;
	v7 =	vld [tilespmem:s26+$0x440];
	v6 =	vmul.f32 v6, v4  }
0x4ef: {  	s16 =	sand.u32 $0x380, s14;
	v63 =	vld [tilespmem:s26+$0x450];
	[tilespmem:s26+$0x60] =	vst v5;
	v5 =	vmul.f32 v8, v4  }
0x4f0: {  	s13 =	sor.u32 s16, s13;
	[tilespmem:s26+$0x70] =	vst v6;
	v6 =	vmul.f32 v9, v4;
	v9 =	vld [tilespmem:s26+$0x460]  }
0x4f1: {  	[tilespmem:s26+$0x400] =	vst v5;
	v5 =	vmul.f32 v10, v4;
	v10 =	vld [tilespmem:s13+$0x0]  }
0x4f2: {  	[tilespmem:s26+$0x410] =	vst v6;
	v6 =	vmul.f32 v11, v4;
	v11 =	vld [tilespmem:s13+$0x10]  }
0x4f3: {  	v8 =	vld [tilespmem:s13+$0x20];
	[tilespmem:s26+$0x420] =	vst v5;
	v5 =	vmul.f32 v7, v4  }
0x4f4: {  	v12 =	vmul.f32 v63, v4;
	v7 =	vld [tilespmem:s13+$0x30];
	[tilespmem:s26+$0x430] =	vst v6  }
0x4f5: {  	v6 =	vld [tilespmem:s13+$0x40];
	[tilespmem:s26+$0x440] =	vst v5;
	v5 =	vmul.f32 v9, v4  }
0x4f6: {  	[tilespmem:s26+$0x450] =	vst v12;
	v4 =	vld [tilespmem:s13+$0x50];
	v10 =	vmul.f32 v10, v3  }
0x4f7: {  	s15 =	simm.s32 $0x0;
	[tilespmem:s26+$0x460] =	vst v5;
	v9 =	vmul.f32 v11, v3;
	v5 =	vld [tilespmem:s13+$0x60]  }
.LBB2_17:
0x4f8: {  	s16 =	sadd.s32 s15, s7;
	s15 =	sadd.s32 $0x2, s15;
	[tilespmem:s13+$0x0] =	vst v10;
	v8 =	vmul.f32 v8, v3;
	v10 =	vld [tilespmem:s13+$0x70]  }
0x4f9: {  	s23 =	sadd.s32 $0x2A2, s16;
	s16 =	sadd.s32 $0x2A3, s16;
	p0 =	slt.u32 s15, $0x5E;
	[tilespmem:s13+$0x10] =	vst v9;
	v7 =	vmul.f32 v7, v3;
	v9 =	vld [tilespmem:s13+$0x400]  }
0x4fa: {  	v11 =	vmov s23;
	v12 =	vmov s16;
	[tilespmem:s13+$0x20] =	vst v8;
	v6 =	vmul.f32 v6, v3;
	v8 =	vld [tilespmem:s13+$0x410]  }
0x4fb: {  	v11 =	vand.u32 $0xFFFFFFFE, v11;
	[tilespmem:s13+$0x30] =	vst v7;
	v4 =	vmul.f32 v4, v3;
	v7 =	vld [tilespmem:s13+$0x420]  }
0x4fc: {  	v11 =	vbroadcast v11, $0x0;
	[tilespmem:s13+$0x40] =	vst v6;
	v5 =	vmul.f32 v5, v3;
	v6 =	vld [tilespmem:s13+$0x430]  }
0x4fd: {  	[tilespmem:s13+$0x50] =	vst v4;
	v4 =	vmul.f32 v10, v3;
	v10 =	vld [tilespmem:s13+$0x440]  }
0x4fe: {  	[tilespmem:s13+$0x60] =	vst v5;
	v5 =	vmul.f32 v9, v3;
	v9 =	vld [tilespmem:s13+$0x450]  }
0x4ff: {  	s14 =	sadd.s32 $0x100, s14;
	s12 =	sadd.s32 $0x200, s12;
	v12 =	vld.idx.msk [tilespmem:v12+s18+$0x0], $0xffff;
	[tilespmem:s13+$0x70] =	vst v4;
	v4 =	vmul.f32 v8, v3  }
0x500: {  	s24 =	sand.u32 $0x380, s14;
	s16 =	sand.u32 $0x7800, s12;
	s23 =	sadd.s32 $0xFFFFFF80, s14;
	[tilespmem:s13+$0x400] =	vst v5;
	v5 =	vmul.f32 v7, v3;
	v7 =	vld [tilespmem:s13+$0x460]  }
0x501: {  	s23 =	sand.u32 $0x300, s23;
	s25 =	sadd.s32 $0x14800, s16;
	[tilespmem:s13+$0x410] =	vst v4;
	v4 =	vmul.f32 v6, v3;
	v6 =	vld [tilespmem:s13+$0x470]  }
0x502: {  	s16 =	sor.u32 s23, s25;
	s23 =	sor.u32 s24, s25;
	v11 =	vld.idx.msk [tilespmem:v11+s18+$0x0], $0xffff;
	[tilespmem:s13+$0x420] =	vst v5;
	v5 =	vmul.f32 v10, v3  }
0x503: {  	v8 =	vld [tilespmem:s16+$0x470];
	[tilespmem:s13+$0x430] =	vst v4;
	v4 =	vmul.f32 v9, v3  }
0x504: {  	v9 =	vld [tilespmem:s16+$0x0];
	[tilespmem:s13+$0x440] =	vst v5  }
0x505: {  	v5 =	vld [tilespmem:s16+$0x10];
	[tilespmem:s13+$0x450] =	vst v4;
	v4 =	vmul.f32 v7, v3  }
0x506: {  	v7 =	vld [tilespmem:s16+$0x20];
	v6 =	vmul.f32 v6, v3;
	v3 =	vmov v12  }
0x507: {  	v10 =	vld [tilespmem:s16+$0x30];
	[tilespmem:s13+$0x460] =	vst v4  }
0x508: {  	v4 =	vld [tilespmem:s16+$0x40];
	v8 =	vmul.f32 v8, v11;
	[tilespmem:s13+$0x470] =	vst v6;
	s13 =	smov.u32 s23  }
0x509: {  	v6 =	vmul.f32 v9, v11;
	v9 =	vld [tilespmem:s16+$0x50]  }
0x50a: {  	v5 =	vmul.f32 v5, v11;
	v12 =	vld [tilespmem:s16+$0x60];
	[tilespmem:s16+$0x470] =	vst v8  }
0x50b: {  	[tilespmem:s16+$0x0] =	vst v6;
	v6 =	vmul.f32 v7, v11;
	v7 =	vld [tilespmem:s16+$0x70]  }
0x50c: {  	[tilespmem:s16+$0x10] =	vst v5;
	v5 =	vmul.f32 v10, v11;
	v8 =	vld [tilespmem:s16+$0x400]  }
0x50d: {  	[tilespmem:s16+$0x20] =	vst v6;
	v4 =	vmul.f32 v4, v11;
	v6 =	vld [tilespmem:s16+$0x410]  }
0x50e: {  	[tilespmem:s16+$0x30] =	vst v5;
	v5 =	vmul.f32 v9, v11;
	v9 =	vld [tilespmem:s16+$0x420]  }
0x50f: {  	[tilespmem:s16+$0x40] =	vst v4;
	v4 =	vmul.f32 v12, v11;
	v10 =	vld [tilespmem:s16+$0x430]  }
0x510: {  	[tilespmem:s16+$0x50] =	vst v5;
	v5 =	vmul.f32 v7, v11;
	v7 =	vld [tilespmem:s16+$0x440]  }
0x511: {  	[tilespmem:s16+$0x60] =	vst v4;
	v4 =	vmul.f32 v8, v11;
	v12 =	vld [tilespmem:s16+$0x450]  }
0x512: {  	[tilespmem:s16+$0x70] =	vst v5;
	v5 =	vmul.f32 v6, v11;
	v6 =	vld [tilespmem:s16+$0x460]  }
0x513: {  	[tilespmem:s16+$0x400] =	vst v4;
	v4 =	vmul.f32 v9, v11;
	v9 =	vld [tilespmem:s13+$0x0]  }
0x514: {  	[tilespmem:s16+$0x410] =	vst v5;
	v5 =	vmul.f32 v10, v11;
	v13 =	vld [tilespmem:s13+$0x10]  }
.Ltmp7:
0x515: {  	[tilespmem:s16+$0x420] =	vst v4;
	v4 =	vmul.f32 v7, v11;
	v8 =	vld [tilespmem:s13+$0x20];
	(pc) =	sbr.rel @p0 .LBB2_17-.Ltmp7, $4  }
0x516: {  	[tilespmem:s16+$0x430] =	vst v5;
	v5 =	vmul.f32 v12, v11;
	v7 =	vld [tilespmem:s13+$0x30]  }
0x517: {  	[tilespmem:s16+$0x440] =	vst v4;
	v11 =	vmul.f32 v6, v11;
	v6 =	vld [tilespmem:s13+$0x40]  }
0x518: {  	[tilespmem:s16+$0x450] =	vst v5;
	v10 =	vmul.f32 v9, v3;
	v4 =	vld [tilespmem:s13+$0x50]  }
0x519: {  	[tilespmem:s16+$0x460] =	vst v11;
	v9 =	vmul.f32 v13, v3;
	v5 =	vld [tilespmem:s13+$0x60]  }
0x51a: {  	[tilespmem:s13+$0x0] =	vst v10;
	v46 =	vld [tilespmem:s13+$0x70];
	v8 =	vmul.f32 v8, v3  }
0x51b: {  	v47 =	vld [tilespmem:s13+$0x400];
	[tilespmem:s13+$0x10] =	vst v9;
	v7 =	vmul.f32 v7, v3  }
0x51c: {  	v48 =	vld [tilespmem:s13+$0x410];
	[tilespmem:s13+$0x20] =	vst v8;
	v6 =	vmul.f32 v6, v3  }
0x51d: {  	v49 =	vld [tilespmem:s13+$0x420];
	[tilespmem:s13+$0x30] =	vst v7;
	v4 =	vmul.f32 v4, v3  }
0x51e: {  	v50 =	vld [tilespmem:s13+$0x430];
	[tilespmem:s13+$0x40] =	vst v6;
	v5 =	vmul.f32 v5, v3  }
0x51f: {  	v51 =	vld [tilespmem:s13+$0x440];
	[tilespmem:s13+$0x50] =	vst v4;
	v10 =	vmul.f32 v46, v3  }
0x520: {  	v53 =	vld [tilespmem:s13+$0x450];
	v52 =	vmul.f32 v47, v3;
	[tilespmem:s13+$0x60] =	vst v5  }
0x521: {  	v54 =	vld [tilespmem:s13+$0x460];
	v8 =	vmul.f32 v48, v3;
	[tilespmem:s13+$0x70] =	vst v10  }
0x522: {  	v55 =	vld [tilespmem:s13+$0x470];
	v7 =	vmul.f32 v49, v3;
	[tilespmem:s13+$0x400] =	vst v52  }
0x523: {  	v6 =	vmul.f32 v50, v3;
	[tilespmem:s13+$0x410] =	vst v8  }
0x524: {  	v4 =	vmul.f32 v51, v3;
	[tilespmem:s13+$0x420] =	vst v7  }
0x525: {  	v56 =	vmul.f32 v53, v3;
	[tilespmem:s13+$0x430] =	vst v6  }
0x526: {  	v57 =	vmul.f32 v54, v3;
	[tilespmem:s13+$0x440] =	vst v4  }
0x527: {  	s10 =	sadd.s32 s4, s10;
	v3 =	vmul.f32 v55, v3;
	[tilespmem:s13+$0x450] =	vst v56  }
0x528: {  	s10 =	sshll.u32 s10, $0x5;
	[tilespmem:s13+$0x460] =	vst v57  }
0x529: {  	s10 =	sadd.s32 s3, s10;
	[tilespmem:s13+$0x470] =	vst v3  }
0x52a: {  	[hbm4b:s10+s5] =	stream.linear.scatter [tilespmem:s9], [sflag:$0x8], $0x6000, $0x38;
	[tilespmem:$0x1A800] =	vst v63  }
0x52b: {  	_ =	swait.ge [sflag:s30], $0x6000  }
0x52c: {  	[sflag:s30] =	ssyncset.done $0x0  }
0x52d: {  	[sflag:s30] =	ssyncadd.s32 $0xFFFFA000  }
0x52e: {  	v3 =	vld [tilespmem:s11+$0x1E0];
	_ =	sdelay $0x4  }
0x52f: {  	v58 =	vshll.u32 v3, $0x1  }
0x530: {  	v3 =	vand.u32 $0x7, v3;
	v4 =	vand.u32 $0xFFFFFFF0, v58  }
0x531: {  	v3 =	vor.u32 v3, v4  }
0x532: {  	v4 =	vperm.xlane v3, v0;
	_ =	sdelay $0x1  }
0x533: {  	v3 =	vperm.xlane v3, v2;
	v4 =	vadd.s32 v1, v4;
	_ =	sdelay $0x1  }
0x534: {  	v3 =	vadd.s32 v1, v3;
	_ =	sdelay $0x2  }
0x535: {  	[tilespmem:s0], [sflag:$0x2] =	stream.indirect_vreg.gather [hbm4b:s1+s5], $0x80, v4, vm0, $0xb8;
	[tilespmem:$0x1A800] =	vst v63  }
0x536: {  	s25 =	simm.s32 $0x9000  }
0x537: {  	[tilespmem:s25], [sflag:$0x2] =	stream.indirect_vreg.gather [hbm4b:s1+s5], $0x80, v3, vm0, $0xb8;
	[tilespmem:$0x1A800] =	vst v63  }
0x538: {  	v3 =	vld [tilespmem:s11+$0x1F0];
	_ =	sdelay $0x4  }
0x539: {  	v59 =	vshll.u32 v3, $0x1  }
0x53a: {  	v3 =	vand.u32 $0x7, v3;
	v4 =	vand.u32 $0xFFFFFFF0, v59  }
0x53b: {  	v3 =	vor.u32 v3, v4  }
0x53c: {  	v4 =	vperm.xlane v3, v0;
	_ =	sdelay $0x1  }
0x53d: {  	v3 =	vperm.xlane v3, v2;
	v4 =	vadd.s32 v1, v4;
	_ =	sdelay $0x1  }
0x53e: {  	v3 =	vadd.s32 v1, v3;
	_ =	sdelay $0x1  }
0x53f: {  	s26 =	simm.s32 $0x9800  }
0x540: {  	[tilespmem:s26], [sflag:$0x2] =	stream.indirect_vreg.gather [hbm4b:s1+s5], $0x80, v4, vm0, $0xb8;
	[tilespmem:$0x1A800] =	vst v63  }
0x541: {  	s12 =	simm.s32 $0xA000  }
0x542: {  	[tilespmem:s12], [sflag:$0x2] =	stream.indirect_vreg.gather [hbm4b:s1+s5], $0x80, v3, vm0, $0xb8;
	[tilespmem:$0x1A800] =	vst v63  }
0x543: {  	v3 =	vld [tilespmem:s11+$0x200];
	_ =	sdelay $0x4  }
0x544: {  	v60 =	vshll.u32 v3, $0x1  }
0x545: {  	v3 =	vand.u32 $0x7, v3;
	v4 =	vand.u32 $0xFFFFFFF0, v60  }
0x546: {  	v3 =	vor.u32 v3, v4  }
0x547: {  	v4 =	vperm.xlane v3, v0;
	_ =	sdelay $0x1  }
0x548: {  	v3 =	vperm.xlane v3, v2;
	v4 =	vadd.s32 v1, v4;
	_ =	sdelay $0x1  }
0x549: {  	v3 =	vadd.s32 v1, v3;
	_ =	sdelay $0x1  }
0x54a: {  	s13 =	simm.s32 $0xA800  }
0x54b: {  	[tilespmem:s13], [sflag:$0x2] =	stream.indirect_vreg.gather [hbm4b:s1+s5], $0x80, v4, vm0, $0xb8;
	[tilespmem:$0x1A800] =	vst v63  }
0x54c: {  	s14 =	simm.s32 $0xB000  }
0x54d: {  	[tilespmem:s14], [sflag:$0x2] =	stream.indirect_vreg.gather [hbm4b:s1+s5], $0x80, v3, vm0, $0xb8;
	[tilespmem:$0x1A800] =	vst v63  }
0x54e: {  	v3 =	vld [tilespmem:s11+$0x210];
	_ =	sdelay $0x4  }
0x54f: {  	v61 =	vshll.u32 v3, $0x1  }
0x550: {  	v3 =	vand.u32 $0x7, v3;
	v4 =	vand.u32 $0xFFFFFFF0, v61  }
0x551: {  	v3 =	vor.u32 v3, v4  }
0x552: {  	v4 =	vperm.xlane v3, v0;
	_ =	sdelay $0x1  }
0x553: {  	v3 =	vperm.xlane v3, v2;
	v4 =	vadd.s32 v1, v4;
	_ =	sdelay $0x1  }
0x554: {  	v3 =	vadd.s32 v1, v3;
	_ =	sdelay $0x1  }
0x555: {  	s15 =	simm.s32 $0xB800  }
0x556: {  	[tilespmem:s15], [sflag:$0x2] =	stream.indirect_vreg.gather [hbm4b:s1+s5], $0x80, v4, vm0, $0xb8;
	[tilespmem:$0x1A800] =	vst v63  }
0x557: {  	s16 =	simm.s32 $0xC000  }
0x558: {  	[tilespmem:s16], [sflag:$0x2] =	stream.indirect_vreg.gather [hbm4b:s1+s5], $0x80, v3, vm0, $0xb8;
	[tilespmem:$0x1A800] =	vst v63  }
0x559: {  	v3 =	vld [tilespmem:s11+$0x220];
	_ =	sdelay $0x4  }
0x55a: {  	v62 =	vshll.u32 v3, $0x1  }
0x55b: {  	v3 =	vand.u32 $0x7, v3;
	v4 =	vand.u32 $0xFFFFFFF0, v62  }
0x55c: {  	v3 =	vor.u32 v3, v4  }
0x55d: {  	v4 =	vperm.xlane v3, v0;
	_ =	sdelay $0x1  }
0x55e: {  	v3 =	vperm.xlane v3, v2;
	v4 =	vadd.s32 v1, v4;
	_ =	sdelay $0x1  }
0x55f: {  	v3 =	vadd.s32 v1, v3;
	_ =	sdelay $0x1  }
0x560: {  	s23 =	simm.s32 $0xC800  }
0x561: {  	[tilespmem:s23], [sflag:$0x2] =	stream.indirect_vreg.gather [hbm4b:s1+s5], $0x80, v4, vm0, $0xb8;
	[tilespmem:$0x1A800] =	vst v63  }
0x562: {  	s24 =	simm.s32 $0xD000  }
0x563: {  	[tilespmem:s24], [sflag:$0x2] =	stream.indirect_vreg.gather [hbm4b:s1+s5], $0x80, v3, vm0, $0xb8;
	[tilespmem:$0x1A800] =	vst v63  }
0x564: {  	v3 =	vld [tilespmem:s11+$0x230];
	_ =	sdelay $0x4  }
0x565: {  	v63 =	vshll.u32 v3, $0x1  }
0x566: {  	v3 =	vand.u32 $0x7, v3;
	v4 =	vand.u32 $0xFFFFFFF0, v63  }
0x567: {  	v3 =	vor.u32 v3, v4  }
0x568: {  	v4 =	vperm.xlane v3, v0;
	_ =	sdelay $0x1  }
0x569: {  	v3 =	vperm.xlane v3, v2;
	v4 =	vadd.s32 v1, v4  }
0x56a: {  	s6 =	sadd.s32 $0x1, s6  }
0x56b: {  	p0 =	sne.s32 s6, $0xC;
	v3 =	vadd.s32 v1, v3  }
.Ltmp8:
0x56c: {  	_ = 	snop;
	(pc) =	sbr.rel @p0 .LBB2_10-.Ltmp8, $4  }
0x56d: {  	s25 =	simm.s32 $0xD800  }
0x56e: {  	[tilespmem:s25], [sflag:$0x2] =	stream.indirect_vreg.gather [hbm4b:s1+s5], $0x80, v4, vm0, $0xb8;
	[tilespmem:$0x1A800] =	vst v63  }
0x56f: {  	s7 =	sadd.s32 $0x180, s7;
	s26 =	simm.s32 $0xE000  }
0x570: {  	[tilespmem:s26], [sflag:$0x2] =	stream.indirect_vreg.gather [hbm4b:s1+s5], $0x80, v3, vm0, $0xb8;
	[tilespmem:$0x1A800] =	vst v63  }
0x571: {  	s2 =	simm.s32 $0x1200  }
0x572: {  	v3 =	vmov s2  }
0x573: {  	v3 =	vand.u32 $0xFFFFFFFE, v3  }
0x574: {  	v3 =	vbroadcast v3, $0x0;
	_ =	sdelay $0x1  }
0x575: {  	_ =	swait.ge [sflag:s21], $0x6000;
	s6 =	simm.s32 $0x0  }
0x576: {  	[sflag:s21] =	ssyncset.done $0x0;
	s25 =	sand.u32 $0x7800, s6;
	s7 =	sand.u32 $0x300, s6  }
0x577: {  	[sflag:s21] =	ssyncadd.s32 $0xFFFFA000;
	s2 =	sor.u32 s7, s25  }
0x578: {  	v5 =	vld [tilespmem:s2+$0x2800]  }
0x579: {  	v4 =	vld.idx.msk [tilespmem:v3+s18+$0x0], $0xffff  }
0x57a: {  	v3 =	vld [tilespmem:s2+$0x2C70]  }
0x57b: {  	v6 =	vld [tilespmem:s2+$0x2810]  }
0x57c: {  	v7 =	vld [tilespmem:s2+$0x2820]  }
0x57d: {  	v8 =	vld [tilespmem:s2+$0x2830]  }
0x57e: {  	v9 =	vld [tilespmem:s2+$0x2840]  }
0x57f: {  	v3 =	vmul.f32 v3, v4  }
0x580: {  	v10 =	vld [tilespmem:s2+$0x2850];
	v5 =	vmul.f32 v5, v4  }
0x581: {  	v11 =	vld [tilespmem:s2+$0x2860];
	[tilespmem:s2+$0x2C70] =	vst v3;
	v3 =	vmul.f32 v6, v4  }
0x582: {  	[tilespmem:s2+$0x2800] =	vst v5;
	v5 =	vld [tilespmem:s2+$0x2870];
	v6 =	vmul.f32 v7, v4  }
0x583: {  	v12 =	vld [tilespmem:s2+$0x2C40];
	[tilespmem:s2+$0x2810] =	vst v3;
	v3 =	vmul.f32 v8, v4;
	v8 =	vmul.f32 v9, v4  }
0x584: {  	s26 =	simm.s32 $0x1201;
	v7 =	vld [tilespmem:s2+$0x2C00];
	[tilespmem:s2+$0x2820] =	vst v6  }
0x585: {  	v6 =	vld [tilespmem:s2+$0x2C10];
	[tilespmem:s2+$0x2840] =	vst v8;
	v8 =	vmov s26  }
0x586: {  	v11 =	vmul.f32 v11, v4;
	v9 =	vld [tilespmem:s2+$0x2C20]  }
0x587: {  	[tilespmem:s2+$0x2830] =	vst v3;
	v3 =	vmul.f32 v10, v4;
	v10 =	vld [tilespmem:s2+$0x2C30];
	v5 =	vmul.f32 v5, v4  }
0x588: {  	v14 =	vld [tilespmem:s2+$0x2880];
	[tilespmem:s2+$0x2860] =	vst v11  }
0x589: {  	v11 =	vld [tilespmem:s2+$0x2C50];
	[tilespmem:s2+$0x2870] =	vst v5;
	v5 =	vmul.f32 v7, v4  }
0x58a: {  	[tilespmem:s2+$0x2850] =	vst v3;
	v6 =	vmul.f32 v6, v4;
	v3 =	vld.idx.msk [tilespmem:v8+s18+$0x0], $0xffff  }
0x58b: {  	v13 =	vld [tilespmem:s2+$0x2C60];
	[tilespmem:s2+$0x2C00] =	vst v5;
	v5 =	vmul.f32 v9, v4  }
0x58c: {  	v9 =	vld [tilespmem:s2+$0x2890];
	[tilespmem:s2+$0x2C10] =	vst v6;
	v6 =	vmul.f32 v10, v4  }
0x58d: {  	v15 =	vld [tilespmem:s2+$0x28A0];
	[tilespmem:s2+$0x2C20] =	vst v5;
	v5 =	vmul.f32 v12, v4  }
0x58e: {  	v8 =	vld [tilespmem:s2+$0x28B0];
	[tilespmem:s2+$0x2C30] =	vst v6;
	v6 =	vmul.f32 v11, v4  }
0x58f: {  	v7 =	vld [tilespmem:s2+$0x28C0];
	[tilespmem:s2+$0x2C40] =	vst v5;
	v10 =	vmul.f32 v14, v3  }
0x590: {  	v11 =	vmul.f32 v13, v4;
	v5 =	vld [tilespmem:s2+$0x28D0];
	[tilespmem:s2+$0x2C50] =	vst v6  }
0x591: {  	v4 =	vld [tilespmem:s2+$0x28E0];
	[tilespmem:s2+$0x2880] =	vst v10;
	v10 =	vmul.f32 v9, v3  }
0x592: {  	s10 =	simm.s32 $0x0;
	s7 =	simm.s32 $0x0;
	[tilespmem:s2+$0x2C60] =	vst v11;
	v6 =	vld [tilespmem:s2+$0x28F0];
	v9 =	vmul.f32 v15, v3  }
.LBB2_20:
0x593: {  	s11 =	sadd.s32 $0x1202, s7;
	[tilespmem:s2+$0x2890] =	vst v10;
	v8 =	vmul.f32 v8, v3;
	v10 =	vld [tilespmem:s2+$0x2C80];
	s12 =	smov.u32 s7;
	s7 =	sadd.s32 $0x2, s7  }
0x594: {  	v11 =	vmov s11;
	p0 =	slt.u32 s7, $0x5E;
	[tilespmem:s2+$0x28A0] =	vst v9;
	v7 =	vmul.f32 v7, v3;
	v9 =	vld [tilespmem:s2+$0x2C90]  }
0x595: {  	s11 =	sadd.s32 $0x1203, s12;
	v11 =	vand.u32 $0xFFFFFFFE, v11;
	[tilespmem:s2+$0x28B0] =	vst v8;
	v5 =	vmul.f32 v5, v3;
	v8 =	vld [tilespmem:s2+$0x2CA0]  }
0x596: {  	v12 =	vmov s11;
	v11 =	vbroadcast v11, $0x0;
	[tilespmem:s2+$0x28C0] =	vst v7;
	v4 =	vmul.f32 v4, v3;
	v7 =	vld [tilespmem:s2+$0x2CB0]  }
0x597: {  	[tilespmem:s2+$0x28D0] =	vst v5;
	v5 =	vmul.f32 v6, v3;
	v6 =	vld [tilespmem:s2+$0x2CC0]  }
0x598: {  	[tilespmem:s2+$0x28E0] =	vst v4;
	v4 =	vmul.f32 v10, v3;
	v10 =	vld [tilespmem:s2+$0x2CD0]  }
0x599: {  	[tilespmem:s2+$0x28F0] =	vst v5;
	v5 =	vmul.f32 v9, v3;
	v9 =	vld [tilespmem:s2+$0x2CE0]  }
0x59a: {  	s6 =	sadd.s32 $0x100, s6;
	s10 =	sadd.s32 $0x200, s10;
	[tilespmem:s2+$0x2C80] =	vst v4;
	v4 =	vmul.f32 v8, v3;
	v8 =	vld [tilespmem:s2+$0x2CF0]  }
0x59b: {  	s12 =	sand.u32 $0x300, s6;
	s11 =	sand.u32 $0x7800, s10;
	v12 =	vld.idx.msk [tilespmem:v12+s18+$0x0], $0xffff;
	[tilespmem:s2+$0x2C90] =	vst v5;
	v5 =	vmul.f32 v7, v3  }
0x59c: {  	s11 =	sor.u32 s12, s11;
	v7 =	vld.idx.msk [tilespmem:v11+s18+$0x0], $0xffff;
	[tilespmem:s2+$0x2CA0] =	vst v4;
	v4 =	vmul.f32 v6, v3  }
0x59d: {  	v6 =	vld [tilespmem:s11+$0x2C70];
	[tilespmem:s2+$0x2CB0] =	vst v5;
	v5 =	vmul.f32 v10, v3  }
0x59e: {  	v10 =	vld [tilespmem:s11+$0x2800];
	[tilespmem:s2+$0x2CC0] =	vst v4;
	v4 =	vmul.f32 v9, v3  }
0x59f: {  	v9 =	vld [tilespmem:s11+$0x2810];
	[tilespmem:s2+$0x2CD0] =	vst v5;
	v8 =	vmul.f32 v8, v3  }
0x5a0: {  	v5 =	vld [tilespmem:s11+$0x2820];
	[tilespmem:s2+$0x2CE0] =	vst v4  }
0x5a1: {  	v3 =	vmov v12;
	v4 =	vld [tilespmem:s11+$0x2830];
	[tilespmem:s2+$0x2CF0] =	vst v8;
	s2 =	smov.u32 s11  }
0x5a2: {  	v8 =	vld [tilespmem:s2+$0x2840];
	v6 =	vmul.f32 v6, v7  }
0x5a3: {  	v10 =	vmul.f32 v10, v7;
	v11 =	vld [tilespmem:s2+$0x2850]  }
0x5a4: {  	v9 =	vmul.f32 v9, v7;
	v12 =	vld [tilespmem:s2+$0x2860];
	[tilespmem:s2+$0x2C70] =	vst v6  }
0x5a5: {  	[tilespmem:s2+$0x2800] =	vst v10;
	v5 =	vmul.f32 v5, v7;
	v6 =	vld [tilespmem:s2+$0x2870]  }
0x5a6: {  	[tilespmem:s2+$0x2810] =	vst v9;
	v4 =	vmul.f32 v4, v7;
	v9 =	vld [tilespmem:s2+$0x2C00]  }
0x5a7: {  	[tilespmem:s2+$0x2820] =	vst v5;
	v5 =	vmul.f32 v8, v7;
	v8 =	vld [tilespmem:s2+$0x2C10]  }
0x5a8: {  	[tilespmem:s2+$0x2830] =	vst v4;
	v4 =	vmul.f32 v11, v7;
	v10 =	vld [tilespmem:s2+$0x2C20]  }
0x5a9: {  	[tilespmem:s2+$0x2840] =	vst v5;
	v5 =	vmul.f32 v12, v7;
	v11 =	vld [tilespmem:s2+$0x2C30]  }
0x5aa: {  	[tilespmem:s2+$0x2850] =	vst v4;
	v4 =	vmul.f32 v6, v7;
	v6 =	vld [tilespmem:s2+$0x2C40]  }
0x5ab: {  	[tilespmem:s2+$0x2860] =	vst v5;
	v5 =	vmul.f32 v9, v7;
	v9 =	vld [tilespmem:s2+$0x2C50]  }
0x5ac: {  	[tilespmem:s2+$0x2870] =	vst v4;
	v4 =	vmul.f32 v8, v7;
	v12 =	vld [tilespmem:s2+$0x2C60]  }
0x5ad: {  	[tilespmem:s2+$0x2C00] =	vst v5;
	v5 =	vmul.f32 v10, v7;
	v10 =	vld [tilespmem:s2+$0x2880]  }
0x5ae: {  	[tilespmem:s2+$0x2C10] =	vst v4;
	v4 =	vmul.f32 v11, v7;
	v11 =	vld [tilespmem:s2+$0x2890]  }
0x5af: {  	[tilespmem:s2+$0x2C20] =	vst v5;
	v5 =	vmul.f32 v6, v7;
	v6 =	vld [tilespmem:s2+$0x28A0]  }
.Ltmp9:
0x5b0: {  	[tilespmem:s2+$0x2C30] =	vst v4;
	v4 =	vmul.f32 v9, v7;
	v8 =	vld [tilespmem:s2+$0x28B0];
	(pc) =	sbr.rel @p0 .LBB2_20-.Ltmp9, $4  }
0x5b1: {  	[tilespmem:s2+$0x2C40] =	vst v5;
	v9 =	vmul.f32 v12, v7;
	v7 =	vld [tilespmem:s2+$0x28C0]  }
0x5b2: {  	[tilespmem:s2+$0x2C50] =	vst v4;
	v12 =	vmul.f32 v10, v3;
	v5 =	vld [tilespmem:s2+$0x28D0]  }
0x5b3: {  	[tilespmem:s2+$0x2C60] =	vst v9;
	v10 =	vmul.f32 v11, v3;
	v4 =	vld [tilespmem:s2+$0x28E0]  }
0x5b4: {  	[tilespmem:s2+$0x2880] =	vst v12;
	v9 =	vmul.f32 v6, v3;
	v6 =	vld [tilespmem:s2+$0x28F0]  }
0x5b5: {  	[tilespmem:s2+$0x2890] =	vst v10;
	v10 =	vld [tilespmem:s2+$0x2C80];
	v8 =	vmul.f32 v8, v3  }
0x5b6: {  	[tilespmem:s2+$0x28A0] =	vst v9;
	v9 =	vld [tilespmem:s2+$0x2C90];
	v7 =	vmul.f32 v7, v3  }
0x5b7: {  	[tilespmem:s2+$0x28B0] =	vst v8;
	v8 =	vld [tilespmem:s2+$0x2CA0];
	v5 =	vmul.f32 v5, v3  }
0x5b8: {  	[tilespmem:s2+$0x28C0] =	vst v7;
	v7 =	vld [tilespmem:s2+$0x2CB0];
	v4 =	vmul.f32 v4, v3  }
0x5b9: {  	[tilespmem:s2+$0x28D0] =	vst v5;
	v5 =	vld [tilespmem:s2+$0x2CC0];
	v6 =	vmul.f32 v6, v3  }
0x5ba: {  	[tilespmem:s2+$0x28E0] =	vst v4;
	v4 =	vld [tilespmem:s2+$0x2CD0];
	v10 =	vmul.f32 v10, v3  }
0x5bb: {  	[tilespmem:s2+$0x28F0] =	vst v6;
	v6 =	vld [tilespmem:s2+$0x2CE0];
	v9 =	vmul.f32 v9, v3  }
0x5bc: {  	[tilespmem:s2+$0x2C80] =	vst v10;
	v8 =	vmul.f32 v8, v3;
	v10 =	vld [tilespmem:s2+$0x2CF0]  }
0x5bd: {  	[tilespmem:s2+$0x2C90] =	vst v9;
	v7 =	vmul.f32 v7, v3  }
0x5be: {  	[tilespmem:s2+$0x2CA0] =	vst v8;
	v5 =	vmul.f32 v5, v3  }
0x5bf: {  	[tilespmem:s2+$0x2CB0] =	vst v7;
	v4 =	vmul.f32 v4, v3  }
0x5c0: {  	[tilespmem:s2+$0x2CC0] =	vst v5;
	v5 =	vmul.f32 v6, v3  }
0x5c1: {  	[tilespmem:s2+$0x2CD0] =	vst v4;
	v3 =	vmul.f32 v10, v3  }
0x5c2: {  	[tilespmem:s2+$0x2CE0] =	vst v5  }
0x5c3: {  	[tilespmem:s2+$0x2CF0] =	vst v3  }
0x5c4: {  	s2 =	simm.s32 $0x0;
	s6 =	rddreg [dreg:$0xa]  }
0x5c5: {  	[hbm4b:s6+s2] =	stream.linear.scatter [tilespmem:s20], [sflag:$0x5], $0x6000, $0x38;
	[tilespmem:$0x1A800] =	vst v63  }
0x5c6: {  	_ =	swait.ge [sflag:s31], $0x6000  }
0x5c7: {  	[sflag:s31] =	ssyncset.done $0x0  }
0x5c8: {  	[sflag:s31] =	ssyncadd.s32 $0xFFFFA000  }
0x5c9: {  	v3 =	vld [tilespmem:$0x12C0];
	_ =	sdelay $0x4  }
0x5ca: {  	v4 =	vshll.u32 v3, $0x1  }
0x5cb: {  	v3 =	vand.u32 $0x7, v3;
	v4 =	vand.u32 $0xFFFFFFF0, v4  }
0x5cc: {  	v3 =	vor.u32 v3, v4  }
0x5cd: {  	v4 =	vperm.xlane v3, v0;
	_ =	sdelay $0x1  }
0x5ce: {  	v3 =	vperm.xlane v3, v2;
	v4 =	vadd.s32 v1, v4;
	_ =	sdelay $0x1  }
0x5cf: {  	v3 =	vadd.s32 v1, v3;
	_ =	sdelay $0x2  }
0x5d0: {  	[tilespmem:s22], [sflag:$0x3] =	stream.indirect_vreg.gather [hbm4b:s1+s2], $0x80, v4, vm0, $0xb8;
	[tilespmem:$0x1A800] =	vst v63  }
0x5d1: {  	s25 =	simm.s32 $0xF000  }
0x5d2: {  	[tilespmem:s25], [sflag:$0x3] =	stream.indirect_vreg.gather [hbm4b:s1+s2], $0x80, v3, vm0, $0xb8;
	[tilespmem:$0x1A800] =	vst v63  }
0x5d3: {  	v3 =	vld [tilespmem:$0x12D0];
	_ =	sdelay $0x4  }
0x5d4: {  	v4 =	vshll.u32 v3, $0x1  }
0x5d5: {  	v3 =	vand.u32 $0x7, v3;
	v4 =	vand.u32 $0xFFFFFFF0, v4  }
0x5d6: {  	v3 =	vor.u32 v3, v4  }
0x5d7: {  	v4 =	vperm.xlane v3, v0;
	_ =	sdelay $0x1  }
0x5d8: {  	v3 =	vperm.xlane v3, v2;
	v4 =	vadd.s32 v1, v4;
	_ =	sdelay $0x1  }
0x5d9: {  	v3 =	vadd.s32 v1, v3;
	_ =	sdelay $0x1  }
0x5da: {  	s26 =	simm.s32 $0xF800  }
0x5db: {  	[tilespmem:s26], [sflag:$0x3] =	stream.indirect_vreg.gather [hbm4b:s1+s2], $0x80, v4, vm0, $0xb8;
	[tilespmem:$0x1A800] =	vst v63  }
0x5dc: {  	s7 =	simm.s32 $0x10000  }
0x5dd: {  	[tilespmem:s7], [sflag:$0x3] =	stream.indirect_vreg.gather [hbm4b:s1+s2], $0x80, v3, vm0, $0xb8;
	[tilespmem:$0x1A800] =	vst v63  }
0x5de: {  	v3 =	vld [tilespmem:$0x12E0];
	_ =	sdelay $0x4  }
0x5df: {  	v4 =	vshll.u32 v3, $0x1  }
0x5e0: {  	v3 =	vand.u32 $0x7, v3;
	v4 =	vand.u32 $0xFFFFFFF0, v4  }
0x5e1: {  	v3 =	vor.u32 v3, v4  }
0x5e2: {  	v4 =	vperm.xlane v3, v0;
	_ =	sdelay $0x1  }
0x5e3: {  	v3 =	vperm.xlane v3, v2;
	v4 =	vadd.s32 v1, v4;
	_ =	sdelay $0x1  }
0x5e4: {  	v3 =	vadd.s32 v1, v3;
	_ =	sdelay $0x1  }
0x5e5: {  	s10 =	simm.s32 $0x10800  }
0x5e6: {  	[tilespmem:s10], [sflag:$0x3] =	stream.indirect_vreg.gather [hbm4b:s1+s2], $0x80, v4, vm0, $0xb8;
	[tilespmem:$0x1A800] =	vst v63  }
0x5e7: {  	s11 =	simm.s32 $0x11000  }
0x5e8: {  	[tilespmem:s11], [sflag:$0x3] =	stream.indirect_vreg.gather [hbm4b:s1+s2], $0x80, v3, vm0, $0xb8;
	[tilespmem:$0x1A800] =	vst v63  }
0x5e9: {  	v3 =	vld [tilespmem:$0x12F0];
	_ =	sdelay $0x4  }
0x5ea: {  	v4 =	vshll.u32 v3, $0x1  }
0x5eb: {  	v3 =	vand.u32 $0x7, v3;
	v4 =	vand.u32 $0xFFFFFFF0, v4  }
0x5ec: {  	v3 =	vor.u32 v3, v4  }
0x5ed: {  	v4 =	vperm.xlane v3, v0;
	_ =	sdelay $0x1  }
0x5ee: {  	v3 =	vperm.xlane v3, v2;
	v4 =	vadd.s32 v1, v4;
	_ =	sdelay $0x1  }
0x5ef: {  	v3 =	vadd.s32 v1, v3;
	_ =	sdelay $0x1  }
0x5f0: {  	s12 =	simm.s32 $0x11800  }
0x5f1: {  	[tilespmem:s12], [sflag:$0x3] =	stream.indirect_vreg.gather [hbm4b:s1+s2], $0x80, v4, vm0, $0xb8;
	[tilespmem:$0x1A800] =	vst v63  }
0x5f2: {  	s13 =	simm.s32 $0x12000  }
0x5f3: {  	[tilespmem:s13], [sflag:$0x3] =	stream.indirect_vreg.gather [hbm4b:s1+s2], $0x80, v3, vm0, $0xb8;
	[tilespmem:$0x1A800] =	vst v63  }
0x5f4: {  	v3 =	vld [tilespmem:$0x1300];
	_ =	sdelay $0x4  }
0x5f5: {  	v4 =	vshll.u32 v3, $0x1  }
0x5f6: {  	v3 =	vand.u32 $0x7, v3;
	v4 =	vand.u32 $0xFFFFFFF0, v4  }
0x5f7: {  	v3 =	vor.u32 v3, v4  }
0x5f8: {  	v4 =	vperm.xlane v3, v0;
	_ =	sdelay $0x1  }
0x5f9: {  	v3 =	vperm.xlane v3, v2;
	v4 =	vadd.s32 v1, v4;
	_ =	sdelay $0x1  }
0x5fa: {  	v3 =	vadd.s32 v1, v3;
	_ =	sdelay $0x1  }
0x5fb: {  	s14 =	simm.s32 $0x12800  }
0x5fc: {  	[tilespmem:s14], [sflag:$0x3] =	stream.indirect_vreg.gather [hbm4b:s1+s2], $0x80, v4, vm0, $0xb8;
	[tilespmem:$0x1A800] =	vst v63  }
0x5fd: {  	s15 =	simm.s32 $0x13000  }
0x5fe: {  	[tilespmem:s15], [sflag:$0x3] =	stream.indirect_vreg.gather [hbm4b:s1+s2], $0x80, v3, vm0, $0xb8;
	[tilespmem:$0x1A800] =	vst v63  }
0x5ff: {  	v3 =	vld [tilespmem:$0x1310];
	_ =	sdelay $0x4  }
0x600: {  	v4 =	vshll.u32 v3, $0x1  }
0x601: {  	v3 =	vand.u32 $0x7, v3;
	v4 =	vand.u32 $0xFFFFFFF0, v4  }
0x602: {  	v3 =	vor.u32 v3, v4  }
0x603: {  	v4 =	vperm.xlane v3, v0;
	_ =	sdelay $0x1  }
0x604: {  	v3 =	vperm.xlane v3, v2;
	v4 =	vadd.s32 v1, v4;
	_ =	sdelay $0x1  }
0x605: {  	s16 =	simm.s32 $0x1260;
	v3 =	vadd.s32 v1, v3  }
0x606: {  	v5 =	vmov s16  }
0x607: {  	s23 =	simm.s32 $0x13800;
	v5 =	vand.u32 $0xFFFFFFFE, v5  }
0x608: {  	[tilespmem:s23], [sflag:$0x3] =	stream.indirect_vreg.gather [hbm4b:s1+s2], $0x80, v4, vm0, $0xb8;
	v4 =	vbroadcast v5, $0x0;
	[tilespmem:$0x1A800] =	vst v63  }
0x609: {  	s24 =	simm.s32 $0x14000  }
0x60a: {  	[tilespmem:s24], [sflag:$0x3] =	stream.indirect_vreg.gather [hbm4b:s1+s2], $0x80, v3, vm0, $0xb8;
	[tilespmem:$0x1A800] =	vst v63  }
0x60b: {  	_ =	swait.ge [sflag:s8], $0x6000  }
0x60c: {  	[sflag:s8] =	ssyncset.done $0x0  }
0x60d: {  	s25 =	sand.u32 $0x7800, s2;
	s7 =	sand.u32 $0x300, s2;
	[sflag:s8] =	ssyncadd.s32 $0xFFFFA000  }
0x60e: {  	s6 =	sor.u32 s7, s25;
	v4 =	vld.idx.msk [tilespmem:v4+s18+$0x0], $0xffff  }
0x60f: {  	v3 =	vld [tilespmem:s6+$0x8C70]  }
0x610: {  	v5 =	vld [tilespmem:s6+$0x8800]  }
0x611: {  	v6 =	vld [tilespmem:s6+$0x8810]  }
0x612: {  	v7 =	vld [tilespmem:s6+$0x8820]  }
0x613: {  	v8 =	vld [tilespmem:s6+$0x8830]  }
0x614: {  	v9 =	vld [tilespmem:s6+$0x8840]  }
0x615: {  	v3 =	vmul.f32 v3, v4  }
0x616: {  	v10 =	vld [tilespmem:s6+$0x8850];
	v5 =	vmul.f32 v5, v4  }
0x617: {  	v11 =	vld [tilespmem:s6+$0x8860];
	[tilespmem:s6+$0x8C70] =	vst v3;
	v3 =	vmul.f32 v6, v4  }
0x618: {  	[tilespmem:s6+$0x8800] =	vst v5;
	v5 =	vld [tilespmem:s6+$0x8870];
	v6 =	vmul.f32 v7, v4  }
0x619: {  	v12 =	vld [tilespmem:s6+$0x8C40];
	[tilespmem:s6+$0x8810] =	vst v3;
	v3 =	vmul.f32 v8, v4;
	v8 =	vmul.f32 v9, v4  }
0x61a: {  	s26 =	simm.s32 $0x1261;
	v7 =	vld [tilespmem:s6+$0x8C00];
	[tilespmem:s6+$0x8820] =	vst v6  }
0x61b: {  	v6 =	vld [tilespmem:s6+$0x8C10];
	[tilespmem:s6+$0x8840] =	vst v8;
	v8 =	vmov s26  }
0x61c: {  	v11 =	vmul.f32 v11, v4;
	v9 =	vld [tilespmem:s6+$0x8C20]  }
0x61d: {  	[tilespmem:s6+$0x8830] =	vst v3;
	v3 =	vmul.f32 v10, v4;
	v10 =	vld [tilespmem:s6+$0x8C30];
	v5 =	vmul.f32 v5, v4  }
0x61e: {  	v14 =	vld [tilespmem:s6+$0x8880];
	[tilespmem:s6+$0x8860] =	vst v11  }
0x61f: {  	v11 =	vld [tilespmem:s6+$0x8C50];
	[tilespmem:s6+$0x8870] =	vst v5;
	v5 =	vmul.f32 v7, v4  }
0x620: {  	[tilespmem:s6+$0x8850] =	vst v3;
	v6 =	vmul.f32 v6, v4;
	v3 =	vld.idx.msk [tilespmem:v8+s18+$0x0], $0xffff  }
0x621: {  	v13 =	vld [tilespmem:s6+$0x8C60];
	[tilespmem:s6+$0x8C00] =	vst v5;
	v5 =	vmul.f32 v9, v4  }
0x622: {  	v9 =	vld [tilespmem:s6+$0x8890];
	[tilespmem:s6+$0x8C10] =	vst v6;
	v6 =	vmul.f32 v10, v4  }
0x623: {  	v15 =	vld [tilespmem:s6+$0x88A0];
	[tilespmem:s6+$0x8C20] =	vst v5;
	v5 =	vmul.f32 v12, v4  }
0x624: {  	v8 =	vld [tilespmem:s6+$0x88B0];
	[tilespmem:s6+$0x8C30] =	vst v6;
	v6 =	vmul.f32 v11, v4  }
0x625: {  	v7 =	vld [tilespmem:s6+$0x88C0];
	[tilespmem:s6+$0x8C40] =	vst v5;
	v10 =	vmul.f32 v14, v3  }
0x626: {  	v11 =	vmul.f32 v13, v4;
	v5 =	vld [tilespmem:s6+$0x88D0];
	[tilespmem:s6+$0x8C50] =	vst v6  }
0x627: {  	v4 =	vld [tilespmem:s6+$0x88E0];
	[tilespmem:s6+$0x8880] =	vst v10;
	v10 =	vmul.f32 v9, v3  }
0x628: {  	s7 =	simm.s32 $0x0;
	s10 =	simm.s32 $0x0;
	[tilespmem:s6+$0x8C60] =	vst v11;
	v6 =	vld [tilespmem:s6+$0x88F0];
	v9 =	vmul.f32 v15, v3  }
.LBB2_22:
0x629: {  	s11 =	sadd.s32 $0x1262, s7;
	[tilespmem:s6+$0x8890] =	vst v10;
	v8 =	vmul.f32 v8, v3;
	v10 =	vld [tilespmem:s6+$0x8C80];
	s12 =	smov.u32 s7;
	s7 =	sadd.s32 $0x2, s7  }
0x62a: {  	v11 =	vmov s11;
	p0 =	slt.u32 s7, $0x5E;
	[tilespmem:s6+$0x88A0] =	vst v9;
	v7 =	vmul.f32 v7, v3;
	v9 =	vld [tilespmem:s6+$0x8C90]  }
0x62b: {  	s11 =	sadd.s32 $0x1263, s12;
	v11 =	vand.u32 $0xFFFFFFFE, v11;
	[tilespmem:s6+$0x88B0] =	vst v8;
	v5 =	vmul.f32 v5, v3;
	v8 =	vld [tilespmem:s6+$0x8CA0]  }
0x62c: {  	v12 =	vmov s11;
	v11 =	vbroadcast v11, $0x0;
	[tilespmem:s6+$0x88C0] =	vst v7;
	v4 =	vmul.f32 v4, v3;
	v7 =	vld [tilespmem:s6+$0x8CB0]  }
0x62d: {  	[tilespmem:s6+$0x88D0] =	vst v5;
	v5 =	vmul.f32 v6, v3;
	v6 =	vld [tilespmem:s6+$0x8CC0]  }
0x62e: {  	[tilespmem:s6+$0x88E0] =	vst v4;
	v4 =	vmul.f32 v10, v3;
	v10 =	vld [tilespmem:s6+$0x8CD0]  }
0x62f: {  	[tilespmem:s6+$0x88F0] =	vst v5;
	v5 =	vmul.f32 v9, v3;
	v9 =	vld [tilespmem:s6+$0x8CE0]  }
0x630: {  	s2 =	sadd.s32 $0x100, s2;
	s10 =	sadd.s32 $0x200, s10;
	[tilespmem:s6+$0x8C80] =	vst v4;
	v4 =	vmul.f32 v8, v3;
	v8 =	vld [tilespmem:s6+$0x8CF0]  }
0x631: {  	s12 =	sand.u32 $0x300, s2;
	s11 =	sand.u32 $0x7800, s10;
	v12 =	vld.idx.msk [tilespmem:v12+s18+$0x0], $0xffff;
	[tilespmem:s6+$0x8C90] =	vst v5;
	v5 =	vmul.f32 v7, v3  }
0x632: {  	s11 =	sor.u32 s12, s11;
	v7 =	vld.idx.msk [tilespmem:v11+s18+$0x0], $0xffff;
	[tilespmem:s6+$0x8CA0] =	vst v4;
	v4 =	vmul.f32 v6, v3  }
0x633: {  	v6 =	vld [tilespmem:s11+$0x8C70];
	[tilespmem:s6+$0x8CB0] =	vst v5;
	v5 =	vmul.f32 v10, v3  }
0x634: {  	v10 =	vld [tilespmem:s11+$0x8800];
	[tilespmem:s6+$0x8CC0] =	vst v4;
	v4 =	vmul.f32 v9, v3  }
0x635: {  	v9 =	vld [tilespmem:s11+$0x8810];
	[tilespmem:s6+$0x8CD0] =	vst v5;
	v8 =	vmul.f32 v8, v3  }
0x636: {  	v5 =	vld [tilespmem:s11+$0x8820];
	[tilespmem:s6+$0x8CE0] =	vst v4  }
0x637: {  	v3 =	vmov v12;
	v4 =	vld [tilespmem:s11+$0x8830];
	[tilespmem:s6+$0x8CF0] =	vst v8;
	s6 =	smov.u32 s11  }
0x638: {  	v8 =	vld [tilespmem:s6+$0x8840];
	v6 =	vmul.f32 v6, v7  }
0x639: {  	v10 =	vmul.f32 v10, v7;
	v11 =	vld [tilespmem:s6+$0x8850]  }
0x63a: {  	v9 =	vmul.f32 v9, v7;
	v12 =	vld [tilespmem:s6+$0x8860];
	[tilespmem:s6+$0x8C70] =	vst v6  }
0x63b: {  	[tilespmem:s6+$0x8800] =	vst v10;
	v5 =	vmul.f32 v5, v7;
	v6 =	vld [tilespmem:s6+$0x8870]  }
0x63c: {  	[tilespmem:s6+$0x8810] =	vst v9;
	v4 =	vmul.f32 v4, v7;
	v9 =	vld [tilespmem:s6+$0x8C00]  }
0x63d: {  	[tilespmem:s6+$0x8820] =	vst v5;
	v5 =	vmul.f32 v8, v7;
	v8 =	vld [tilespmem:s6+$0x8C10]  }
0x63e: {  	[tilespmem:s6+$0x8830] =	vst v4;
	v4 =	vmul.f32 v11, v7;
	v10 =	vld [tilespmem:s6+$0x8C20]  }
0x63f: {  	[tilespmem:s6+$0x8840] =	vst v5;
	v5 =	vmul.f32 v12, v7;
	v11 =	vld [tilespmem:s6+$0x8C30]  }
0x640: {  	[tilespmem:s6+$0x8850] =	vst v4;
	v4 =	vmul.f32 v6, v7;
	v6 =	vld [tilespmem:s6+$0x8C40]  }
0x641: {  	[tilespmem:s6+$0x8860] =	vst v5;
	v5 =	vmul.f32 v9, v7;
	v9 =	vld [tilespmem:s6+$0x8C50]  }
0x642: {  	[tilespmem:s6+$0x8870] =	vst v4;
	v4 =	vmul.f32 v8, v7;
	v12 =	vld [tilespmem:s6+$0x8C60]  }
0x643: {  	[tilespmem:s6+$0x8C00] =	vst v5;
	v5 =	vmul.f32 v10, v7;
	v10 =	vld [tilespmem:s6+$0x8880]  }
0x644: {  	[tilespmem:s6+$0x8C10] =	vst v4;
	v4 =	vmul.f32 v11, v7;
	v11 =	vld [tilespmem:s6+$0x8890]  }
0x645: {  	[tilespmem:s6+$0x8C20] =	vst v5;
	v5 =	vmul.f32 v6, v7;
	v6 =	vld [tilespmem:s6+$0x88A0]  }
.Ltmp10:
0x646: {  	[tilespmem:s6+$0x8C30] =	vst v4;
	v4 =	vmul.f32 v9, v7;
	v8 =	vld [tilespmem:s6+$0x88B0];
	(pc) =	sbr.rel @p0 .LBB2_22-.Ltmp10, $4  }
0x647: {  	[tilespmem:s6+$0x8C40] =	vst v5;
	v9 =	vmul.f32 v12, v7;
	v7 =	vld [tilespmem:s6+$0x88C0]  }
0x648: {  	[tilespmem:s6+$0x8C50] =	vst v4;
	v12 =	vmul.f32 v10, v3;
	v5 =	vld [tilespmem:s6+$0x88D0]  }
0x649: {  	[tilespmem:s6+$0x8C60] =	vst v9;
	v10 =	vmul.f32 v11, v3;
	v4 =	vld [tilespmem:s6+$0x88E0]  }
0x64a: {  	[tilespmem:s6+$0x8880] =	vst v12;
	v9 =	vmul.f32 v6, v3;
	v6 =	vld [tilespmem:s6+$0x88F0]  }
0x64b: {  	[tilespmem:s6+$0x8890] =	vst v10;
	v10 =	vld [tilespmem:s6+$0x8C80];
	v8 =	vmul.f32 v8, v3  }
0x64c: {  	[tilespmem:s6+$0x88A0] =	vst v9;
	v9 =	vld [tilespmem:s6+$0x8C90];
	v7 =	vmul.f32 v7, v3  }
0x64d: {  	[tilespmem:s6+$0x88B0] =	vst v8;
	v8 =	vld [tilespmem:s6+$0x8CA0];
	v5 =	vmul.f32 v5, v3  }
0x64e: {  	[tilespmem:s6+$0x88C0] =	vst v7;
	v7 =	vld [tilespmem:s6+$0x8CB0];
	v4 =	vmul.f32 v4, v3  }
0x64f: {  	[tilespmem:s6+$0x88D0] =	vst v5;
	v5 =	vld [tilespmem:s6+$0x8CC0];
	v6 =	vmul.f32 v6, v3  }
0x650: {  	[tilespmem:s6+$0x88E0] =	vst v4;
	v4 =	vld [tilespmem:s6+$0x8CD0];
	v10 =	vmul.f32 v10, v3  }
0x651: {  	[tilespmem:s6+$0x88F0] =	vst v6;
	v6 =	vld [tilespmem:s6+$0x8CE0];
	v9 =	vmul.f32 v9, v3  }
0x652: {  	[tilespmem:s6+$0x8C80] =	vst v10;
	v8 =	vmul.f32 v8, v3;
	v10 =	vld [tilespmem:s6+$0x8CF0]  }
0x653: {  	[tilespmem:s6+$0x8C90] =	vst v9;
	v7 =	vmul.f32 v7, v3  }
0x654: {  	[tilespmem:s6+$0x8CA0] =	vst v8;
	v5 =	vmul.f32 v5, v3  }
0x655: {  	[tilespmem:s6+$0x8CB0] =	vst v7;
	v4 =	vmul.f32 v4, v3  }
0x656: {  	[tilespmem:s6+$0x8CC0] =	vst v5;
	v5 =	vmul.f32 v6, v3  }
0x657: {  	[tilespmem:s6+$0x8CD0] =	vst v4;
	v3 =	vmul.f32 v10, v3  }
0x658: {  	[tilespmem:s6+$0x8CE0] =	vst v5  }
0x659: {  	[tilespmem:s6+$0x8CF0] =	vst v3  }
0x65a: {  	s2 =	simm.s32 $0x0;
	s6 =	rddreg [dreg:$0xb]  }
0x65b: {  	[hbm4b:s6+s2] =	stream.linear.scatter [tilespmem:s0], [sflag:$0x6], $0x6000, $0x38;
	[tilespmem:$0x1A800] =	vst v63  }
0x65c: {  	_ =	swait.ge [sflag:s17], $0x6000  }
0x65d: {  	[sflag:s17] =	ssyncset.done $0x0  }
0x65e: {  	[sflag:s17] =	ssyncadd.s32 $0xFFFFA000  }
0x65f: {  	v3 =	vld [tilespmem:$0x1320];
	_ =	sdelay $0x4  }
0x660: {  	v4 =	vshll.u32 v3, $0x1  }
0x661: {  	v3 =	vand.u32 $0x7, v3;
	v4 =	vand.u32 $0xFFFFFFF0, v4  }
0x662: {  	v3 =	vor.u32 v3, v4  }
0x663: {  	v4 =	vperm.xlane v3, v0;
	_ =	sdelay $0x1  }
0x664: {  	v3 =	vperm.xlane v3, v2;
	v4 =	vadd.s32 v1, v4;
	_ =	sdelay $0x1  }
0x665: {  	v3 =	vadd.s32 v1, v3;
	_ =	sdelay $0x2  }
0x666: {  	[tilespmem:s9], [sflag:$0x4] =	stream.indirect_vreg.gather [hbm4b:s1+s2], $0x80, v4, vm0, $0xb8;
	[tilespmem:$0x1A800] =	vst v63  }
0x667: {  	s25 =	simm.s32 $0x15000  }
0x668: {  	[tilespmem:s25], [sflag:$0x4] =	stream.indirect_vreg.gather [hbm4b:s1+s2], $0x80, v3, vm0, $0xb8;
	[tilespmem:$0x1A800] =	vst v63  }
0x669: {  	v3 =	vld [tilespmem:$0x1330];
	_ =	sdelay $0x4  }
0x66a: {  	v4 =	vshll.u32 v3, $0x1  }
0x66b: {  	v3 =	vand.u32 $0x7, v3;
	v4 =	vand.u32 $0xFFFFFFF0, v4  }
0x66c: {  	v3 =	vor.u32 v3, v4  }
0x66d: {  	v4 =	vperm.xlane v3, v0;
	_ =	sdelay $0x1  }
0x66e: {  	v3 =	vperm.xlane v3, v2;
	v4 =	vadd.s32 v1, v4;
	_ =	sdelay $0x1  }
0x66f: {  	v3 =	vadd.s32 v1, v3;
	_ =	sdelay $0x1  }
0x670: {  	s26 =	simm.s32 $0x15800  }
0x671: {  	[tilespmem:s26], [sflag:$0x4] =	stream.indirect_vreg.gather [hbm4b:s1+s2], $0x80, v4, vm0, $0xb8;
	[tilespmem:$0x1A800] =	vst v63  }
0x672: {  	s7 =	simm.s32 $0x16000  }
0x673: {  	[tilespmem:s7], [sflag:$0x4] =	stream.indirect_vreg.gather [hbm4b:s1+s2], $0x80, v3, vm0, $0xb8;
	[tilespmem:$0x1A800] =	vst v63  }
0x674: {  	v3 =	vld [tilespmem:$0x1340];
	_ =	sdelay $0x4  }
0x675: {  	v4 =	vshll.u32 v3, $0x1  }
0x676: {  	v3 =	vand.u32 $0x7, v3;
	v4 =	vand.u32 $0xFFFFFFF0, v4  }
0x677: {  	v3 =	vor.u32 v3, v4  }
0x678: {  	v4 =	vperm.xlane v3, v0;
	_ =	sdelay $0x1  }
0x679: {  	v3 =	vperm.xlane v3, v2;
	v4 =	vadd.s32 v1, v4;
	_ =	sdelay $0x1  }
0x67a: {  	v3 =	vadd.s32 v1, v3;
	_ =	sdelay $0x1  }
0x67b: {  	s10 =	simm.s32 $0x16800  }
0x67c: {  	[tilespmem:s10], [sflag:$0x4] =	stream.indirect_vreg.gather [hbm4b:s1+s2], $0x80, v4, vm0, $0xb8;
	[tilespmem:$0x1A800] =	vst v63  }
0x67d: {  	s11 =	simm.s32 $0x17000  }
0x67e: {  	[tilespmem:s11], [sflag:$0x4] =	stream.indirect_vreg.gather [hbm4b:s1+s2], $0x80, v3, vm0, $0xb8;
	[tilespmem:$0x1A800] =	vst v63  }
0x67f: {  	v3 =	vld [tilespmem:$0x1350];
	_ =	sdelay $0x4  }
0x680: {  	v4 =	vshll.u32 v3, $0x1  }
0x681: {  	v3 =	vand.u32 $0x7, v3;
	v4 =	vand.u32 $0xFFFFFFF0, v4  }
0x682: {  	v3 =	vor.u32 v3, v4  }
0x683: {  	v4 =	vperm.xlane v3, v0;
	_ =	sdelay $0x1  }
0x684: {  	v3 =	vperm.xlane v3, v2;
	v4 =	vadd.s32 v1, v4;
	_ =	sdelay $0x1  }
0x685: {  	v3 =	vadd.s32 v1, v3;
	_ =	sdelay $0x1  }
0x686: {  	s12 =	simm.s32 $0x17800  }
0x687: {  	[tilespmem:s12], [sflag:$0x4] =	stream.indirect_vreg.gather [hbm4b:s1+s2], $0x80, v4, vm0, $0xb8;
	[tilespmem:$0x1A800] =	vst v63  }
0x688: {  	s13 =	simm.s32 $0x18000  }
0x689: {  	[tilespmem:s13], [sflag:$0x4] =	stream.indirect_vreg.gather [hbm4b:s1+s2], $0x80, v3, vm0, $0xb8;
	[tilespmem:$0x1A800] =	vst v63  }
0x68a: {  	v3 =	vld [tilespmem:$0x1360];
	_ =	sdelay $0x4  }
0x68b: {  	v4 =	vshll.u32 v3, $0x1  }
0x68c: {  	v3 =	vand.u32 $0x7, v3;
	v4 =	vand.u32 $0xFFFFFFF0, v4  }
0x68d: {  	v3 =	vor.u32 v3, v4  }
0x68e: {  	v4 =	vperm.xlane v3, v0;
	_ =	sdelay $0x1  }
0x68f: {  	v3 =	vperm.xlane v3, v2;
	v4 =	vadd.s32 v1, v4;
	_ =	sdelay $0x1  }
0x690: {  	v3 =	vadd.s32 v1, v3;
	_ =	sdelay $0x1  }
0x691: {  	s14 =	simm.s32 $0x18800  }
0x692: {  	[tilespmem:s14], [sflag:$0x4] =	stream.indirect_vreg.gather [hbm4b:s1+s2], $0x80, v4, vm0, $0xb8;
	[tilespmem:$0x1A800] =	vst v63  }
0x693: {  	s15 =	simm.s32 $0x19000  }
0x694: {  	[tilespmem:s15], [sflag:$0x4] =	stream.indirect_vreg.gather [hbm4b:s1+s2], $0x80, v3, vm0, $0xb8;
	[tilespmem:$0x1A800] =	vst v63  }
0x695: {  	v3 =	vld [tilespmem:$0x1370];
	_ =	sdelay $0x4  }
0x696: {  	v4 =	vshll.u32 v3, $0x1  }
0x697: {  	v3 =	vand.u32 $0x7, v3;
	v4 =	vand.u32 $0xFFFFFFF0, v4  }
0x698: {  	v3 =	vor.u32 v3, v4  }
0x699: {  	v4 =	vperm.xlane v3, v0;
	_ =	sdelay $0x1  }
0x69a: {  	v3 =	vperm.xlane v3, v2;
	v4 =	vadd.s32 v1, v4;
	_ =	sdelay $0x1  }
0x69b: {  	s16 =	simm.s32 $0x12C0;
	v3 =	vadd.s32 v1, v3  }
0x69c: {  	v5 =	vmov s16  }
0x69d: {  	s23 =	simm.s32 $0x19800;
	v5 =	vand.u32 $0xFFFFFFFE, v5  }
0x69e: {  	[tilespmem:s23], [sflag:$0x4] =	stream.indirect_vreg.gather [hbm4b:s1+s2], $0x80, v4, vm0, $0xb8;
	v4 =	vbroadcast v5, $0x0;
	[tilespmem:$0x1A800] =	vst v63  }
0x69f: {  	s24 =	simm.s32 $0x1A000  }
0x6a0: {  	[tilespmem:s24], [sflag:$0x4] =	stream.indirect_vreg.gather [hbm4b:s1+s2], $0x80, v3, vm0, $0xb8;
	[tilespmem:$0x1A800] =	vst v63  }
0x6a1: {  	_ =	swait.ge [sflag:s28], $0x6000  }
0x6a2: {  	[sflag:s28] =	ssyncset.done $0x0  }
0x6a3: {  	s25 =	sand.u32 $0x7800, s2;
	s7 =	sand.u32 $0x300, s2;
	[sflag:s28] =	ssyncadd.s32 $0xFFFFA000  }
0x6a4: {  	s6 =	sor.u32 s7, s25;
	v4 =	vld.idx.msk [tilespmem:v4+s18+$0x0], $0xffff  }
0x6a5: {  	v3 =	vld [tilespmem:s6+$0xEC70]  }
0x6a6: {  	v5 =	vld [tilespmem:s6+$0xE800]  }
0x6a7: {  	v6 =	vld [tilespmem:s6+$0xE810]  }
0x6a8: {  	v7 =	vld [tilespmem:s6+$0xE820]  }
0x6a9: {  	v8 =	vld [tilespmem:s6+$0xE830]  }
0x6aa: {  	v9 =	vld [tilespmem:s6+$0xE840]  }
0x6ab: {  	v3 =	vmul.f32 v3, v4  }
0x6ac: {  	v10 =	vld [tilespmem:s6+$0xE850];
	v5 =	vmul.f32 v5, v4  }
0x6ad: {  	v11 =	vld [tilespmem:s6+$0xE860];
	[tilespmem:s6+$0xEC70] =	vst v3;
	v3 =	vmul.f32 v6, v4  }
0x6ae: {  	[tilespmem:s6+$0xE800] =	vst v5;
	v5 =	vld [tilespmem:s6+$0xE870];
	v6 =	vmul.f32 v7, v4  }
0x6af: {  	v12 =	vld [tilespmem:s6+$0xEC40];
	[tilespmem:s6+$0xE810] =	vst v3;
	v3 =	vmul.f32 v8, v4;
	v8 =	vmul.f32 v9, v4  }
0x6b0: {  	s26 =	simm.s32 $0x12C1;
	v7 =	vld [tilespmem:s6+$0xEC00];
	[tilespmem:s6+$0xE820] =	vst v6  }
0x6b1: {  	v6 =	vld [tilespmem:s6+$0xEC10];
	[tilespmem:s6+$0xE840] =	vst v8;
	v8 =	vmov s26  }
0x6b2: {  	v11 =	vmul.f32 v11, v4;
	v9 =	vld [tilespmem:s6+$0xEC20]  }
0x6b3: {  	[tilespmem:s6+$0xE830] =	vst v3;
	v3 =	vmul.f32 v10, v4;
	v10 =	vld [tilespmem:s6+$0xEC30];
	v5 =	vmul.f32 v5, v4  }
0x6b4: {  	v14 =	vld [tilespmem:s6+$0xE880];
	[tilespmem:s6+$0xE860] =	vst v11  }
0x6b5: {  	v11 =	vld [tilespmem:s6+$0xEC50];
	[tilespmem:s6+$0xE870] =	vst v5;
	v5 =	vmul.f32 v7, v4  }
0x6b6: {  	[tilespmem:s6+$0xE850] =	vst v3;
	v6 =	vmul.f32 v6, v4;
	v3 =	vld.idx.msk [tilespmem:v8+s18+$0x0], $0xffff  }
0x6b7: {  	v13 =	vld [tilespmem:s6+$0xEC60];
	[tilespmem:s6+$0xEC00] =	vst v5;
	v5 =	vmul.f32 v9, v4  }
0x6b8: {  	v9 =	vld [tilespmem:s6+$0xE890];
	[tilespmem:s6+$0xEC10] =	vst v6;
	v6 =	vmul.f32 v10, v4  }
0x6b9: {  	v15 =	vld [tilespmem:s6+$0xE8A0];
	[tilespmem:s6+$0xEC20] =	vst v5;
	v5 =	vmul.f32 v12, v4  }
0x6ba: {  	v8 =	vld [tilespmem:s6+$0xE8B0];
	[tilespmem:s6+$0xEC30] =	vst v6;
	v6 =	vmul.f32 v11, v4  }
0x6bb: {  	v7 =	vld [tilespmem:s6+$0xE8C0];
	[tilespmem:s6+$0xEC40] =	vst v5;
	v10 =	vmul.f32 v14, v3  }
0x6bc: {  	v11 =	vmul.f32 v13, v4;
	v5 =	vld [tilespmem:s6+$0xE8D0];
	[tilespmem:s6+$0xEC50] =	vst v6  }
0x6bd: {  	v4 =	vld [tilespmem:s6+$0xE8E0];
	[tilespmem:s6+$0xE880] =	vst v10;
	v10 =	vmul.f32 v9, v3  }
0x6be: {  	s7 =	simm.s32 $0x0;
	s10 =	simm.s32 $0x0;
	[tilespmem:s6+$0xEC60] =	vst v11;
	v6 =	vld [tilespmem:s6+$0xE8F0];
	v9 =	vmul.f32 v15, v3  }
.LBB2_24:
0x6bf: {  	s11 =	sadd.s32 $0x12C2, s7;
	[tilespmem:s6+$0xE890] =	vst v10;
	v8 =	vmul.f32 v8, v3;
	v10 =	vld [tilespmem:s6+$0xEC80];
	s12 =	smov.u32 s7;
	s7 =	sadd.s32 $0x2, s7  }
0x6c0: {  	v11 =	vmov s11;
	p0 =	slt.u32 s7, $0x5E;
	[tilespmem:s6+$0xE8A0] =	vst v9;
	v7 =	vmul.f32 v7, v3;
	v9 =	vld [tilespmem:s6+$0xEC90]  }
0x6c1: {  	s11 =	sadd.s32 $0x12C3, s12;
	v11 =	vand.u32 $0xFFFFFFFE, v11;
	[tilespmem:s6+$0xE8B0] =	vst v8;
	v5 =	vmul.f32 v5, v3;
	v8 =	vld [tilespmem:s6+$0xECA0]  }
0x6c2: {  	v12 =	vmov s11;
	v11 =	vbroadcast v11, $0x0;
	[tilespmem:s6+$0xE8C0] =	vst v7;
	v4 =	vmul.f32 v4, v3;
	v7 =	vld [tilespmem:s6+$0xECB0]  }
0x6c3: {  	[tilespmem:s6+$0xE8D0] =	vst v5;
	v5 =	vmul.f32 v6, v3;
	v6 =	vld [tilespmem:s6+$0xECC0]  }
0x6c4: {  	[tilespmem:s6+$0xE8E0] =	vst v4;
	v4 =	vmul.f32 v10, v3;
	v10 =	vld [tilespmem:s6+$0xECD0]  }
0x6c5: {  	[tilespmem:s6+$0xE8F0] =	vst v5;
	v5 =	vmul.f32 v9, v3;
	v9 =	vld [tilespmem:s6+$0xECE0]  }
0x6c6: {  	s2 =	sadd.s32 $0x100, s2;
	s10 =	sadd.s32 $0x200, s10;
	[tilespmem:s6+$0xEC80] =	vst v4;
	v4 =	vmul.f32 v8, v3;
	v8 =	vld [tilespmem:s6+$0xECF0]  }
0x6c7: {  	s12 =	sand.u32 $0x300, s2;
	s11 =	sand.u32 $0x7800, s10;
	v12 =	vld.idx.msk [tilespmem:v12+s18+$0x0], $0xffff;
	[tilespmem:s6+$0xEC90] =	vst v5;
	v5 =	vmul.f32 v7, v3  }
0x6c8: {  	s11 =	sor.u32 s12, s11;
	v7 =	vld.idx.msk [tilespmem:v11+s18+$0x0], $0xffff;
	[tilespmem:s6+$0xECA0] =	vst v4;
	v4 =	vmul.f32 v6, v3  }
0x6c9: {  	v6 =	vld [tilespmem:s11+$0xEC70];
	[tilespmem:s6+$0xECB0] =	vst v5;
	v5 =	vmul.f32 v10, v3  }
0x6ca: {  	v10 =	vld [tilespmem:s11+$0xE800];
	[tilespmem:s6+$0xECC0] =	vst v4;
	v4 =	vmul.f32 v9, v3  }
0x6cb: {  	v9 =	vld [tilespmem:s11+$0xE810];
	[tilespmem:s6+$0xECD0] =	vst v5;
	v8 =	vmul.f32 v8, v3  }
0x6cc: {  	v5 =	vld [tilespmem:s11+$0xE820];
	[tilespmem:s6+$0xECE0] =	vst v4  }
0x6cd: {  	v3 =	vmov v12;
	v4 =	vld [tilespmem:s11+$0xE830];
	[tilespmem:s6+$0xECF0] =	vst v8;
	s6 =	smov.u32 s11  }
0x6ce: {  	v8 =	vld [tilespmem:s6+$0xE840];
	v6 =	vmul.f32 v6, v7  }
0x6cf: {  	v10 =	vmul.f32 v10, v7;
	v11 =	vld [tilespmem:s6+$0xE850]  }
0x6d0: {  	v9 =	vmul.f32 v9, v7;
	v12 =	vld [tilespmem:s6+$0xE860];
	[tilespmem:s6+$0xEC70] =	vst v6  }
0x6d1: {  	[tilespmem:s6+$0xE800] =	vst v10;
	v5 =	vmul.f32 v5, v7;
	v6 =	vld [tilespmem:s6+$0xE870]  }
0x6d2: {  	[tilespmem:s6+$0xE810] =	vst v9;
	v4 =	vmul.f32 v4, v7;
	v9 =	vld [tilespmem:s6+$0xEC00]  }
0x6d3: {  	[tilespmem:s6+$0xE820] =	vst v5;
	v5 =	vmul.f32 v8, v7;
	v8 =	vld [tilespmem:s6+$0xEC10]  }
0x6d4: {  	[tilespmem:s6+$0xE830] =	vst v4;
	v4 =	vmul.f32 v11, v7;
	v10 =	vld [tilespmem:s6+$0xEC20]  }
0x6d5: {  	[tilespmem:s6+$0xE840] =	vst v5;
	v5 =	vmul.f32 v12, v7;
	v11 =	vld [tilespmem:s6+$0xEC30]  }
0x6d6: {  	[tilespmem:s6+$0xE850] =	vst v4;
	v4 =	vmul.f32 v6, v7;
	v6 =	vld [tilespmem:s6+$0xEC40]  }
0x6d7: {  	[tilespmem:s6+$0xE860] =	vst v5;
	v5 =	vmul.f32 v9, v7;
	v9 =	vld [tilespmem:s6+$0xEC50]  }
0x6d8: {  	[tilespmem:s6+$0xE870] =	vst v4;
	v4 =	vmul.f32 v8, v7;
	v12 =	vld [tilespmem:s6+$0xEC60]  }
0x6d9: {  	[tilespmem:s6+$0xEC00] =	vst v5;
	v5 =	vmul.f32 v10, v7;
	v10 =	vld [tilespmem:s6+$0xE880]  }
0x6da: {  	[tilespmem:s6+$0xEC10] =	vst v4;
	v4 =	vmul.f32 v11, v7;
	v11 =	vld [tilespmem:s6+$0xE890]  }
0x6db: {  	[tilespmem:s6+$0xEC20] =	vst v5;
	v5 =	vmul.f32 v6, v7;
	v6 =	vld [tilespmem:s6+$0xE8A0]  }
.Ltmp11:
0x6dc: {  	[tilespmem:s6+$0xEC30] =	vst v4;
	v4 =	vmul.f32 v9, v7;
	v8 =	vld [tilespmem:s6+$0xE8B0];
	(pc) =	sbr.rel @p0 .LBB2_24-.Ltmp11, $4  }
0x6dd: {  	[tilespmem:s6+$0xEC40] =	vst v5;
	v9 =	vmul.f32 v12, v7;
	v7 =	vld [tilespmem:s6+$0xE8C0]  }
0x6de: {  	[tilespmem:s6+$0xEC50] =	vst v4;
	v12 =	vmul.f32 v10, v3;
	v5 =	vld [tilespmem:s6+$0xE8D0]  }
0x6df: {  	[tilespmem:s6+$0xEC60] =	vst v9;
	v10 =	vmul.f32 v11, v3;
	v4 =	vld [tilespmem:s6+$0xE8E0]  }
0x6e0: {  	[tilespmem:s6+$0xE880] =	vst v12;
	v9 =	vmul.f32 v6, v3;
	v6 =	vld [tilespmem:s6+$0xE8F0]  }
0x6e1: {  	[tilespmem:s6+$0xE890] =	vst v10;
	v10 =	vld [tilespmem:s6+$0xEC80];
	v8 =	vmul.f32 v8, v3  }
0x6e2: {  	[tilespmem:s6+$0xE8A0] =	vst v9;
	v9 =	vld [tilespmem:s6+$0xEC90];
	v7 =	vmul.f32 v7, v3  }
0x6e3: {  	[tilespmem:s6+$0xE8B0] =	vst v8;
	v8 =	vld [tilespmem:s6+$0xECA0];
	v5 =	vmul.f32 v5, v3  }
0x6e4: {  	[tilespmem:s6+$0xE8C0] =	vst v7;
	v7 =	vld [tilespmem:s6+$0xECB0];
	v4 =	vmul.f32 v4, v3  }
0x6e5: {  	[tilespmem:s6+$0xE8D0] =	vst v5;
	v5 =	vld [tilespmem:s6+$0xECC0];
	v6 =	vmul.f32 v6, v3  }
0x6e6: {  	[tilespmem:s6+$0xE8E0] =	vst v4;
	v4 =	vld [tilespmem:s6+$0xECD0];
	v10 =	vmul.f32 v10, v3  }
0x6e7: {  	[tilespmem:s6+$0xE8F0] =	vst v6;
	v6 =	vld [tilespmem:s6+$0xECE0];
	v9 =	vmul.f32 v9, v3  }
0x6e8: {  	[tilespmem:s6+$0xEC80] =	vst v10;
	v8 =	vmul.f32 v8, v3;
	v10 =	vld [tilespmem:s6+$0xECF0]  }
0x6e9: {  	[tilespmem:s6+$0xEC90] =	vst v9;
	v7 =	vmul.f32 v7, v3  }
0x6ea: {  	[tilespmem:s6+$0xECA0] =	vst v8;
	v5 =	vmul.f32 v5, v3  }
0x6eb: {  	[tilespmem:s6+$0xECB0] =	vst v7;
	v4 =	vmul.f32 v4, v3  }
0x6ec: {  	[tilespmem:s6+$0xECC0] =	vst v5;
	v5 =	vmul.f32 v6, v3  }
0x6ed: {  	[tilespmem:s6+$0xECD0] =	vst v4;
	v3 =	vmul.f32 v10, v3  }
0x6ee: {  	[tilespmem:s6+$0xECE0] =	vst v5  }
0x6ef: {  	s2 =	simm.s32 $0x1320;
	[tilespmem:s6+$0xECF0] =	vst v3  }
0x6f0: {  	s6 =	simm.s32 $0x0;
	v3 =	vmov s2;
	s24 =	rddreg [dreg:$0xc]  }
0x6f1: {  	v3 =	vand.u32 $0xFFFFFFFE, v3;
	[hbm4b:s24+s6] =	stream.linear.scatter [tilespmem:s22], [sflag:$0x7], $0x6000, $0x38;
	[tilespmem:$0x1A800] =	vst v63  }
0x6f2: {  	v3 =	vbroadcast v3, $0x0;
	_ =	swait.ge [sflag:s29], $0x6000  }
0x6f3: {  	[sflag:s29] =	ssyncset.done $0x0  }
0x6f4: {  	[sflag:s29] =	ssyncadd.s32 $0xFFFFA000  }
0x6f5: {  	_ =	swait.ge [sflag:s19], $0x6000  }
0x6f6: {  	[sflag:s19] =	ssyncset.done $0x0  }
0x6f7: {  	s25 =	sand.u32 $0x7800, s6;
	s7 =	sand.u32 $0x300, s6;
	[sflag:s19] =	ssyncadd.s32 $0xFFFFA000  }
0x6f8: {  	s7 =	sor.u32 s7, s25;
	v3 =	vld.idx.msk [tilespmem:v3+s18+$0x0], $0xffff  }
0x6f9: {  	v4 =	vld [tilespmem:s7+$0x14800];
	_ =	sdelay $0x4  }
0x6fa: {  	v4 =	vmul.f32 v4, v3;
	_ =	sdelay $0x1  }
0x6fb: {  	s2 =	sadd.s32 $0x14800, s7;
	[tilespmem:s7+$0x14800] =	vst v4  }
0x6fc: {  	v4 =	vld [tilespmem:s2+$0x30]  }
0x6fd: {  	v6 =	vld [tilespmem:s2+$0x20]  }
0x6fe: {  	v5 =	vld [tilespmem:s2+$0x10]  }
0x6ff: {  	v8 =	vld [tilespmem:s2+$0x50];
	_ =	sdelay $0x1  }
0x700: {  	v7 =	vld [tilespmem:s2+$0x40];
	v4 =	vmul.f32 v4, v3  }
0x701: {  	v9 =	vld [tilespmem:s2+$0x60];
	v6 =	vmul.f32 v6, v3  }
0x702: {  	v10 =	vld [tilespmem:s2+$0x70];
	v5 =	vmul.f32 v5, v3;
	[tilespmem:s2+$0x30] =	vst v4  }
0x703: {  	v11 =	vld [tilespmem:s2+$0x410];
	[tilespmem:s2+$0x20] =	vst v6;
	v6 =	vmul.f32 v8, v3  }
0x704: {  	s26 =	simm.s32 $0x1321;
	v4 =	vld [tilespmem:s2+$0x400];
	[tilespmem:s2+$0x10] =	vst v5  }
0x705: {  	v12 =	vld [tilespmem:s2+$0x420];
	v5 =	vmul.f32 v7, v3;
	[tilespmem:s2+$0x50] =	vst v6;
	v6 =	vmov s26  }
0x706: {  	v13 =	vld [tilespmem:s2+$0x430]  }
0x707: {  	v8 =	vld [tilespmem:s2+$0x440];
	[tilespmem:s2+$0x40] =	vst v5;
	v5 =	vmul.f32 v9, v3  }
0x708: {  	v7 =	vld [tilespmem:s2+$0x450];
	v9 =	vmul.f32 v10, v3  }
0x709: {  	[tilespmem:s2+$0x60] =	vst v5;
	v5 =	vld [tilespmem:s2+$0x460];
	v10 =	vmul.f32 v4, v3  }
0x70a: {  	[tilespmem:s2+$0x70] =	vst v9;
	v9 =	vmul.f32 v11, v3;
	v4 =	vld.idx.msk [tilespmem:v6+s18+$0x0], $0xffff  }
0x70b: {  	[tilespmem:s2+$0x400] =	vst v10;
	v6 =	vld [tilespmem:s2+$0x470];
	v10 =	vmul.f32 v12, v3  }
0x70c: {  	s10 =	simm.s32 $0x0;
	s7 =	simm.s32 $0x0;
	v11 =	vld [tilespmem:s2+$0x80];
	[tilespmem:s2+$0x410] =	vst v9;
	v9 =	vmul.f32 v13, v3  }
.LBB2_26:
0x70d: {  	s11 =	sadd.s32 $0x1322, s7;
	[tilespmem:s2+$0x420] =	vst v10;
	v8 =	vmul.f32 v8, v3;
	v10 =	vld [tilespmem:s2+$0x90];
	s12 =	smov.u32 s7;
	s7 =	sadd.s32 $0x2, s7  }
0x70e: {  	v12 =	vmov s11;
	p0 =	slt.u32 s7, $0x5E;
	[tilespmem:s2+$0x430] =	vst v9;
	v7 =	vmul.f32 v7, v3;
	v9 =	vld [tilespmem:s2+$0xA0]  }
0x70f: {  	v12 =	vand.u32 $0xFFFFFFFE, v12;
	[tilespmem:s2+$0x440] =	vst v8;
	v5 =	vmul.f32 v5, v3;
	v8 =	vld [tilespmem:s2+$0xB0]  }
0x710: {  	v12 =	vbroadcast v12, $0x0;
	[tilespmem:s2+$0x450] =	vst v7;
	v3 =	vmul.f32 v6, v3;
	v6 =	vld [tilespmem:s2+$0xC0]  }
0x711: {  	[tilespmem:s2+$0x460] =	vst v5;
	v5 =	vmul.f32 v11, v4;
	v7 =	vld [tilespmem:s2+$0xD0]  }
0x712: {  	[tilespmem:s2+$0x470] =	vst v3;
	v3 =	vmul.f32 v10, v4;
	v10 =	vld [tilespmem:s2+$0xE0]  }
0x713: {  	[tilespmem:s2+$0x80] =	vst v5;
	v5 =	vmul.f32 v9, v4;
	v9 =	vld [tilespmem:s2+$0xF0]  }
0x714: {  	s6 =	sadd.s32 $0x100, s6;
	s10 =	sadd.s32 $0x200, s10;
	[tilespmem:s2+$0x90] =	vst v3;
	v8 =	vmul.f32 v8, v4;
	v11 =	vld [tilespmem:s2+$0x480]  }
0x715: {  	s11 =	sand.u32 $0x7800, s10;
	s13 =	sand.u32 $0x300, s6;
	[tilespmem:s2+$0xA0] =	vst v5;
	v5 =	vmul.f32 v6, v4;
	v6 =	vld [tilespmem:s2+$0x490]  }
0x716: {  	s11 =	sor.u32 s13, s11;
	v3 =	vld.idx.msk [tilespmem:v12+s18+$0x0], $0xffff;
	[tilespmem:s2+$0xB0] =	vst v8;
	v7 =	vmul.f32 v7, v4  }
0x717: {  	v8 =	vld [tilespmem:s11+$0x14800];
	[tilespmem:s2+$0xC0] =	vst v5;
	v5 =	vmul.f32 v10, v4  }
0x718: {  	s12 =	sadd.s32 $0x1323, s12;
	[tilespmem:s2+$0xD0] =	vst v7;
	v7 =	vmul.f32 v9, v4;
	v9 =	vld [tilespmem:s2+$0x4A0]  }
0x719: {  	v10 =	vmov s12;
	[tilespmem:s2+$0xE0] =	vst v5;
	v5 =	vmul.f32 v11, v4;
	v11 =	vld [tilespmem:s2+$0x4B0]  }
0x71a: {  	[tilespmem:s2+$0xF0] =	vst v7;
	v6 =	vmul.f32 v6, v4;
	v7 =	vld [tilespmem:s2+$0x4C0]  }
0x71b: {  	[tilespmem:s2+$0x480] =	vst v5;
	v5 =	vld [tilespmem:s2+$0x4D0]  }
0x71c: {  	v8 =	vmul.f32 v8, v3;
	[tilespmem:s2+$0x490] =	vst v6;
	v6 =	vld [tilespmem:s2+$0x4E0]  }
0x71d: {  	v9 =	vmul.f32 v9, v4;
	v12 =	vld [tilespmem:s2+$0x4F0]  }
0x71e: {  	s12 =	sadd.s32 $0x14800, s11;
	[tilespmem:s11+$0x14800] =	vst v8;
	v8 =	vld.idx.msk [tilespmem:v10+s18+$0x0], $0xffff;
	v10 =	vmul.f32 v11, v4  }
0x71f: {  	v11 =	vld [tilespmem:s12+$0x30];
	[tilespmem:s2+$0x4A0] =	vst v9;
	v7 =	vmul.f32 v7, v4  }
0x720: {  	v9 =	vld [tilespmem:s12+$0x10];
	[tilespmem:s2+$0x4B0] =	vst v10;
	v5 =	vmul.f32 v5, v4  }
0x721: {  	v10 =	vld [tilespmem:s12+$0x20];
	[tilespmem:s2+$0x4C0] =	vst v7;
	v6 =	vmul.f32 v6, v4  }
0x722: {  	v7 =	vld [tilespmem:s12+$0x40];
	[tilespmem:s2+$0x4D0] =	vst v5;
	v12 =	vmul.f32 v12, v4  }
0x723: {  	v5 =	vld [tilespmem:s12+$0x50];
	[tilespmem:s2+$0x4E0] =	vst v6  }
0x724: {  	v4 =	vmov v8;
	v6 =	vmul.f32 v11, v3;
	v11 =	vld [tilespmem:s12+$0x60];
	[tilespmem:s2+$0x4F0] =	vst v12;
	s2 =	smov.u32 s12  }
0x725: {  	v8 =	vmul.f32 v9, v3;
	v9 =	vld [tilespmem:s2+$0x70]  }
0x726: {  	v10 =	vmul.f32 v10, v3;
	[tilespmem:s2+$0x30] =	vst v6;
	v6 =	vld [tilespmem:s2+$0x400]  }
0x727: {  	[tilespmem:s2+$0x10] =	vst v8;
	v7 =	vmul.f32 v7, v3;
	v12 =	vld [tilespmem:s2+$0x410]  }
0x728: {  	[tilespmem:s2+$0x20] =	vst v10;
	v5 =	vmul.f32 v5, v3;
	v10 =	vld [tilespmem:s2+$0x420]  }
0x729: {  	[tilespmem:s2+$0x40] =	vst v7;
	v7 =	vmul.f32 v11, v3;
	v11 =	vld [tilespmem:s2+$0x430]  }
.Ltmp12:
0x72a: {  	[tilespmem:s2+$0x50] =	vst v5;
	v5 =	vmul.f32 v9, v3;
	v8 =	vld [tilespmem:s2+$0x440];
	(pc) =	sbr.rel @p0 .LBB2_26-.Ltmp12, $4  }
0x72b: {  	[tilespmem:s2+$0x60] =	vst v7;
	v6 =	vmul.f32 v6, v3;
	v7 =	vld [tilespmem:s2+$0x450]  }
0x72c: {  	[tilespmem:s2+$0x70] =	vst v5;
	v9 =	vmul.f32 v12, v3;
	v5 =	vld [tilespmem:s2+$0x460]  }
0x72d: {  	[tilespmem:s2+$0x400] =	vst v6;
	v10 =	vmul.f32 v10, v3;
	v6 =	vld [tilespmem:s2+$0x470]  }
0x72e: {  	[tilespmem:s2+$0x410] =	vst v9;
	v9 =	vmul.f32 v11, v3;
	v11 =	vld [tilespmem:s2+$0x80]  }
0x72f: {  	v12 =	vld [tilespmem:s2+$0x90];
	[tilespmem:s2+$0x420] =	vst v10;
	v8 =	vmul.f32 v8, v3  }
0x730: {  	v13 =	vld [tilespmem:s2+$0xA0];
	[tilespmem:s2+$0x430] =	vst v9;
	v7 =	vmul.f32 v7, v3  }
0x731: {  	v14 =	vld [tilespmem:s2+$0xB0];
	[tilespmem:s2+$0x440] =	vst v8;
	v5 =	vmul.f32 v5, v3  }
0x732: {  	v15 =	vld [tilespmem:s2+$0xC0];
	[tilespmem:s2+$0x450] =	vst v7;
	v3 =	vmul.f32 v6, v3  }
0x733: {  	v16 =	vld [tilespmem:s2+$0xD0];
	v11 =	vmul.f32 v11, v4;
	[tilespmem:s2+$0x460] =	vst v5  }
0x734: {  	v17 =	vld [tilespmem:s2+$0xE0];
	v12 =	vmul.f32 v12, v4;
	[tilespmem:s2+$0x470] =	vst v3  }
0x735: {  	v60 =	vld [tilespmem:s2+$0x4A0];
	v13 =	vmul.f32 v13, v4;
	[tilespmem:s2+$0x80] =	vst v11  }
0x736: {  	v10 =	vld [tilespmem:s2+$0x4B0];
	v14 =	vmul.f32 v14, v4;
	[tilespmem:s2+$0x90] =	vst v12  }
0x737: {  	v9 =	vld [tilespmem:s2+$0x4C0];
	v56 =	vmul.f32 v15, v4;
	[tilespmem:s2+$0xA0] =	vst v13  }
0x738: {  	v8 =	vld [tilespmem:s2+$0x4D0];
	v58 =	vmul.f32 v16, v4;
	[tilespmem:s2+$0xB0] =	vst v14  }
0x739: {  	v59 =	vmul.f32 v17, v4;
	v11 =	vld [tilespmem:s2+$0xF0];
	[tilespmem:s2+$0xC0] =	vst v56  }
0x73a: {  	v6 =	vld [tilespmem:s2+$0x4E0];
	v5 =	vmul.f32 v60, v4;
	[tilespmem:s2+$0xD0] =	vst v58  }
0x73b: {  	v55 =	vld [tilespmem:s2+$0x480];
	v3 =	vmul.f32 v10, v4;
	[tilespmem:s2+$0xE0] =	vst v59  }
0x73c: {  	v7 =	vld [tilespmem:s2+$0x4F0];
	[tilespmem:s2+$0x4A0] =	vst v5;
	v5 =	vmul.f32 v9, v4  }
0x73d: {  	v57 =	vld [tilespmem:s2+$0x490];
	[tilespmem:s2+$0x4B0] =	vst v3;
	v3 =	vmul.f32 v8, v4  }
0x73e: {  	[tilespmem:s2+$0x4C0] =	vst v5;
	v11 =	vmul.f32 v11, v4  }
0x73f: {  	v5 =	vmul.f32 v6, v4;
	[tilespmem:s2+$0x4D0] =	vst v3  }
0x740: {  	[tilespmem:s2+$0xF0] =	vst v11;
	v11 =	vmul.f32 v55, v4  }
0x741: {  	v3 =	vmul.f32 v7, v4;
	[tilespmem:s2+$0x4E0] =	vst v5  }
0x742: {  	[tilespmem:s2+$0x480] =	vst v11;
	v11 =	vmul.f32 v57, v4  }
0x743: {  	[tilespmem:s2+$0x4F0] =	vst v3  }
0x744: {  	[tilespmem:s2+$0x490] =	vst v11  }
0x745: {  	s2 =	rddreg [dreg:$0xd]  }
0x746: {  	[hbm4b:s2+s5] =	stream.linear.scatter [tilespmem:s9], [sflag:$0x8], $0x6000, $0x38;
	[tilespmem:$0x1A800] =	vst v63  }
0x747: {  	_ =	swait.ge [sflag:s30], $0x6000  }
0x748: {  	[sflag:s30] =	ssyncset.done $0x0  }
0x749: {  	[sflag:s30] =	ssyncadd.s32 $0xFFFFA000  }
0x74a: {  	_ =	swait.ge [sflag:s31], $0x6000  }
0x74b: {  	[sflag:s31] =	ssyncset.done $0x0  }
0x74c: {  	[sflag:s31] =	ssyncadd.s32 $0xFFFFA000  }
0x74d: {  	_ =	swait.ge [sflag:s17], $0x6000  }
0x74e: {  	[sflag:s17] =	ssyncset.done $0x0  }
0x74f: {  	[sflag:s17] =	ssyncadd.s32 $0xFFFFA000  }
0x750: {  	v3 =	vld.msk [tilespmem:$0x1380], $0xff;
	_ =	sdelay $0x4  }
0x751: {  	v4 =	vshll.u32 v3, $0x1  }
0x752: {  	v3 =	vand.u32 $0x7, v3;
	v4 =	vand.u32 $0xFFFFFFF0, v4  }
0x753: {  	v3 =	vor.u32 v3, v4  }
0x754: {  	v3 =	vperm.xlane v3, v0;
	_ =	sdelay $0x1  }
0x755: {  	s26 =	simm.s32 $0x1380;
	v3 =	vadd.s32 v1, v3  }
0x756: {  	v4 =	vmov s26  }
0x757: {  	v4 =	vand.u32 $0xFFFFFFFE, v4  }
0x758: {  	v4 =	vbroadcast v4, $0x0;
	_ =	sdelay $0x1  }
0x759: {  	[tilespmem:s20], [sflag:$0x1] =	stream.indirect_vreg.gather [hbm4b:s1+s5], $0x80, v3, vm0, $0xb8;
	[tilespmem:$0x1A800] =	vst v63  }
0x75a: {  	_ =	swait.ge [sflag:s21], $0x800  }
0x75b: {  	[sflag:s21] =	ssyncset.done $0x0  }
0x75c: {  	[sflag:s21] =	ssyncadd.s32 $0xFFFFF800  }
0x75d: {  	s2 =	simm.s32 $0x2C00;
	v4 =	vld.idx.msk [tilespmem:v4+s18+$0x0], $0xffff  }
0x75e: {  	v3 =	vld [tilespmem:s2+$0x70]  }
0x75f: {  	v5 =	vld [tilespmem:s2+$0xFFFFFC00]  }
0x760: {  	v6 =	vld [tilespmem:s2+$0xFFFFFC10]  }
0x761: {  	v7 =	vld [tilespmem:s2+$0xFFFFFC20]  }
0x762: {  	v8 =	vld [tilespmem:s2+$0xFFFFFC30]  }
0x763: {  	v9 =	vld [tilespmem:s2+$0xFFFFFC40]  }
0x764: {  	v3 =	vmul.f32 v3, v4  }
0x765: {  	v10 =	vld [tilespmem:s2+$0xFFFFFC50];
	v5 =	vmul.f32 v5, v4  }
0x766: {  	v11 =	vld [tilespmem:s2+$0xFFFFFC60];
	[tilespmem:s2+$0x70] =	vst v3;
	v3 =	vmul.f32 v6, v4  }
0x767: {  	[tilespmem:s2+$0xFFFFFC00] =	vst v5;
	v5 =	vld [tilespmem:s2+$0xFFFFFC70];
	v6 =	vmul.f32 v7, v4  }
0x768: {  	v61 =	vld [tilespmem:s2+$0x40];
	[tilespmem:s2+$0xFFFFFC10] =	vst v3;
	v3 =	vmul.f32 v8, v4;
	v8 =	vmul.f32 v9, v4  }
0x769: {  	s6 =	simm.s32 $0x1381;
	v7 =	vld [tilespmem:s2+$0x0];
	[tilespmem:s2+$0xFFFFFC20] =	vst v6  }
0x76a: {  	v6 =	vld [tilespmem:s2+$0x10];
	[tilespmem:s2+$0xFFFFFC40] =	vst v8;
	v8 =	vmov s6  }
0x76b: {  	v11 =	vmul.f32 v11, v4;
	v9 =	vld [tilespmem:s2+$0x20]  }
0x76c: {  	[tilespmem:s2+$0xFFFFFC30] =	vst v3;
	v3 =	vmul.f32 v10, v4;
	v10 =	vld [tilespmem:s2+$0x30];
	v5 =	vmul.f32 v5, v4  }
0x76d: {  	[tilespmem:s2+$0xFFFFFC60] =	vst v11;
	v11 =	vld [tilespmem:s2+$0x50]  }
0x76e: {  	v62 =	vld [tilespmem:s2+$0xFFFFFC80];
	[tilespmem:s2+$0xFFFFFC70] =	vst v5;
	v5 =	vmul.f32 v7, v4  }
0x76f: {  	[tilespmem:s2+$0xFFFFFC50] =	vst v3;
	v6 =	vmul.f32 v6, v4;
	v3 =	vld.idx.msk [tilespmem:v8+s18+$0x0], $0xffff  }
0x770: {  	v8 =	vld [tilespmem:s2+$0x60];
	[tilespmem:s2+$0x0] =	vst v5;
	v5 =	vmul.f32 v9, v4  }
0x771: {  	v9 =	vld [tilespmem:s2+$0xFFFFFC90];
	[tilespmem:s2+$0x10] =	vst v6;
	v6 =	vmul.f32 v10, v4  }
0x772: {  	p0 =	por $0x1, $0x1;
	v63 =	vld [tilespmem:s2+$0xFFFFFCA0];
	v10 =	vmul.f32 v11, v4;
	[tilespmem:s2+$0x20] =	vst v5  }
.Ltmp13:
0x773: {  	v7 =	vld [tilespmem:s2+$0xFFFFFCB0];
	v5 =	vmul.f32 v61, v4;
	[tilespmem:s2+$0x30] =	vst v6;
	(pc) =	sbr.rel @!p0 .LBB2_29-.Ltmp13, $4  }
0x774: {  	v6 =	vld [tilespmem:s2+$0xFFFFFCC0];
	[tilespmem:s2+$0x50] =	vst v10;
	v11 =	vmul.f32 v62, v3  }
0x775: {  	[tilespmem:s2+$0x40] =	vst v5;
	v5 =	vld [tilespmem:s2+$0xFFFFFCD0];
	v8 =	vmul.f32 v8, v4  }
0x776: {  	v4 =	vld [tilespmem:s2+$0xFFFFFCE0];
	v10 =	vmul.f32 v9, v3;
	[tilespmem:s2+$0xFFFFFC80] =	vst v11  }
0x777: {  	s7 =	simm.s32 $0x1383;
	s6 =	simm.s32 $0x2C00;
	v9 =	vmul.f32 v63, v3;
	[tilespmem:s2+$0x60] =	vst v8;
	v8 =	vld [tilespmem:s2+$0xFFFFFCF0]  }
.LBB2_28:
0x778: {  	s10 =	sadd.s32 $0xFFFFFFFF, s7;
	v11 =	vmov s7;
	s11 =	sadd.s32 $0xFFFFEC7F, s7;
	[tilespmem:s2+$0xFFFFFC90] =	vst v10;
	v7 =	vmul.f32 v7, v3;
	v10 =	vld [tilespmem:s2+$0x80]  }
0x779: {  	v12 =	vmov s10;
	p0 =	slt.u32 s11, $0x6;
	[tilespmem:s2+$0xFFFFFCA0] =	vst v9;
	v6 =	vmul.f32 v6, v3;
	v9 =	vld [tilespmem:s2+$0x90]  }
0x77a: {  	v12 =	vand.u32 $0xFFFFFFFE, v12;
	[tilespmem:s2+$0xFFFFFCB0] =	vst v7;
	v5 =	vmul.f32 v5, v3;
	v7 =	vld [tilespmem:s2+$0xA0]  }
0x77b: {  	v12 =	vbroadcast v12, $0x0;
	[tilespmem:s2+$0xFFFFFCC0] =	vst v6;
	v4 =	vmul.f32 v4, v3;
	v6 =	vld [tilespmem:s2+$0xB0]  }
0x77c: {  	[tilespmem:s2+$0xFFFFFCD0] =	vst v5;
	v5 =	vmul.f32 v8, v3;
	v8 =	vld [tilespmem:s2+$0xC0]  }
0x77d: {  	v11 =	vld.idx.msk [tilespmem:v11+s18+$0x0], $0xffff;
	[tilespmem:s2+$0xFFFFFCE0] =	vst v4;
	v4 =	vmul.f32 v10, v3  }
0x77e: {  	[tilespmem:s2+$0xFFFFFCF0] =	vst v5;
	v5 =	vmul.f32 v9, v3;
	v9 =	vld [tilespmem:s2+$0xD0]  }
0x77f: {  	[tilespmem:s2+$0x80] =	vst v4;
	v4 =	vmul.f32 v7, v3;
	v7 =	vld [tilespmem:s2+$0xE0]  }
0x780: {  	[tilespmem:s2+$0x90] =	vst v5;
	v5 =	vmul.f32 v6, v3;
	v6 =	vld [tilespmem:s2+$0xF0]  }
0x781: {  	s2 =	sadd.s32 $0x100, s2;
	v10 =	vld.idx.msk [tilespmem:v12+s18+$0x0], $0xffff;
	[tilespmem:s6+$0xA0] =	vst v4;
	v4 =	vmul.f32 v8, v3  }
0x782: {  	v8 =	vld [tilespmem:s2+$0x70];
	[tilespmem:s6+$0xB0] =	vst v5  }
0x783: {  	v5 =	vld [tilespmem:s2+$0xFFFFFC00];
	[tilespmem:s6+$0xC0] =	vst v4;
	v4 =	vmul.f32 v9, v3  }
0x784: {  	v9 =	vld [tilespmem:s2+$0xFFFFFC10];
	v7 =	vmul.f32 v7, v3  }
0x785: {  	v12 =	vld [tilespmem:s2+$0xFFFFFC20];
	[tilespmem:s6+$0xD0] =	vst v4;
	v4 =	vmul.f32 v6, v3;
	v3 =	vmov v11  }
0x786: {  	v6 =	vld [tilespmem:s2+$0xFFFFFC30];
	[tilespmem:s6+$0xE0] =	vst v7  }
0x787: {  	v7 =	vld [tilespmem:s2+$0xFFFFFC40];
	v8 =	vmul.f32 v8, v10;
	[tilespmem:s6+$0xF0] =	vst v4;
	s6 =	smov.u32 s2  }
0x788: {  	v4 =	vmul.f32 v5, v10;
	v5 =	vld [tilespmem:s2+$0xFFFFFC50]  }
0x789: {  	v9 =	vmul.f32 v9, v10;
	v11 =	vld [tilespmem:s2+$0xFFFFFC60];
	[tilespmem:s2+$0x70] =	vst v8  }
0x78a: {  	[tilespmem:s2+$0xFFFFFC00] =	vst v4;
	v4 =	vmul.f32 v12, v10;
	v8 =	vld [tilespmem:s2+$0xFFFFFC70]  }
0x78b: {  	[tilespmem:s2+$0xFFFFFC10] =	vst v9;
	v6 =	vmul.f32 v6, v10;
	v9 =	vld [tilespmem:s2+$0x0]  }
0x78c: {  	[tilespmem:s2+$0xFFFFFC20] =	vst v4;
	v4 =	vmul.f32 v7, v10;
	v7 =	vld [tilespmem:s2+$0x10]  }
0x78d: {  	[tilespmem:s2+$0xFFFFFC30] =	vst v6;
	v5 =	vmul.f32 v5, v10;
	v6 =	vld [tilespmem:s2+$0x20]  }
0x78e: {  	[tilespmem:s2+$0xFFFFFC40] =	vst v4;
	v4 =	vmul.f32 v11, v10;
	v11 =	vld [tilespmem:s2+$0x30]  }
0x78f: {  	[tilespmem:s2+$0xFFFFFC50] =	vst v5;
	v5 =	vmul.f32 v8, v10;
	v8 =	vld [tilespmem:s2+$0x40]  }
0x790: {  	[tilespmem:s2+$0xFFFFFC60] =	vst v4;
	v4 =	vmul.f32 v9, v10;
	v9 =	vld [tilespmem:s2+$0x50]  }
0x791: {  	[tilespmem:s2+$0xFFFFFC70] =	vst v5;
	v5 =	vmul.f32 v7, v10;
	v12 =	vld [tilespmem:s2+$0x60]  }
0x792: {  	[tilespmem:s2+$0x0] =	vst v4;
	v4 =	vmul.f32 v6, v10;
	v13 =	vld [tilespmem:s2+$0xFFFFFC80]  }
0x793: {  	[tilespmem:s2+$0x10] =	vst v5;
	v5 =	vmul.f32 v11, v10;
	v11 =	vld [tilespmem:s2+$0xFFFFFC90]  }
0x794: {  	[tilespmem:s2+$0x20] =	vst v4;
	v4 =	vmul.f32 v8, v10;
	v8 =	vld [tilespmem:s2+$0xFFFFFCA0]  }
.Ltmp14:
0x795: {  	[tilespmem:s2+$0x30] =	vst v5;
	v5 =	vmul.f32 v9, v10;
	v7 =	vld [tilespmem:s2+$0xFFFFFCB0];
	(pc) =	sbr.rel @p0 .LBB2_28-.Ltmp14, $4  }
0x796: {  	[tilespmem:s2+$0x40] =	vst v4;
	v4 =	vmul.f32 v12, v10;
	v6 =	vld [tilespmem:s2+$0xFFFFFCC0]  }
0x797: {  	[tilespmem:s2+$0x50] =	vst v5;
	v9 =	vmul.f32 v13, v3;
	v5 =	vld [tilespmem:s2+$0xFFFFFCD0]  }
0x798: {  	[tilespmem:s2+$0x60] =	vst v4;
	v10 =	vmul.f32 v11, v3;
	v4 =	vld [tilespmem:s2+$0xFFFFFCE0]  }
0x799: {  	s7 =	sadd.s32 $0x2, s7;
	[tilespmem:s2+$0xFFFFFC80] =	vst v9;
	v9 =	vmul.f32 v8, v3;
	v8 =	vld [tilespmem:s2+$0xFFFFFCF0]  }
.LBB2_29:
0x79a: {  	[tilespmem:s2+$0xFFFFFC90] =	vst v10;
	v53 =	vld [tilespmem:s2+$0x80];
	v7 =	vmul.f32 v7, v3  }
0x79b: {  	v54 =	vld [tilespmem:s2+$0x90];
	[tilespmem:s2+$0xFFFFFCA0] =	vst v9;
	v6 =	vmul.f32 v6, v3  }
0x79c: {  	v55 =	vld [tilespmem:s2+$0xA0];
	[tilespmem:s2+$0xFFFFFCB0] =	vst v7;
	v5 =	vmul.f32 v5, v3  }
0x79d: {  	v56 =	vld [tilespmem:s2+$0xB0];
	[tilespmem:s2+$0xFFFFFCC0] =	vst v6;
	v4 =	vmul.f32 v4, v3  }
0x79e: {  	v58 =	vld [tilespmem:s2+$0xC0];
	[tilespmem:s2+$0xFFFFFCD0] =	vst v5;
	v57 =	vmul.f32 v8, v3  }
0x79f: {  	v60 =	vld [tilespmem:s2+$0xD0];
	[tilespmem:s2+$0xFFFFFCE0] =	vst v4;
	v59 =	vmul.f32 v53, v3  }
0x7a0: {  	v61 =	vld [tilespmem:s2+$0xE0];
	v9 =	vmul.f32 v54, v3;
	[tilespmem:s2+$0xFFFFFCF0] =	vst v57  }
0x7a1: {  	v62 =	vld [tilespmem:s2+$0xF0];
	v7 =	vmul.f32 v55, v3;
	[tilespmem:s2+$0x80] =	vst v59  }
0x7a2: {  	v6 =	vmul.f32 v56, v3;
	[tilespmem:s2+$0x90] =	vst v9  }
0x7a3: {  	v63 =	vmul.f32 v58, v3;
	[tilespmem:s6+$0xA0] =	vst v7  }
0x7a4: {  	v5 =	vmul.f32 v60, v3;
	[tilespmem:s6+$0xB0] =	vst v6  }
0x7a5: {  	v4 =	vmul.f32 v61, v3;
	[tilespmem:s6+$0xC0] =	vst v63  }
0x7a6: {  	v3 =	vmul.f32 v62, v3;
	[tilespmem:s6+$0xD0] =	vst v5  }
0x7a7: {  	[tilespmem:s6+$0xE0] =	vst v4  }
0x7a8: {  	[tilespmem:s6+$0xF0] =	vst v3  }
0x7a9: {  	s24 =	rddreg [dreg:$0xe]  }
0x7aa: {  	[hbm4b:s24+s5] =	stream.linear.scatter [tilespmem:s20], [sflag:$0x5], $0x800, $0x38;
	[tilespmem:$0x1A800] =	vst v63  }
0x7ab: {  	_ =	swait.ge [sflag:s29], $0x800  }
0x7ac: {  	s25 =	rddreg [dreg:$0x10]  }
0x7ad: {  	s26 =	rddreg [dreg:$0xf];
	s6 =	sadd.s32 $0x1, s25  }
0x7ae: {  	p0 =	sne.s32 s6, s26  }
.Ltmp15:
0x7af: {  	_ = 	snop;
	(pc) =	sbr.rel @p0 .LBB2_1-.Ltmp15, $3  }
0x7b0: {  	_ =	sdelay $0x1  }
0x7b1: {  	[sflag:s29] =	ssyncset.done $0x0  }
0x7b2: {  	[sflag:s29] =	ssyncadd.s32 $0xFFFFF800  }
0x7b3: {  	_ =	sfence.sel $0x180000  }
0x7b4: {  	[bflag:$0x0] =	sbarrier.arrive $0xFFFF  }
0x7b5: {  	_ =	strace $0x9000004A  }
0x7b6: {  	s0 =	stileid.u32;
	[bflag:$0x2] =	sbarrier.arrive $0xFFFF  }
0x7b7: {  	p0 =	sne.s32 s0, $0x0;
	s0 =	rddreg [dreg:$0x3]  }
0x7b8: {  	s0 =	sadd.s32 @!p0 $0x100000, s0  }
0x7b9: {  	[sflag:s0] =	ssyncadd.tile.s32 @!p0 $0x1;
	_ =	shalt  }
.Lfunc_end2:
_tile_overlayer_lowered:
.L_overlay_start_2:
0x7ba: {  	(tag) =	ssettag $0x2  }
0x7bb: {  	s0 =	rddreg [dreg:$0x0];
	s2 =	stileid.u32  }
0x7bc: {  	s1 =	rddreg [dreg:$0x1];
	p0 =	sne.s32 s2, $0x0  }
0x7bd: {  	s3 =	rddreg [dreg:$0x2];
	[bflag:$0x3] =	sbarrier.arrive $0xFFFF;
	s2 =	simm.s32 @!p0 $0x1C09  }
0x7be: {  	[timem:s3], [sflag:s2] =	dma.local @!p0 [hbm:s0], s1  }
0x7bf: {  	s0 =	simm.s32 @!p0 $0x9  }
0x7c0: {  	_ =	swait.ge @!p0 [sflag:s0], s1  }
0x7c1: {  	s1 =	ssub.s32 @!p0 $0x0, s1;
	[sflag:s0] =	ssyncset.done @!p0 $0x0  }
0x7c2: {  	[sflag:s0] =	ssyncadd.s32 @!p0 s1  }
0x7c3: {  	[bflag:$0x3] =	sbarrier.arrive $0xFFFF  }
0x7c4: {  	_ =	shalt  }

</sc_bundles>
